<compile_context>
chip_gen: v7x
topology: tpu7x:2x2x1
jax: 0.10.2.dev20260603
libtpu: 0.0.44.dev20260713+nightly
codegen_flags: <defaults>
</compile_context>

<pallas_src>
import functools

import jax
import jax.numpy as jnp
from jax import lax
from jax.experimental import pallas as pl
from jax.experimental.pallas import tpu as pltpu
from jax.experimental.pallas import tpu_sc as plsc

LANES = 16
RING = 8


@functools.lru_cache(maxsize=None)
def _build(B, D, S, nf, ns, num_cores, num_subcores):
    nw = num_cores * num_subcores
    assert B % (8 * nw) == 0
    assert S <= 1 << 17 and nf * ns <= 1 << 10
    bpw = B // nw
    groups = bpw // LANES
    waves = bpw // LANES

    mesh = plsc.VectorSubcoreMesh(core_axis_name="c", subcore_axis_name="s")

    @functools.partial(
        pl.kernel,
        mesh=mesh,
        out_type=jax.ShapeDtypeStruct((B,), jnp.float32),
        compiler_params=pltpu.CompilerParams(needs_layout_passes=False),
        scratch_types=[
            pltpu.VMEM((bpw,), jnp.int32),
            pltpu.VMEM((bpw,), jnp.int32),
            pltpu.VMEM((bpw,), jnp.int32),
            pltpu.VMEM((bpw,), jnp.int32),
            pltpu.VMEM((bpw,), jnp.float32),
            pltpu.VMEM((LANES, D), jnp.float32),
            pltpu.VMEM((LANES, D), jnp.float32),
        ] + [pltpu.VMEM((D, 128), jnp.float32) for _ in range(RING)]
          + [pltpu.SemaphoreType.DMA for _ in range(RING)]
          + [pltpu.SemaphoreType.DMA, pltpu.SemaphoreType.DMA],
    )
    def emos(wt_hbm, ft_hbm, sid_hbm, fid_hbm, stp_hbm, out_hbm,
             sid_v, fid_v, stp_v, key_v,
             out_v, ftA, ftB, *ring_and_sems):
        blks = ring_and_sems[:RING]
        dsems = ring_and_sems[RING:2 * RING]
        sem_fA, sem_fB = ring_and_sems[2 * RING:]

        wid = lax.axis_index("s") * num_cores + lax.axis_index("c")
        base = wid * bpw

        def fire_feat(kbase, buf, sem):
            pltpu.async_copy(
                ft_hbm.at[pl.ds(base + kbase, LANES), :], buf, sem)

        def drain_feat(buf, sem):
            pltpu.make_async_copy(
                ft_hbm.at[pl.ds(0, LANES), :], buf, sem).wait()

        fire_feat(0, ftA, sem_fA)
        pltpu.sync_copy(sid_hbm.at[pl.ds(base, bpw)], sid_v)
        pltpu.sync_copy(fid_hbm.at[pl.ds(base, bpw)], fid_v)
        pltpu.sync_copy(stp_hbm.at[pl.ds(base, bpw)], stp_v)

        def idx_body(g, carry):
            sl = pl.ds(g * LANES, LANES)
            combo = (fid_v[sl] % nf) * ns + (stp_v[sl] % ns)
            key_v[sl] = (combo << 17) | sid_v[sl]
            return carry

        lax.fori_loop(0, groups, idx_body, 0)

        def fire(key, slot):
            s = key & 131071
            q0 = pl.multiple_of((key >> 17) * D, D)
            u0 = pl.multiple_of((s >> 7) * 128, 128)
            pltpu.async_copy(
                wt_hbm.at[pl.ds(q0, D), pl.ds(u0, 128)], blks[slot],
                dsems[slot])

        key0 = key_v[pl.ds(0, LANES)]
        for r in range(RING):
            fire(key0[r], r)
        fire_feat(LANES, ftB, sem_fB)

        iota = lax.iota(jnp.int32, LANES)

        def one_wave(k, buf, sem):
            kbase = k * LANES
            keys = key_v[pl.ds(kbase, LANES)]
            nxt = lax.min(kbase + LANES, bpw - LANES)
            keysn = key_v[pl.ds(nxt, LANES)]
            drain_feat(buf, sem)
            acc = jnp.zeros((LANES,), jnp.float32)
            for h in range(2):
                for r in range(RING):
                    lane = h * RING + r
                    pltpu.make_async_copy(
                        wt_hbm.at[pl.ds(0, D), pl.ds(0, 128)], blks[r],
                        dsems[r]).wait()
                    key = keys[lane]
                    l = jnp.full((LANES,), key & 127, jnp.int32)
                    p = jnp.zeros((LANES,), jnp.float32)
                    for kk in range(D // LANES):
                        w = plsc.load_gather(blks[r], [kk * LANES + iota, l])
                        f = buf[lane, pl.ds(kk * LANES, LANES)]
                        p = p + w * f
                    acc = jnp.where(iota == lane, jnp.sum(p), acc)
                    if h == 0:
                        fire(keys[lane + RING], r)
                    else:
                        @pl.when(k < waves - 1)
                        def _():
                            fire(keysn[lane - RING], r)

            out_v[pl.ds(kbase, LANES)] = acc

            @pl.when(k + 2 < waves)
            def _():
                fire_feat(kbase + 2 * LANES, buf, sem)

        def pair_body(kk, carry):
            one_wave(2 * kk, ftA, sem_fA)
            one_wave(2 * kk + 1, ftB, sem_fB)
            return carry

        lax.fori_loop(0, waves // 2, pair_body, 0)
        pltpu.sync_copy(out_v, out_hbm.at[pl.ds(base, bpw)])

    return emos


@functools.lru_cache(maxsize=None)
def _build_bias(B, S, nf, ns, num_cores, num_subcores):
    nw = num_cores * num_subcores
    bpw = B // nw
    groups = bpw // LANES

    mesh = plsc.VectorSubcoreMesh(core_axis_name="c", subcore_axis_name="s")

    @functools.partial(
        pl.kernel,
        mesh=mesh,
        out_type=jax.ShapeDtypeStruct((B,), jnp.float32),
        compiler_params=pltpu.CompilerParams(needs_layout_passes=False),
        scratch_types=[
            pltpu.VMEM((bpw,), jnp.int32),
            pltpu.VMEM((bpw,), jnp.int32),
            pltpu.VMEM((bpw,), jnp.int32),
            pltpu.VMEM((bpw,), jnp.float32),
            pltpu.VMEM((bpw,), jnp.float32),
            pltpu.SemaphoreType.DMA,
            pltpu.SemaphoreType.DMA,
        ],
    )
    def bias_add(dots_hbm, btf_hbm, sid_hbm, fid_hbm, stp_hbm, out_hbm,
                 fid_v, stp_v, bidx_v, bias_v, dot_v, sem_b, sem_d):
        wid = lax.axis_index("s") * num_cores + lax.axis_index("c")
        base = wid * bpw

        d_cp = pltpu.async_copy(dots_hbm.at[pl.ds(base, bpw)], dot_v, sem_d)
        pltpu.sync_copy(sid_hbm.at[pl.ds(base, bpw)], bidx_v)
        pltpu.sync_copy(fid_hbm.at[pl.ds(base, bpw)], fid_v)
        pltpu.sync_copy(stp_hbm.at[pl.ds(base, bpw)], stp_v)

        def idx_body(g, carry):
            sl = pl.ds(g * LANES, LANES)
            combo = (fid_v[sl] % nf) * ns + (stp_v[sl] % ns)
            bidx_v[sl] = combo * S + bidx_v[sl]
            return carry

        lax.fori_loop(0, groups, idx_body, 0)
        pltpu.async_copy(btf_hbm.at[bidx_v], bias_v, sem_b).wait()
        d_cp.wait()

        def add_body(g, carry):
            sl = pl.ds(g * LANES, LANES)
            dot_v[sl] = dot_v[sl] + bias_v[sl]
            return carry

        lax.fori_loop(0, groups, add_body, 0)
        pltpu.sync_copy(dot_v, out_hbm.at[pl.ds(base, bpw)])

    return bias_add


def kernel(features, station_id, forecast_id, step_id, weights, biases):
    B, D = features.shape
    S, nf, ns, _ = weights.shape
    wt = weights.transpose(1, 2, 3, 0).reshape(nf * ns * D, S)
    btf = biases.transpose(1, 2, 3, 0).reshape(nf * ns * S)
    info = plsc.get_sparse_core_info()
    fn = _build(B, D, S, nf, ns, info.num_cores, info.num_subcores)
    fn2 = _build_bias(B, S, nf, ns, info.num_cores, info.num_subcores)
    sid = station_id.astype(jnp.int32)
    fid = forecast_id.astype(jnp.int32)
    stp = step_id.astype(jnp.int32)
    dots = fn(wt, features, sid, fid, stp)
    return fn2(dots, btf, sid, fid, stp)

# --- scband reference (transcript-rebuilt; emitter-appended) ---
"""Pipeline reference for scband-yearly-emos-22952305230316 (READ-ONLY COPY).

The authoritative reference and input builder live on the scoring server;
editing this copy changes nothing except your own understanding.
"""

import jax, jax.numpy as jnp
import numpy as np

N_STATIONS = 100000
IN_FEATURES = 64
N_FORECAST_DAILY = 2
N_STEPS_DAILY = 8
BATCH = 16384


def setup_inputs(seed: int = 0) -> dict:
    key = jax.random.key(seed)
    k1, k2, k3, k4 = jax.random.split(key, 4)
    features = jax.random.normal(k1, (BATCH, IN_FEATURES), dtype=jnp.float32)
    station_id = jax.random.randint(k2, (BATCH,), 0, N_STATIONS, dtype=jnp.int64 if jax.config.jax_enable_x64 else jnp.int32)
    forecast_id = jax.random.randint(k3, (BATCH,), 0, 730, dtype=jnp.int64 if jax.config.jax_enable_x64 else jnp.int32)
    step_id = jax.random.randint(k4, (BATCH,), 0, 64, dtype=jnp.int64 if jax.config.jax_enable_x64 else jnp.int32)
    # learned parameters, matching the torch init: zeros with weights[..., 0] = 1.0
    weights = jnp.zeros((N_STATIONS, N_FORECAST_DAILY, N_STEPS_DAILY, IN_FEATURES), dtype=jnp.float32)
    weights = weights.at[..., 0].set(1.0)
    biases = jnp.zeros((N_STATIONS, N_FORECAST_DAILY, N_STEPS_DAILY, 1), dtype=jnp.float32)
    return {
        "features": features,
        "station_id": station_id,
        "forecast_id": forecast_id,
        "step_id": step_id,
        "weights": weights,
        "biases": biases,
    }


def reference(features, station_id, forecast_id, step_id, weights, biases):
    f_id = forecast_id % N_FORECAST_DAILY
    s_id = step_id % N_STEPS_DAILY
    # advanced-indexed gather: [B, in_features] and [B, 1]
    w = weights[station_id, f_id, s_id]
    b = biases[station_id, f_id, s_id]
    pred = (w * features).sum(axis=-1)
    pred = pred + jnp.squeeze(b, axis=-1)
    return pred

if __name__ == "__main__":
    import jax
    _d = setup_inputs()
    print(jax.jit(kernel)(*tuple(_d.values())))

</pallas_src>

<mosaic_0001>
#map = affine_map<(d0, d1) -> (0)>
module attributes {stable_mosaic.version = 14 : i64} {
  func.func @bias_add(%arg0: i32, %arg1: i32, %arg2: memref<16384xf32, #tpu.memory_space<hbm>>, %arg3: memref<1600000xf32, #tpu.memory_space<hbm>>, %arg4: memref<16384xi32, #tpu.memory_space<hbm>>, %arg5: memref<16384xi32, #tpu.memory_space<hbm>>, %arg6: memref<16384xi32, #tpu.memory_space<hbm>>, %arg7: memref<16384xf32, #tpu.memory_space<hbm>>, %arg8: memref<512xi32, #tpu.memory_space<vmem>>, %arg9: memref<512xi32, #tpu.memory_space<vmem>>, %arg10: memref<512xi32, #tpu.memory_space<vmem>>, %arg11: memref<512xf32, #tpu.memory_space<vmem>>, %arg12: memref<512xf32, #tpu.memory_space<vmem>>, %arg13: memref<!tpu.dma_semaphore, #tpu.memory_space<semaphore_mem>>, %arg14: memref<!tpu.dma_semaphore, #tpu.memory_space<semaphore_mem>>) attributes {dimension_semantics = [#tpu.dimension_semantics<core_parallel>, #tpu.dimension_semantics<subcore_parallel>], iteration_bounds = array<i64: 2, 16>, scalar_prefetch = 0 : i64, scratch_operands = 7 : i64, tpu.core_type = #tpu.core_type<sc_vector_subcore>, window_params = [{transform_indices = #map}, {transform_indices = #map}, {transform_indices = #map}, {transform_indices = #map}, {transform_indices = #map}, {transform_indices = #map}]} {
    %mul3A = arith.constant 2 : i32
    %mul3A_0 = arith.muli %arg1, %mul3A : i32
    %add3A = arith.addi %mul3A_0, %arg0 : i32
    %mul3A_1 = arith.constant 512 : i32
    %mul3A_2 = arith.muli %add3A, %mul3A_1 : i32
    %dma_start3A = tpu.memref_slice %arg2[%mul3A_2] : memref<16384xf32, #tpu.memory_space<hbm>> -> memref<512xf32, #tpu.memory_space<hbm>>
    %dma_start3A_3 = tpu.memref_slice %arg2[%mul3A_2] : memref<16384xf32, #tpu.memory_space<hbm>> -> memref<512xf32, #tpu.memory_space<hbm>>
    tpu.enqueue_dma source(%dma_start3A_3 : memref<512xf32, #tpu.memory_space<hbm>>) target(%arg12 : memref<512xf32, #tpu.memory_space<vmem>>) target_semaphore(%arg14 : memref<!tpu.dma_semaphore, #tpu.memory_space<semaphore_mem>>)
    "tpu.region"() ({
      %run_scoped3A = tpu.sem_alloc : memref<!tpu.dma_semaphore, #tpu.memory_space<semaphore_mem>>
      %dma_start3A_20 = tpu.memref_slice %arg4[%mul3A_2] : memref<16384xi32, #tpu.memory_space<hbm>> -> memref<512xi32, #tpu.memory_space<hbm>>
      %dma_start3A_21 = tpu.memref_slice %arg4[%mul3A_2] : memref<16384xi32, #tpu.memory_space<hbm>> -> memref<512xi32, #tpu.memory_space<hbm>>
      tpu.enqueue_dma source(%dma_start3A_21 : memref<512xi32, #tpu.memory_space<hbm>>) target(%arg10 : memref<512xi32, #tpu.memory_space<vmem>>) target_semaphore(%run_scoped3A : memref<!tpu.dma_semaphore, #tpu.memory_space<semaphore_mem>>)
      %dma_wait3A_22 = tpu.memref_slice %arg4[%mul3A_2] : memref<16384xi32, #tpu.memory_space<hbm>> -> memref<512xi32, #tpu.memory_space<hbm>>
      %dma_wait3A_23 = tpu.memref_slice %arg4[%mul3A_2] : memref<16384xi32, #tpu.memory_space<hbm>> -> memref<512xi32, #tpu.memory_space<hbm>>
      tpu.wait_dma2 semaphore(%run_scoped3A : memref<!tpu.dma_semaphore, #tpu.memory_space<semaphore_mem>>) src(%dma_wait3A_23 : memref<512xi32, #tpu.memory_space<hbm>>) dst(%arg10 : memref<512xi32, #tpu.memory_space<vmem>>)
      tpu.yield
    }) : () -> ()
    "tpu.region"() ({
      %run_scoped3A = tpu.sem_alloc : memref<!tpu.dma_semaphore, #tpu.memory_space<semaphore_mem>>
      %dma_start3A_20 = tpu.memref_slice %arg5[%mul3A_2] : memref<16384xi32, #tpu.memory_space<hbm>> -> memref<512xi32, #tpu.memory_space<hbm>>
      %dma_start3A_21 = tpu.memref_slice %arg5[%mul3A_2] : memref<16384xi32, #tpu.memory_space<hbm>> -> memref<512xi32, #tpu.memory_space<hbm>>
      tpu.enqueue_dma source(%dma_start3A_21 : memref<512xi32, #tpu.memory_space<hbm>>) target(%arg8 : memref<512xi32, #tpu.memory_space<vmem>>) target_semaphore(%run_scoped3A : memref<!tpu.dma_semaphore, #tpu.memory_space<semaphore_mem>>)
      %dma_wait3A_22 = tpu.memref_slice %arg5[%mul3A_2] : memref<16384xi32, #tpu.memory_space<hbm>> -> memref<512xi32, #tpu.memory_space<hbm>>
      %dma_wait3A_23 = tpu.memref_slice %arg5[%mul3A_2] : memref<16384xi32, #tpu.memory_space<hbm>> -> memref<512xi32, #tpu.memory_space<hbm>>
      tpu.wait_dma2 semaphore(%run_scoped3A : memref<!tpu.dma_semaphore, #tpu.memory_space<semaphore_mem>>) src(%dma_wait3A_23 : memref<512xi32, #tpu.memory_space<hbm>>) dst(%arg8 : memref<512xi32, #tpu.memory_space<vmem>>)
      tpu.yield
    }) : () -> ()
    "tpu.region"() ({
      %run_scoped3A = tpu.sem_alloc : memref<!tpu.dma_semaphore, #tpu.memory_space<semaphore_mem>>
      %dma_start3A_20 = tpu.memref_slice %arg6[%mul3A_2] : memref<16384xi32, #tpu.memory_space<hbm>> -> memref<512xi32, #tpu.memory_space<hbm>>
      %dma_start3A_21 = tpu.memref_slice %arg6[%mul3A_2] : memref<16384xi32, #tpu.memory_space<hbm>> -> memref<512xi32, #tpu.memory_space<hbm>>
      tpu.enqueue_dma source(%dma_start3A_21 : memref<512xi32, #tpu.memory_space<hbm>>) target(%arg9 : memref<512xi32, #tpu.memory_space<vmem>>) target_semaphore(%run_scoped3A : memref<!tpu.dma_semaphore, #tpu.memory_space<semaphore_mem>>)
      %dma_wait3A_22 = tpu.memref_slice %arg6[%mul3A_2] : memref<16384xi32, #tpu.memory_space<hbm>> -> memref<512xi32, #tpu.memory_space<hbm>>
      %dma_wait3A_23 = tpu.memref_slice %arg6[%mul3A_2] : memref<16384xi32, #tpu.memory_space<hbm>> -> memref<512xi32, #tpu.memory_space<hbm>>
      tpu.wait_dma2 semaphore(%run_scoped3A : memref<!tpu.dma_semaphore, #tpu.memory_space<semaphore_mem>>) src(%dma_wait3A_23 : memref<512xi32, #tpu.memory_space<hbm>>) dst(%arg9 : memref<512xi32, #tpu.memory_space<vmem>>)
      tpu.yield
    }) : () -> ()
    %scan3A = arith.constant 0 : i32
    %scan3A_4 = arith.constant 0 : i32
    %scan3A_5 = arith.constant 32 : i32
    %scan3A_6 = arith.addi %scan3A_4, %scan3A_5 : i32
    %scan3A_7 = arith.constant 1 : i32
    scf.for %scan3A_20 = %scan3A_4 to %scan3A_6 step %scan3A_7  : i32 {
      %mul3A_21 = arith.constant 16 : i32
      %mul3A_22 = arith.muli %scan3A_20, %mul3A_21 : i32
      %get3A = arith.index_cast %mul3A_22 : i32 to index
      %get3A_23 = tpu.vector_load %arg8[%get3A] {strides = array<i32>} : memref<512xi32, #tpu.memory_space<vmem>>, vector<16xi32>,
      %jit3A = arith.constant 2 : i32
      %eq3A = arith.constant 0 : i32
      %eq3A_24 = arith.cmpi eq, %jit3A, %eq3A : i32
      %jit3A_25 = arith.constant 1 : i32
      %select_n3A = arith.select %eq3A_24, %jit3A_25, %jit3A : i32
      %rem3A = vector.broadcast %select_n3A : i32 to vector<16xi32>
      %rem3A_26 = arith.remsi %get3A_23, %rem3A : vector<16xi32>
      %ne3A = arith.constant 0 : i32
      %ne3A_27 = vector.broadcast %ne3A : i32 to vector<16xi32>
      %ne3A_28 = arith.cmpi ne, %rem3A_26, %ne3A_27 : vector<16xi32>
      %lt3A = arith.constant 0 : i32
      %lt3A_29 = vector.broadcast %lt3A : i32 to vector<16xi32>
      %lt3A_30 = arith.cmpi slt, %rem3A_26, %lt3A_29 : vector<16xi32>
      %lt3A_31 = arith.constant 0 : i32
      %lt3A_32 = arith.cmpi slt, %select_n3A, %lt3A_31 : i32
      %ne3A_33 = vector.broadcast %lt3A_32 : i1 to vector<16xi1>
      %ne3A_34 = vector.broadcast %ne3A_33 : vector<16xi1> to vector<16xi1>
      %ne3A_35 = arith.xori %lt3A_30, %ne3A_34 : vector<16xi1>
      %and3A = arith.andi %ne3A_35, %ne3A_28 : vector<16xi1>
      %add3A_36 = vector.broadcast %select_n3A : i32 to vector<16xi32>
      %add3A_37 = arith.addi %rem3A_26, %add3A_36 : vector<16xi32>
      %select_n3A_38 = arith.select %and3A, %add3A_37, %rem3A_26 : vector<16xi1>, vector<16xi32>
      %mul3A_39 = arith.constant 8 : i32
      %mul3A_40 = vector.broadcast %mul3A_39 : i32 to vector<16xi32>
      %mul3A_41 = arith.muli %select_n3A_38, %mul3A_40 : vector<16xi32>
      %get3A_42 = arith.index_cast %mul3A_22 : i32 to index
      %get3A_43 = tpu.vector_load %arg9[%get3A_42] {strides = array<i32>} : memref<512xi32, #tpu.memory_space<vmem>>, vector<16xi32>,
      %jit3A_44 = arith.constant 8 : i32
      %eq3A_45 = arith.constant 0 : i32
      %eq3A_46 = arith.cmpi eq, %jit3A_44, %eq3A_45 : i32
      %jit3A_47 = arith.constant 1 : i32
      %select_n3A_48 = arith.select %eq3A_46, %jit3A_47, %jit3A_44 : i32
      %rem3A_49 = vector.broadcast %select_n3A_48 : i32 to vector<16xi32>
      %rem3A_50 = arith.remsi %get3A_43, %rem3A_49 : vector<16xi32>
      %ne3A_51 = arith.constant 0 : i32
      %ne3A_52 = vector.broadcast %ne3A_51 : i32 to vector<16xi32>
      %ne3A_53 = arith.cmpi ne, %rem3A_50, %ne3A_52 : vector<16xi32>
      %lt3A_54 = arith.constant 0 : i32
      %lt3A_55 = vector.broadcast %lt3A_54 : i32 to vector<16xi32>
      %lt3A_56 = arith.cmpi slt, %rem3A_50, %lt3A_55 : vector<16xi32>
      %lt3A_57 = arith.constant 0 : i32
      %lt3A_58 = arith.cmpi slt, %select_n3A_48, %lt3A_57 : i32
      %ne3A_59 = vector.broadcast %lt3A_58 : i1 to vector<16xi1>
      %ne3A_60 = vector.broadcast %ne3A_59 : vector<16xi1> to vector<16xi1>
      %ne3A_61 = arith.xori %lt3A_56, %ne3A_60 : vector<16xi1>
      %and3A_62 = arith.andi %ne3A_61, %ne3A_53 : vector<16xi1>
      %add3A_63 = vector.broadcast %select_n3A_48 : i32 to vector<16xi32>
      %add3A_64 = arith.addi %rem3A_50, %add3A_63 : vector<16xi32>
      %select_n3A_65 = arith.select %and3A_62, %add3A_64, %rem3A_50 : vector<16xi1>, vector<16xi32>
      %add3A_66 = arith.addi %mul3A_41, %select_n3A_65 : vector<16xi32>
      %mul3A_67 = arith.constant 100000 : i32
      %mul3A_68 = vector.broadcast %mul3A_67 : i32 to vector<16xi32>
      %mul3A_69 = arith.muli %add3A_66, %mul3A_68 : vector<16xi32>
      %get3A_70 = arith.index_cast %mul3A_22 : i32 to index
      %get3A_71 = tpu.vector_load %arg10[%get3A_70] {strides = array<i32>} : memref<512xi32, #tpu.memory_space<vmem>>, vector<16xi32>,
      %add3A_72 = arith.addi %mul3A_69, %get3A_71 : vector<16xi32>
      %swap3A = arith.index_cast %mul3A_22 : i32 to index
      %swap3A_73 = tpu.vector_load %arg10[%swap3A] {strides = array<i32>} : memref<512xi32, #tpu.memory_space<vmem>>, vector<16xi32>,
      tpu.vector_store %arg10[%swap3A], %add3A_72 {strides = array<i32>} : memref<512xi32, #tpu.memory_space<vmem>>, vector<16xi32>,
    }
    %scan3A_8 = arith.constant 32 : i32
    %dma_start3A_9 = arith.constant 0 : i32
    %dma_start3A_10 = tpu.memref_slice %arg3[%dma_start3A_9] : memref<1600000xf32, #tpu.memory_space<hbm>> -> memref<1600000xf32, #tpu.memory_space<hbm>>
    tpu.enqueue_indirect_dma source(%dma_start3A_10 : memref<1600000xf32, #tpu.memory_space<hbm>>) target(%arg11 : memref<512xf32, #tpu.memory_space<vmem>>) offsets(%arg10 : memref<512xi32, #tpu.memory_space<vmem>>) semaphore(%arg13 : memref<!tpu.dma_semaphore, #tpu.memory_space<semaphore_mem>>)
    %dma_wait3A = arith.constant 0 : i32
    %dma_wait3A_11 = tpu.memref_slice %arg3[%dma_wait3A] : memref<1600000xf32, #tpu.memory_space<hbm>> -> memref<1600000xf32, #tpu.memory_space<hbm>>
    tpu.wait_indirect_dma semaphore(%arg13 : memref<!tpu.dma_semaphore, #tpu.memory_space<semaphore_mem>>) src(%dma_wait3A_11 : memref<1600000xf32, #tpu.memory_space<hbm>>) dst(%arg11 : memref<512xf32, #tpu.memory_space<vmem>>)
    %dma_wait3A_12 = tpu.memref_slice %arg2[%mul3A_2] : memref<16384xf32, #tpu.memory_space<hbm>> -> memref<512xf32, #tpu.memory_space<hbm>>
    %dma_wait3A_13 = tpu.memref_slice %arg2[%mul3A_2] : memref<16384xf32, #tpu.memory_space<hbm>> -> memref<512xf32, #tpu.memory_space<hbm>>
    tpu.wait_dma2 semaphore(%arg14 : memref<!tpu.dma_semaphore, #tpu.memory_space<semaphore_mem>>) src(%dma_wait3A_13 : memref<512xf32, #tpu.memory_space<hbm>>) dst(%arg12 : memref<512xf32, #tpu.memory_space<vmem>>)
    %scan3A_14 = arith.constant 0 : i32
    %scan3A_15 = arith.constant 0 : i32
    %scan3A_16 = arith.constant 32 : i32
    %scan3A_17 = arith.addi %scan3A_15, %scan3A_16 : i32
    %scan3A_18 = arith.constant 1 : i32
    scf.for %scan3A_20 = %scan3A_15 to %scan3A_17 step %scan3A_18  : i32 {
      %mul3A_21 = arith.constant 16 : i32
      %mul3A_22 = arith.muli %scan3A_20, %mul3A_21 : i32
      %get3A = arith.index_cast %mul3A_22 : i32 to index
      %get3A_23 = tpu.vector_load %arg12[%get3A] {strides = array<i32>} : memref<512xf32, #tpu.memory_space<vmem>>, vector<16xf32>,
      %get3A_24 = arith.index_cast %mul3A_22 : i32 to index
      %get3A_25 = tpu.vector_load %arg11[%get3A_24] {strides = array<i32>} : memref<512xf32, #tpu.memory_space<vmem>>, vector<16xf32>,
      %add3A_26 = arith.addf %get3A_23, %get3A_25 : vector<16xf32>
      %swap3A = arith.index_cast %mul3A_22 : i32 to index
      %swap3A_27 = tpu.vector_load %arg12[%swap3A] {strides = array<i32>} : memref<512xf32, #tpu.memory_space<vmem>>, vector<16xf32>,
      tpu.vector_store %arg12[%swap3A], %add3A_26 {strides = array<i32>} : memref<512xf32, #tpu.memory_space<vmem>>, vector<16xf32>,
    }
    %scan3A_19 = arith.constant 32 : i32
    "tpu.region"() ({
      %run_scoped3A = tpu.sem_alloc : memref<!tpu.dma_semaphore, #tpu.memory_space<semaphore_mem>>
      %dma_start3A_20 = tpu.memref_slice %arg7[%mul3A_2] : memref<16384xf32, #tpu.memory_space<hbm>> -> memref<512xf32, #tpu.memory_space<hbm>>
      %dma_start3A_21 = tpu.memref_slice %arg7[%mul3A_2] : memref<16384xf32, #tpu.memory_space<hbm>> -> memref<512xf32, #tpu.memory_space<hbm>>
      tpu.enqueue_dma source(%arg12 : memref<512xf32, #tpu.memory_space<vmem>>) target(%dma_start3A_21 : memref<512xf32, #tpu.memory_space<hbm>>) target_semaphore(%run_scoped3A : memref<!tpu.dma_semaphore, #tpu.memory_space<semaphore_mem>>)
      %dma_wait3A_22 = tpu.memref_slice %arg7[%mul3A_2] : memref<16384xf32, #tpu.memory_space<hbm>> -> memref<512xf32, #tpu.memory_space<hbm>>
      %dma_wait3A_23 = tpu.memref_slice %arg7[%mul3A_2] : memref<16384xf32, #tpu.memory_space<hbm>> -> memref<512xf32, #tpu.memory_space<hbm>>
      tpu.wait_dma2 semaphore(%run_scoped3A : memref<!tpu.dma_semaphore, #tpu.memory_space<semaphore_mem>>) src(%arg12 : memref<512xf32, #tpu.memory_space<vmem>>) dst(%dma_wait3A_23 : memref<512xf32, #tpu.memory_space<hbm>>)
      tpu.yield
    }) : () -> ()
    return
  }
}

#map = affine_map<(d0, d1) -> (0, 0)>
#map1 = affine_map<(d0, d1) -> (0)>
module attributes {stable_mosaic.version = 14 : i64} {
  func.func @emos(%arg0: i32, %arg1: i32, %arg2: memref<1024x100000xf32, #tpu.memory_space<hbm>>, %arg3: memref<16384x64xf32, #tpu.memory_space<hbm>>, %arg4: memref<16384xi32, #tpu.memory_space<hbm>>, %arg5: memref<16384xi32, #tpu.memory_space<hbm>>, %arg6: memref<16384xi32, #tpu.memory_space<hbm>>, %arg7: memref<16384xf32, #tpu.memory_space<hbm>>, %arg8: memref<512xi32, #tpu.memory_space<vmem>>, %arg9: memref<512xi32, #tpu.memory_space<vmem>>, %arg10: memref<512xi32, #tpu.memory_space<vmem>>, %arg11: memref<512xi32, #tpu.memory_space<vmem>>, %arg12: memref<512xf32, #tpu.memory_space<vmem>>, %arg13: memref<16x64xf32, #tpu.memory_space<vmem>>, %arg14: memref<16x64xf32, #tpu.memory_space<vmem>>, %arg15: memref<64x128xf32, #tpu.memory_space<vmem>>, %arg16: memref<64x128xf32, #tpu.memory_space<vmem>>, %arg17: memref<64x128xf32, #tpu.memory_space<vmem>>, %arg18: memref<64x128xf32, #tpu.memory_space<vmem>>, %arg19: memref<64x128xf32, #tpu.memory_space<vmem>>, %arg20: memref<64x128xf32, #tpu.memory_space<vmem>>, %arg21: memref<64x128xf32, #tpu.memory_space<vmem>>, %arg22: memref<64x128xf32, #tpu.memory_space<vmem>>, %arg23: memref<!tpu.dma_semaphore, #tpu.memory_space<semaphore_mem>>, %arg24: memref<!tpu.dma_semaphore, #tpu.memory_space<semaphore_mem>>, %arg25: memref<!tpu.dma_semaphore, #tpu.memory_space<semaphore_mem>>, %arg26: memref<!tpu.dma_semaphore, #tpu.memory_space<semaphore_mem>>, %arg27: memref<!tpu.dma_semaphore, #tpu.memory_space<semaphore_mem>>, %arg28: memref<!tpu.dma_semaphore, #tpu.memory_space<semaphore_mem>>, %arg29: memref<!tpu.dma_semaphore, #tpu.memory_space<semaphore_mem>>, %arg30: memref<!tpu.dma_semaphore, #tpu.memory_space<semaphore_mem>>, %arg31: memref<!tpu.dma_semaphore, #tpu.memory_space<semaphore_mem>>, %arg32: memref<!tpu.dma_semaphore, #tpu.memory_space<semaphore_mem>>) attributes {dimension_semantics = [#tpu.dimension_semantics<core_parallel>, #tpu.dimension_semantics<subcore_parallel>], iteration_bounds = array<i64: 2, 16>, scalar_prefetch = 0 : i64, scratch_operands = 25 : i64, tpu.core_type = #tpu.core_type<sc_vector_subcore>, window_params = [{transform_indices = #map}, {transform_indices = #map}, {transform_indices = #map1}, {transform_indices = #map1}, {transform_indices = #map1}, {transform_indices = #map1}]} {
    %mul3A = arith.constant 2 : i32
    %mul3A_0 = arith.muli %arg1, %mul3A : i32
    %add3A = arith.addi %mul3A_0, %arg0 : i32
    %mul3A_1 = arith.constant 512 : i32
    %mul3A_2 = arith.muli %add3A, %mul3A_1 : i32
    %add3A_3 = arith.constant 0 : i32
    %add3A_4 = arith.addi %mul3A_2, %add3A_3 : i32
    %dma_start3A = arith.constant 0 : i32
    %dma_start3A_5 = tpu.memref_slice %arg3[%add3A_4, %dma_start3A] : memref<16384x64xf32, #tpu.memory_space<hbm>> -> memref<16x64xf32, #tpu.memory_space<hbm>>
    %dma_start3A_6 = arith.constant 0 : i32
    %dma_start3A_7 = tpu.memref_slice %arg3[%add3A_4, %dma_start3A_6] : memref<16384x64xf32, #tpu.memory_space<hbm>> -> memref<16x64xf32, #tpu.memory_space<hbm>>
    tpu.enqueue_dma source(%dma_start3A_7 : memref<16x64xf32, #tpu.memory_space<hbm>>) target(%arg13 : memref<16x64xf32, #tpu.memory_space<vmem>>) target_semaphore(%arg31 : memref<!tpu.dma_semaphore, #tpu.memory_space<semaphore_mem>>)
    "tpu.region"() ({
      %run_scoped3A = tpu.sem_alloc : memref<!tpu.dma_semaphore, #tpu.memory_space<semaphore_mem>>
      %dma_start3A_149 = tpu.memref_slice %arg4[%mul3A_2] : memref<16384xi32, #tpu.memory_space<hbm>> -> memref<512xi32, #tpu.memory_space<hbm>>
      %dma_start3A_150 = tpu.memref_slice %arg4[%mul3A_2] : memref<16384xi32, #tpu.memory_space<hbm>> -> memref<512xi32, #tpu.memory_space<hbm>>
      tpu.enqueue_dma source(%dma_start3A_150 : memref<512xi32, #tpu.memory_space<hbm>>) target(%arg8 : memref<512xi32, #tpu.memory_space<vmem>>) target_semaphore(%run_scoped3A : memref<!tpu.dma_semaphore, #tpu.memory_space<semaphore_mem>>)
      %dma_wait3A = tpu.memref_slice %arg4[%mul3A_2] : memref<16384xi32, #tpu.memory_space<hbm>> -> memref<512xi32, #tpu.memory_space<hbm>>
      %dma_wait3A_151 = tpu.memref_slice %arg4[%mul3A_2] : memref<16384xi32, #tpu.memory_space<hbm>> -> memref<512xi32, #tpu.memory_space<hbm>>
      tpu.wait_dma2 semaphore(%run_scoped3A : memref<!tpu.dma_semaphore, #tpu.memory_space<semaphore_mem>>) src(%dma_wait3A_151 : memref<512xi32, #tpu.memory_space<hbm>>) dst(%arg8 : memref<512xi32, #tpu.memory_space<vmem>>)
      tpu.yield
    }) : () -> ()
    "tpu.region"() ({
      %run_scoped3A = tpu.sem_alloc : memref<!tpu.dma_semaphore, #tpu.memory_space<semaphore_mem>>
      %dma_start3A_149 = tpu.memref_slice %arg5[%mul3A_2] : memref<16384xi32, #tpu.memory_space<hbm>> -> memref<512xi32, #tpu.memory_space<hbm>>
      %dma_start3A_150 = tpu.memref_slice %arg5[%mul3A_2] : memref<16384xi32, #tpu.memory_space<hbm>> -> memref<512xi32, #tpu.memory_space<hbm>>
      tpu.enqueue_dma source(%dma_start3A_150 : memref<512xi32, #tpu.memory_space<hbm>>) target(%arg9 : memref<512xi32, #tpu.memory_space<vmem>>) target_semaphore(%run_scoped3A : memref<!tpu.dma_semaphore, #tpu.memory_space<semaphore_mem>>)
      %dma_wait3A = tpu.memref_slice %arg5[%mul3A_2] : memref<16384xi32, #tpu.memory_space<hbm>> -> memref<512xi32, #tpu.memory_space<hbm>>
      %dma_wait3A_151 = tpu.memref_slice %arg5[%mul3A_2] : memref<16384xi32, #tpu.memory_space<hbm>> -> memref<512xi32, #tpu.memory_space<hbm>>
      tpu.wait_dma2 semaphore(%run_scoped3A : memref<!tpu.dma_semaphore, #tpu.memory_space<semaphore_mem>>) src(%dma_wait3A_151 : memref<512xi32, #tpu.memory_space<hbm>>) dst(%arg9 : memref<512xi32, #tpu.memory_space<vmem>>)
      tpu.yield
    }) : () -> ()
    "tpu.region"() ({
      %run_scoped3A = tpu.sem_alloc : memref<!tpu.dma_semaphore, #tpu.memory_space<semaphore_mem>>
      %dma_start3A_149 = tpu.memref_slice %arg6[%mul3A_2] : memref<16384xi32, #tpu.memory_space<hbm>> -> memref<512xi32, #tpu.memory_space<hbm>>
      %dma_start3A_150 = tpu.memref_slice %arg6[%mul3A_2] : memref<16384xi32, #tpu.memory_space<hbm>> -> memref<512xi32, #tpu.memory_space<hbm>>
      tpu.enqueue_dma source(%dma_start3A_150 : memref<512xi32, #tpu.memory_space<hbm>>) target(%arg10 : memref<512xi32, #tpu.memory_space<vmem>>) target_semaphore(%run_scoped3A : memref<!tpu.dma_semaphore, #tpu.memory_space<semaphore_mem>>)
      %dma_wait3A = tpu.memref_slice %arg6[%mul3A_2] : memref<16384xi32, #tpu.memory_space<hbm>> -> memref<512xi32, #tpu.memory_space<hbm>>
      %dma_wait3A_151 = tpu.memref_slice %arg6[%mul3A_2] : memref<16384xi32, #tpu.memory_space<hbm>> -> memref<512xi32, #tpu.memory_space<hbm>>
      tpu.wait_dma2 semaphore(%run_scoped3A : memref<!tpu.dma_semaphore, #tpu.memory_space<semaphore_mem>>) src(%dma_wait3A_151 : memref<512xi32, #tpu.memory_space<hbm>>) dst(%arg10 : memref<512xi32, #tpu.memory_space<vmem>>)
      tpu.yield
    }) : () -> ()
    %scan3A = arith.constant 0 : i32
    %scan3A_8 = arith.constant 0 : i32
    %scan3A_9 = arith.constant 32 : i32
    %scan3A_10 = arith.addi %scan3A_8, %scan3A_9 : i32
    %scan3A_11 = arith.constant 1 : i32
    scf.for %scan3A_149 = %scan3A_8 to %scan3A_10 step %scan3A_11  : i32 {
      %mul3A_150 = arith.constant 16 : i32
      %mul3A_151 = arith.muli %scan3A_149, %mul3A_150 : i32
      %get3A_152 = arith.index_cast %mul3A_151 : i32 to index
      %get3A_153 = tpu.vector_load %arg9[%get3A_152] {strides = array<i32>} : memref<512xi32, #tpu.memory_space<vmem>>, vector<16xi32>,
      %jit3A = arith.constant 2 : i32
      %eq3A = arith.constant 0 : i32
      %eq3A_154 = arith.cmpi eq, %jit3A, %eq3A : i32
      %jit3A_155 = arith.constant 1 : i32
      %select_n3A = arith.select %eq3A_154, %jit3A_155, %jit3A : i32
      %rem3A = vector.broadcast %select_n3A : i32 to vector<16xi32>
      %rem3A_156 = arith.remsi %get3A_153, %rem3A : vector<16xi32>
      %ne3A = arith.constant 0 : i32
      %ne3A_157 = vector.broadcast %ne3A : i32 to vector<16xi32>
      %ne3A_158 = arith.cmpi ne, %rem3A_156, %ne3A_157 : vector<16xi32>
      %lt3A = arith.constant 0 : i32
      %lt3A_159 = vector.broadcast %lt3A : i32 to vector<16xi32>
      %lt3A_160 = arith.cmpi slt, %rem3A_156, %lt3A_159 : vector<16xi32>
      %lt3A_161 = arith.constant 0 : i32
      %lt3A_162 = arith.cmpi slt, %select_n3A, %lt3A_161 : i32
      %ne3A_163 = vector.broadcast %lt3A_162 : i1 to vector<16xi1>
      %ne3A_164 = vector.broadcast %ne3A_163 : vector<16xi1> to vector<16xi1>
      %ne3A_165 = arith.xori %lt3A_160, %ne3A_164 : vector<16xi1>
      %and3A_166 = arith.andi %ne3A_165, %ne3A_158 : vector<16xi1>
      %add3A_167 = vector.broadcast %select_n3A : i32 to vector<16xi32>
      %add3A_168 = arith.addi %rem3A_156, %add3A_167 : vector<16xi32>
      %select_n3A_169 = arith.select %and3A_166, %add3A_168, %rem3A_156 : vector<16xi1>, vector<16xi32>
      %mul3A_170 = arith.constant 8 : i32
      %mul3A_171 = vector.broadcast %mul3A_170 : i32 to vector<16xi32>
      %mul3A_172 = arith.muli %select_n3A_169, %mul3A_171 : vector<16xi32>
      %get3A_173 = arith.index_cast %mul3A_151 : i32 to index
      %get3A_174 = tpu.vector_load %arg10[%get3A_173] {strides = array<i32>} : memref<512xi32, #tpu.memory_space<vmem>>, vector<16xi32>,
      %jit3A_175 = arith.constant 8 : i32
      %eq3A_176 = arith.constant 0 : i32
      %eq3A_177 = arith.cmpi eq, %jit3A_175, %eq3A_176 : i32
      %jit3A_178 = arith.constant 1 : i32
      %select_n3A_179 = arith.select %eq3A_177, %jit3A_178, %jit3A_175 : i32
      %rem3A_180 = vector.broadcast %select_n3A_179 : i32 to vector<16xi32>
      %rem3A_181 = arith.remsi %get3A_174, %rem3A_180 : vector<16xi32>
      %ne3A_182 = arith.constant 0 : i32
      %ne3A_183 = vector.broadcast %ne3A_182 : i32 to vector<16xi32>
      %ne3A_184 = arith.cmpi ne, %rem3A_181, %ne3A_183 : vector<16xi32>
      %lt3A_185 = arith.constant 0 : i32
      %lt3A_186 = vector.broadcast %lt3A_185 : i32 to vector<16xi32>
      %lt3A_187 = arith.cmpi slt, %rem3A_181, %lt3A_186 : vector<16xi32>
      %lt3A_188 = arith.constant 0 : i32
      %lt3A_189 = arith.cmpi slt, %select_n3A_179, %lt3A_188 : i32
      %ne3A_190 = vector.broadcast %lt3A_189 : i1 to vector<16xi1>
      %ne3A_191 = vector.broadcast %ne3A_190 : vector<16xi1> to vector<16xi1>
      %ne3A_192 = arith.xori %lt3A_187, %ne3A_191 : vector<16xi1>
      %and3A_193 = arith.andi %ne3A_192, %ne3A_184 : vector<16xi1>
      %add3A_194 = vector.broadcast %select_n3A_179 : i32 to vector<16xi32>
      %add3A_195 = arith.addi %rem3A_181, %add3A_194 : vector<16xi32>
      %select_n3A_196 = arith.select %and3A_193, %add3A_195, %rem3A_181 : vector<16xi1>, vector<16xi32>
      %add3A_197 = arith.addi %mul3A_172, %select_n3A_196 : vector<16xi32>
      %shift_left3A = arith.constant 17 : i32
      %shift_left3A_198 = vector.broadcast %shift_left3A : i32 to vector<16xi32>
      %shift_left3A_199 = arith.shli %add3A_197, %shift_left3A_198 : vector<16xi32>
      %get3A_200 = arith.index_cast %mul3A_151 : i32 to index
      %get3A_201 = tpu.vector_load %arg8[%get3A_200] {strides = array<i32>} : memref<512xi32, #tpu.memory_space<vmem>>, vector<16xi32>,
      %or3A = arith.ori %shift_left3A_199, %get3A_201 : vector<16xi32>
      %swap3A = arith.index_cast %mul3A_151 : i32 to index
      %swap3A_202 = tpu.vector_load %arg11[%swap3A] {strides = array<i32>} : memref<512xi32, #tpu.memory_space<vmem>>, vector<16xi32>,
      tpu.vector_store %arg11[%swap3A], %or3A {strides = array<i32>} : memref<512xi32, #tpu.memory_space<vmem>>, vector<16xi32>,
    }
    %scan3A_12 = arith.constant 32 : i32
    %get3A = arith.constant 0 : index
    %get3A_13 = tpu.vector_load %arg11[%get3A] {strides = array<i32>} : memref<512xi32, #tpu.memory_space<vmem>>, vector<16xi32>,
    %slice3A = vector.extract_strided_slice %get3A_13 {offsets = [0], sizes = [1], strides = [1]} : vector<16xi32> to vector<1xi32>
    %squeeze3A = vector.extract %slice3A[0] : i32 from vector<1xi32>
    %and3A = arith.constant 131071 : i32
    %and3A_14 = arith.andi %squeeze3A, %and3A : i32
    %shift_right_arithmetic3A = arith.constant 17 : i32
    %shift_right_arithmetic3A_15 = arith.shrsi %squeeze3A, %shift_right_arithmetic3A : i32
    %mul3A_16 = arith.constant 64 : i32
    %mul3A_17 = arith.muli %shift_right_arithmetic3A_15, %mul3A_16 : i32
    %multiple_of3A = tpu.assume_multiple %mul3A_17, 64 : i32
    %shift_right_arithmetic3A_18 = arith.constant 7 : i32
    %shift_right_arithmetic3A_19 = arith.shrsi %and3A_14, %shift_right_arithmetic3A_18 : i32
    %mul3A_20 = arith.constant 128 : i32
    %mul3A_21 = arith.muli %shift_right_arithmetic3A_19, %mul3A_20 : i32
    %multiple_of3A_22 = tpu.assume_multiple %mul3A_21, 128 : i32
    %dma_start3A_23 = tpu.memref_slice %arg2[%multiple_of3A, %multiple_of3A_22] : memref<1024x100000xf32, #tpu.memory_space<hbm>> -> memref<64x128xf32, #tpu.memory_space<hbm>>
    %dma_start3A_24 = tpu.memref_slice %arg2[%multiple_of3A, %multiple_of3A_22] : memref<1024x100000xf32, #tpu.memory_space<hbm>> -> memref<64x128xf32, #tpu.memory_space<hbm>>
    tpu.enqueue_dma source(%dma_start3A_24 : memref<64x128xf32, #tpu.memory_space<hbm>>) target(%arg15 : memref<64x128xf32, #tpu.memory_space<vmem>>) target_semaphore(%arg23 : memref<!tpu.dma_semaphore, #tpu.memory_space<semaphore_mem>>)
    %slice3A_25 = vector.extract_strided_slice %get3A_13 {offsets = [1], sizes = [1], strides = [1]} : vector<16xi32> to vector<1xi32>
    %squeeze3A_26 = vector.extract %slice3A_25[0] : i32 from vector<1xi32>
    %and3A_27 = arith.constant 131071 : i32
    %and3A_28 = arith.andi %squeeze3A_26, %and3A_27 : i32
    %shift_right_arithmetic3A_29 = arith.constant 17 : i32
    %shift_right_arithmetic3A_30 = arith.shrsi %squeeze3A_26, %shift_right_arithmetic3A_29 : i32
    %mul3A_31 = arith.constant 64 : i32
    %mul3A_32 = arith.muli %shift_right_arithmetic3A_30, %mul3A_31 : i32
    %multiple_of3A_33 = tpu.assume_multiple %mul3A_32, 64 : i32
    %shift_right_arithmetic3A_34 = arith.constant 7 : i32
    %shift_right_arithmetic3A_35 = arith.shrsi %and3A_28, %shift_right_arithmetic3A_34 : i32
    %mul3A_36 = arith.constant 128 : i32
    %mul3A_37 = arith.muli %shift_right_arithmetic3A_35, %mul3A_36 : i32
    %multiple_of3A_38 = tpu.assume_multiple %mul3A_37, 128 : i32
    %dma_start3A_39 = tpu.memref_slice %arg2[%multiple_of3A_33, %multiple_of3A_38] : memref<1024x100000xf32, #tpu.memory_space<hbm>> -> memref<64x128xf32, #tpu.memory_space<hbm>>
    %dma_start3A_40 = tpu.memref_slice %arg2[%multiple_of3A_33, %multiple_of3A_38] : memref<1024x100000xf32, #tpu.memory_space<hbm>> -> memref<64x128xf32, #tpu.memory_space<hbm>>
    tpu.enqueue_dma source(%dma_start3A_40 : memref<64x128xf32, #tpu.memory_space<hbm>>) target(%arg16 : memref<64x128xf32, #tpu.memory_space<vmem>>) target_semaphore(%arg24 : memref<!tpu.dma_semaphore, #tpu.memory_space<semaphore_mem>>)
    %slice3A_41 = vector.extract_strided_slice %get3A_13 {offsets = [2], sizes = [1], strides = [1]} : vector<16xi32> to vector<1xi32>
    %squeeze3A_42 = vector.extract %slice3A_41[0] : i32 from vector<1xi32>
    %and3A_43 = arith.constant 131071 : i32
    %and3A_44 = arith.andi %squeeze3A_42, %and3A_43 : i32
    %shift_right_arithmetic3A_45 = arith.constant 17 : i32
    %shift_right_arithmetic3A_46 = arith.shrsi %squeeze3A_42, %shift_right_arithmetic3A_45 : i32
    %mul3A_47 = arith.constant 64 : i32
    %mul3A_48 = arith.muli %shift_right_arithmetic3A_46, %mul3A_47 : i32
    %multiple_of3A_49 = tpu.assume_multiple %mul3A_48, 64 : i32
    %shift_right_arithmetic3A_50 = arith.constant 7 : i32
    %shift_right_arithmetic3A_51 = arith.shrsi %and3A_44, %shift_right_arithmetic3A_50 : i32
    %mul3A_52 = arith.constant 128 : i32
    %mul3A_53 = arith.muli %shift_right_arithmetic3A_51, %mul3A_52 : i32
    %multiple_of3A_54 = tpu.assume_multiple %mul3A_53, 128 : i32
    %dma_start3A_55 = tpu.memref_slice %arg2[%multiple_of3A_49, %multiple_of3A_54] : memref<1024x100000xf32, #tpu.memory_space<hbm>> -> memref<64x128xf32, #tpu.memory_space<hbm>>
    %dma_start3A_56 = tpu.memref_slice %arg2[%multiple_of3A_49, %multiple_of3A_54] : memref<1024x100000xf32, #tpu.memory_space<hbm>> -> memref<64x128xf32, #tpu.memory_space<hbm>>
    tpu.enqueue_dma source(%dma_start3A_56 : memref<64x128xf32, #tpu.memory_space<hbm>>) target(%arg17 : memref<64x128xf32, #tpu.memory_space<vmem>>) target_semaphore(%arg25 : memref<!tpu.dma_semaphore, #tpu.memory_space<semaphore_mem>>)
    %slice3A_57 = vector.extract_strided_slice %get3A_13 {offsets = [3], sizes = [1], strides = [1]} : vector<16xi32> to vector<1xi32>
    %squeeze3A_58 = vector.extract %slice3A_57[0] : i32 from vector<1xi32>
    %and3A_59 = arith.constant 131071 : i32
    %and3A_60 = arith.andi %squeeze3A_58, %and3A_59 : i32
    %shift_right_arithmetic3A_61 = arith.constant 17 : i32
    %shift_right_arithmetic3A_62 = arith.shrsi %squeeze3A_58, %shift_right_arithmetic3A_61 : i32
    %mul3A_63 = arith.constant 64 : i32
    %mul3A_64 = arith.muli %shift_right_arithmetic3A_62, %mul3A_63 : i32
    %multiple_of3A_65 = tpu.assume_multiple %mul3A_64, 64 : i32
    %shift_right_arithmetic3A_66 = arith.constant 7 : i32
    %shift_right_arithmetic3A_67 = arith.shrsi %and3A_60, %shift_right_arithmetic3A_66 : i32
    %mul3A_68 = arith.constant 128 : i32
    %mul3A_69 = arith.muli %shift_right_arithmetic3A_67, %mul3A_68 : i32
    %multiple_of3A_70 = tpu.assume_multiple %mul3A_69, 128 : i32
    %dma_start3A_71 = tpu.memref_slice %arg2[%multiple_of3A_65, %multiple_of3A_70] : memref<1024x100000xf32, #tpu.memory_space<hbm>> -> memref<64x128xf32, #tpu.memory_space<hbm>>
    %dma_start3A_72 = tpu.memref_slice %arg2[%multiple_of3A_65, %multiple_of3A_70] : memref<1024x100000xf32, #tpu.memory_space<hbm>> -> memref<64x128xf32, #tpu.memory_space<hbm>>
    tpu.enqueue_dma source(%dma_start3A_72 : memref<64x128xf32, #tpu.memory_space<hbm>>) target(%arg18 : memref<64x128xf32, #tpu.memory_space<vmem>>) target_semaphore(%arg26 : memref<!tpu.dma_semaphore, #tpu.memory_space<semaphore_mem>>)
    %slice3A_73 = vector.extract_strided_slice %get3A_13 {offsets = [4], sizes = [1], strides = [1]} : vector<16xi32> to vector<1xi32>
    %squeeze3A_74 = vector.extract %slice3A_73[0] : i32 from vector<1xi32>
    %and3A_75 = arith.constant 131071 : i32
    %and3A_76 = arith.andi %squeeze3A_74, %and3A_75 : i32
    %shift_right_arithmetic3A_77 = arith.constant 17 : i32
    %shift_right_arithmetic3A_78 = arith.shrsi %squeeze3A_74, %shift_right_arithmetic3A_77 : i32
    %mul3A_79 = arith.constant 64 : i32
    %mul3A_80 = arith.muli %shift_right_arithmetic3A_78, %mul3A_79 : i32
    %multiple_of3A_81 = tpu.assume_multiple %mul3A_80, 64 : i32
    %shift_right_arithmetic3A_82 = arith.constant 7 : i32
    %shift_right_arithmetic3A_83 = arith.shrsi %and3A_76, %shift_right_arithmetic3A_82 : i32
    %mul3A_84 = arith.constant 128 : i32
    %mul3A_85 = arith.muli %shift_right_arithmetic3A_83, %mul3A_84 : i32
    %multiple_of3A_86 = tpu.assume_multiple %mul3A_85, 128 : i32
    %dma_start3A_87 = tpu.memref_slice %arg2[%multiple_of3A_81, %multiple_of3A_86] : memref<1024x100000xf32, #tpu.memory_space<hbm>> -> memref<64x128xf32, #tpu.memory_space<hbm>>
    %dma_start3A_88 = tpu.memref_slice %arg2[%multiple_of3A_81, %multiple_of3A_86] : memref<1024x100000xf32, #tpu.memory_space<hbm>> -> memref<64x128xf32, #tpu.memory_space<hbm>>
    tpu.enqueue_dma source(%dma_start3A_88 : memref<64x128xf32, #tpu.memory_space<hbm>>) target(%arg19 : memref<64x128xf32, #tpu.memory_space<vmem>>) target_semaphore(%arg27 : memref<!tpu.dma_semaphore, #tpu.memory_space<semaphore_mem>>)
    %slice3A_89 = vector.extract_strided_slice %get3A_13 {offsets = [5], sizes = [1], strides = [1]} : vector<16xi32> to vector<1xi32>
    %squeeze3A_90 = vector.extract %slice3A_89[0] : i32 from vector<1xi32>
    %and3A_91 = arith.constant 131071 : i32
    %and3A_92 = arith.andi %squeeze3A_90, %and3A_91 : i32
    %shift_right_arithmetic3A_93 = arith.constant 17 : i32
    %shift_right_arithmetic3A_94 = arith.shrsi %squeeze3A_90, %shift_right_arithmetic3A_93 : i32
    %mul3A_95 = arith.constant 64 : i32
    %mul3A_96 = arith.muli %shift_right_arithmetic3A_94, %mul3A_95 : i32
    %multiple_of3A_97 = tpu.assume_multiple %mul3A_96, 64 : i32
    %shift_right_arithmetic3A_98 = arith.constant 7 : i32
    %shift_right_arithmetic3A_99 = arith.shrsi %and3A_92, %shift_right_arithmetic3A_98 : i32
    %mul3A_100 = arith.constant 128 : i32
    %mul3A_101 = arith.muli %shift_right_arithmetic3A_99, %mul3A_100 : i32
    %multiple_of3A_102 = tpu.assume_multiple %mul3A_101, 128 : i32
    %dma_start3A_103 = tpu.memref_slice %arg2[%multiple_of3A_97, %multiple_of3A_102] : memref<1024x100000xf32, #tpu.memory_space<hbm>> -> memref<64x128xf32, #tpu.memory_space<hbm>>
    %dma_start3A_104 = tpu.memref_slice %arg2[%multiple_of3A_97, %multiple_of3A_102] : memref<1024x100000xf32, #tpu.memory_space<hbm>> -> memref<64x128xf32, #tpu.memory_space<hbm>>
    tpu.enqueue_dma source(%dma_start3A_104 : memref<64x128xf32, #tpu.memory_space<hbm>>) target(%arg20 : memref<64x128xf32, #tpu.memory_space<vmem>>) target_semaphore(%arg28 : memref<!tpu.dma_semaphore, #tpu.memory_space<semaphore_mem>>)
    %slice3A_105 = vector.extract_strided_slice %get3A_13 {offsets = [6], sizes = [1], strides = [1]} : vector<16xi32> to vector<1xi32>
    %squeeze3A_106 = vector.extract %slice3A_105[0] : i32 from vector<1xi32>
    %and3A_107 = arith.constant 131071 : i32
    %and3A_108 = arith.andi %squeeze3A_106, %and3A_107 : i32
    %shift_right_arithmetic3A_109 = arith.constant 17 : i32
    %shift_right_arithmetic3A_110 = arith.shrsi %squeeze3A_106, %shift_right_arithmetic3A_109 : i32
    %mul3A_111 = arith.constant 64 : i32
    %mul3A_112 = arith.muli %shift_right_arithmetic3A_110, %mul3A_111 : i32
    %multiple_of3A_113 = tpu.assume_multiple %mul3A_112, 64 : i32
    %shift_right_arithmetic3A_114 = arith.constant 7 : i32
    %shift_right_arithmetic3A_115 = arith.shrsi %and3A_108, %shift_right_arithmetic3A_114 : i32
    %mul3A_116 = arith.constant 128 : i32
    %mul3A_117 = arith.muli %shift_right_arithmetic3A_115, %mul3A_116 : i32
    %multiple_of3A_118 = tpu.assume_multiple %mul3A_117, 128 : i32
    %dma_start3A_119 = tpu.memref_slice %arg2[%multiple_of3A_113, %multiple_of3A_118] : memref<1024x100000xf32, #tpu.memory_space<hbm>> -> memref<64x128xf32, #tpu.memory_space<hbm>>
    %dma_start3A_120 = tpu.memref_slice %arg2[%multiple_of3A_113, %multiple_of3A_118] : memref<1024x100000xf32, #tpu.memory_space<hbm>> -> memref<64x128xf32, #tpu.memory_space<hbm>>
    tpu.enqueue_dma source(%dma_start3A_120 : memref<64x128xf32, #tpu.memory_space<hbm>>) target(%arg21 : memref<64x128xf32, #tpu.memory_space<vmem>>) target_semaphore(%arg29 : memref<!tpu.dma_semaphore, #tpu.memory_space<semaphore_mem>>)
    %slice3A_121 = vector.extract_strided_slice %get3A_13 {offsets = [7], sizes = [1], strides = [1]} : vector<16xi32> to vector<1xi32>
    %squeeze3A_122 = vector.extract %slice3A_121[0] : i32 from vector<1xi32>
    %and3A_123 = arith.constant 131071 : i32
    %and3A_124 = arith.andi %squeeze3A_122, %and3A_123 : i32
    %shift_right_arithmetic3A_125 = arith.constant 17 : i32
    %shift_right_arithmetic3A_126 = arith.shrsi %squeeze3A_122, %shift_right_arithmetic3A_125 : i32
    %mul3A_127 = arith.constant 64 : i32
    %mul3A_128 = arith.muli %shift_right_arithmetic3A_126, %mul3A_127 : i32
    %multiple_of3A_129 = tpu.assume_multiple %mul3A_128, 64 : i32
    %shift_right_arithmetic3A_130 = arith.constant 7 : i32
    %shift_right_arithmetic3A_131 = arith.shrsi %and3A_124, %shift_right_arithmetic3A_130 : i32
    %mul3A_132 = arith.constant 128 : i32
    %mul3A_133 = arith.muli %shift_right_arithmetic3A_131, %mul3A_132 : i32
    %multiple_of3A_134 = tpu.assume_multiple %mul3A_133, 128 : i32
    %dma_start3A_135 = tpu.memref_slice %arg2[%multiple_of3A_129, %multiple_of3A_134] : memref<1024x100000xf32, #tpu.memory_space<hbm>> -> memref<64x128xf32, #tpu.memory_space<hbm>>
    %dma_start3A_136 = tpu.memref_slice %arg2[%multiple_of3A_129, %multiple_of3A_134] : memref<1024x100000xf32, #tpu.memory_space<hbm>> -> memref<64x128xf32, #tpu.memory_space<hbm>>
    tpu.enqueue_dma source(%dma_start3A_136 : memref<64x128xf32, #tpu.memory_space<hbm>>) target(%arg22 : memref<64x128xf32, #tpu.memory_space<vmem>>) target_semaphore(%arg30 : memref<!tpu.dma_semaphore, #tpu.memory_space<semaphore_mem>>)
    %add3A_137 = arith.constant 16 : i32
    %add3A_138 = arith.addi %mul3A_2, %add3A_137 : i32
    %dma_start3A_139 = arith.constant 0 : i32
    %dma_start3A_140 = tpu.memref_slice %arg3[%add3A_138, %dma_start3A_139] : memref<16384x64xf32, #tpu.memory_space<hbm>> -> memref<16x64xf32, #tpu.memory_space<hbm>>
    %dma_start3A_141 = arith.constant 0 : i32
    %dma_start3A_142 = tpu.memref_slice %arg3[%add3A_138, %dma_start3A_141] : memref<16384x64xf32, #tpu.memory_space<hbm>> -> memref<16x64xf32, #tpu.memory_space<hbm>>
    tpu.enqueue_dma source(%dma_start3A_142 : memref<16x64xf32, #tpu.memory_space<hbm>>) target(%arg14 : memref<16x64xf32, #tpu.memory_space<vmem>>) target_semaphore(%arg32 : memref<!tpu.dma_semaphore, #tpu.memory_space<semaphore_mem>>)
    %iota3A = tpu.iota {dimensions = array<i32: 0>} : vector<16xi32>
    %scan3A_143 = arith.constant 0 : i32
    %scan3A_144 = arith.constant 0 : i32
    %scan3A_145 = arith.constant 16 : i32
    %scan3A_146 = arith.addi %scan3A_144, %scan3A_145 : i32
    %scan3A_147 = arith.constant 1 : i32
    scf.for %scan3A_149 = %scan3A_144 to %scan3A_146 step %scan3A_147  : i32 {
      %mul3A_150 = arith.constant 2 : i32
      %mul3A_151 = arith.muli %mul3A_150, %scan3A_149 : i32
      %mul3A_152 = arith.constant 16 : i32
      %mul3A_153 = arith.muli %mul3A_151, %mul3A_152 : i32
      %get3A_154 = arith.index_cast %mul3A_153 : i32 to index
      %get3A_155 = tpu.vector_load %arg11[%get3A_154] {strides = array<i32>} : memref<512xi32, #tpu.memory_space<vmem>>, vector<16xi32>,
      %add3A_156 = arith.constant 16 : i32
      %add3A_157 = arith.addi %mul3A_153, %add3A_156 : i32
      %min3A = arith.constant 496 : i32
      %min3A_158 = arith.minsi %add3A_157, %min3A : i32
      %get3A_159 = arith.index_cast %min3A_158 : i32 to index
      %get3A_160 = tpu.vector_load %arg11[%get3A_159] {strides = array<i32>} : memref<512xi32, #tpu.memory_space<vmem>>, vector<16xi32>,
      %dma_wait3A = arith.constant 0 : i32
      %dma_wait3A_161 = arith.constant 0 : i32
      %dma_wait3A_162 = tpu.memref_slice %arg3[%dma_wait3A, %dma_wait3A_161] : memref<16384x64xf32, #tpu.memory_space<hbm>> -> memref<16x64xf32, #tpu.memory_space<hbm>>
      %dma_wait3A_163 = arith.constant 0 : i32
      %dma_wait3A_164 = arith.constant 0 : i32
      %dma_wait3A_165 = tpu.memref_slice %arg3[%dma_wait3A_163, %dma_wait3A_164] : memref<16384x64xf32, #tpu.memory_space<hbm>> -> memref<16x64xf32, #tpu.memory_space<hbm>>
      tpu.wait_dma2 semaphore(%arg31 : memref<!tpu.dma_semaphore, #tpu.memory_space<semaphore_mem>>) src(%dma_wait3A_165 : memref<16x64xf32, #tpu.memory_space<hbm>>) dst(%arg13 : memref<16x64xf32, #tpu.memory_space<vmem>>)
      %broadcast_in_dim3A = arith.constant 0.000000e+00 : f32
      %broadcast_in_dim3A_166 = vector.broadcast %broadcast_in_dim3A : f32 to vector<16xf32>
      %dma_wait3A_167 = arith.constant 0 : i32
      %dma_wait3A_168 = arith.constant 0 : i32
      %dma_wait3A_169 = tpu.memref_slice %arg2[%dma_wait3A_167, %dma_wait3A_168] : memref<1024x100000xf32, #tpu.memory_space<hbm>> -> memref<64x128xf32, #tpu.memory_space<hbm>>
      %dma_wait3A_170 = arith.constant 0 : i32
      %dma_wait3A_171 = arith.constant 0 : i32
      %dma_wait3A_172 = tpu.memref_slice %arg2[%dma_wait3A_170, %dma_wait3A_171] : memref<1024x100000xf32, #tpu.memory_space<hbm>> -> memref<64x128xf32, #tpu.memory_space<hbm>>
      tpu.wait_dma2 semaphore(%arg23 : memref<!tpu.dma_semaphore, #tpu.memory_space<semaphore_mem>>) src(%dma_wait3A_172 : memref<64x128xf32, #tpu.memory_space<hbm>>) dst(%arg15 : memref<64x128xf32, #tpu.memory_space<vmem>>)
      %slice3A_173 = vector.extract_strided_slice %get3A_155 {offsets = [0], sizes = [1], strides = [1]} : vector<16xi32> to vector<1xi32>
      %squeeze3A_174 = vector.extract %slice3A_173[0] : i32 from vector<1xi32>
      %and3A_175 = arith.constant 127 : i32
      %and3A_176 = arith.andi %squeeze3A_174, %and3A_175 : i32
      %broadcast_in_dim3A_177 = vector.broadcast %and3A_176 : i32 to vector<16xi32>
      %broadcast_in_dim3A_178 = arith.constant 0.000000e+00 : f32
      %broadcast_in_dim3A_179 = vector.broadcast %broadcast_in_dim3A_178 : f32 to vector<16xf32>
      %add3A_180 = arith.constant 0 : i32
      %add3A_181 = vector.broadcast %add3A_180 : i32 to vector<16xi32>
      %add3A_182 = arith.addi %add3A_181, %iota3A : vector<16xi32>
      %gather3A = tpu.vector_load_idx %arg15[%add3A_182, %broadcast_in_dim3A_177] : memref<64x128xf32, #tpu.memory_space<vmem>>[vector<16xi32>, vector<16xi32>], vector<16xf32>,
      %get3A_183 = arith.constant 0 : i32
      %get3A_184 = arith.index_cast %get3A_183 : i32 to index
      %get3A_185 = arith.constant 0 : index
      %get3A_186 = tpu.vector_load %arg13[%get3A_184, %get3A_185] {strides = array<i32>} : memref<16x64xf32, #tpu.memory_space<vmem>>, vector<16xf32>,
      %mul3A_187 = arith.mulf %gather3A, %get3A_186 : vector<16xf32>
      %add3A_188 = arith.addf %broadcast_in_dim3A_179, %mul3A_187 : vector<16xf32>
      %add3A_189 = arith.constant 16 : i32
      %add3A_190 = vector.broadcast %add3A_189 : i32 to vector<16xi32>
      %add3A_191 = arith.addi %add3A_190, %iota3A : vector<16xi32>
      %gather3A_192 = tpu.vector_load_idx %arg15[%add3A_191, %broadcast_in_dim3A_177] : memref<64x128xf32, #tpu.memory_space<vmem>>[vector<16xi32>, vector<16xi32>], vector<16xf32>,
      %get3A_193 = arith.constant 0 : i32
      %get3A_194 = arith.index_cast %get3A_193 : i32 to index
      %get3A_195 = arith.constant 16 : index
      %get3A_196 = tpu.vector_load %arg13[%get3A_194, %get3A_195] {strides = array<i32>} : memref<16x64xf32, #tpu.memory_space<vmem>>, vector<16xf32>,
      %mul3A_197 = arith.mulf %gather3A_192, %get3A_196 : vector<16xf32>
      %add3A_198 = arith.addf %add3A_188, %mul3A_197 : vector<16xf32>
      %add3A_199 = arith.constant 32 : i32
      %add3A_200 = vector.broadcast %add3A_199 : i32 to vector<16xi32>
      %add3A_201 = arith.addi %add3A_200, %iota3A : vector<16xi32>
      %gather3A_202 = tpu.vector_load_idx %arg15[%add3A_201, %broadcast_in_dim3A_177] : memref<64x128xf32, #tpu.memory_space<vmem>>[vector<16xi32>, vector<16xi32>], vector<16xf32>,
      %get3A_203 = arith.constant 0 : i32
      %get3A_204 = arith.index_cast %get3A_203 : i32 to index
      %get3A_205 = arith.constant 32 : index
      %get3A_206 = tpu.vector_load %arg13[%get3A_204, %get3A_205] {strides = array<i32>} : memref<16x64xf32, #tpu.memory_space<vmem>>, vector<16xf32>,
      %mul3A_207 = arith.mulf %gather3A_202, %get3A_206 : vector<16xf32>
      %add3A_208 = arith.addf %add3A_198, %mul3A_207 : vector<16xf32>
      %add3A_209 = arith.constant 48 : i32
      %add3A_210 = vector.broadcast %add3A_209 : i32 to vector<16xi32>
      %add3A_211 = arith.addi %add3A_210, %iota3A : vector<16xi32>
      %gather3A_212 = tpu.vector_load_idx %arg15[%add3A_211, %broadcast_in_dim3A_177] : memref<64x128xf32, #tpu.memory_space<vmem>>[vector<16xi32>, vector<16xi32>], vector<16xf32>,
      %get3A_213 = arith.constant 0 : i32
      %get3A_214 = arith.index_cast %get3A_213 : i32 to index
      %get3A_215 = arith.constant 48 : index
      %get3A_216 = tpu.vector_load %arg13[%get3A_214, %get3A_215] {strides = array<i32>} : memref<16x64xf32, #tpu.memory_space<vmem>>, vector<16xf32>,
      %mul3A_217 = arith.mulf %gather3A_212, %get3A_216 : vector<16xf32>
      %add3A_218 = arith.addf %add3A_208, %mul3A_217 : vector<16xf32>
      %eq3A = arith.constant 0 : i32
      %eq3A_219 = vector.broadcast %eq3A : i32 to vector<16xi32>
      %eq3A_220 = arith.cmpi eq, %iota3A, %eq3A_219 : vector<16xi32>
      %reduce_sum3A = arith.constant true
      %reduce_sum3A_221 = vector.broadcast %reduce_sum3A : i1 to vector<16xi1>
      %reduce_sum3A_222 = tpu.scan <sum>, %add3A_218 masked %reduce_sum3A_221 : vector<16xf32>, vector<16xi1> -> vector<16xf32>
      %reduce_sum3A_223 = vector.extract %reduce_sum3A_222[15] : f32 from vector<16xf32>
      %broadcast_in_dim3A_224 = vector.broadcast %reduce_sum3A_223 : f32 to vector<16xf32>
      %select_n3A = arith.select %eq3A_220, %broadcast_in_dim3A_224, %broadcast_in_dim3A_166 : vector<16xi1>, vector<16xf32>
      %slice3A_225 = vector.extract_strided_slice %get3A_155 {offsets = [8], sizes = [1], strides = [1]} : vector<16xi32> to vector<1xi32>
      %squeeze3A_226 = vector.extract %slice3A_225[0] : i32 from vector<1xi32>
      %and3A_227 = arith.constant 131071 : i32
      %and3A_228 = arith.andi %squeeze3A_226, %and3A_227 : i32
      %shift_right_arithmetic3A_229 = arith.constant 17 : i32
      %shift_right_arithmetic3A_230 = arith.shrsi %squeeze3A_226, %shift_right_arithmetic3A_229 : i32
      %mul3A_231 = arith.constant 64 : i32
      %mul3A_232 = arith.muli %shift_right_arithmetic3A_230, %mul3A_231 : i32
      %multiple_of3A_233 = tpu.assume_multiple %mul3A_232, 64 : i32
      %shift_right_arithmetic3A_234 = arith.constant 7 : i32
      %shift_right_arithmetic3A_235 = arith.shrsi %and3A_228, %shift_right_arithmetic3A_234 : i32
      %mul3A_236 = arith.constant 128 : i32
      %mul3A_237 = arith.muli %shift_right_arithmetic3A_235, %mul3A_236 : i32
      %multiple_of3A_238 = tpu.assume_multiple %mul3A_237, 128 : i32
      %dma_start3A_239 = tpu.memref_slice %arg2[%multiple_of3A_233, %multiple_of3A_238] : memref<1024x100000xf32, #tpu.memory_space<hbm>> -> memref<64x128xf32, #tpu.memory_space<hbm>>
      %dma_start3A_240 = tpu.memref_slice %arg2[%multiple_of3A_233, %multiple_of3A_238] : memref<1024x100000xf32, #tpu.memory_space<hbm>> -> memref<64x128xf32, #tpu.memory_space<hbm>>
      tpu.enqueue_dma source(%dma_start3A_240 : memref<64x128xf32, #tpu.memory_space<hbm>>) target(%arg15 : memref<64x128xf32, #tpu.memory_space<vmem>>) target_semaphore(%arg23 : memref<!tpu.dma_semaphore, #tpu.memory_space<semaphore_mem>>)
      %dma_wait3A_241 = arith.constant 0 : i32
      %dma_wait3A_242 = arith.constant 0 : i32
      %dma_wait3A_243 = tpu.memref_slice %arg2[%dma_wait3A_241, %dma_wait3A_242] : memref<1024x100000xf32, #tpu.memory_space<hbm>> -> memref<64x128xf32, #tpu.memory_space<hbm>>
      %dma_wait3A_244 = arith.constant 0 : i32
      %dma_wait3A_245 = arith.constant 0 : i32
      %dma_wait3A_246 = tpu.memref_slice %arg2[%dma_wait3A_244, %dma_wait3A_245] : memref<1024x100000xf32, #tpu.memory_space<hbm>> -> memref<64x128xf32, #tpu.memory_space<hbm>>
      tpu.wait_dma2 semaphore(%arg24 : memref<!tpu.dma_semaphore, #tpu.memory_space<semaphore_mem>>) src(%dma_wait3A_246 : memref<64x128xf32, #tpu.memory_space<hbm>>) dst(%arg16 : memref<64x128xf32, #tpu.memory_space<vmem>>)
      %slice3A_247 = vector.extract_strided_slice %get3A_155 {offsets = [1], sizes = [1], strides = [1]} : vector<16xi32> to vector<1xi32>
      %squeeze3A_248 = vector.extract %slice3A_247[0] : i32 from vector<1xi32>
      %and3A_249 = arith.constant 127 : i32
      %and3A_250 = arith.andi %squeeze3A_248, %and3A_249 : i32
      %broadcast_in_dim3A_251 = vector.broadcast %and3A_250 : i32 to vector<16xi32>
      %broadcast_in_dim3A_252 = arith.constant 0.000000e+00 : f32
      %broadcast_in_dim3A_253 = vector.broadcast %broadcast_in_dim3A_252 : f32 to vector<16xf32>
      %add3A_254 = arith.constant 0 : i32
      %add3A_255 = vector.broadcast %add3A_254 : i32 to vector<16xi32>
      %add3A_256 = arith.addi %add3A_255, %iota3A : vector<16xi32>
      %gather3A_257 = tpu.vector_load_idx %arg16[%add3A_256, %broadcast_in_dim3A_251] : memref<64x128xf32, #tpu.memory_space<vmem>>[vector<16xi32>, vector<16xi32>], vector<16xf32>,
      %get3A_258 = arith.constant 1 : i32
      %get3A_259 = arith.index_cast %get3A_258 : i32 to index
      %get3A_260 = arith.constant 0 : index
      %get3A_261 = tpu.vector_load %arg13[%get3A_259, %get3A_260] {strides = array<i32>} : memref<16x64xf32, #tpu.memory_space<vmem>>, vector<16xf32>,
      %mul3A_262 = arith.mulf %gather3A_257, %get3A_261 : vector<16xf32>
      %add3A_263 = arith.addf %broadcast_in_dim3A_253, %mul3A_262 : vector<16xf32>
      %add3A_264 = arith.constant 16 : i32
      %add3A_265 = vector.broadcast %add3A_264 : i32 to vector<16xi32>
      %add3A_266 = arith.addi %add3A_265, %iota3A : vector<16xi32>
      %gather3A_267 = tpu.vector_load_idx %arg16[%add3A_266, %broadcast_in_dim3A_251] : memref<64x128xf32, #tpu.memory_space<vmem>>[vector<16xi32>, vector<16xi32>], vector<16xf32>,
      %get3A_268 = arith.constant 1 : i32
      %get3A_269 = arith.index_cast %get3A_268 : i32 to index
      %get3A_270 = arith.constant 16 : index
      %get3A_271 = tpu.vector_load %arg13[%get3A_269, %get3A_270] {strides = array<i32>} : memref<16x64xf32, #tpu.memory_space<vmem>>, vector<16xf32>,
      %mul3A_272 = arith.mulf %gather3A_267, %get3A_271 : vector<16xf32>
      %add3A_273 = arith.addf %add3A_263, %mul3A_272 : vector<16xf32>
      %add3A_274 = arith.constant 32 : i32
      %add3A_275 = vector.broadcast %add3A_274 : i32 to vector<16xi32>
      %add3A_276 = arith.addi %add3A_275, %iota3A : vector<16xi32>
      %gather3A_277 = tpu.vector_load_idx %arg16[%add3A_276, %broadcast_in_dim3A_251] : memref<64x128xf32, #tpu.memory_space<vmem>>[vector<16xi32>, vector<16xi32>], vector<16xf32>,
      %get3A_278 = arith.constant 1 : i32
      %get3A_279 = arith.index_cast %get3A_278 : i32 to index
      %get3A_280 = arith.constant 32 : index
      %get3A_281 = tpu.vector_load %arg13[%get3A_279, %get3A_280] {strides = array<i32>} : memref<16x64xf32, #tpu.memory_space<vmem>>, vector<16xf32>,
      %mul3A_282 = arith.mulf %gather3A_277, %get3A_281 : vector<16xf32>
      %add3A_283 = arith.addf %add3A_273, %mul3A_282 : vector<16xf32>
      %add3A_284 = arith.constant 48 : i32
      %add3A_285 = vector.broadcast %add3A_284 : i32 to vector<16xi32>
      %add3A_286 = arith.addi %add3A_285, %iota3A : vector<16xi32>
      %gather3A_287 = tpu.vector_load_idx %arg16[%add3A_286, %broadcast_in_dim3A_251] : memref<64x128xf32, #tpu.memory_space<vmem>>[vector<16xi32>, vector<16xi32>], vector<16xf32>,
      %get3A_288 = arith.constant 1 : i32
      %get3A_289 = arith.index_cast %get3A_288 : i32 to index
      %get3A_290 = arith.constant 48 : index
      %get3A_291 = tpu.vector_load %arg13[%get3A_289, %get3A_290] {strides = array<i32>} : memref<16x64xf32, #tpu.memory_space<vmem>>, vector<16xf32>,
      %mul3A_292 = arith.mulf %gather3A_287, %get3A_291 : vector<16xf32>
      %add3A_293 = arith.addf %add3A_283, %mul3A_292 : vector<16xf32>
      %eq3A_294 = arith.constant 1 : i32
      %eq3A_295 = vector.broadcast %eq3A_294 : i32 to vector<16xi32>
      %eq3A_296 = arith.cmpi eq, %iota3A, %eq3A_295 : vector<16xi32>
      %reduce_sum3A_297 = arith.constant true
      %reduce_sum3A_298 = vector.broadcast %reduce_sum3A_297 : i1 to vector<16xi1>
      %reduce_sum3A_299 = tpu.scan <sum>, %add3A_293 masked %reduce_sum3A_298 : vector<16xf32>, vector<16xi1> -> vector<16xf32>
      %reduce_sum3A_300 = vector.extract %reduce_sum3A_299[15] : f32 from vector<16xf32>
      %broadcast_in_dim3A_301 = vector.broadcast %reduce_sum3A_300 : f32 to vector<16xf32>
      %select_n3A_302 = arith.select %eq3A_296, %broadcast_in_dim3A_301, %select_n3A : vector<16xi1>, vector<16xf32>
      %slice3A_303 = vector.extract_strided_slice %get3A_155 {offsets = [9], sizes = [1], strides = [1]} : vector<16xi32> to vector<1xi32>
      %squeeze3A_304 = vector.extract %slice3A_303[0] : i32 from vector<1xi32>
      %and3A_305 = arith.constant 131071 : i32
      %and3A_306 = arith.andi %squeeze3A_304, %and3A_305 : i32
      %shift_right_arithmetic3A_307 = arith.constant 17 : i32
      %shift_right_arithmetic3A_308 = arith.shrsi %squeeze3A_304, %shift_right_arithmetic3A_307 : i32
      %mul3A_309 = arith.constant 64 : i32
      %mul3A_310 = arith.muli %shift_right_arithmetic3A_308, %mul3A_309 : i32
      %multiple_of3A_311 = tpu.assume_multiple %mul3A_310, 64 : i32
      %shift_right_arithmetic3A_312 = arith.constant 7 : i32
      %shift_right_arithmetic3A_313 = arith.shrsi %and3A_306, %shift_right_arithmetic3A_312 : i32
      %mul3A_314 = arith.constant 128 : i32
      %mul3A_315 = arith.muli %shift_right_arithmetic3A_313, %mul3A_314 : i32
      %multiple_of3A_316 = tpu.assume_multiple %mul3A_315, 128 : i32
      %dma_start3A_317 = tpu.memref_slice %arg2[%multiple_of3A_311, %multiple_of3A_316] : memref<1024x100000xf32, #tpu.memory_space<hbm>> -> memref<64x128xf32, #tpu.memory_space<hbm>>
      %dma_start3A_318 = tpu.memref_slice %arg2[%multiple_of3A_311, %multiple_of3A_316] : memref<1024x100000xf32, #tpu.memory_space<hbm>> -> memref<64x128xf32, #tpu.memory_space<hbm>>
      tpu.enqueue_dma source(%dma_start3A_318 : memref<64x128xf32, #tpu.memory_space<hbm>>) target(%arg16 : memref<64x128xf32, #tpu.memory_space<vmem>>) target_semaphore(%arg24 : memref<!tpu.dma_semaphore, #tpu.memory_space<semaphore_mem>>)
      %dma_wait3A_319 = arith.constant 0 : i32
      %dma_wait3A_320 = arith.constant 0 : i32
      %dma_wait3A_321 = tpu.memref_slice %arg2[%dma_wait3A_319, %dma_wait3A_320] : memref<1024x100000xf32, #tpu.memory_space<hbm>> -> memref<64x128xf32, #tpu.memory_space<hbm>>
      %dma_wait3A_322 = arith.constant 0 : i32
      %dma_wait3A_323 = arith.constant 0 : i32
      %dma_wait3A_324 = tpu.memref_slice %arg2[%dma_wait3A_322, %dma_wait3A_323] : memref<1024x100000xf32, #tpu.memory_space<hbm>> -> memref<64x128xf32, #tpu.memory_space<hbm>>
      tpu.wait_dma2 semaphore(%arg25 : memref<!tpu.dma_semaphore, #tpu.memory_space<semaphore_mem>>) src(%dma_wait3A_324 : memref<64x128xf32, #tpu.memory_space<hbm>>) dst(%arg17 : memref<64x128xf32, #tpu.memory_space<vmem>>)
      %slice3A_325 = vector.extract_strided_slice %get3A_155 {offsets = [2], sizes = [1], strides = [1]} : vector<16xi32> to vector<1xi32>
      %squeeze3A_326 = vector.extract %slice3A_325[0] : i32 from vector<1xi32>
      %and3A_327 = arith.constant 127 : i32
      %and3A_328 = arith.andi %squeeze3A_326, %and3A_327 : i32
      %broadcast_in_dim3A_329 = vector.broadcast %and3A_328 : i32 to vector<16xi32>
      %broadcast_in_dim3A_330 = arith.constant 0.000000e+00 : f32
      %broadcast_in_dim3A_331 = vector.broadcast %broadcast_in_dim3A_330 : f32 to vector<16xf32>
      %add3A_332 = arith.constant 0 : i32
      %add3A_333 = vector.broadcast %add3A_332 : i32 to vector<16xi32>
      %add3A_334 = arith.addi %add3A_333, %iota3A : vector<16xi32>
      %gather3A_335 = tpu.vector_load_idx %arg17[%add3A_334, %broadcast_in_dim3A_329] : memref<64x128xf32, #tpu.memory_space<vmem>>[vector<16xi32>, vector<16xi32>], vector<16xf32>,
      %get3A_336 = arith.constant 2 : i32
      %get3A_337 = arith.index_cast %get3A_336 : i32 to index
      %get3A_338 = arith.constant 0 : index
      %get3A_339 = tpu.vector_load %arg13[%get3A_337, %get3A_338] {strides = array<i32>} : memref<16x64xf32, #tpu.memory_space<vmem>>, vector<16xf32>,
      %mul3A_340 = arith.mulf %gather3A_335, %get3A_339 : vector<16xf32>
      %add3A_341 = arith.addf %broadcast_in_dim3A_331, %mul3A_340 : vector<16xf32>
      %add3A_342 = arith.constant 16 : i32
      %add3A_343 = vector.broadcast %add3A_342 : i32 to vector<16xi32>
      %add3A_344 = arith.addi %add3A_343, %iota3A : vector<16xi32>
      %gather3A_345 = tpu.vector_load_idx %arg17[%add3A_344, %broadcast_in_dim3A_329] : memref<64x128xf32, #tpu.memory_space<vmem>>[vector<16xi32>, vector<16xi32>], vector<16xf32>,
      %get3A_346 = arith.constant 2 : i32
      %get3A_347 = arith.index_cast %get3A_346 : i32 to index
      %get3A_348 = arith.constant 16 : index
      %get3A_349 = tpu.vector_load %arg13[%get3A_347, %get3A_348] {strides = array<i32>} : memref<16x64xf32, #tpu.memory_space<vmem>>, vector<16xf32>,
      %mul3A_350 = arith.mulf %gather3A_345, %get3A_349 : vector<16xf32>
      %add3A_351 = arith.addf %add3A_341, %mul3A_350 : vector<16xf32>
      %add3A_352 = arith.constant 32 : i32
      %add3A_353 = vector.broadcast %add3A_352 : i32 to vector<16xi32>
      %add3A_354 = arith.addi %add3A_353, %iota3A : vector<16xi32>
      %gather3A_355 = tpu.vector_load_idx %arg17[%add3A_354, %broadcast_in_dim3A_329] : memref<64x128xf32, #tpu.memory_space<vmem>>[vector<16xi32>, vector<16xi32>], vector<16xf32>,
      %get3A_356 = arith.constant 2 : i32
      %get3A_357 = arith.index_cast %get3A_356 : i32 to index
      %get3A_358 = arith.constant 32 : index
      %get3A_359 = tpu.vector_load %arg13[%get3A_357, %get3A_358] {strides = array<i32>} : memref<16x64xf32, #tpu.memory_space<vmem>>, vector<16xf32>,
      %mul3A_360 = arith.mulf %gather3A_355, %get3A_359 : vector<16xf32>
      %add3A_361 = arith.addf %add3A_351, %mul3A_360 : vector<16xf32>
      %add3A_362 = arith.constant 48 : i32
      %add3A_363 = vector.broadcast %add3A_362 : i32 to vector<16xi32>
      %add3A_364 = arith.addi %add3A_363, %iota3A : vector<16xi32>
      %gather3A_365 = tpu.vector_load_idx %arg17[%add3A_364, %broadcast_in_dim3A_329] : memref<64x128xf32, #tpu.memory_space<vmem>>[vector<16xi32>, vector<16xi32>], vector<16xf32>,
      %get3A_366 = arith.constant 2 : i32
      %get3A_367 = arith.index_cast %get3A_366 : i32 to index
      %get3A_368 = arith.constant 48 : index
      %get3A_369 = tpu.vector_load %arg13[%get3A_367, %get3A_368] {strides = array<i32>} : memref<16x64xf32, #tpu.memory_space<vmem>>, vector<16xf32>,
      %mul3A_370 = arith.mulf %gather3A_365, %get3A_369 : vector<16xf32>
      %add3A_371 = arith.addf %add3A_361, %mul3A_370 : vector<16xf32>
      %eq3A_372 = arith.constant 2 : i32
      %eq3A_373 = vector.broadcast %eq3A_372 : i32 to vector<16xi32>
      %eq3A_374 = arith.cmpi eq, %iota3A, %eq3A_373 : vector<16xi32>
      %reduce_sum3A_375 = arith.constant true
      %reduce_sum3A_376 = vector.broadcast %reduce_sum3A_375 : i1 to vector<16xi1>
      %reduce_sum3A_377 = tpu.scan <sum>, %add3A_371 masked %reduce_sum3A_376 : vector<16xf32>, vector<16xi1> -> vector<16xf32>
      %reduce_sum3A_378 = vector.extract %reduce_sum3A_377[15] : f32 from vector<16xf32>
      %broadcast_in_dim3A_379 = vector.broadcast %reduce_sum3A_378 : f32 to vector<16xf32>
      %select_n3A_380 = arith.select %eq3A_374, %broadcast_in_dim3A_379, %select_n3A_302 : vector<16xi1>, vector<16xf32>
      %slice3A_381 = vector.extract_strided_slice %get3A_155 {offsets = [10], sizes = [1], strides = [1]} : vector<16xi32> to vector<1xi32>
      %squeeze3A_382 = vector.extract %slice3A_381[0] : i32 from vector<1xi32>
      %and3A_383 = arith.constant 131071 : i32
      %and3A_384 = arith.andi %squeeze3A_382, %and3A_383 : i32
      %shift_right_arithmetic3A_385 = arith.constant 17 : i32
      %shift_right_arithmetic3A_386 = arith.shrsi %squeeze3A_382, %shift_right_arithmetic3A_385 : i32
      %mul3A_387 = arith.constant 64 : i32
      %mul3A_388 = arith.muli %shift_right_arithmetic3A_386, %mul3A_387 : i32
      %multiple_of3A_389 = tpu.assume_multiple %mul3A_388, 64 : i32
      %shift_right_arithmetic3A_390 = arith.constant 7 : i32
      %shift_right_arithmetic3A_391 = arith.shrsi %and3A_384, %shift_right_arithmetic3A_390 : i32
      %mul3A_392 = arith.constant 128 : i32
      %mul3A_393 = arith.muli %shift_right_arithmetic3A_391, %mul3A_392 : i32
      %multiple_of3A_394 = tpu.assume_multiple %mul3A_393, 128 : i32
      %dma_start3A_395 = tpu.memref_slice %arg2[%multiple_of3A_389, %multiple_of3A_394] : memref<1024x100000xf32, #tpu.memory_space<hbm>> -> memref<64x128xf32, #tpu.memory_space<hbm>>
      %dma_start3A_396 = tpu.memref_slice %arg2[%multiple_of3A_389, %multiple_of3A_394] : memref<1024x100000xf32, #tpu.memory_space<hbm>> -> memref<64x128xf32, #tpu.memory_space<hbm>>
      tpu.enqueue_dma source(%dma_start3A_396 : memref<64x128xf32, #tpu.memory_space<hbm>>) target(%arg17 : memref<64x128xf32, #tpu.memory_space<vmem>>) target_semaphore(%arg25 : memref<!tpu.dma_semaphore, #tpu.memory_space<semaphore_mem>>)
      %dma_wait3A_397 = arith.constant 0 : i32
      %dma_wait3A_398 = arith.constant 0 : i32
      %dma_wait3A_399 = tpu.memref_slice %arg2[%dma_wait3A_397, %dma_wait3A_398] : memref<1024x100000xf32, #tpu.memory_space<hbm>> -> memref<64x128xf32, #tpu.memory_space<hbm>>
      %dma_wait3A_400 = arith.constant 0 : i32
      %dma_wait3A_401 = arith.constant 0 : i32
      %dma_wait3A_402 = tpu.memref_slice %arg2[%dma_wait3A_400, %dma_wait3A_401] : memref<1024x100000xf32, #tpu.memory_space<hbm>> -> memref<64x128xf32, #tpu.memory_space<hbm>>
      tpu.wait_dma2 semaphore(%arg26 : memref<!tpu.dma_semaphore, #tpu.memory_space<semaphore_mem>>) src(%dma_wait3A_402 : memref<64x128xf32, #tpu.memory_space<hbm>>) dst(%arg18 : memref<64x128xf32, #tpu.memory_space<vmem>>)
      %slice3A_403 = vector.extract_strided_slice %get3A_155 {offsets = [3], sizes = [1], strides = [1]} : vector<16xi32> to vector<1xi32>
      %squeeze3A_404 = vector.extract %slice3A_403[0] : i32 from vector<1xi32>
      %and3A_405 = arith.constant 127 : i32
      %and3A_406 = arith.andi %squeeze3A_404, %and3A_405 : i32
      %broadcast_in_dim3A_407 = vector.broadcast %and3A_406 : i32 to vector<16xi32>
      %broadcast_in_dim3A_408 = arith.constant 0.000000e+00 : f32
      %broadcast_in_dim3A_409 = vector.broadcast %broadcast_in_dim3A_408 : f32 to vector<16xf32>
      %add3A_410 = arith.constant 0 : i32
      %add3A_411 = vector.broadcast %add3A_410 : i32 to vector<16xi32>
      %add3A_412 = arith.addi %add3A_411, %iota3A : vector<16xi32>
      %gather3A_413 = tpu.vector_load_idx %arg18[%add3A_412, %broadcast_in_dim3A_407] : memref<64x128xf32, #tpu.memory_space<vmem>>[vector<16xi32>, vector<16xi32>], vector<16xf32>,
      %get3A_414 = arith.constant 3 : i32
      %get3A_415 = arith.index_cast %get3A_414 : i32 to index
      %get3A_416 = arith.constant 0 : index
      %get3A_417 = tpu.vector_load %arg13[%get3A_415, %get3A_416] {strides = array<i32>} : memref<16x64xf32, #tpu.memory_space<vmem>>, vector<16xf32>,
      %mul3A_418 = arith.mulf %gather3A_413, %get3A_417 : vector<16xf32>
      %add3A_419 = arith.addf %broadcast_in_dim3A_409, %mul3A_418 : vector<16xf32>
      %add3A_420 = arith.constant 16 : i32
      %add3A_421 = vector.broadcast %add3A_420 : i32 to vector<16xi32>
      %add3A_422 = arith.addi %add3A_421, %iota3A : vector<16xi32>
      %gather3A_423 = tpu.vector_load_idx %arg18[%add3A_422, %broadcast_in_dim3A_407] : memref<64x128xf32, #tpu.memory_space<vmem>>[vector<16xi32>, vector<16xi32>], vector<16xf32>,
      %get3A_424 = arith.constant 3 : i32
      %get3A_425 = arith.index_cast %get3A_424 : i32 to index
      %get3A_426 = arith.constant 16 : index
      %get3A_427 = tpu.vector_load %arg13[%get3A_425, %get3A_426] {strides = array<i32>} : memref<16x64xf32, #tpu.memory_space<vmem>>, vector<16xf32>,
      %mul3A_428 = arith.mulf %gather3A_423, %get3A_427 : vector<16xf32>
      %add3A_429 = arith.addf %add3A_419, %mul3A_428 : vector<16xf32>
      %add3A_430 = arith.constant 32 : i32
      %add3A_431 = vector.broadcast %add3A_430 : i32 to vector<16xi32>
      %add3A_432 = arith.addi %add3A_431, %iota3A : vector<16xi32>
      %gather3A_433 = tpu.vector_load_idx %arg18[%add3A_432, %broadcast_in_dim3A_407] : memref<64x128xf32, #tpu.memory_space<vmem>>[vector<16xi32>, vector<16xi32>], vector<16xf32>,
      %get3A_434 = arith.constant 3 : i32
      %get3A_435 = arith.index_cast %get3A_434 : i32 to index
      %get3A_436 = arith.constant 32 : index
      %get3A_437 = tpu.vector_load %arg13[%get3A_435, %get3A_436] {strides = array<i32>} : memref<16x64xf32, #tpu.memory_space<vmem>>, vector<16xf32>,
      %mul3A_438 = arith.mulf %gather3A_433, %get3A_437 : vector<16xf32>
      %add3A_439 = arith.addf %add3A_429, %mul3A_438 : vector<16xf32>
      %add3A_440 = arith.constant 48 : i32
      %add3A_441 = vector.broadcast %add3A_440 : i32 to vector<16xi32>
      %add3A_442 = arith.addi %add3A_441, %iota3A : vector<16xi32>
      %gather3A_443 = tpu.vector_load_idx %arg18[%add3A_442, %broadcast_in_dim3A_407] : memref<64x128xf32, #tpu.memory_space<vmem>>[vector<16xi32>, vector<16xi32>], vector<16xf32>,
      %get3A_444 = arith.constant 3 : i32
      %get3A_445 = arith.index_cast %get3A_444 : i32 to index
      %get3A_446 = arith.constant 48 : index
      %get3A_447 = tpu.vector_load %arg13[%get3A_445, %get3A_446] {strides = array<i32>} : memref<16x64xf32, #tpu.memory_space<vmem>>, vector<16xf32>,
      %mul3A_448 = arith.mulf %gather3A_443, %get3A_447 : vector<16xf32>
      %add3A_449 = arith.addf %add3A_439, %mul3A_448 : vector<16xf32>
      %eq3A_450 = arith.constant 3 : i32
      %eq3A_451 = vector.broadcast %eq3A_450 : i32 to vector<16xi32>
      %eq3A_452 = arith.cmpi eq, %iota3A, %eq3A_451 : vector<16xi32>
      %reduce_sum3A_453 = arith.constant true
      %reduce_sum3A_454 = vector.broadcast %reduce_sum3A_453 : i1 to vector<16xi1>
      %reduce_sum3A_455 = tpu.scan <sum>, %add3A_449 masked %reduce_sum3A_454 : vector<16xf32>, vector<16xi1> -> vector<16xf32>
      %reduce_sum3A_456 = vector.extract %reduce_sum3A_455[15] : f32 from vector<16xf32>
      %broadcast_in_dim3A_457 = vector.broadcast %reduce_sum3A_456 : f32 to vector<16xf32>
      %select_n3A_458 = arith.select %eq3A_452, %broadcast_in_dim3A_457, %select_n3A_380 : vector<16xi1>, vector<16xf32>
      %slice3A_459 = vector.extract_strided_slice %get3A_155 {offsets = [11], sizes = [1], strides = [1]} : vector<16xi32> to vector<1xi32>
      %squeeze3A_460 = vector.extract %slice3A_459[0] : i32 from vector<1xi32>
      %and3A_461 = arith.constant 131071 : i32
      %and3A_462 = arith.andi %squeeze3A_460, %and3A_461 : i32
      %shift_right_arithmetic3A_463 = arith.constant 17 : i32
      %shift_right_arithmetic3A_464 = arith.shrsi %squeeze3A_460, %shift_right_arithmetic3A_463 : i32
      %mul3A_465 = arith.constant 64 : i32
      %mul3A_466 = arith.muli %shift_right_arithmetic3A_464, %mul3A_465 : i32
      %multiple_of3A_467 = tpu.assume_multiple %mul3A_466, 64 : i32
      %shift_right_arithmetic3A_468 = arith.constant 7 : i32
      %shift_right_arithmetic3A_469 = arith.shrsi %and3A_462, %shift_right_arithmetic3A_468 : i32
      %mul3A_470 = arith.constant 128 : i32
      %mul3A_471 = arith.muli %shift_right_arithmetic3A_469, %mul3A_470 : i32
      %multiple_of3A_472 = tpu.assume_multiple %mul3A_471, 128 : i32
      %dma_start3A_473 = tpu.memref_slice %arg2[%multiple_of3A_467, %multiple_of3A_472] : memref<1024x100000xf32, #tpu.memory_space<hbm>> -> memref<64x128xf32, #tpu.memory_space<hbm>>
      %dma_start3A_474 = tpu.memref_slice %arg2[%multiple_of3A_467, %multiple_of3A_472] : memref<1024x100000xf32, #tpu.memory_space<hbm>> -> memref<64x128xf32, #tpu.memory_space<hbm>>
      tpu.enqueue_dma source(%dma_start3A_474 : memref<64x128xf32, #tpu.memory_space<hbm>>) target(%arg18 : memref<64x128xf32, #tpu.memory_space<vmem>>) target_semaphore(%arg26 : memref<!tpu.dma_semaphore, #tpu.memory_space<semaphore_mem>>)
      %dma_wait3A_475 = arith.constant 0 : i32
      %dma_wait3A_476 = arith.constant 0 : i32
      %dma_wait3A_477 = tpu.memref_slice %arg2[%dma_wait3A_475, %dma_wait3A_476] : memref<1024x100000xf32, #tpu.memory_space<hbm>> -> memref<64x128xf32, #tpu.memory_space<hbm>>
      %dma_wait3A_478 = arith.constant 0 : i32
      %dma_wait3A_479 = arith.constant 0 : i32
      %dma_wait3A_480 = tpu.memref_slice %arg2[%dma_wait3A_478, %dma_wait3A_479] : memref<1024x100000xf32, #tpu.memory_space<hbm>> -> memref<64x128xf32, #tpu.memory_space<hbm>>
      tpu.wait_dma2 semaphore(%arg27 : memref<!tpu.dma_semaphore, #tpu.memory_space<semaphore_mem>>) src(%dma_wait3A_480 : memref<64x128xf32, #tpu.memory_space<hbm>>) dst(%arg19 : memref<64x128xf32, #tpu.memory_space<vmem>>)
      %slice3A_481 = vector.extract_strided_slice %get3A_155 {offsets = [4], sizes = [1], strides = [1]} : vector<16xi32> to vector<1xi32>
      %squeeze3A_482 = vector.extract %slice3A_481[0] : i32 from vector<1xi32>
      %and3A_483 = arith.constant 127 : i32
      %and3A_484 = arith.andi %squeeze3A_482, %and3A_483 : i32
      %broadcast_in_dim3A_485 = vector.broadcast %and3A_484 : i32 to vector<16xi32>
      %broadcast_in_dim3A_486 = arith.constant 0.000000e+00 : f32
      %broadcast_in_dim3A_487 = vector.broadcast %broadcast_in_dim3A_486 : f32 to vector<16xf32>
      %add3A_488 = arith.constant 0 : i32
      %add3A_489 = vector.broadcast %add3A_488 : i32 to vector<16xi32>
      %add3A_490 = arith.addi %add3A_489, %iota3A : vector<16xi32>
      %gather3A_491 = tpu.vector_load_idx %arg19[%add3A_490, %broadcast_in_dim3A_485] : memref<64x128xf32, #tpu.memory_space<vmem>>[vector<16xi32>, vector<16xi32>], vector<16xf32>,
      %get3A_492 = arith.constant 4 : i32
      %get3A_493 = arith.index_cast %get3A_492 : i32 to index
      %get3A_494 = arith.constant 0 : index
      %get3A_495 = tpu.vector_load %arg13[%get3A_493, %get3A_494] {strides = array<i32>} : memref<16x64xf32, #tpu.memory_space<vmem>>, vector<16xf32>,
      %mul3A_496 = arith.mulf %gather3A_491, %get3A_495 : vector<16xf32>
      %add3A_497 = arith.addf %broadcast_in_dim3A_487, %mul3A_496 : vector<16xf32>
      %add3A_498 = arith.constant 16 : i32
      %add3A_499 = vector.broadcast %add3A_498 : i32 to vector<16xi32>
      %add3A_500 = arith.addi %add3A_499, %iota3A : vector<16xi32>
      %gather3A_501 = tpu.vector_load_idx %arg19[%add3A_500, %broadcast_in_dim3A_485] : memref<64x128xf32, #tpu.memory_space<vmem>>[vector<16xi32>, vector<16xi32>], vector<16xf32>,
      %get3A_502 = arith.constant 4 : i32
      %get3A_503 = arith.index_cast %get3A_502 : i32 to index
      %get3A_504 = arith.constant 16 : index
      %get3A_505 = tpu.vector_load %arg13[%get3A_503, %get3A_504] {strides = array<i32>} : memref<16x64xf32, #tpu.memory_space<vmem>>, vector<16xf32>,
      %mul3A_506 = arith.mulf %gather3A_501, %get3A_505 : vector<16xf32>
      %add3A_507 = arith.addf %add3A_497, %mul3A_506 : vector<16xf32>
      %add3A_508 = arith.constant 32 : i32
      %add3A_509 = vector.broadcast %add3A_508 : i32 to vector<16xi32>
      %add3A_510 = arith.addi %add3A_509, %iota3A : vector<16xi32>
      %gather3A_511 = tpu.vector_load_idx %arg19[%add3A_510, %broadcast_in_dim3A_485] : memref<64x128xf32, #tpu.memory_space<vmem>>[vector<16xi32>, vector<16xi32>], vector<16xf32>,
      %get3A_512 = arith.constant 4 : i32
      %get3A_513 = arith.index_cast %get3A_512 : i32 to index
      %get3A_514 = arith.constant 32 : index
      %get3A_515 = tpu.vector_load %arg13[%get3A_513, %get3A_514] {strides = array<i32>} : memref<16x64xf32, #tpu.memory_space<vmem>>, vector<16xf32>,
      %mul3A_516 = arith.mulf %gather3A_511, %get3A_515 : vector<16xf32>
      %add3A_517 = arith.addf %add3A_507, %mul3A_516 : vector<16xf32>
      %add3A_518 = arith.constant 48 : i32
      %add3A_519 = vector.broadcast %add3A_518 : i32 to vector<16xi32>
      %add3A_520 = arith.addi %add3A_519, %iota3A : vector<16xi32>
      %gather3A_521 = tpu.vector_load_idx %arg19[%add3A_520, %broadcast_in_dim3A_485] : memref<64x128xf32, #tpu.memory_space<vmem>>[vector<16xi32>, vector<16xi32>], vector<16xf32>,
      %get3A_522 = arith.constant 4 : i32
      %get3A_523 = arith.index_cast %get3A_522 : i32 to index
      %get3A_524 = arith.constant 48 : index
      %get3A_525 = tpu.vector_load %arg13[%get3A_523, %get3A_524] {strides = array<i32>} : memref<16x64xf32, #tpu.memory_space<vmem>>, vector<16xf32>,
      %mul3A_526 = arith.mulf %gather3A_521, %get3A_525 : vector<16xf32>
      %add3A_527 = arith.addf %add3A_517, %mul3A_526 : vector<16xf32>
      %eq3A_528 = arith.constant 4 : i32
      %eq3A_529 = vector.broadcast %eq3A_528 : i32 to vector<16xi32>
      %eq3A_530 = arith.cmpi eq, %iota3A, %eq3A_529 : vector<16xi32>
      %reduce_sum3A_531 = arith.constant true
      %reduce_sum3A_532 = vector.broadcast %reduce_sum3A_531 : i1 to vector<16xi1>
      %reduce_sum3A_533 = tpu.scan <sum>, %add3A_527 masked %reduce_sum3A_532 : vector<16xf32>, vector<16xi1> -> vector<16xf32>
      %reduce_sum3A_534 = vector.extract %reduce_sum3A_533[15] : f32 from vector<16xf32>
      %broadcast_in_dim3A_535 = vector.broadcast %reduce_sum3A_534 : f32 to vector<16xf32>
      %select_n3A_536 = arith.select %eq3A_530, %broadcast_in_dim3A_535, %select_n3A_458 : vector<16xi1>, vector<16xf32>
      %slice3A_537 = vector.extract_strided_slice %get3A_155 {offsets = [12], sizes = [1], strides = [1]} : vector<16xi32> to vector<1xi32>
      %squeeze3A_538 = vector.extract %slice3A_537[0] : i32 from vector<1xi32>
      %and3A_539 = arith.constant 131071 : i32
      %and3A_540 = arith.andi %squeeze3A_538, %and3A_539 : i32
      %shift_right_arithmetic3A_541 = arith.constant 17 : i32
      %shift_right_arithmetic3A_542 = arith.shrsi %squeeze3A_538, %shift_right_arithmetic3A_541 : i32
      %mul3A_543 = arith.constant 64 : i32
      %mul3A_544 = arith.muli %shift_right_arithmetic3A_542, %mul3A_543 : i32
      %multiple_of3A_545 = tpu.assume_multiple %mul3A_544, 64 : i32
      %shift_right_arithmetic3A_546 = arith.constant 7 : i32
      %shift_right_arithmetic3A_547 = arith.shrsi %and3A_540, %shift_right_arithmetic3A_546 : i32
      %mul3A_548 = arith.constant 128 : i32
      %mul3A_549 = arith.muli %shift_right_arithmetic3A_547, %mul3A_548 : i32
      %multiple_of3A_550 = tpu.assume_multiple %mul3A_549, 128 : i32
      %dma_start3A_551 = tpu.memref_slice %arg2[%multiple_of3A_545, %multiple_of3A_550] : memref<1024x100000xf32, #tpu.memory_space<hbm>> -> memref<64x128xf32, #tpu.memory_space<hbm>>
      %dma_start3A_552 = tpu.memref_slice %arg2[%multiple_of3A_545, %multiple_of3A_550] : memref<1024x100000xf32, #tpu.memory_space<hbm>> -> memref<64x128xf32, #tpu.memory_space<hbm>>
      tpu.enqueue_dma source(%dma_start3A_552 : memref<64x128xf32, #tpu.memory_space<hbm>>) target(%arg19 : memref<64x128xf32, #tpu.memory_space<vmem>>) target_semaphore(%arg27 : memref<!tpu.dma_semaphore, #tpu.memory_space<semaphore_mem>>)
      %dma_wait3A_553 = arith.constant 0 : i32
      %dma_wait3A_554 = arith.constant 0 : i32
      %dma_wait3A_555 = tpu.memref_slice %arg2[%dma_wait3A_553, %dma_wait3A_554] : memref<1024x100000xf32, #tpu.memory_space<hbm>> -> memref<64x128xf32, #tpu.memory_space<hbm>>
      %dma_wait3A_556 = arith.constant 0 : i32
      %dma_wait3A_557 = arith.constant 0 : i32
      %dma_wait3A_558 = tpu.memref_slice %arg2[%dma_wait3A_556, %dma_wait3A_557] : memref<1024x100000xf32, #tpu.memory_space<hbm>> -> memref<64x128xf32, #tpu.memory_space<hbm>>
      tpu.wait_dma2 semaphore(%arg28 : memref<!tpu.dma_semaphore, #tpu.memory_space<semaphore_mem>>) src(%dma_wait3A_558 : memref<64x128xf32, #tpu.memory_space<hbm>>) dst(%arg20 : memref<64x128xf32, #tpu.memory_space<vmem>>)
      %slice3A_559 = vector.extract_strided_slice %get3A_155 {offsets = [5], sizes = [1], strides = [1]} : vector<16xi32> to vector<1xi32>
      %squeeze3A_560 = vector.extract %slice3A_559[0] : i32 from vector<1xi32>
      %and3A_561 = arith.constant 127 : i32
      %and3A_562 = arith.andi %squeeze3A_560, %and3A_561 : i32
      %broadcast_in_dim3A_563 = vector.broadcast %and3A_562 : i32 to vector<16xi32>
      %broadcast_in_dim3A_564 = arith.constant 0.000000e+00 : f32
      %broadcast_in_dim3A_565 = vector.broadcast %broadcast_in_dim3A_564 : f32 to vector<16xf32>
      %add3A_566 = arith.constant 0 : i32
      %add3A_567 = vector.broadcast %add3A_566 : i32 to vector<16xi32>
      %add3A_568 = arith.addi %add3A_567, %iota3A : vector<16xi32>
      %gather3A_569 = tpu.vector_load_idx %arg20[%add3A_568, %broadcast_in_dim3A_563] : memref<64x128xf32, #tpu.memory_space<vmem>>[vector<16xi32>, vector<16xi32>], vector<16xf32>,
      %get3A_570 = arith.constant 5 : i32
      %get3A_571 = arith.index_cast %get3A_570 : i32 to index
      %get3A_572 = arith.constant 0 : index
      %get3A_573 = tpu.vector_load %arg13[%get3A_571, %get3A_572] {strides = array<i32>} : memref<16x64xf32, #tpu.memory_space<vmem>>, vector<16xf32>,
      %mul3A_574 = arith.mulf %gather3A_569, %get3A_573 : vector<16xf32>
      %add3A_575 = arith.addf %broadcast_in_dim3A_565, %mul3A_574 : vector<16xf32>
      %add3A_576 = arith.constant 16 : i32
      %add3A_577 = vector.broadcast %add3A_576 : i32 to vector<16xi32>
      %add3A_578 = arith.addi %add3A_577, %iota3A : vector<16xi32>
      %gather3A_579 = tpu.vector_load_idx %arg20[%add3A_578, %broadcast_in_dim3A_563] : memref<64x128xf32, #tpu.memory_space<vmem>>[vector<16xi32>, vector<16xi32>], vector<16xf32>,
      %get3A_580 = arith.constant 5 : i32
      %get3A_581 = arith.index_cast %get3A_580 : i32 to index
      %get3A_582 = arith.constant 16 : index
      %get3A_583 = tpu.vector_load %arg13[%get3A_581, %get3A_582] {strides = array<i32>} : memref<16x64xf32, #tpu.memory_space<vmem>>, vector<16xf32>,
      %mul3A_584 = arith.mulf %gather3A_579, %get3A_583 : vector<16xf32>
      %add3A_585 = arith.addf %add3A_575, %mul3A_584 : vector<16xf32>
      %add3A_586 = arith.constant 32 : i32
      %add3A_587 = vector.broadcast %add3A_586 : i32 to vector<16xi32>
      %add3A_588 = arith.addi %add3A_587, %iota3A : vector<16xi32>
      %gather3A_589 = tpu.vector_load_idx %arg20[%add3A_588, %broadcast_in_dim3A_563] : memref<64x128xf32, #tpu.memory_space<vmem>>[vector<16xi32>, vector<16xi32>], vector<16xf32>,
      %get3A_590 = arith.constant 5 : i32
      %get3A_591 = arith.index_cast %get3A_590 : i32 to index
      %get3A_592 = arith.constant 32 : index
      %get3A_593 = tpu.vector_load %arg13[%get3A_591, %get3A_592] {strides = array<i32>} : memref<16x64xf32, #tpu.memory_space<vmem>>, vector<16xf32>,
      %mul3A_594 = arith.mulf %gather3A_589, %get3A_593 : vector<16xf32>
      %add3A_595 = arith.addf %add3A_585, %mul3A_594 : vector<16xf32>
      %add3A_596 = arith.constant 48 : i32
      %add3A_597 = vector.broadcast %add3A_596 : i32 to vector<16xi32>
      %add3A_598 = arith.addi %add3A_597, %iota3A : vector<16xi32>
      %gather3A_599 = tpu.vector_load_idx %arg20[%add3A_598, %broadcast_in_dim3A_563] : memref<64x128xf32, #tpu.memory_space<vmem>>[vector<16xi32>, vector<16xi32>], vector<16xf32>,
      %get3A_600 = arith.constant 5 : i32
      %get3A_601 = arith.index_cast %get3A_600 : i32 to index
      %get3A_602 = arith.constant 48 : index
      %get3A_603 = tpu.vector_load %arg13[%get3A_601, %get3A_602] {strides = array<i32>} : memref<16x64xf32, #tpu.memory_space<vmem>>, vector<16xf32>,
      %mul3A_604 = arith.mulf %gather3A_599, %get3A_603 : vector<16xf32>
      %add3A_605 = arith.addf %add3A_595, %mul3A_604 : vector<16xf32>
      %eq3A_606 = arith.constant 5 : i32
      %eq3A_607 = vector.broadcast %eq3A_606 : i32 to vector<16xi32>
      %eq3A_608 = arith.cmpi eq, %iota3A, %eq3A_607 : vector<16xi32>
      %reduce_sum3A_609 = arith.constant true
      %reduce_sum3A_610 = vector.broadcast %reduce_sum3A_609 : i1 to vector<16xi1>
      %reduce_sum3A_611 = tpu.scan <sum>, %add3A_605 masked %reduce_sum3A_610 : vector<16xf32>, vector<16xi1> -> vector<16xf32>
      %reduce_sum3A_612 = vector.extract %reduce_sum3A_611[15] : f32 from vector<16xf32>
      %broadcast_in_dim3A_613 = vector.broadcast %reduce_sum3A_612 : f32 to vector<16xf32>
      %select_n3A_614 = arith.select %eq3A_608, %broadcast_in_dim3A_613, %select_n3A_536 : vector<16xi1>, vector<16xf32>
      %slice3A_615 = vector.extract_strided_slice %get3A_155 {offsets = [13], sizes = [1], strides = [1]} : vector<16xi32> to vector<1xi32>
      %squeeze3A_616 = vector.extract %slice3A_615[0] : i32 from vector<1xi32>
      %and3A_617 = arith.constant 131071 : i32
      %and3A_618 = arith.andi %squeeze3A_616, %and3A_617 : i32
      %shift_right_arithmetic3A_619 = arith.constant 17 : i32
      %shift_right_arithmetic3A_620 = arith.shrsi %squeeze3A_616, %shift_right_arithmetic3A_619 : i32
      %mul3A_621 = arith.constant 64 : i32
      %mul3A_622 = arith.muli %shift_right_arithmetic3A_620, %mul3A_621 : i32
      %multiple_of3A_623 = tpu.assume_multiple %mul3A_622, 64 : i32
      %shift_right_arithmetic3A_624 = arith.constant 7 : i32
      %shift_right_arithmetic3A_625 = arith.shrsi %and3A_618, %shift_right_arithmetic3A_624 : i32
      %mul3A_626 = arith.constant 128 : i32
      %mul3A_627 = arith.muli %shift_right_arithmetic3A_625, %mul3A_626 : i32
      %multiple_of3A_628 = tpu.assume_multiple %mul3A_627, 128 : i32
      %dma_start3A_629 = tpu.memref_slice %arg2[%multiple_of3A_623, %multiple_of3A_628] : memref<1024x100000xf32, #tpu.memory_space<hbm>> -> memref<64x128xf32, #tpu.memory_space<hbm>>
      %dma_start3A_630 = tpu.memref_slice %arg2[%multiple_of3A_623, %multiple_of3A_628] : memref<1024x100000xf32, #tpu.memory_space<hbm>> -> memref<64x128xf32, #tpu.memory_space<hbm>>
      tpu.enqueue_dma source(%dma_start3A_630 : memref<64x128xf32, #tpu.memory_space<hbm>>) target(%arg20 : memref<64x128xf32, #tpu.memory_space<vmem>>) target_semaphore(%arg28 : memref<!tpu.dma_semaphore, #tpu.memory_space<semaphore_mem>>)
      %dma_wait3A_631 = arith.constant 0 : i32
      %dma_wait3A_632 = arith.constant 0 : i32
      %dma_wait3A_633 = tpu.memref_slice %arg2[%dma_wait3A_631, %dma_wait3A_632] : memref<1024x100000xf32, #tpu.memory_space<hbm>> -> memref<64x128xf32, #tpu.memory_space<hbm>>
      %dma_wait3A_634 = arith.constant 0 : i32
      %dma_wait3A_635 = arith.constant 0 : i32
      %dma_wait3A_636 = tpu.memref_slice %arg2[%dma_wait3A_634, %dma_wait3A_635] : memref<1024x100000xf32, #tpu.memory_space<hbm>> -> memref<64x128xf32, #tpu.memory_space<hbm>>
      tpu.wait_dma2 semaphore(%arg29 : memref<!tpu.dma_semaphore, #tpu.memory_space<semaphore_mem>>) src(%dma_wait3A_636 : memref<64x128xf32, #tpu.memory_space<hbm>>) dst(%arg21 : memref<64x128xf32, #tpu.memory_space<vmem>>)
      %slice3A_637 = vector.extract_strided_slice %get3A_155 {offsets = [6], sizes = [1], strides = [1]} : vector<16xi32> to vector<1xi32>
      %squeeze3A_638 = vector.extract %slice3A_637[0] : i32 from vector<1xi32>
      %and3A_639 = arith.constant 127 : i32
      %and3A_640 = arith.andi %squeeze3A_638, %and3A_639 : i32
      %broadcast_in_dim3A_641 = vector.broadcast %and3A_640 : i32 to vector<16xi32>
      %broadcast_in_dim3A_642 = arith.constant 0.000000e+00 : f32
      %broadcast_in_dim3A_643 = vector.broadcast %broadcast_in_dim3A_642 : f32 to vector<16xf32>
      %add3A_644 = arith.constant 0 : i32
      %add3A_645 = vector.broadcast %add3A_644 : i32 to vector<16xi32>
      %add3A_646 = arith.addi %add3A_645, %iota3A : vector<16xi32>
      %gather3A_647 = tpu.vector_load_idx %arg21[%add3A_646, %broadcast_in_dim3A_641] : memref<64x128xf32, #tpu.memory_space<vmem>>[vector<16xi32>, vector<16xi32>], vector<16xf32>,
      %get3A_648 = arith.constant 6 : i32
      %get3A_649 = arith.index_cast %get3A_648 : i32 to index
      %get3A_650 = arith.constant 0 : index
      %get3A_651 = tpu.vector_load %arg13[%get3A_649, %get3A_650] {strides = array<i32>} : memref<16x64xf32, #tpu.memory_space<vmem>>, vector<16xf32>,
      %mul3A_652 = arith.mulf %gather3A_647, %get3A_651 : vector<16xf32>
      %add3A_653 = arith.addf %broadcast_in_dim3A_643, %mul3A_652 : vector<16xf32>
      %add3A_654 = arith.constant 16 : i32
      %add3A_655 = vector.broadcast %add3A_654 : i32 to vector<16xi32>
      %add3A_656 = arith.addi %add3A_655, %iota3A : vector<16xi32>
      %gather3A_657 = tpu.vector_load_idx %arg21[%add3A_656, %broadcast_in_dim3A_641] : memref<64x128xf32, #tpu.memory_space<vmem>>[vector<16xi32>, vector<16xi32>], vector<16xf32>,
      %get3A_658 = arith.constant 6 : i32
      %get3A_659 = arith.index_cast %get3A_658 : i32 to index
      %get3A_660 = arith.constant 16 : index
      %get3A_661 = tpu.vector_load %arg13[%get3A_659, %get3A_660] {strides = array<i32>} : memref<16x64xf32, #tpu.memory_space<vmem>>, vector<16xf32>,
      %mul3A_662 = arith.mulf %gather3A_657, %get3A_661 : vector<16xf32>
      %add3A_663 = arith.addf %add3A_653, %mul3A_662 : vector<16xf32>
      %add3A_664 = arith.constant 32 : i32
      %add3A_665 = vector.broadcast %add3A_664 : i32 to vector<16xi32>
      %add3A_666 = arith.addi %add3A_665, %iota3A : vector<16xi32>
      %gather3A_667 = tpu.vector_load_idx %arg21[%add3A_666, %broadcast_in_dim3A_641] : memref<64x128xf32, #tpu.memory_space<vmem>>[vector<16xi32>, vector<16xi32>], vector<16xf32>,
      %get3A_668 = arith.constant 6 : i32
      %get3A_669 = arith.index_cast %get3A_668 : i32 to index
      %get3A_670 = arith.constant 32 : index
      %get3A_671 = tpu.vector_load %arg13[%get3A_669, %get3A_670] {strides = array<i32>} : memref<16x64xf32, #tpu.memory_space<vmem>>, vector<16xf32>,
      %mul3A_672 = arith.mulf %gather3A_667, %get3A_671 : vector<16xf32>
      %add3A_673 = arith.addf %add3A_663, %mul3A_672 : vector<16xf32>
      %add3A_674 = arith.constant 48 : i32
      %add3A_675 = vector.broadcast %add3A_674 : i32 to vector<16xi32>
      %add3A_676 = arith.addi %add3A_675, %iota3A : vector<16xi32>
      %gather3A_677 = tpu.vector_load_idx %arg21[%add3A_676, %broadcast_in_dim3A_641] : memref<64x128xf32, #tpu.memory_space<vmem>>[vector<16xi32>, vector<16xi32>], vector<16xf32>,
      %get3A_678 = arith.constant 6 : i32
      %get3A_679 = arith.index_cast %get3A_678 : i32 to index
      %get3A_680 = arith.constant 48 : index
      %get3A_681 = tpu.vector_load %arg13[%get3A_679, %get3A_680] {strides = array<i32>} : memref<16x64xf32, #tpu.memory_space<vmem>>, vector<16xf32>,
      %mul3A_682 = arith.mulf %gather3A_677, %get3A_681 : vector<16xf32>
      %add3A_683 = arith.addf %add3A_673, %mul3A_682 : vector<16xf32>
      %eq3A_684 = arith.constant 6 : i32
      %eq3A_685 = vector.broadcast %eq3A_684 : i32 to vector<16xi32>
      %eq3A_686 = arith.cmpi eq, %iota3A, %eq3A_685 : vector<16xi32>
      %reduce_sum3A_687 = arith.constant true
      %reduce_sum3A_688 = vector.broadcast %reduce_sum3A_687 : i1 to vector<16xi1>
      %reduce_sum3A_689 = tpu.scan <sum>, %add3A_683 masked %reduce_sum3A_688 : vector<16xf32>, vector<16xi1> -> vector<16xf32>
      %reduce_sum3A_690 = vector.extract %reduce_sum3A_689[15] : f32 from vector<16xf32>
      %broadcast_in_dim3A_691 = vector.broadcast %reduce_sum3A_690 : f32 to vector<16xf32>
      %select_n3A_692 = arith.select %eq3A_686, %broadcast_in_dim3A_691, %select_n3A_614 : vector<16xi1>, vector<16xf32>
      %slice3A_693 = vector.extract_strided_slice %get3A_155 {offsets = [14], sizes = [1], strides = [1]} : vector<16xi32> to vector<1xi32>
      %squeeze3A_694 = vector.extract %slice3A_693[0] : i32 from vector<1xi32>
      %and3A_695 = arith.constant 131071 : i32
      %and3A_696 = arith.andi %squeeze3A_694, %and3A_695 : i32
      %shift_right_arithmetic3A_697 = arith.constant 17 : i32
      %shift_right_arithmetic3A_698 = arith.shrsi %squeeze3A_694, %shift_right_arithmetic3A_697 : i32
      %mul3A_699 = arith.constant 64 : i32
      %mul3A_700 = arith.muli %shift_right_arithmetic3A_698, %mul3A_699 : i32
      %multiple_of3A_701 = tpu.assume_multiple %mul3A_700, 64 : i32
      %shift_right_arithmetic3A_702 = arith.constant 7 : i32
      %shift_right_arithmetic3A_703 = arith.shrsi %and3A_696, %shift_right_arithmetic3A_702 : i32
      %mul3A_704 = arith.constant 128 : i32
      %mul3A_705 = arith.muli %shift_right_arithmetic3A_703, %mul3A_704 : i32
      %multiple_of3A_706 = tpu.assume_multiple %mul3A_705, 128 : i32
      %dma_start3A_707 = tpu.memref_slice %arg2[%multiple_of3A_701, %multiple_of3A_706] : memref<1024x100000xf32, #tpu.memory_space<hbm>> -> memref<64x128xf32, #tpu.memory_space<hbm>>
      %dma_start3A_708 = tpu.memref_slice %arg2[%multiple_of3A_701, %multiple_of3A_706] : memref<1024x100000xf32, #tpu.memory_space<hbm>> -> memref<64x128xf32, #tpu.memory_space<hbm>>
      tpu.enqueue_dma source(%dma_start3A_708 : memref<64x128xf32, #tpu.memory_space<hbm>>) target(%arg21 : memref<64x128xf32, #tpu.memory_space<vmem>>) target_semaphore(%arg29 : memref<!tpu.dma_semaphore, #tpu.memory_space<semaphore_mem>>)
      %dma_wait3A_709 = arith.constant 0 : i32
      %dma_wait3A_710 = arith.constant 0 : i32
      %dma_wait3A_711 = tpu.memref_slice %arg2[%dma_wait3A_709, %dma_wait3A_710] : memref<1024x100000xf32, #tpu.memory_space<hbm>> -> memref<64x128xf32, #tpu.memory_space<hbm>>
      %dma_wait3A_712 = arith.constant 0 : i32
      %dma_wait3A_713 = arith.constant 0 : i32
      %dma_wait3A_714 = tpu.memref_slice %arg2[%dma_wait3A_712, %dma_wait3A_713] : memref<1024x100000xf32, #tpu.memory_space<hbm>> -> memref<64x128xf32, #tpu.memory_space<hbm>>
      tpu.wait_dma2 semaphore(%arg30 : memref<!tpu.dma_semaphore, #tpu.memory_space<semaphore_mem>>) src(%dma_wait3A_714 : memref<64x128xf32, #tpu.memory_space<hbm>>) dst(%arg22 : memref<64x128xf32, #tpu.memory_space<vmem>>)
      %slice3A_715 = vector.extract_strided_slice %get3A_155 {offsets = [7], sizes = [1], strides = [1]} : vector<16xi32> to vector<1xi32>
      %squeeze3A_716 = vector.extract %slice3A_715[0] : i32 from vector<1xi32>
      %and3A_717 = arith.constant 127 : i32
      %and3A_718 = arith.andi %squeeze3A_716, %and3A_717 : i32
      %broadcast_in_dim3A_719 = vector.broadcast %and3A_718 : i32 to vector<16xi32>
      %broadcast_in_dim3A_720 = arith.constant 0.000000e+00 : f32
      %broadcast_in_dim3A_721 = vector.broadcast %broadcast_in_dim3A_720 : f32 to vector<16xf32>
      %add3A_722 = arith.constant 0 : i32
      %add3A_723 = vector.broadcast %add3A_722 : i32 to vector<16xi32>
      %add3A_724 = arith.addi %add3A_723, %iota3A : vector<16xi32>
      %gather3A_725 = tpu.vector_load_idx %arg22[%add3A_724, %broadcast_in_dim3A_719] : memref<64x128xf32, #tpu.memory_space<vmem>>[vector<16xi32>, vector<16xi32>], vector<16xf32>,
      %get3A_726 = arith.constant 7 : i32
      %get3A_727 = arith.index_cast %get3A_726 : i32 to index
      %get3A_728 = arith.constant 0 : index
      %get3A_729 = tpu.vector_load %arg13[%get3A_727, %get3A_728] {strides = array<i32>} : memref<16x64xf32, #tpu.memory_space<vmem>>, vector<16xf32>,
      %mul3A_730 = arith.mulf %gather3A_725, %get3A_729 : vector<16xf32>
      %add3A_731 = arith.addf %broadcast_in_dim3A_721, %mul3A_730 : vector<16xf32>
      %add3A_732 = arith.constant 16 : i32
      %add3A_733 = vector.broadcast %add3A_732 : i32 to vector<16xi32>
      %add3A_734 = arith.addi %add3A_733, %iota3A : vector<16xi32>
      %gather3A_735 = tpu.vector_load_idx %arg22[%add3A_734, %broadcast_in_dim3A_719] : memref<64x128xf32, #tpu.memory_space<vmem>>[vector<16xi32>, vector<16xi32>], vector<16xf32>,
      %get3A_736 = arith.constant 7 : i32
      %get3A_737 = arith.index_cast %get3A_736 : i32 to index
      %get3A_738 = arith.constant 16 : index
      %get3A_739 = tpu.vector_load %arg13[%get3A_737, %get3A_738] {strides = array<i32>} : memref<16x64xf32, #tpu.memory_space<vmem>>, vector<16xf32>,
      %mul3A_740 = arith.mulf %gather3A_735, %get3A_739 : vector<16xf32>
      %add3A_741 = arith.addf %add3A_731, %mul3A_740 : vector<16xf32>
      %add3A_742 = arith.constant 32 : i32
      %add3A_743 = vector.broadcast %add3A_742 : i32 to vector<16xi32>
      %add3A_744 = arith.addi %add3A_743, %iota3A : vector<16xi32>
      %gather3A_745 = tpu.vector_load_idx %arg22[%add3A_744, %broadcast_in_dim3A_719] : memref<64x128xf32, #tpu.memory_space<vmem>>[vector<16xi32>, vector<16xi32>], vector<16xf32>,
      %get3A_746 = arith.constant 7 : i32
      %get3A_747 = arith.index_cast %get3A_746 : i32 to index
      %get3A_748 = arith.constant 32 : index
      %get3A_749 = tpu.vector_load %arg13[%get3A_747, %get3A_748] {strides = array<i32>} : memref<16x64xf32, #tpu.memory_space<vmem>>, vector<16xf32>,
      %mul3A_750 = arith.mulf %gather3A_745, %get3A_749 : vector<16xf32>
      %add3A_751 = arith.addf %add3A_741, %mul3A_750 : vector<16xf32>
      %add3A_752 = arith.constant 48 : i32
      %add3A_753 = vector.broadcast %add3A_752 : i32 to vector<16xi32>
      %add3A_754 = arith.addi %add3A_753, %iota3A : vector<16xi32>
      %gather3A_755 = tpu.vector_load_idx %arg22[%add3A_754, %broadcast_in_dim3A_719] : memref<64x128xf32, #tpu.memory_space<vmem>>[vector<16xi32>, vector<16xi32>], vector<16xf32>,
      %get3A_756 = arith.constant 7 : i32
      %get3A_757 = arith.index_cast %get3A_756 : i32 to index
      %get3A_758 = arith.constant 48 : index
      %get3A_759 = tpu.vector_load %arg13[%get3A_757, %get3A_758] {strides = array<i32>} : memref<16x64xf32, #tpu.memory_space<vmem>>, vector<16xf32>,
      %mul3A_760 = arith.mulf %gather3A_755, %get3A_759 : vector<16xf32>
      %add3A_761 = arith.addf %add3A_751, %mul3A_760 : vector<16xf32>
      %eq3A_762 = arith.constant 7 : i32
      %eq3A_763 = vector.broadcast %eq3A_762 : i32 to vector<16xi32>
      %eq3A_764 = arith.cmpi eq, %iota3A, %eq3A_763 : vector<16xi32>
      %reduce_sum3A_765 = arith.constant true
      %reduce_sum3A_766 = vector.broadcast %reduce_sum3A_765 : i1 to vector<16xi1>
      %reduce_sum3A_767 = tpu.scan <sum>, %add3A_761 masked %reduce_sum3A_766 : vector<16xf32>, vector<16xi1> -> vector<16xf32>
      %reduce_sum3A_768 = vector.extract %reduce_sum3A_767[15] : f32 from vector<16xf32>
      %broadcast_in_dim3A_769 = vector.broadcast %reduce_sum3A_768 : f32 to vector<16xf32>
      %select_n3A_770 = arith.select %eq3A_764, %broadcast_in_dim3A_769, %select_n3A_692 : vector<16xi1>, vector<16xf32>
      %slice3A_771 = vector.extract_strided_slice %get3A_155 {offsets = [15], sizes = [1], strides = [1]} : vector<16xi32> to vector<1xi32>
      %squeeze3A_772 = vector.extract %slice3A_771[0] : i32 from vector<1xi32>
      %and3A_773 = arith.constant 131071 : i32
      %and3A_774 = arith.andi %squeeze3A_772, %and3A_773 : i32
      %shift_right_arithmetic3A_775 = arith.constant 17 : i32
      %shift_right_arithmetic3A_776 = arith.shrsi %squeeze3A_772, %shift_right_arithmetic3A_775 : i32
      %mul3A_777 = arith.constant 64 : i32
      %mul3A_778 = arith.muli %shift_right_arithmetic3A_776, %mul3A_777 : i32
      %multiple_of3A_779 = tpu.assume_multiple %mul3A_778, 64 : i32
      %shift_right_arithmetic3A_780 = arith.constant 7 : i32
      %shift_right_arithmetic3A_781 = arith.shrsi %and3A_774, %shift_right_arithmetic3A_780 : i32
      %mul3A_782 = arith.constant 128 : i32
      %mul3A_783 = arith.muli %shift_right_arithmetic3A_781, %mul3A_782 : i32
      %multiple_of3A_784 = tpu.assume_multiple %mul3A_783, 128 : i32
      %dma_start3A_785 = tpu.memref_slice %arg2[%multiple_of3A_779, %multiple_of3A_784] : memref<1024x100000xf32, #tpu.memory_space<hbm>> -> memref<64x128xf32, #tpu.memory_space<hbm>>
      %dma_start3A_786 = tpu.memref_slice %arg2[%multiple_of3A_779, %multiple_of3A_784] : memref<1024x100000xf32, #tpu.memory_space<hbm>> -> memref<64x128xf32, #tpu.memory_space<hbm>>
      tpu.enqueue_dma source(%dma_start3A_786 : memref<64x128xf32, #tpu.memory_space<hbm>>) target(%arg22 : memref<64x128xf32, #tpu.memory_space<vmem>>) target_semaphore(%arg30 : memref<!tpu.dma_semaphore, #tpu.memory_space<semaphore_mem>>)
      %dma_wait3A_787 = arith.constant 0 : i32
      %dma_wait3A_788 = arith.constant 0 : i32
      %dma_wait3A_789 = tpu.memref_slice %arg2[%dma_wait3A_787, %dma_wait3A_788] : memref<1024x100000xf32, #tpu.memory_space<hbm>> -> memref<64x128xf32, #tpu.memory_space<hbm>>
      %dma_wait3A_790 = arith.constant 0 : i32
      %dma_wait3A_791 = arith.constant 0 : i32
      %dma_wait3A_792 = tpu.memref_slice %arg2[%dma_wait3A_790, %dma_wait3A_791] : memref<1024x100000xf32, #tpu.memory_space<hbm>> -> memref<64x128xf32, #tpu.memory_space<hbm>>
      tpu.wait_dma2 semaphore(%arg23 : memref<!tpu.dma_semaphore, #tpu.memory_space<semaphore_mem>>) src(%dma_wait3A_792 : memref<64x128xf32, #tpu.memory_space<hbm>>) dst(%arg15 : memref<64x128xf32, #tpu.memory_space<vmem>>)
      %slice3A_793 = vector.extract_strided_slice %get3A_155 {offsets = [8], sizes = [1], strides = [1]} : vector<16xi32> to vector<1xi32>
      %squeeze3A_794 = vector.extract %slice3A_793[0] : i32 from vector<1xi32>
      %and3A_795 = arith.constant 127 : i32
      %and3A_796 = arith.andi %squeeze3A_794, %and3A_795 : i32
      %broadcast_in_dim3A_797 = vector.broadcast %and3A_796 : i32 to vector<16xi32>
      %broadcast_in_dim3A_798 = arith.constant 0.000000e+00 : f32
      %broadcast_in_dim3A_799 = vector.broadcast %broadcast_in_dim3A_798 : f32 to vector<16xf32>
      %add3A_800 = arith.constant 0 : i32
      %add3A_801 = vector.broadcast %add3A_800 : i32 to vector<16xi32>
      %add3A_802 = arith.addi %add3A_801, %iota3A : vector<16xi32>
      %gather3A_803 = tpu.vector_load_idx %arg15[%add3A_802, %broadcast_in_dim3A_797] : memref<64x128xf32, #tpu.memory_space<vmem>>[vector<16xi32>, vector<16xi32>], vector<16xf32>,
      %get3A_804 = arith.constant 8 : i32
      %get3A_805 = arith.index_cast %get3A_804 : i32 to index
      %get3A_806 = arith.constant 0 : index
      %get3A_807 = tpu.vector_load %arg13[%get3A_805, %get3A_806] {strides = array<i32>} : memref<16x64xf32, #tpu.memory_space<vmem>>, vector<16xf32>,
      %mul3A_808 = arith.mulf %gather3A_803, %get3A_807 : vector<16xf32>
      %add3A_809 = arith.addf %broadcast_in_dim3A_799, %mul3A_808 : vector<16xf32>
      %add3A_810 = arith.constant 16 : i32
      %add3A_811 = vector.broadcast %add3A_810 : i32 to vector<16xi32>
      %add3A_812 = arith.addi %add3A_811, %iota3A : vector<16xi32>
      %gather3A_813 = tpu.vector_load_idx %arg15[%add3A_812, %broadcast_in_dim3A_797] : memref<64x128xf32, #tpu.memory_space<vmem>>[vector<16xi32>, vector<16xi32>], vector<16xf32>,
      %get3A_814 = arith.constant 8 : i32
      %get3A_815 = arith.index_cast %get3A_814 : i32 to index
      %get3A_816 = arith.constant 16 : index
      %get3A_817 = tpu.vector_load %arg13[%get3A_815, %get3A_816] {strides = array<i32>} : memref<16x64xf32, #tpu.memory_space<vmem>>, vector<16xf32>,
      %mul3A_818 = arith.mulf %gather3A_813, %get3A_817 : vector<16xf32>
      %add3A_819 = arith.addf %add3A_809, %mul3A_818 : vector<16xf32>
      %add3A_820 = arith.constant 32 : i32
      %add3A_821 = vector.broadcast %add3A_820 : i32 to vector<16xi32>
      %add3A_822 = arith.addi %add3A_821, %iota3A : vector<16xi32>
      %gather3A_823 = tpu.vector_load_idx %arg15[%add3A_822, %broadcast_in_dim3A_797] : memref<64x128xf32, #tpu.memory_space<vmem>>[vector<16xi32>, vector<16xi32>], vector<16xf32>,
      %get3A_824 = arith.constant 8 : i32
      %get3A_825 = arith.index_cast %get3A_824 : i32 to index
      %get3A_826 = arith.constant 32 : index
      %get3A_827 = tpu.vector_load %arg13[%get3A_825, %get3A_826] {strides = array<i32>} : memref<16x64xf32, #tpu.memory_space<vmem>>, vector<16xf32>,
      %mul3A_828 = arith.mulf %gather3A_823, %get3A_827 : vector<16xf32>
      %add3A_829 = arith.addf %add3A_819, %mul3A_828 : vector<16xf32>
      %add3A_830 = arith.constant 48 : i32
      %add3A_831 = vector.broadcast %add3A_830 : i32 to vector<16xi32>
      %add3A_832 = arith.addi %add3A_831, %iota3A : vector<16xi32>
      %gather3A_833 = tpu.vector_load_idx %arg15[%add3A_832, %broadcast_in_dim3A_797] : memref<64x128xf32, #tpu.memory_space<vmem>>[vector<16xi32>, vector<16xi32>], vector<16xf32>,
      %get3A_834 = arith.constant 8 : i32
      %get3A_835 = arith.index_cast %get3A_834 : i32 to index
      %get3A_836 = arith.constant 48 : index
      %get3A_837 = tpu.vector_load %arg13[%get3A_835, %get3A_836] {strides = array<i32>} : memref<16x64xf32, #tpu.memory_space<vmem>>, vector<16xf32>,
      %mul3A_838 = arith.mulf %gather3A_833, %get3A_837 : vector<16xf32>
      %add3A_839 = arith.addf %add3A_829, %mul3A_838 : vector<16xf32>
      %eq3A_840 = arith.constant 8 : i32
      %eq3A_841 = vector.broadcast %eq3A_840 : i32 to vector<16xi32>
      %eq3A_842 = arith.cmpi eq, %iota3A, %eq3A_841 : vector<16xi32>
      %reduce_sum3A_843 = arith.constant true
      %reduce_sum3A_844 = vector.broadcast %reduce_sum3A_843 : i1 to vector<16xi1>
      %reduce_sum3A_845 = tpu.scan <sum>, %add3A_839 masked %reduce_sum3A_844 : vector<16xf32>, vector<16xi1> -> vector<16xf32>
      %reduce_sum3A_846 = vector.extract %reduce_sum3A_845[15] : f32 from vector<16xf32>
      %broadcast_in_dim3A_847 = vector.broadcast %reduce_sum3A_846 : f32 to vector<16xf32>
      %select_n3A_848 = arith.select %eq3A_842, %broadcast_in_dim3A_847, %select_n3A_770 : vector<16xi1>, vector<16xf32>
      %lt3A = arith.constant 31 : i32
      %lt3A_849 = arith.cmpi slt, %mul3A_151, %lt3A : i32
      %convert_element_type3A = arith.extui %lt3A_849 : i1 to i32
      %cond3A = arith.constant 0 : i32
      %cond3A_850 = arith.cmpi ne, %convert_element_type3A, %cond3A : i32
      scf.if %cond3A_850 {
        %slice3A_2519 = vector.extract_strided_slice %get3A_160 {offsets = [0], sizes = [1], strides = [1]} : vector<16xi32> to vector<1xi32>
        %squeeze3A_2520 = vector.extract %slice3A_2519[0] : i32 from vector<1xi32>
        %and3A_2521 = arith.constant 131071 : i32
        %and3A_2522 = arith.andi %squeeze3A_2520, %and3A_2521 : i32
        %shift_right_arithmetic3A_2523 = arith.constant 17 : i32
        %shift_right_arithmetic3A_2524 = arith.shrsi %squeeze3A_2520, %shift_right_arithmetic3A_2523 : i32
        %mul3A_2525 = arith.constant 64 : i32
        %mul3A_2526 = arith.muli %shift_right_arithmetic3A_2524, %mul3A_2525 : i32
        %multiple_of3A_2527 = tpu.assume_multiple %mul3A_2526, 64 : i32
        %shift_right_arithmetic3A_2528 = arith.constant 7 : i32
        %shift_right_arithmetic3A_2529 = arith.shrsi %and3A_2522, %shift_right_arithmetic3A_2528 : i32
        %mul3A_2530 = arith.constant 128 : i32
        %mul3A_2531 = arith.muli %shift_right_arithmetic3A_2529, %mul3A_2530 : i32
        %multiple_of3A_2532 = tpu.assume_multiple %mul3A_2531, 128 : i32
        %dma_start3A_2533 = tpu.memref_slice %arg2[%multiple_of3A_2527, %multiple_of3A_2532] : memref<1024x100000xf32, #tpu.memory_space<hbm>> -> memref<64x128xf32, #tpu.memory_space<hbm>>
        %dma_start3A_2534 = tpu.memref_slice %arg2[%multiple_of3A_2527, %multiple_of3A_2532] : memref<1024x100000xf32, #tpu.memory_space<hbm>> -> memref<64x128xf32, #tpu.memory_space<hbm>>
        tpu.enqueue_dma source(%dma_start3A_2534 : memref<64x128xf32, #tpu.memory_space<hbm>>) target(%arg15 : memref<64x128xf32, #tpu.memory_space<vmem>>) target_semaphore(%arg23 : memref<!tpu.dma_semaphore, #tpu.memory_space<semaphore_mem>>)
      } else {
      }
      %dma_wait3A_851 = arith.constant 0 : i32
      %dma_wait3A_852 = arith.constant 0 : i32
      %dma_wait3A_853 = tpu.memref_slice %arg2[%dma_wait3A_851, %dma_wait3A_852] : memref<1024x100000xf32, #tpu.memory_space<hbm>> -> memref<64x128xf32, #tpu.memory_space<hbm>>
      %dma_wait3A_854 = arith.constant 0 : i32
      %dma_wait3A_855 = arith.constant 0 : i32
      %dma_wait3A_856 = tpu.memref_slice %arg2[%dma_wait3A_854, %dma_wait3A_855] : memref<1024x100000xf32, #tpu.memory_space<hbm>> -> memref<64x128xf32, #tpu.memory_space<hbm>>
      tpu.wait_dma2 semaphore(%arg24 : memref<!tpu.dma_semaphore, #tpu.memory_space<semaphore_mem>>) src(%dma_wait3A_856 : memref<64x128xf32, #tpu.memory_space<hbm>>) dst(%arg16 : memref<64x128xf32, #tpu.memory_space<vmem>>)
      %slice3A_857 = vector.extract_strided_slice %get3A_155 {offsets = [9], sizes = [1], strides = [1]} : vector<16xi32> to vector<1xi32>
      %squeeze3A_858 = vector.extract %slice3A_857[0] : i32 from vector<1xi32>
      %and3A_859 = arith.constant 127 : i32
      %and3A_860 = arith.andi %squeeze3A_858, %and3A_859 : i32
      %broadcast_in_dim3A_861 = vector.broadcast %and3A_860 : i32 to vector<16xi32>
      %broadcast_in_dim3A_862 = arith.constant 0.000000e+00 : f32
      %broadcast_in_dim3A_863 = vector.broadcast %broadcast_in_dim3A_862 : f32 to vector<16xf32>
      %add3A_864 = arith.constant 0 : i32
      %add3A_865 = vector.broadcast %add3A_864 : i32 to vector<16xi32>
      %add3A_866 = arith.addi %add3A_865, %iota3A : vector<16xi32>
      %gather3A_867 = tpu.vector_load_idx %arg16[%add3A_866, %broadcast_in_dim3A_861] : memref<64x128xf32, #tpu.memory_space<vmem>>[vector<16xi32>, vector<16xi32>], vector<16xf32>,
      %get3A_868 = arith.constant 9 : i32
      %get3A_869 = arith.index_cast %get3A_868 : i32 to index
      %get3A_870 = arith.constant 0 : index
      %get3A_871 = tpu.vector_load %arg13[%get3A_869, %get3A_870] {strides = array<i32>} : memref<16x64xf32, #tpu.memory_space<vmem>>, vector<16xf32>,
      %mul3A_872 = arith.mulf %gather3A_867, %get3A_871 : vector<16xf32>
      %add3A_873 = arith.addf %broadcast_in_dim3A_863, %mul3A_872 : vector<16xf32>
      %add3A_874 = arith.constant 16 : i32
      %add3A_875 = vector.broadcast %add3A_874 : i32 to vector<16xi32>
      %add3A_876 = arith.addi %add3A_875, %iota3A : vector<16xi32>
      %gather3A_877 = tpu.vector_load_idx %arg16[%add3A_876, %broadcast_in_dim3A_861] : memref<64x128xf32, #tpu.memory_space<vmem>>[vector<16xi32>, vector<16xi32>], vector<16xf32>,
      %get3A_878 = arith.constant 9 : i32
      %get3A_879 = arith.index_cast %get3A_878 : i32 to index
      %get3A_880 = arith.constant 16 : index
      %get3A_881 = tpu.vector_load %arg13[%get3A_879, %get3A_880] {strides = array<i32>} : memref<16x64xf32, #tpu.memory_space<vmem>>, vector<16xf32>,
      %mul3A_882 = arith.mulf %gather3A_877, %get3A_881 : vector<16xf32>
      %add3A_883 = arith.addf %add3A_873, %mul3A_882 : vector<16xf32>
      %add3A_884 = arith.constant 32 : i32
      %add3A_885 = vector.broadcast %add3A_884 : i32 to vector<16xi32>
      %add3A_886 = arith.addi %add3A_885, %iota3A : vector<16xi32>
      %gather3A_887 = tpu.vector_load_idx %arg16[%add3A_886, %broadcast_in_dim3A_861] : memref<64x128xf32, #tpu.memory_space<vmem>>[vector<16xi32>, vector<16xi32>], vector<16xf32>,
      %get3A_888 = arith.constant 9 : i32
      %get3A_889 = arith.index_cast %get3A_888 : i32 to index
      %get3A_890 = arith.constant 32 : index
      %get3A_891 = tpu.vector_load %arg13[%get3A_889, %get3A_890] {strides = array<i32>} : memref<16x64xf32, #tpu.memory_space<vmem>>, vector<16xf32>,
      %mul3A_892 = arith.mulf %gather3A_887, %get3A_891 : vector<16xf32>
      %add3A_893 = arith.addf %add3A_883, %mul3A_892 : vector<16xf32>
      %add3A_894 = arith.constant 48 : i32
      %add3A_895 = vector.broadcast %add3A_894 : i32 to vector<16xi32>
      %add3A_896 = arith.addi %add3A_895, %iota3A : vector<16xi32>
      %gather3A_897 = tpu.vector_load_idx %arg16[%add3A_896, %broadcast_in_dim3A_861] : memref<64x128xf32, #tpu.memory_space<vmem>>[vector<16xi32>, vector<16xi32>], vector<16xf32>,
      %get3A_898 = arith.constant 9 : i32
      %get3A_899 = arith.index_cast %get3A_898 : i32 to index
      %get3A_900 = arith.constant 48 : index
      %get3A_901 = tpu.vector_load %arg13[%get3A_899, %get3A_900] {strides = array<i32>} : memref<16x64xf32, #tpu.memory_space<vmem>>, vector<16xf32>,
      %mul3A_902 = arith.mulf %gather3A_897, %get3A_901 : vector<16xf32>
      %add3A_903 = arith.addf %add3A_893, %mul3A_902 : vector<16xf32>
      %eq3A_904 = arith.constant 9 : i32
      %eq3A_905 = vector.broadcast %eq3A_904 : i32 to vector<16xi32>
      %eq3A_906 = arith.cmpi eq, %iota3A, %eq3A_905 : vector<16xi32>
      %reduce_sum3A_907 = arith.constant true
      %reduce_sum3A_908 = vector.broadcast %reduce_sum3A_907 : i1 to vector<16xi1>
      %reduce_sum3A_909 = tpu.scan <sum>, %add3A_903 masked %reduce_sum3A_908 : vector<16xf32>, vector<16xi1> -> vector<16xf32>
      %reduce_sum3A_910 = vector.extract %reduce_sum3A_909[15] : f32 from vector<16xf32>
      %broadcast_in_dim3A_911 = vector.broadcast %reduce_sum3A_910 : f32 to vector<16xf32>
      %select_n3A_912 = arith.select %eq3A_906, %broadcast_in_dim3A_911, %select_n3A_848 : vector<16xi1>, vector<16xf32>
      %lt3A_913 = arith.constant 31 : i32
      %lt3A_914 = arith.cmpi slt, %mul3A_151, %lt3A_913 : i32
      %convert_element_type3A_915 = arith.extui %lt3A_914 : i1 to i32
      %cond3A_916 = arith.constant 0 : i32
      %cond3A_917 = arith.cmpi ne, %convert_element_type3A_915, %cond3A_916 : i32
      scf.if %cond3A_917 {
        %slice3A_2519 = vector.extract_strided_slice %get3A_160 {offsets = [1], sizes = [1], strides = [1]} : vector<16xi32> to vector<1xi32>
        %squeeze3A_2520 = vector.extract %slice3A_2519[0] : i32 from vector<1xi32>
        %and3A_2521 = arith.constant 131071 : i32
        %and3A_2522 = arith.andi %squeeze3A_2520, %and3A_2521 : i32
        %shift_right_arithmetic3A_2523 = arith.constant 17 : i32
        %shift_right_arithmetic3A_2524 = arith.shrsi %squeeze3A_2520, %shift_right_arithmetic3A_2523 : i32
        %mul3A_2525 = arith.constant 64 : i32
        %mul3A_2526 = arith.muli %shift_right_arithmetic3A_2524, %mul3A_2525 : i32
        %multiple_of3A_2527 = tpu.assume_multiple %mul3A_2526, 64 : i32
        %shift_right_arithmetic3A_2528 = arith.constant 7 : i32
        %shift_right_arithmetic3A_2529 = arith.shrsi %and3A_2522, %shift_right_arithmetic3A_2528 : i32
        %mul3A_2530 = arith.constant 128 : i32
        %mul3A_2531 = arith.muli %shift_right_arithmetic3A_2529, %mul3A_2530 : i32
        %multiple_of3A_2532 = tpu.assume_multiple %mul3A_2531, 128 : i32
        %dma_start3A_2533 = tpu.memref_slice %arg2[%multiple_of3A_2527, %multiple_of3A_2532] : memref<1024x100000xf32, #tpu.memory_space<hbm>> -> memref<64x128xf32, #tpu.memory_space<hbm>>
        %dma_start3A_2534 = tpu.memref_slice %arg2[%multiple_of3A_2527, %multiple_of3A_2532] : memref<1024x100000xf32, #tpu.memory_space<hbm>> -> memref<64x128xf32, #tpu.memory_space<hbm>>
        tpu.enqueue_dma source(%dma_start3A_2534 : memref<64x128xf32, #tpu.memory_space<hbm>>) target(%arg16 : memref<64x128xf32, #tpu.memory_space<vmem>>) target_semaphore(%arg24 : memref<!tpu.dma_semaphore, #tpu.memory_space<semaphore_mem>>)
      } else {
      }
      %dma_wait3A_918 = arith.constant 0 : i32
      %dma_wait3A_919 = arith.constant 0 : i32
      %dma_wait3A_920 = tpu.memref_slice %arg2[%dma_wait3A_918, %dma_wait3A_919] : memref<1024x100000xf32, #tpu.memory_space<hbm>> -> memref<64x128xf32, #tpu.memory_space<hbm>>
      %dma_wait3A_921 = arith.constant 0 : i32
      %dma_wait3A_922 = arith.constant 0 : i32
      %dma_wait3A_923 = tpu.memref_slice %arg2[%dma_wait3A_921, %dma_wait3A_922] : memref<1024x100000xf32, #tpu.memory_space<hbm>> -> memref<64x128xf32, #tpu.memory_space<hbm>>
      tpu.wait_dma2 semaphore(%arg25 : memref<!tpu.dma_semaphore, #tpu.memory_space<semaphore_mem>>) src(%dma_wait3A_923 : memref<64x128xf32, #tpu.memory_space<hbm>>) dst(%arg17 : memref<64x128xf32, #tpu.memory_space<vmem>>)
      %slice3A_924 = vector.extract_strided_slice %get3A_155 {offsets = [10], sizes = [1], strides = [1]} : vector<16xi32> to vector<1xi32>
      %squeeze3A_925 = vector.extract %slice3A_924[0] : i32 from vector<1xi32>
      %and3A_926 = arith.constant 127 : i32
      %and3A_927 = arith.andi %squeeze3A_925, %and3A_926 : i32
      %broadcast_in_dim3A_928 = vector.broadcast %and3A_927 : i32 to vector<16xi32>
      %broadcast_in_dim3A_929 = arith.constant 0.000000e+00 : f32
      %broadcast_in_dim3A_930 = vector.broadcast %broadcast_in_dim3A_929 : f32 to vector<16xf32>
      %add3A_931 = arith.constant 0 : i32
      %add3A_932 = vector.broadcast %add3A_931 : i32 to vector<16xi32>
      %add3A_933 = arith.addi %add3A_932, %iota3A : vector<16xi32>
      %gather3A_934 = tpu.vector_load_idx %arg17[%add3A_933, %broadcast_in_dim3A_928] : memref<64x128xf32, #tpu.memory_space<vmem>>[vector<16xi32>, vector<16xi32>], vector<16xf32>,
      %get3A_935 = arith.constant 10 : i32
      %get3A_936 = arith.index_cast %get3A_935 : i32 to index
      %get3A_937 = arith.constant 0 : index
      %get3A_938 = tpu.vector_load %arg13[%get3A_936, %get3A_937] {strides = array<i32>} : memref<16x64xf32, #tpu.memory_space<vmem>>, vector<16xf32>,
      %mul3A_939 = arith.mulf %gather3A_934, %get3A_938 : vector<16xf32>
      %add3A_940 = arith.addf %broadcast_in_dim3A_930, %mul3A_939 : vector<16xf32>
      %add3A_941 = arith.constant 16 : i32
      %add3A_942 = vector.broadcast %add3A_941 : i32 to vector<16xi32>
      %add3A_943 = arith.addi %add3A_942, %iota3A : vector<16xi32>
      %gather3A_944 = tpu.vector_load_idx %arg17[%add3A_943, %broadcast_in_dim3A_928] : memref<64x128xf32, #tpu.memory_space<vmem>>[vector<16xi32>, vector<16xi32>], vector<16xf32>,
      %get3A_945 = arith.constant 10 : i32
      %get3A_946 = arith.index_cast %get3A_945 : i32 to index
      %get3A_947 = arith.constant 16 : index
      %get3A_948 = tpu.vector_load %arg13[%get3A_946, %get3A_947] {strides = array<i32>} : memref<16x64xf32, #tpu.memory_space<vmem>>, vector<16xf32>,
      %mul3A_949 = arith.mulf %gather3A_944, %get3A_948 : vector<16xf32>
      %add3A_950 = arith.addf %add3A_940, %mul3A_949 : vector<16xf32>
      %add3A_951 = arith.constant 32 : i32
      %add3A_952 = vector.broadcast %add3A_951 : i32 to vector<16xi32>
      %add3A_953 = arith.addi %add3A_952, %iota3A : vector<16xi32>
      %gather3A_954 = tpu.vector_load_idx %arg17[%add3A_953, %broadcast_in_dim3A_928] : memref<64x128xf32, #tpu.memory_space<vmem>>[vector<16xi32>, vector<16xi32>], vector<16xf32>,
      %get3A_955 = arith.constant 10 : i32
      %get3A_956 = arith.index_cast %get3A_955 : i32 to index
      %get3A_957 = arith.constant 32 : index
      %get3A_958 = tpu.vector_load %arg13[%get3A_956, %get3A_957] {strides = array<i32>} : memref<16x64xf32, #tpu.memory_space<vmem>>, vector<16xf32>,
      %mul3A_959 = arith.mulf %gather3A_954, %get3A_958 : vector<16xf32>
      %add3A_960 = arith.addf %add3A_950, %mul3A_959 : vector<16xf32>
      %add3A_961 = arith.constant 48 : i32
      %add3A_962 = vector.broadcast %add3A_961 : i32 to vector<16xi32>
      %add3A_963 = arith.addi %add3A_962, %iota3A : vector<16xi32>
      %gather3A_964 = tpu.vector_load_idx %arg17[%add3A_963, %broadcast_in_dim3A_928] : memref<64x128xf32, #tpu.memory_space<vmem>>[vector<16xi32>, vector<16xi32>], vector<16xf32>,
      %get3A_965 = arith.constant 10 : i32
      %get3A_966 = arith.index_cast %get3A_965 : i32 to index
      %get3A_967 = arith.constant 48 : index
      %get3A_968 = tpu.vector_load %arg13[%get3A_966, %get3A_967] {strides = array<i32>} : memref<16x64xf32, #tpu.memory_space<vmem>>, vector<16xf32>,
      %mul3A_969 = arith.mulf %gather3A_964, %get3A_968 : vector<16xf32>
      %add3A_970 = arith.addf %add3A_960, %mul3A_969 : vector<16xf32>
      %eq3A_971 = arith.constant 10 : i32
      %eq3A_972 = vector.broadcast %eq3A_971 : i32 to vector<16xi32>
      %eq3A_973 = arith.cmpi eq, %iota3A, %eq3A_972 : vector<16xi32>
      %reduce_sum3A_974 = arith.constant true
      %reduce_sum3A_975 = vector.broadcast %reduce_sum3A_974 : i1 to vector<16xi1>
      %reduce_sum3A_976 = tpu.scan <sum>, %add3A_970 masked %reduce_sum3A_975 : vector<16xf32>, vector<16xi1> -> vector<16xf32>
      %reduce_sum3A_977 = vector.extract %reduce_sum3A_976[15] : f32 from vector<16xf32>
      %broadcast_in_dim3A_978 = vector.broadcast %reduce_sum3A_977 : f32 to vector<16xf32>
      %select_n3A_979 = arith.select %eq3A_973, %broadcast_in_dim3A_978, %select_n3A_912 : vector<16xi1>, vector<16xf32>
      %lt3A_980 = arith.constant 31 : i32
      %lt3A_981 = arith.cmpi slt, %mul3A_151, %lt3A_980 : i32
      %convert_element_type3A_982 = arith.extui %lt3A_981 : i1 to i32
      %cond3A_983 = arith.constant 0 : i32
      %cond3A_984 = arith.cmpi ne, %convert_element_type3A_982, %cond3A_983 : i32
      scf.if %cond3A_984 {
        %slice3A_2519 = vector.extract_strided_slice %get3A_160 {offsets = [2], sizes = [1], strides = [1]} : vector<16xi32> to vector<1xi32>
        %squeeze3A_2520 = vector.extract %slice3A_2519[0] : i32 from vector<1xi32>
        %and3A_2521 = arith.constant 131071 : i32
        %and3A_2522 = arith.andi %squeeze3A_2520, %and3A_2521 : i32
        %shift_right_arithmetic3A_2523 = arith.constant 17 : i32
        %shift_right_arithmetic3A_2524 = arith.shrsi %squeeze3A_2520, %shift_right_arithmetic3A_2523 : i32
        %mul3A_2525 = arith.constant 64 : i32
        %mul3A_2526 = arith.muli %shift_right_arithmetic3A_2524, %mul3A_2525 : i32
        %multiple_of3A_2527 = tpu.assume_multiple %mul3A_2526, 64 : i32
        %shift_right_arithmetic3A_2528 = arith.constant 7 : i32
        %shift_right_arithmetic3A_2529 = arith.shrsi %and3A_2522, %shift_right_arithmetic3A_2528 : i32
        %mul3A_2530 = arith.constant 128 : i32
        %mul3A_2531 = arith.muli %shift_right_arithmetic3A_2529, %mul3A_2530 : i32
        %multiple_of3A_2532 = tpu.assume_multiple %mul3A_2531, 128 : i32
        %dma_start3A_2533 = tpu.memref_slice %arg2[%multiple_of3A_2527, %multiple_of3A_2532] : memref<1024x100000xf32, #tpu.memory_space<hbm>> -> memref<64x128xf32, #tpu.memory_space<hbm>>
        %dma_start3A_2534 = tpu.memref_slice %arg2[%multiple_of3A_2527, %multiple_of3A_2532] : memref<1024x100000xf32, #tpu.memory_space<hbm>> -> memref<64x128xf32, #tpu.memory_space<hbm>>
        tpu.enqueue_dma source(%dma_start3A_2534 : memref<64x128xf32, #tpu.memory_space<hbm>>) target(%arg17 : memref<64x128xf32, #tpu.memory_space<vmem>>) target_semaphore(%arg25 : memref<!tpu.dma_semaphore, #tpu.memory_space<semaphore_mem>>)
      } else {
      }
      %dma_wait3A_985 = arith.constant 0 : i32
      %dma_wait3A_986 = arith.constant 0 : i32
      %dma_wait3A_987 = tpu.memref_slice %arg2[%dma_wait3A_985, %dma_wait3A_986] : memref<1024x100000xf32, #tpu.memory_space<hbm>> -> memref<64x128xf32, #tpu.memory_space<hbm>>
      %dma_wait3A_988 = arith.constant 0 : i32
      %dma_wait3A_989 = arith.constant 0 : i32
      %dma_wait3A_990 = tpu.memref_slice %arg2[%dma_wait3A_988, %dma_wait3A_989] : memref<1024x100000xf32, #tpu.memory_space<hbm>> -> memref<64x128xf32, #tpu.memory_space<hbm>>
      tpu.wait_dma2 semaphore(%arg26 : memref<!tpu.dma_semaphore, #tpu.memory_space<semaphore_mem>>) src(%dma_wait3A_990 : memref<64x128xf32, #tpu.memory_space<hbm>>) dst(%arg18 : memref<64x128xf32, #tpu.memory_space<vmem>>)
      %slice3A_991 = vector.extract_strided_slice %get3A_155 {offsets = [11], sizes = [1], strides = [1]} : vector<16xi32> to vector<1xi32>
      %squeeze3A_992 = vector.extract %slice3A_991[0] : i32 from vector<1xi32>
      %and3A_993 = arith.constant 127 : i32
      %and3A_994 = arith.andi %squeeze3A_992, %and3A_993 : i32
      %broadcast_in_dim3A_995 = vector.broadcast %and3A_994 : i32 to vector<16xi32>
      %broadcast_in_dim3A_996 = arith.constant 0.000000e+00 : f32
      %broadcast_in_dim3A_997 = vector.broadcast %broadcast_in_dim3A_996 : f32 to vector<16xf32>
      %add3A_998 = arith.constant 0 : i32
      %add3A_999 = vector.broadcast %add3A_998 : i32 to vector<16xi32>
      %add3A_1000 = arith.addi %add3A_999, %iota3A : vector<16xi32>
      %gather3A_1001 = tpu.vector_load_idx %arg18[%add3A_1000, %broadcast_in_dim3A_995] : memref<64x128xf32, #tpu.memory_space<vmem>>[vector<16xi32>, vector<16xi32>], vector<16xf32>,
      %get3A_1002 = arith.constant 11 : i32
      %get3A_1003 = arith.index_cast %get3A_1002 : i32 to index
      %get3A_1004 = arith.constant 0 : index
      %get3A_1005 = tpu.vector_load %arg13[%get3A_1003, %get3A_1004] {strides = array<i32>} : memref<16x64xf32, #tpu.memory_space<vmem>>, vector<16xf32>,
      %mul3A_1006 = arith.mulf %gather3A_1001, %get3A_1005 : vector<16xf32>
      %add3A_1007 = arith.addf %broadcast_in_dim3A_997, %mul3A_1006 : vector<16xf32>
      %add3A_1008 = arith.constant 16 : i32
      %add3A_1009 = vector.broadcast %add3A_1008 : i32 to vector<16xi32>
      %add3A_1010 = arith.addi %add3A_1009, %iota3A : vector<16xi32>
      %gather3A_1011 = tpu.vector_load_idx %arg18[%add3A_1010, %broadcast_in_dim3A_995] : memref<64x128xf32, #tpu.memory_space<vmem>>[vector<16xi32>, vector<16xi32>], vector<16xf32>,
      %get3A_1012 = arith.constant 11 : i32
      %get3A_1013 = arith.index_cast %get3A_1012 : i32 to index
      %get3A_1014 = arith.constant 16 : index
      %get3A_1015 = tpu.vector_load %arg13[%get3A_1013, %get3A_1014] {strides = array<i32>} : memref<16x64xf32, #tpu.memory_space<vmem>>, vector<16xf32>,
      %mul3A_1016 = arith.mulf %gather3A_1011, %get3A_1015 : vector<16xf32>
      %add3A_1017 = arith.addf %add3A_1007, %mul3A_1016 : vector<16xf32>
      %add3A_1018 = arith.constant 32 : i32
      %add3A_1019 = vector.broadcast %add3A_1018 : i32 to vector<16xi32>
      %add3A_1020 = arith.addi %add3A_1019, %iota3A : vector<16xi32>
      %gather3A_1021 = tpu.vector_load_idx %arg18[%add3A_1020, %broadcast_in_dim3A_995] : memref<64x128xf32, #tpu.memory_space<vmem>>[vector<16xi32>, vector<16xi32>], vector<16xf32>,
      %get3A_1022 = arith.constant 11 : i32
      %get3A_1023 = arith.index_cast %get3A_1022 : i32 to index
      %get3A_1024 = arith.constant 32 : index
      %get3A_1025 = tpu.vector_load %arg13[%get3A_1023, %get3A_1024] {strides = array<i32>} : memref<16x64xf32, #tpu.memory_space<vmem>>, vector<16xf32>,
      %mul3A_1026 = arith.mulf %gather3A_1021, %get3A_1025 : vector<16xf32>
      %add3A_1027 = arith.addf %add3A_1017, %mul3A_1026 : vector<16xf32>
      %add3A_1028 = arith.constant 48 : i32
      %add3A_1029 = vector.broadcast %add3A_1028 : i32 to vector<16xi32>
      %add3A_1030 = arith.addi %add3A_1029, %iota3A : vector<16xi32>
      %gather3A_1031 = tpu.vector_load_idx %arg18[%add3A_1030, %broadcast_in_dim3A_995] : memref<64x128xf32, #tpu.memory_space<vmem>>[vector<16xi32>, vector<16xi32>], vector<16xf32>,
      %get3A_1032 = arith.constant 11 : i32
      %get3A_1033 = arith.index_cast %get3A_1032 : i32 to index
      %get3A_1034 = arith.constant 48 : index
      %get3A_1035 = tpu.vector_load %arg13[%get3A_1033, %get3A_1034] {strides = array<i32>} : memref<16x64xf32, #tpu.memory_space<vmem>>, vector<16xf32>,
      %mul3A_1036 = arith.mulf %gather3A_1031, %get3A_1035 : vector<16xf32>
      %add3A_1037 = arith.addf %add3A_1027, %mul3A_1036 : vector<16xf32>
      %eq3A_1038 = arith.constant 11 : i32
      %eq3A_1039 = vector.broadcast %eq3A_1038 : i32 to vector<16xi32>
      %eq3A_1040 = arith.cmpi eq, %iota3A, %eq3A_1039 : vector<16xi32>
      %reduce_sum3A_1041 = arith.constant true
      %reduce_sum3A_1042 = vector.broadcast %reduce_sum3A_1041 : i1 to vector<16xi1>
      %reduce_sum3A_1043 = tpu.scan <sum>, %add3A_1037 masked %reduce_sum3A_1042 : vector<16xf32>, vector<16xi1> -> vector<16xf32>
      %reduce_sum3A_1044 = vector.extract %reduce_sum3A_1043[15] : f32 from vector<16xf32>
      %broadcast_in_dim3A_1045 = vector.broadcast %reduce_sum3A_1044 : f32 to vector<16xf32>
      %select_n3A_1046 = arith.select %eq3A_1040, %broadcast_in_dim3A_1045, %select_n3A_979 : vector<16xi1>, vector<16xf32>
      %lt3A_1047 = arith.constant 31 : i32
      %lt3A_1048 = arith.cmpi slt, %mul3A_151, %lt3A_1047 : i32
      %convert_element_type3A_1049 = arith.extui %lt3A_1048 : i1 to i32
      %cond3A_1050 = arith.constant 0 : i32
      %cond3A_1051 = arith.cmpi ne, %convert_element_type3A_1049, %cond3A_1050 : i32
      scf.if %cond3A_1051 {
        %slice3A_2519 = vector.extract_strided_slice %get3A_160 {offsets = [3], sizes = [1], strides = [1]} : vector<16xi32> to vector<1xi32>
        %squeeze3A_2520 = vector.extract %slice3A_2519[0] : i32 from vector<1xi32>
        %and3A_2521 = arith.constant 131071 : i32
        %and3A_2522 = arith.andi %squeeze3A_2520, %and3A_2521 : i32
        %shift_right_arithmetic3A_2523 = arith.constant 17 : i32
        %shift_right_arithmetic3A_2524 = arith.shrsi %squeeze3A_2520, %shift_right_arithmetic3A_2523 : i32
        %mul3A_2525 = arith.constant 64 : i32
        %mul3A_2526 = arith.muli %shift_right_arithmetic3A_2524, %mul3A_2525 : i32
        %multiple_of3A_2527 = tpu.assume_multiple %mul3A_2526, 64 : i32
        %shift_right_arithmetic3A_2528 = arith.constant 7 : i32
        %shift_right_arithmetic3A_2529 = arith.shrsi %and3A_2522, %shift_right_arithmetic3A_2528 : i32
        %mul3A_2530 = arith.constant 128 : i32
        %mul3A_2531 = arith.muli %shift_right_arithmetic3A_2529, %mul3A_2530 : i32
        %multiple_of3A_2532 = tpu.assume_multiple %mul3A_2531, 128 : i32
        %dma_start3A_2533 = tpu.memref_slice %arg2[%multiple_of3A_2527, %multiple_of3A_2532] : memref<1024x100000xf32, #tpu.memory_space<hbm>> -> memref<64x128xf32, #tpu.memory_space<hbm>>
        %dma_start3A_2534 = tpu.memref_slice %arg2[%multiple_of3A_2527, %multiple_of3A_2532] : memref<1024x100000xf32, #tpu.memory_space<hbm>> -> memref<64x128xf32, #tpu.memory_space<hbm>>
        tpu.enqueue_dma source(%dma_start3A_2534 : memref<64x128xf32, #tpu.memory_space<hbm>>) target(%arg18 : memref<64x128xf32, #tpu.memory_space<vmem>>) target_semaphore(%arg26 : memref<!tpu.dma_semaphore, #tpu.memory_space<semaphore_mem>>)
      } else {
      }
      %dma_wait3A_1052 = arith.constant 0 : i32
      %dma_wait3A_1053 = arith.constant 0 : i32
      %dma_wait3A_1054 = tpu.memref_slice %arg2[%dma_wait3A_1052, %dma_wait3A_1053] : memref<1024x100000xf32, #tpu.memory_space<hbm>> -> memref<64x128xf32, #tpu.memory_space<hbm>>
      %dma_wait3A_1055 = arith.constant 0 : i32
      %dma_wait3A_1056 = arith.constant 0 : i32
      %dma_wait3A_1057 = tpu.memref_slice %arg2[%dma_wait3A_1055, %dma_wait3A_1056] : memref<1024x100000xf32, #tpu.memory_space<hbm>> -> memref<64x128xf32, #tpu.memory_space<hbm>>
      tpu.wait_dma2 semaphore(%arg27 : memref<!tpu.dma_semaphore, #tpu.memory_space<semaphore_mem>>) src(%dma_wait3A_1057 : memref<64x128xf32, #tpu.memory_space<hbm>>) dst(%arg19 : memref<64x128xf32, #tpu.memory_space<vmem>>)
      %slice3A_1058 = vector.extract_strided_slice %get3A_155 {offsets = [12], sizes = [1], strides = [1]} : vector<16xi32> to vector<1xi32>
      %squeeze3A_1059 = vector.extract %slice3A_1058[0] : i32 from vector<1xi32>
      %and3A_1060 = arith.constant 127 : i32
      %and3A_1061 = arith.andi %squeeze3A_1059, %and3A_1060 : i32
      %broadcast_in_dim3A_1062 = vector.broadcast %and3A_1061 : i32 to vector<16xi32>
      %broadcast_in_dim3A_1063 = arith.constant 0.000000e+00 : f32
      %broadcast_in_dim3A_1064 = vector.broadcast %broadcast_in_dim3A_1063 : f32 to vector<16xf32>
      %add3A_1065 = arith.constant 0 : i32
      %add3A_1066 = vector.broadcast %add3A_1065 : i32 to vector<16xi32>
      %add3A_1067 = arith.addi %add3A_1066, %iota3A : vector<16xi32>
      %gather3A_1068 = tpu.vector_load_idx %arg19[%add3A_1067, %broadcast_in_dim3A_1062] : memref<64x128xf32, #tpu.memory_space<vmem>>[vector<16xi32>, vector<16xi32>], vector<16xf32>,
      %get3A_1069 = arith.constant 12 : i32
      %get3A_1070 = arith.index_cast %get3A_1069 : i32 to index
      %get3A_1071 = arith.constant 0 : index
      %get3A_1072 = tpu.vector_load %arg13[%get3A_1070, %get3A_1071] {strides = array<i32>} : memref<16x64xf32, #tpu.memory_space<vmem>>, vector<16xf32>,
      %mul3A_1073 = arith.mulf %gather3A_1068, %get3A_1072 : vector<16xf32>
      %add3A_1074 = arith.addf %broadcast_in_dim3A_1064, %mul3A_1073 : vector<16xf32>
      %add3A_1075 = arith.constant 16 : i32
      %add3A_1076 = vector.broadcast %add3A_1075 : i32 to vector<16xi32>
      %add3A_1077 = arith.addi %add3A_1076, %iota3A : vector<16xi32>
      %gather3A_1078 = tpu.vector_load_idx %arg19[%add3A_1077, %broadcast_in_dim3A_1062] : memref<64x128xf32, #tpu.memory_space<vmem>>[vector<16xi32>, vector<16xi32>], vector<16xf32>,
      %get3A_1079 = arith.constant 12 : i32
      %get3A_1080 = arith.index_cast %get3A_1079 : i32 to index
      %get3A_1081 = arith.constant 16 : index
      %get3A_1082 = tpu.vector_load %arg13[%get3A_1080, %get3A_1081] {strides = array<i32>} : memref<16x64xf32, #tpu.memory_space<vmem>>, vector<16xf32>,
      %mul3A_1083 = arith.mulf %gather3A_1078, %get3A_1082 : vector<16xf32>
      %add3A_1084 = arith.addf %add3A_1074, %mul3A_1083 : vector<16xf32>
      %add3A_1085 = arith.constant 32 : i32
      %add3A_1086 = vector.broadcast %add3A_1085 : i32 to vector<16xi32>
      %add3A_1087 = arith.addi %add3A_1086, %iota3A : vector<16xi32>
      %gather3A_1088 = tpu.vector_load_idx %arg19[%add3A_1087, %broadcast_in_dim3A_1062] : memref<64x128xf32, #tpu.memory_space<vmem>>[vector<16xi32>, vector<16xi32>], vector<16xf32>,
      %get3A_1089 = arith.constant 12 : i32
      %get3A_1090 = arith.index_cast %get3A_1089 : i32 to index
      %get3A_1091 = arith.constant 32 : index
      %get3A_1092 = tpu.vector_load %arg13[%get3A_1090, %get3A_1091] {strides = array<i32>} : memref<16x64xf32, #tpu.memory_space<vmem>>, vector<16xf32>,
      %mul3A_1093 = arith.mulf %gather3A_1088, %get3A_1092 : vector<16xf32>
      %add3A_1094 = arith.addf %add3A_1084, %mul3A_1093 : vector<16xf32>
      %add3A_1095 = arith.constant 48 : i32
      %add3A_1096 = vector.broadcast %add3A_1095 : i32 to vector<16xi32>
      %add3A_1097 = arith.addi %add3A_1096, %iota3A : vector<16xi32>
      %gather3A_1098 = tpu.vector_load_idx %arg19[%add3A_1097, %broadcast_in_dim3A_1062] : memref<64x128xf32, #tpu.memory_space<vmem>>[vector<16xi32>, vector<16xi32>], vector<16xf32>,
      %get3A_1099 = arith.constant 12 : i32
      %get3A_1100 = arith.index_cast %get3A_1099 : i32 to index
      %get3A_1101 = arith.constant 48 : index
      %get3A_1102 = tpu.vector_load %arg13[%get3A_1100, %get3A_1101] {strides = array<i32>} : memref<16x64xf32, #tpu.memory_space<vmem>>, vector<16xf32>,
      %mul3A_1103 = arith.mulf %gather3A_1098, %get3A_1102 : vector<16xf32>
      %add3A_1104 = arith.addf %add3A_1094, %mul3A_1103 : vector<16xf32>
      %eq3A_1105 = arith.constant 12 : i32
      %eq3A_1106 = vector.broadcast %eq3A_1105 : i32 to vector<16xi32>
      %eq3A_1107 = arith.cmpi eq, %iota3A, %eq3A_1106 : vector<16xi32>
      %reduce_sum3A_1108 = arith.constant true
      %reduce_sum3A_1109 = vector.broadcast %reduce_sum3A_1108 : i1 to vector<16xi1>
      %reduce_sum3A_1110 = tpu.scan <sum>, %add3A_1104 masked %reduce_sum3A_1109 : vector<16xf32>, vector<16xi1> -> vector<16xf32>
      %reduce_sum3A_1111 = vector.extract %reduce_sum3A_1110[15] : f32 from vector<16xf32>
      %broadcast_in_dim3A_1112 = vector.broadcast %reduce_sum3A_1111 : f32 to vector<16xf32>
      %select_n3A_1113 = arith.select %eq3A_1107, %broadcast_in_dim3A_1112, %select_n3A_1046 : vector<16xi1>, vector<16xf32>
      %lt3A_1114 = arith.constant 31 : i32
      %lt3A_1115 = arith.cmpi slt, %mul3A_151, %lt3A_1114 : i32
      %convert_element_type3A_1116 = arith.extui %lt3A_1115 : i1 to i32
      %cond3A_1117 = arith.constant 0 : i32
      %cond3A_1118 = arith.cmpi ne, %convert_element_type3A_1116, %cond3A_1117 : i32
      scf.if %cond3A_1118 {
        %slice3A_2519 = vector.extract_strided_slice %get3A_160 {offsets = [4], sizes = [1], strides = [1]} : vector<16xi32> to vector<1xi32>
        %squeeze3A_2520 = vector.extract %slice3A_2519[0] : i32 from vector<1xi32>
        %and3A_2521 = arith.constant 131071 : i32
        %and3A_2522 = arith.andi %squeeze3A_2520, %and3A_2521 : i32
        %shift_right_arithmetic3A_2523 = arith.constant 17 : i32
        %shift_right_arithmetic3A_2524 = arith.shrsi %squeeze3A_2520, %shift_right_arithmetic3A_2523 : i32
        %mul3A_2525 = arith.constant 64 : i32
        %mul3A_2526 = arith.muli %shift_right_arithmetic3A_2524, %mul3A_2525 : i32
        %multiple_of3A_2527 = tpu.assume_multiple %mul3A_2526, 64 : i32
        %shift_right_arithmetic3A_2528 = arith.constant 7 : i32
        %shift_right_arithmetic3A_2529 = arith.shrsi %and3A_2522, %shift_right_arithmetic3A_2528 : i32
        %mul3A_2530 = arith.constant 128 : i32
        %mul3A_2531 = arith.muli %shift_right_arithmetic3A_2529, %mul3A_2530 : i32
        %multiple_of3A_2532 = tpu.assume_multiple %mul3A_2531, 128 : i32
        %dma_start3A_2533 = tpu.memref_slice %arg2[%multiple_of3A_2527, %multiple_of3A_2532] : memref<1024x100000xf32, #tpu.memory_space<hbm>> -> memref<64x128xf32, #tpu.memory_space<hbm>>
        %dma_start3A_2534 = tpu.memref_slice %arg2[%multiple_of3A_2527, %multiple_of3A_2532] : memref<1024x100000xf32, #tpu.memory_space<hbm>> -> memref<64x128xf32, #tpu.memory_space<hbm>>
        tpu.enqueue_dma source(%dma_start3A_2534 : memref<64x128xf32, #tpu.memory_space<hbm>>) target(%arg19 : memref<64x128xf32, #tpu.memory_space<vmem>>) target_semaphore(%arg27 : memref<!tpu.dma_semaphore, #tpu.memory_space<semaphore_mem>>)
      } else {
      }
      %dma_wait3A_1119 = arith.constant 0 : i32
      %dma_wait3A_1120 = arith.constant 0 : i32
      %dma_wait3A_1121 = tpu.memref_slice %arg2[%dma_wait3A_1119, %dma_wait3A_1120] : memref<1024x100000xf32, #tpu.memory_space<hbm>> -> memref<64x128xf32, #tpu.memory_space<hbm>>
      %dma_wait3A_1122 = arith.constant 0 : i32
      %dma_wait3A_1123 = arith.constant 0 : i32
      %dma_wait3A_1124 = tpu.memref_slice %arg2[%dma_wait3A_1122, %dma_wait3A_1123] : memref<1024x100000xf32, #tpu.memory_space<hbm>> -> memref<64x128xf32, #tpu.memory_space<hbm>>
      tpu.wait_dma2 semaphore(%arg28 : memref<!tpu.dma_semaphore, #tpu.memory_space<semaphore_mem>>) src(%dma_wait3A_1124 : memref<64x128xf32, #tpu.memory_space<hbm>>) dst(%arg20 : memref<64x128xf32, #tpu.memory_space<vmem>>)
      %slice3A_1125 = vector.extract_strided_slice %get3A_155 {offsets = [13], sizes = [1], strides = [1]} : vector<16xi32> to vector<1xi32>
      %squeeze3A_1126 = vector.extract %slice3A_1125[0] : i32 from vector<1xi32>
      %and3A_1127 = arith.constant 127 : i32
      %and3A_1128 = arith.andi %squeeze3A_1126, %and3A_1127 : i32
      %broadcast_in_dim3A_1129 = vector.broadcast %and3A_1128 : i32 to vector<16xi32>
      %broadcast_in_dim3A_1130 = arith.constant 0.000000e+00 : f32
      %broadcast_in_dim3A_1131 = vector.broadcast %broadcast_in_dim3A_1130 : f32 to vector<16xf32>
      %add3A_1132 = arith.constant 0 : i32
      %add3A_1133 = vector.broadcast %add3A_1132 : i32 to vector<16xi32>
      %add3A_1134 = arith.addi %add3A_1133, %iota3A : vector<16xi32>
      %gather3A_1135 = tpu.vector_load_idx %arg20[%add3A_1134, %broadcast_in_dim3A_1129] : memref<64x128xf32, #tpu.memory_space<vmem>>[vector<16xi32>, vector<16xi32>], vector<16xf32>,
      %get3A_1136 = arith.constant 13 : i32
      %get3A_1137 = arith.index_cast %get3A_1136 : i32 to index
      %get3A_1138 = arith.constant 0 : index
      %get3A_1139 = tpu.vector_load %arg13[%get3A_1137, %get3A_1138] {strides = array<i32>} : memref<16x64xf32, #tpu.memory_space<vmem>>, vector<16xf32>,
      %mul3A_1140 = arith.mulf %gather3A_1135, %get3A_1139 : vector<16xf32>
      %add3A_1141 = arith.addf %broadcast_in_dim3A_1131, %mul3A_1140 : vector<16xf32>
      %add3A_1142 = arith.constant 16 : i32
      %add3A_1143 = vector.broadcast %add3A_1142 : i32 to vector<16xi32>
      %add3A_1144 = arith.addi %add3A_1143, %iota3A : vector<16xi32>
      %gather3A_1145 = tpu.vector_load_idx %arg20[%add3A_1144, %broadcast_in_dim3A_1129] : memref<64x128xf32, #tpu.memory_space<vmem>>[vector<16xi32>, vector<16xi32>], vector<16xf32>,
      %get3A_1146 = arith.constant 13 : i32
      %get3A_1147 = arith.index_cast %get3A_1146 : i32 to index
      %get3A_1148 = arith.constant 16 : index
      %get3A_1149 = tpu.vector_load %arg13[%get3A_1147, %get3A_1148] {strides = array<i32>} : memref<16x64xf32, #tpu.memory_space<vmem>>, vector<16xf32>,
      %mul3A_1150 = arith.mulf %gather3A_1145, %get3A_1149 : vector<16xf32>
      %add3A_1151 = arith.addf %add3A_1141, %mul3A_1150 : vector<16xf32>
      %add3A_1152 = arith.constant 32 : i32
      %add3A_1153 = vector.broadcast %add3A_1152 : i32 to vector<16xi32>
      %add3A_1154 = arith.addi %add3A_1153, %iota3A : vector<16xi32>
      %gather3A_1155 = tpu.vector_load_idx %arg20[%add3A_1154, %broadcast_in_dim3A_1129] : memref<64x128xf32, #tpu.memory_space<vmem>>[vector<16xi32>, vector<16xi32>], vector<16xf32>,
      %get3A_1156 = arith.constant 13 : i32
      %get3A_1157 = arith.index_cast %get3A_1156 : i32 to index
      %get3A_1158 = arith.constant 32 : index
      %get3A_1159 = tpu.vector_load %arg13[%get3A_1157, %get3A_1158] {strides = array<i32>} : memref<16x64xf32, #tpu.memory_space<vmem>>, vector<16xf32>,
      %mul3A_1160 = arith.mulf %gather3A_1155, %get3A_1159 : vector<16xf32>
      %add3A_1161 = arith.addf %add3A_1151, %mul3A_1160 : vector<16xf32>
      %add3A_1162 = arith.constant 48 : i32
      %add3A_1163 = vector.broadcast %add3A_1162 : i32 to vector<16xi32>
      %add3A_1164 = arith.addi %add3A_1163, %iota3A : vector<16xi32>
      %gather3A_1165 = tpu.vector_load_idx %arg20[%add3A_1164, %broadcast_in_dim3A_1129] : memref<64x128xf32, #tpu.memory_space<vmem>>[vector<16xi32>, vector<16xi32>], vector<16xf32>,
      %get3A_1166 = arith.constant 13 : i32
      %get3A_1167 = arith.index_cast %get3A_1166 : i32 to index
      %get3A_1168 = arith.constant 48 : index
      %get3A_1169 = tpu.vector_load %arg13[%get3A_1167, %get3A_1168] {strides = array<i32>} : memref<16x64xf32, #tpu.memory_space<vmem>>, vector<16xf32>,
      %mul3A_1170 = arith.mulf %gather3A_1165, %get3A_1169 : vector<16xf32>
      %add3A_1171 = arith.addf %add3A_1161, %mul3A_1170 : vector<16xf32>
      %eq3A_1172 = arith.constant 13 : i32
      %eq3A_1173 = vector.broadcast %eq3A_1172 : i32 to vector<16xi32>
      %eq3A_1174 = arith.cmpi eq, %iota3A, %eq3A_1173 : vector<16xi32>
      %reduce_sum3A_1175 = arith.constant true
      %reduce_sum3A_1176 = vector.broadcast %reduce_sum3A_1175 : i1 to vector<16xi1>
      %reduce_sum3A_1177 = tpu.scan <sum>, %add3A_1171 masked %reduce_sum3A_1176 : vector<16xf32>, vector<16xi1> -> vector<16xf32>
      %reduce_sum3A_1178 = vector.extract %reduce_sum3A_1177[15] : f32 from vector<16xf32>
      %broadcast_in_dim3A_1179 = vector.broadcast %reduce_sum3A_1178 : f32 to vector<16xf32>
      %select_n3A_1180 = arith.select %eq3A_1174, %broadcast_in_dim3A_1179, %select_n3A_1113 : vector<16xi1>, vector<16xf32>
      %lt3A_1181 = arith.constant 31 : i32
      %lt3A_1182 = arith.cmpi slt, %mul3A_151, %lt3A_1181 : i32
      %convert_element_type3A_1183 = arith.extui %lt3A_1182 : i1 to i32
      %cond3A_1184 = arith.constant 0 : i32
      %cond3A_1185 = arith.cmpi ne, %convert_element_type3A_1183, %cond3A_1184 : i32
      scf.if %cond3A_1185 {
        %slice3A_2519 = vector.extract_strided_slice %get3A_160 {offsets = [5], sizes = [1], strides = [1]} : vector<16xi32> to vector<1xi32>
        %squeeze3A_2520 = vector.extract %slice3A_2519[0] : i32 from vector<1xi32>
        %and3A_2521 = arith.constant 131071 : i32
        %and3A_2522 = arith.andi %squeeze3A_2520, %and3A_2521 : i32
        %shift_right_arithmetic3A_2523 = arith.constant 17 : i32
        %shift_right_arithmetic3A_2524 = arith.shrsi %squeeze3A_2520, %shift_right_arithmetic3A_2523 : i32
        %mul3A_2525 = arith.constant 64 : i32
        %mul3A_2526 = arith.muli %shift_right_arithmetic3A_2524, %mul3A_2525 : i32
        %multiple_of3A_2527 = tpu.assume_multiple %mul3A_2526, 64 : i32
        %shift_right_arithmetic3A_2528 = arith.constant 7 : i32
        %shift_right_arithmetic3A_2529 = arith.shrsi %and3A_2522, %shift_right_arithmetic3A_2528 : i32
        %mul3A_2530 = arith.constant 128 : i32
        %mul3A_2531 = arith.muli %shift_right_arithmetic3A_2529, %mul3A_2530 : i32
        %multiple_of3A_2532 = tpu.assume_multiple %mul3A_2531, 128 : i32
        %dma_start3A_2533 = tpu.memref_slice %arg2[%multiple_of3A_2527, %multiple_of3A_2532] : memref<1024x100000xf32, #tpu.memory_space<hbm>> -> memref<64x128xf32, #tpu.memory_space<hbm>>
        %dma_start3A_2534 = tpu.memref_slice %arg2[%multiple_of3A_2527, %multiple_of3A_2532] : memref<1024x100000xf32, #tpu.memory_space<hbm>> -> memref<64x128xf32, #tpu.memory_space<hbm>>
        tpu.enqueue_dma source(%dma_start3A_2534 : memref<64x128xf32, #tpu.memory_space<hbm>>) target(%arg20 : memref<64x128xf32, #tpu.memory_space<vmem>>) target_semaphore(%arg28 : memref<!tpu.dma_semaphore, #tpu.memory_space<semaphore_mem>>)
      } else {
      }
      %dma_wait3A_1186 = arith.constant 0 : i32
      %dma_wait3A_1187 = arith.constant 0 : i32
      %dma_wait3A_1188 = tpu.memref_slice %arg2[%dma_wait3A_1186, %dma_wait3A_1187] : memref<1024x100000xf32, #tpu.memory_space<hbm>> -> memref<64x128xf32, #tpu.memory_space<hbm>>
      %dma_wait3A_1189 = arith.constant 0 : i32
      %dma_wait3A_1190 = arith.constant 0 : i32
      %dma_wait3A_1191 = tpu.memref_slice %arg2[%dma_wait3A_1189, %dma_wait3A_1190] : memref<1024x100000xf32, #tpu.memory_space<hbm>> -> memref<64x128xf32, #tpu.memory_space<hbm>>
      tpu.wait_dma2 semaphore(%arg29 : memref<!tpu.dma_semaphore, #tpu.memory_space<semaphore_mem>>) src(%dma_wait3A_1191 : memref<64x128xf32, #tpu.memory_space<hbm>>) dst(%arg21 : memref<64x128xf32, #tpu.memory_space<vmem>>)
      %slice3A_1192 = vector.extract_strided_slice %get3A_155 {offsets = [14], sizes = [1], strides = [1]} : vector<16xi32> to vector<1xi32>
      %squeeze3A_1193 = vector.extract %slice3A_1192[0] : i32 from vector<1xi32>
      %and3A_1194 = arith.constant 127 : i32
      %and3A_1195 = arith.andi %squeeze3A_1193, %and3A_1194 : i32
      %broadcast_in_dim3A_1196 = vector.broadcast %and3A_1195 : i32 to vector<16xi32>
      %broadcast_in_dim3A_1197 = arith.constant 0.000000e+00 : f32
      %broadcast_in_dim3A_1198 = vector.broadcast %broadcast_in_dim3A_1197 : f32 to vector<16xf32>
      %add3A_1199 = arith.constant 0 : i32
      %add3A_1200 = vector.broadcast %add3A_1199 : i32 to vector<16xi32>
      %add3A_1201 = arith.addi %add3A_1200, %iota3A : vector<16xi32>
      %gather3A_1202 = tpu.vector_load_idx %arg21[%add3A_1201, %broadcast_in_dim3A_1196] : memref<64x128xf32, #tpu.memory_space<vmem>>[vector<16xi32>, vector<16xi32>], vector<16xf32>,
      %get3A_1203 = arith.constant 14 : i32
      %get3A_1204 = arith.index_cast %get3A_1203 : i32 to index
      %get3A_1205 = arith.constant 0 : index
      %get3A_1206 = tpu.vector_load %arg13[%get3A_1204, %get3A_1205] {strides = array<i32>} : memref<16x64xf32, #tpu.memory_space<vmem>>, vector<16xf32>,
      %mul3A_1207 = arith.mulf %gather3A_1202, %get3A_1206 : vector<16xf32>
      %add3A_1208 = arith.addf %broadcast_in_dim3A_1198, %mul3A_1207 : vector<16xf32>
      %add3A_1209 = arith.constant 16 : i32
      %add3A_1210 = vector.broadcast %add3A_1209 : i32 to vector<16xi32>
      %add3A_1211 = arith.addi %add3A_1210, %iota3A : vector<16xi32>
      %gather3A_1212 = tpu.vector_load_idx %arg21[%add3A_1211, %broadcast_in_dim3A_1196] : memref<64x128xf32, #tpu.memory_space<vmem>>[vector<16xi32>, vector<16xi32>], vector<16xf32>,
      %get3A_1213 = arith.constant 14 : i32
      %get3A_1214 = arith.index_cast %get3A_1213 : i32 to index
      %get3A_1215 = arith.constant 16 : index
      %get3A_1216 = tpu.vector_load %arg13[%get3A_1214, %get3A_1215] {strides = array<i32>} : memref<16x64xf32, #tpu.memory_space<vmem>>, vector<16xf32>,
      %mul3A_1217 = arith.mulf %gather3A_1212, %get3A_1216 : vector<16xf32>
      %add3A_1218 = arith.addf %add3A_1208, %mul3A_1217 : vector<16xf32>
      %add3A_1219 = arith.constant 32 : i32
      %add3A_1220 = vector.broadcast %add3A_1219 : i32 to vector<16xi32>
      %add3A_1221 = arith.addi %add3A_1220, %iota3A : vector<16xi32>
      %gather3A_1222 = tpu.vector_load_idx %arg21[%add3A_1221, %broadcast_in_dim3A_1196] : memref<64x128xf32, #tpu.memory_space<vmem>>[vector<16xi32>, vector<16xi32>], vector<16xf32>,
      %get3A_1223 = arith.constant 14 : i32
      %get3A_1224 = arith.index_cast %get3A_1223 : i32 to index
      %get3A_1225 = arith.constant 32 : index
      %get3A_1226 = tpu.vector_load %arg13[%get3A_1224, %get3A_1225] {strides = array<i32>} : memref<16x64xf32, #tpu.memory_space<vmem>>, vector<16xf32>,
      %mul3A_1227 = arith.mulf %gather3A_1222, %get3A_1226 : vector<16xf32>
      %add3A_1228 = arith.addf %add3A_1218, %mul3A_1227 : vector<16xf32>
      %add3A_1229 = arith.constant 48 : i32
      %add3A_1230 = vector.broadcast %add3A_1229 : i32 to vector<16xi32>
      %add3A_1231 = arith.addi %add3A_1230, %iota3A : vector<16xi32>
      %gather3A_1232 = tpu.vector_load_idx %arg21[%add3A_1231, %broadcast_in_dim3A_1196] : memref<64x128xf32, #tpu.memory_space<vmem>>[vector<16xi32>, vector<16xi32>], vector<16xf32>,
      %get3A_1233 = arith.constant 14 : i32
      %get3A_1234 = arith.index_cast %get3A_1233 : i32 to index
      %get3A_1235 = arith.constant 48 : index
      %get3A_1236 = tpu.vector_load %arg13[%get3A_1234, %get3A_1235] {strides = array<i32>} : memref<16x64xf32, #tpu.memory_space<vmem>>, vector<16xf32>,
      %mul3A_1237 = arith.mulf %gather3A_1232, %get3A_1236 : vector<16xf32>
      %add3A_1238 = arith.addf %add3A_1228, %mul3A_1237 : vector<16xf32>
      %eq3A_1239 = arith.constant 14 : i32
      %eq3A_1240 = vector.broadcast %eq3A_1239 : i32 to vector<16xi32>
      %eq3A_1241 = arith.cmpi eq, %iota3A, %eq3A_1240 : vector<16xi32>
      %reduce_sum3A_1242 = arith.constant true
      %reduce_sum3A_1243 = vector.broadcast %reduce_sum3A_1242 : i1 to vector<16xi1>
      %reduce_sum3A_1244 = tpu.scan <sum>, %add3A_1238 masked %reduce_sum3A_1243 : vector<16xf32>, vector<16xi1> -> vector<16xf32>
      %reduce_sum3A_1245 = vector.extract %reduce_sum3A_1244[15] : f32 from vector<16xf32>
      %broadcast_in_dim3A_1246 = vector.broadcast %reduce_sum3A_1245 : f32 to vector<16xf32>
      %select_n3A_1247 = arith.select %eq3A_1241, %broadcast_in_dim3A_1246, %select_n3A_1180 : vector<16xi1>, vector<16xf32>
      %lt3A_1248 = arith.constant 31 : i32
      %lt3A_1249 = arith.cmpi slt, %mul3A_151, %lt3A_1248 : i32
      %convert_element_type3A_1250 = arith.extui %lt3A_1249 : i1 to i32
      %cond3A_1251 = arith.constant 0 : i32
      %cond3A_1252 = arith.cmpi ne, %convert_element_type3A_1250, %cond3A_1251 : i32
      scf.if %cond3A_1252 {
        %slice3A_2519 = vector.extract_strided_slice %get3A_160 {offsets = [6], sizes = [1], strides = [1]} : vector<16xi32> to vector<1xi32>
        %squeeze3A_2520 = vector.extract %slice3A_2519[0] : i32 from vector<1xi32>
        %and3A_2521 = arith.constant 131071 : i32
        %and3A_2522 = arith.andi %squeeze3A_2520, %and3A_2521 : i32
        %shift_right_arithmetic3A_2523 = arith.constant 17 : i32
        %shift_right_arithmetic3A_2524 = arith.shrsi %squeeze3A_2520, %shift_right_arithmetic3A_2523 : i32
        %mul3A_2525 = arith.constant 64 : i32
        %mul3A_2526 = arith.muli %shift_right_arithmetic3A_2524, %mul3A_2525 : i32
        %multiple_of3A_2527 = tpu.assume_multiple %mul3A_2526, 64 : i32
        %shift_right_arithmetic3A_2528 = arith.constant 7 : i32
        %shift_right_arithmetic3A_2529 = arith.shrsi %and3A_2522, %shift_right_arithmetic3A_2528 : i32
        %mul3A_2530 = arith.constant 128 : i32
        %mul3A_2531 = arith.muli %shift_right_arithmetic3A_2529, %mul3A_2530 : i32
        %multiple_of3A_2532 = tpu.assume_multiple %mul3A_2531, 128 : i32
        %dma_start3A_2533 = tpu.memref_slice %arg2[%multiple_of3A_2527, %multiple_of3A_2532] : memref<1024x100000xf32, #tpu.memory_space<hbm>> -> memref<64x128xf32, #tpu.memory_space<hbm>>
        %dma_start3A_2534 = tpu.memref_slice %arg2[%multiple_of3A_2527, %multiple_of3A_2532] : memref<1024x100000xf32, #tpu.memory_space<hbm>> -> memref<64x128xf32, #tpu.memory_space<hbm>>
        tpu.enqueue_dma source(%dma_start3A_2534 : memref<64x128xf32, #tpu.memory_space<hbm>>) target(%arg21 : memref<64x128xf32, #tpu.memory_space<vmem>>) target_semaphore(%arg29 : memref<!tpu.dma_semaphore, #tpu.memory_space<semaphore_mem>>)
      } else {
      }
      %dma_wait3A_1253 = arith.constant 0 : i32
      %dma_wait3A_1254 = arith.constant 0 : i32
      %dma_wait3A_1255 = tpu.memref_slice %arg2[%dma_wait3A_1253, %dma_wait3A_1254] : memref<1024x100000xf32, #tpu.memory_space<hbm>> -> memref<64x128xf32, #tpu.memory_space<hbm>>
      %dma_wait3A_1256 = arith.constant 0 : i32
      %dma_wait3A_1257 = arith.constant 0 : i32
      %dma_wait3A_1258 = tpu.memref_slice %arg2[%dma_wait3A_1256, %dma_wait3A_1257] : memref<1024x100000xf32, #tpu.memory_space<hbm>> -> memref<64x128xf32, #tpu.memory_space<hbm>>
      tpu.wait_dma2 semaphore(%arg30 : memref<!tpu.dma_semaphore, #tpu.memory_space<semaphore_mem>>) src(%dma_wait3A_1258 : memref<64x128xf32, #tpu.memory_space<hbm>>) dst(%arg22 : memref<64x128xf32, #tpu.memory_space<vmem>>)
      %slice3A_1259 = vector.extract_strided_slice %get3A_155 {offsets = [15], sizes = [1], strides = [1]} : vector<16xi32> to vector<1xi32>
      %squeeze3A_1260 = vector.extract %slice3A_1259[0] : i32 from vector<1xi32>
      %and3A_1261 = arith.constant 127 : i32
      %and3A_1262 = arith.andi %squeeze3A_1260, %and3A_1261 : i32
      %broadcast_in_dim3A_1263 = vector.broadcast %and3A_1262 : i32 to vector<16xi32>
      %broadcast_in_dim3A_1264 = arith.constant 0.000000e+00 : f32
      %broadcast_in_dim3A_1265 = vector.broadcast %broadcast_in_dim3A_1264 : f32 to vector<16xf32>
      %add3A_1266 = arith.constant 0 : i32
      %add3A_1267 = vector.broadcast %add3A_1266 : i32 to vector<16xi32>
      %add3A_1268 = arith.addi %add3A_1267, %iota3A : vector<16xi32>
      %gather3A_1269 = tpu.vector_load_idx %arg22[%add3A_1268, %broadcast_in_dim3A_1263] : memref<64x128xf32, #tpu.memory_space<vmem>>[vector<16xi32>, vector<16xi32>], vector<16xf32>,
      %get3A_1270 = arith.constant 15 : i32
      %get3A_1271 = arith.index_cast %get3A_1270 : i32 to index
      %get3A_1272 = arith.constant 0 : index
      %get3A_1273 = tpu.vector_load %arg13[%get3A_1271, %get3A_1272] {strides = array<i32>} : memref<16x64xf32, #tpu.memory_space<vmem>>, vector<16xf32>,
      %mul3A_1274 = arith.mulf %gather3A_1269, %get3A_1273 : vector<16xf32>
      %add3A_1275 = arith.addf %broadcast_in_dim3A_1265, %mul3A_1274 : vector<16xf32>
      %add3A_1276 = arith.constant 16 : i32
      %add3A_1277 = vector.broadcast %add3A_1276 : i32 to vector<16xi32>
      %add3A_1278 = arith.addi %add3A_1277, %iota3A : vector<16xi32>
      %gather3A_1279 = tpu.vector_load_idx %arg22[%add3A_1278, %broadcast_in_dim3A_1263] : memref<64x128xf32, #tpu.memory_space<vmem>>[vector<16xi32>, vector<16xi32>], vector<16xf32>,
      %get3A_1280 = arith.constant 15 : i32
      %get3A_1281 = arith.index_cast %get3A_1280 : i32 to index
      %get3A_1282 = arith.constant 16 : index
      %get3A_1283 = tpu.vector_load %arg13[%get3A_1281, %get3A_1282] {strides = array<i32>} : memref<16x64xf32, #tpu.memory_space<vmem>>, vector<16xf32>,
      %mul3A_1284 = arith.mulf %gather3A_1279, %get3A_1283 : vector<16xf32>
      %add3A_1285 = arith.addf %add3A_1275, %mul3A_1284 : vector<16xf32>
      %add3A_1286 = arith.constant 32 : i32
      %add3A_1287 = vector.broadcast %add3A_1286 : i32 to vector<16xi32>
      %add3A_1288 = arith.addi %add3A_1287, %iota3A : vector<16xi32>
      %gather3A_1289 = tpu.vector_load_idx %arg22[%add3A_1288, %broadcast_in_dim3A_1263] : memref<64x128xf32, #tpu.memory_space<vmem>>[vector<16xi32>, vector<16xi32>], vector<16xf32>,
      %get3A_1290 = arith.constant 15 : i32
      %get3A_1291 = arith.index_cast %get3A_1290 : i32 to index
      %get3A_1292 = arith.constant 32 : index
      %get3A_1293 = tpu.vector_load %arg13[%get3A_1291, %get3A_1292] {strides = array<i32>} : memref<16x64xf32, #tpu.memory_space<vmem>>, vector<16xf32>,
      %mul3A_1294 = arith.mulf %gather3A_1289, %get3A_1293 : vector<16xf32>
      %add3A_1295 = arith.addf %add3A_1285, %mul3A_1294 : vector<16xf32>
      %add3A_1296 = arith.constant 48 : i32
      %add3A_1297 = vector.broadcast %add3A_1296 : i32 to vector<16xi32>
      %add3A_1298 = arith.addi %add3A_1297, %iota3A : vector<16xi32>
      %gather3A_1299 = tpu.vector_load_idx %arg22[%add3A_1298, %broadcast_in_dim3A_1263] : memref<64x128xf32, #tpu.memory_space<vmem>>[vector<16xi32>, vector<16xi32>], vector<16xf32>,
      %get3A_1300 = arith.constant 15 : i32
      %get3A_1301 = arith.index_cast %get3A_1300 : i32 to index
      %get3A_1302 = arith.constant 48 : index
      %get3A_1303 = tpu.vector_load %arg13[%get3A_1301, %get3A_1302] {strides = array<i32>} : memref<16x64xf32, #tpu.memory_space<vmem>>, vector<16xf32>,
      %mul3A_1304 = arith.mulf %gather3A_1299, %get3A_1303 : vector<16xf32>
      %add3A_1305 = arith.addf %add3A_1295, %mul3A_1304 : vector<16xf32>
      %eq3A_1306 = arith.constant 15 : i32
      %eq3A_1307 = vector.broadcast %eq3A_1306 : i32 to vector<16xi32>
      %eq3A_1308 = arith.cmpi eq, %iota3A, %eq3A_1307 : vector<16xi32>
      %reduce_sum3A_1309 = arith.constant true
      %reduce_sum3A_1310 = vector.broadcast %reduce_sum3A_1309 : i1 to vector<16xi1>
      %reduce_sum3A_1311 = tpu.scan <sum>, %add3A_1305 masked %reduce_sum3A_1310 : vector<16xf32>, vector<16xi1> -> vector<16xf32>
      %reduce_sum3A_1312 = vector.extract %reduce_sum3A_1311[15] : f32 from vector<16xf32>
      %broadcast_in_dim3A_1313 = vector.broadcast %reduce_sum3A_1312 : f32 to vector<16xf32>
      %select_n3A_1314 = arith.select %eq3A_1308, %broadcast_in_dim3A_1313, %select_n3A_1247 : vector<16xi1>, vector<16xf32>
      %lt3A_1315 = arith.constant 31 : i32
      %lt3A_1316 = arith.cmpi slt, %mul3A_151, %lt3A_1315 : i32
      %convert_element_type3A_1317 = arith.extui %lt3A_1316 : i1 to i32
      %cond3A_1318 = arith.constant 0 : i32
      %cond3A_1319 = arith.cmpi ne, %convert_element_type3A_1317, %cond3A_1318 : i32
      scf.if %cond3A_1319 {
        %slice3A_2519 = vector.extract_strided_slice %get3A_160 {offsets = [7], sizes = [1], strides = [1]} : vector<16xi32> to vector<1xi32>
        %squeeze3A_2520 = vector.extract %slice3A_2519[0] : i32 from vector<1xi32>
        %and3A_2521 = arith.constant 131071 : i32
        %and3A_2522 = arith.andi %squeeze3A_2520, %and3A_2521 : i32
        %shift_right_arithmetic3A_2523 = arith.constant 17 : i32
        %shift_right_arithmetic3A_2524 = arith.shrsi %squeeze3A_2520, %shift_right_arithmetic3A_2523 : i32
        %mul3A_2525 = arith.constant 64 : i32
        %mul3A_2526 = arith.muli %shift_right_arithmetic3A_2524, %mul3A_2525 : i32
        %multiple_of3A_2527 = tpu.assume_multiple %mul3A_2526, 64 : i32
        %shift_right_arithmetic3A_2528 = arith.constant 7 : i32
        %shift_right_arithmetic3A_2529 = arith.shrsi %and3A_2522, %shift_right_arithmetic3A_2528 : i32
        %mul3A_2530 = arith.constant 128 : i32
        %mul3A_2531 = arith.muli %shift_right_arithmetic3A_2529, %mul3A_2530 : i32
        %multiple_of3A_2532 = tpu.assume_multiple %mul3A_2531, 128 : i32
        %dma_start3A_2533 = tpu.memref_slice %arg2[%multiple_of3A_2527, %multiple_of3A_2532] : memref<1024x100000xf32, #tpu.memory_space<hbm>> -> memref<64x128xf32, #tpu.memory_space<hbm>>
        %dma_start3A_2534 = tpu.memref_slice %arg2[%multiple_of3A_2527, %multiple_of3A_2532] : memref<1024x100000xf32, #tpu.memory_space<hbm>> -> memref<64x128xf32, #tpu.memory_space<hbm>>
        tpu.enqueue_dma source(%dma_start3A_2534 : memref<64x128xf32, #tpu.memory_space<hbm>>) target(%arg22 : memref<64x128xf32, #tpu.memory_space<vmem>>) target_semaphore(%arg30 : memref<!tpu.dma_semaphore, #tpu.memory_space<semaphore_mem>>)
      } else {
      }
      %swap3A = arith.index_cast %mul3A_153 : i32 to index
      %swap3A_1320 = tpu.vector_load %arg12[%swap3A] {strides = array<i32>} : memref<512xf32, #tpu.memory_space<vmem>>, vector<16xf32>,
      tpu.vector_store %arg12[%swap3A], %select_n3A_1314 {strides = array<i32>} : memref<512xf32, #tpu.memory_space<vmem>>, vector<16xf32>,
      %add3A_1321 = arith.constant 2 : i32
      %add3A_1322 = arith.addi %mul3A_151, %add3A_1321 : i32
      %lt3A_1323 = arith.constant 32 : i32
      %lt3A_1324 = arith.cmpi slt, %add3A_1322, %lt3A_1323 : i32
      %convert_element_type3A_1325 = arith.extui %lt3A_1324 : i1 to i32
      %cond3A_1326 = arith.constant 0 : i32
      %cond3A_1327 = arith.cmpi ne, %convert_element_type3A_1325, %cond3A_1326 : i32
      scf.if %cond3A_1327 {
        %add3A_2519 = arith.constant 32 : i32
        %add3A_2520 = arith.addi %mul3A_153, %add3A_2519 : i32
        %add3A_2521 = arith.addi %mul3A_2, %add3A_2520 : i32
        %dma_start3A_2522 = arith.constant 0 : i32
        %dma_start3A_2523 = tpu.memref_slice %arg3[%add3A_2521, %dma_start3A_2522] : memref<16384x64xf32, #tpu.memory_space<hbm>> -> memref<16x64xf32, #tpu.memory_space<hbm>>
        %dma_start3A_2524 = arith.constant 0 : i32
        %dma_start3A_2525 = tpu.memref_slice %arg3[%add3A_2521, %dma_start3A_2524] : memref<16384x64xf32, #tpu.memory_space<hbm>> -> memref<16x64xf32, #tpu.memory_space<hbm>>
        tpu.enqueue_dma source(%dma_start3A_2525 : memref<16x64xf32, #tpu.memory_space<hbm>>) target(%arg13 : memref<16x64xf32, #tpu.memory_space<vmem>>) target_semaphore(%arg31 : memref<!tpu.dma_semaphore, #tpu.memory_space<semaphore_mem>>)
      } else {
      }
      %mul3A_1328 = arith.constant 2 : i32
      %mul3A_1329 = arith.muli %mul3A_1328, %scan3A_149 : i32
      %add3A_1330 = arith.constant 1 : i32
      %add3A_1331 = arith.addi %mul3A_1329, %add3A_1330 : i32
      %mul3A_1332 = arith.constant 16 : i32
      %mul3A_1333 = arith.muli %add3A_1331, %mul3A_1332 : i32
      %get3A_1334 = arith.index_cast %mul3A_1333 : i32 to index
      %get3A_1335 = tpu.vector_load %arg11[%get3A_1334] {strides = array<i32>} : memref<512xi32, #tpu.memory_space<vmem>>, vector<16xi32>,
      %add3A_1336 = arith.constant 16 : i32
      %add3A_1337 = arith.addi %mul3A_1333, %add3A_1336 : i32
      %min3A_1338 = arith.constant 496 : i32
      %min3A_1339 = arith.minsi %add3A_1337, %min3A_1338 : i32
      %get3A_1340 = arith.index_cast %min3A_1339 : i32 to index
      %get3A_1341 = tpu.vector_load %arg11[%get3A_1340] {strides = array<i32>} : memref<512xi32, #tpu.memory_space<vmem>>, vector<16xi32>,
      %dma_wait3A_1342 = arith.constant 0 : i32
      %dma_wait3A_1343 = arith.constant 0 : i32
      %dma_wait3A_1344 = tpu.memref_slice %arg3[%dma_wait3A_1342, %dma_wait3A_1343] : memref<16384x64xf32, #tpu.memory_space<hbm>> -> memref<16x64xf32, #tpu.memory_space<hbm>>
      %dma_wait3A_1345 = arith.constant 0 : i32
      %dma_wait3A_1346 = arith.constant 0 : i32
      %dma_wait3A_1347 = tpu.memref_slice %arg3[%dma_wait3A_1345, %dma_wait3A_1346] : memref<16384x64xf32, #tpu.memory_space<hbm>> -> memref<16x64xf32, #tpu.memory_space<hbm>>
      tpu.wait_dma2 semaphore(%arg32 : memref<!tpu.dma_semaphore, #tpu.memory_space<semaphore_mem>>) src(%dma_wait3A_1347 : memref<16x64xf32, #tpu.memory_space<hbm>>) dst(%arg14 : memref<16x64xf32, #tpu.memory_space<vmem>>)
      %broadcast_in_dim3A_1348 = arith.constant 0.000000e+00 : f32
      %broadcast_in_dim3A_1349 = vector.broadcast %broadcast_in_dim3A_1348 : f32 to vector<16xf32>
      %dma_wait3A_1350 = arith.constant 0 : i32
      %dma_wait3A_1351 = arith.constant 0 : i32
      %dma_wait3A_1352 = tpu.memref_slice %arg2[%dma_wait3A_1350, %dma_wait3A_1351] : memref<1024x100000xf32, #tpu.memory_space<hbm>> -> memref<64x128xf32, #tpu.memory_space<hbm>>
      %dma_wait3A_1353 = arith.constant 0 : i32
      %dma_wait3A_1354 = arith.constant 0 : i32
      %dma_wait3A_1355 = tpu.memref_slice %arg2[%dma_wait3A_1353, %dma_wait3A_1354] : memref<1024x100000xf32, #tpu.memory_space<hbm>> -> memref<64x128xf32, #tpu.memory_space<hbm>>
      tpu.wait_dma2 semaphore(%arg23 : memref<!tpu.dma_semaphore, #tpu.memory_space<semaphore_mem>>) src(%dma_wait3A_1355 : memref<64x128xf32, #tpu.memory_space<hbm>>) dst(%arg15 : memref<64x128xf32, #tpu.memory_space<vmem>>)
      %slice3A_1356 = vector.extract_strided_slice %get3A_1335 {offsets = [0], sizes = [1], strides = [1]} : vector<16xi32> to vector<1xi32>
      %squeeze3A_1357 = vector.extract %slice3A_1356[0] : i32 from vector<1xi32>
      %and3A_1358 = arith.constant 127 : i32
      %and3A_1359 = arith.andi %squeeze3A_1357, %and3A_1358 : i32
      %broadcast_in_dim3A_1360 = vector.broadcast %and3A_1359 : i32 to vector<16xi32>
      %broadcast_in_dim3A_1361 = arith.constant 0.000000e+00 : f32
      %broadcast_in_dim3A_1362 = vector.broadcast %broadcast_in_dim3A_1361 : f32 to vector<16xf32>
      %add3A_1363 = arith.constant 0 : i32
      %add3A_1364 = vector.broadcast %add3A_1363 : i32 to vector<16xi32>
      %add3A_1365 = arith.addi %add3A_1364, %iota3A : vector<16xi32>
      %gather3A_1366 = tpu.vector_load_idx %arg15[%add3A_1365, %broadcast_in_dim3A_1360] : memref<64x128xf32, #tpu.memory_space<vmem>>[vector<16xi32>, vector<16xi32>], vector<16xf32>,
      %get3A_1367 = arith.constant 0 : i32
      %get3A_1368 = arith.index_cast %get3A_1367 : i32 to index
      %get3A_1369 = arith.constant 0 : index
      %get3A_1370 = tpu.vector_load %arg14[%get3A_1368, %get3A_1369] {strides = array<i32>} : memref<16x64xf32, #tpu.memory_space<vmem>>, vector<16xf32>,
      %mul3A_1371 = arith.mulf %gather3A_1366, %get3A_1370 : vector<16xf32>
      %add3A_1372 = arith.addf %broadcast_in_dim3A_1362, %mul3A_1371 : vector<16xf32>
      %add3A_1373 = arith.constant 16 : i32
      %add3A_1374 = vector.broadcast %add3A_1373 : i32 to vector<16xi32>
      %add3A_1375 = arith.addi %add3A_1374, %iota3A : vector<16xi32>
      %gather3A_1376 = tpu.vector_load_idx %arg15[%add3A_1375, %broadcast_in_dim3A_1360] : memref<64x128xf32, #tpu.memory_space<vmem>>[vector<16xi32>, vector<16xi32>], vector<16xf32>,
      %get3A_1377 = arith.constant 0 : i32
      %get3A_1378 = arith.index_cast %get3A_1377 : i32 to index
      %get3A_1379 = arith.constant 16 : index
      %get3A_1380 = tpu.vector_load %arg14[%get3A_1378, %get3A_1379] {strides = array<i32>} : memref<16x64xf32, #tpu.memory_space<vmem>>, vector<16xf32>,
      %mul3A_1381 = arith.mulf %gather3A_1376, %get3A_1380 : vector<16xf32>
      %add3A_1382 = arith.addf %add3A_1372, %mul3A_1381 : vector<16xf32>
      %add3A_1383 = arith.constant 32 : i32
      %add3A_1384 = vector.broadcast %add3A_1383 : i32 to vector<16xi32>
      %add3A_1385 = arith.addi %add3A_1384, %iota3A : vector<16xi32>
      %gather3A_1386 = tpu.vector_load_idx %arg15[%add3A_1385, %broadcast_in_dim3A_1360] : memref<64x128xf32, #tpu.memory_space<vmem>>[vector<16xi32>, vector<16xi32>], vector<16xf32>,
      %get3A_1387 = arith.constant 0 : i32
      %get3A_1388 = arith.index_cast %get3A_1387 : i32 to index
      %get3A_1389 = arith.constant 32 : index
      %get3A_1390 = tpu.vector_load %arg14[%get3A_1388, %get3A_1389] {strides = array<i32>} : memref<16x64xf32, #tpu.memory_space<vmem>>, vector<16xf32>,
      %mul3A_1391 = arith.mulf %gather3A_1386, %get3A_1390 : vector<16xf32>
      %add3A_1392 = arith.addf %add3A_1382, %mul3A_1391 : vector<16xf32>
      %add3A_1393 = arith.constant 48 : i32
      %add3A_1394 = vector.broadcast %add3A_1393 : i32 to vector<16xi32>
      %add3A_1395 = arith.addi %add3A_1394, %iota3A : vector<16xi32>
      %gather3A_1396 = tpu.vector_load_idx %arg15[%add3A_1395, %broadcast_in_dim3A_1360] : memref<64x128xf32, #tpu.memory_space<vmem>>[vector<16xi32>, vector<16xi32>], vector<16xf32>,
      %get3A_1397 = arith.constant 0 : i32
      %get3A_1398 = arith.index_cast %get3A_1397 : i32 to index
      %get3A_1399 = arith.constant 48 : index
      %get3A_1400 = tpu.vector_load %arg14[%get3A_1398, %get3A_1399] {strides = array<i32>} : memref<16x64xf32, #tpu.memory_space<vmem>>, vector<16xf32>,
      %mul3A_1401 = arith.mulf %gather3A_1396, %get3A_1400 : vector<16xf32>
      %add3A_1402 = arith.addf %add3A_1392, %mul3A_1401 : vector<16xf32>
      %eq3A_1403 = arith.constant 0 : i32
      %eq3A_1404 = vector.broadcast %eq3A_1403 : i32 to vector<16xi32>
      %eq3A_1405 = arith.cmpi eq, %iota3A, %eq3A_1404 : vector<16xi32>
      %reduce_sum3A_1406 = arith.constant true
      %reduce_sum3A_1407 = vector.broadcast %reduce_sum3A_1406 : i1 to vector<16xi1>
      %reduce_sum3A_1408 = tpu.scan <sum>, %add3A_1402 masked %reduce_sum3A_1407 : vector<16xf32>, vector<16xi1> -> vector<16xf32>
      %reduce_sum3A_1409 = vector.extract %reduce_sum3A_1408[15] : f32 from vector<16xf32>
      %broadcast_in_dim3A_1410 = vector.broadcast %reduce_sum3A_1409 : f32 to vector<16xf32>
      %select_n3A_1411 = arith.select %eq3A_1405, %broadcast_in_dim3A_1410, %broadcast_in_dim3A_1349 : vector<16xi1>, vector<16xf32>
      %slice3A_1412 = vector.extract_strided_slice %get3A_1335 {offsets = [8], sizes = [1], strides = [1]} : vector<16xi32> to vector<1xi32>
      %squeeze3A_1413 = vector.extract %slice3A_1412[0] : i32 from vector<1xi32>
      %and3A_1414 = arith.constant 131071 : i32
      %and3A_1415 = arith.andi %squeeze3A_1413, %and3A_1414 : i32
      %shift_right_arithmetic3A_1416 = arith.constant 17 : i32
      %shift_right_arithmetic3A_1417 = arith.shrsi %squeeze3A_1413, %shift_right_arithmetic3A_1416 : i32
      %mul3A_1418 = arith.constant 64 : i32
      %mul3A_1419 = arith.muli %shift_right_arithmetic3A_1417, %mul3A_1418 : i32
      %multiple_of3A_1420 = tpu.assume_multiple %mul3A_1419, 64 : i32
      %shift_right_arithmetic3A_1421 = arith.constant 7 : i32
      %shift_right_arithmetic3A_1422 = arith.shrsi %and3A_1415, %shift_right_arithmetic3A_1421 : i32
      %mul3A_1423 = arith.constant 128 : i32
      %mul3A_1424 = arith.muli %shift_right_arithmetic3A_1422, %mul3A_1423 : i32
      %multiple_of3A_1425 = tpu.assume_multiple %mul3A_1424, 128 : i32
      %dma_start3A_1426 = tpu.memref_slice %arg2[%multiple_of3A_1420, %multiple_of3A_1425] : memref<1024x100000xf32, #tpu.memory_space<hbm>> -> memref<64x128xf32, #tpu.memory_space<hbm>>
      %dma_start3A_1427 = tpu.memref_slice %arg2[%multiple_of3A_1420, %multiple_of3A_1425] : memref<1024x100000xf32, #tpu.memory_space<hbm>> -> memref<64x128xf32, #tpu.memory_space<hbm>>
      tpu.enqueue_dma source(%dma_start3A_1427 : memref<64x128xf32, #tpu.memory_space<hbm>>) target(%arg15 : memref<64x128xf32, #tpu.memory_space<vmem>>) target_semaphore(%arg23 : memref<!tpu.dma_semaphore, #tpu.memory_space<semaphore_mem>>)
      %dma_wait3A_1428 = arith.constant 0 : i32
      %dma_wait3A_1429 = arith.constant 0 : i32
      %dma_wait3A_1430 = tpu.memref_slice %arg2[%dma_wait3A_1428, %dma_wait3A_1429] : memref<1024x100000xf32, #tpu.memory_space<hbm>> -> memref<64x128xf32, #tpu.memory_space<hbm>>
      %dma_wait3A_1431 = arith.constant 0 : i32
      %dma_wait3A_1432 = arith.constant 0 : i32
      %dma_wait3A_1433 = tpu.memref_slice %arg2[%dma_wait3A_1431, %dma_wait3A_1432] : memref<1024x100000xf32, #tpu.memory_space<hbm>> -> memref<64x128xf32, #tpu.memory_space<hbm>>
      tpu.wait_dma2 semaphore(%arg24 : memref<!tpu.dma_semaphore, #tpu.memory_space<semaphore_mem>>) src(%dma_wait3A_1433 : memref<64x128xf32, #tpu.memory_space<hbm>>) dst(%arg16 : memref<64x128xf32, #tpu.memory_space<vmem>>)
      %slice3A_1434 = vector.extract_strided_slice %get3A_1335 {offsets = [1], sizes = [1], strides = [1]} : vector<16xi32> to vector<1xi32>
      %squeeze3A_1435 = vector.extract %slice3A_1434[0] : i32 from vector<1xi32>
      %and3A_1436 = arith.constant 127 : i32
      %and3A_1437 = arith.andi %squeeze3A_1435, %and3A_1436 : i32
      %broadcast_in_dim3A_1438 = vector.broadcast %and3A_1437 : i32 to vector<16xi32>
      %broadcast_in_dim3A_1439 = arith.constant 0.000000e+00 : f32
      %broadcast_in_dim3A_1440 = vector.broadcast %broadcast_in_dim3A_1439 : f32 to vector<16xf32>
      %add3A_1441 = arith.constant 0 : i32
      %add3A_1442 = vector.broadcast %add3A_1441 : i32 to vector<16xi32>
      %add3A_1443 = arith.addi %add3A_1442, %iota3A : vector<16xi32>
      %gather3A_1444 = tpu.vector_load_idx %arg16[%add3A_1443, %broadcast_in_dim3A_1438] : memref<64x128xf32, #tpu.memory_space<vmem>>[vector<16xi32>, vector<16xi32>], vector<16xf32>,
      %get3A_1445 = arith.constant 1 : i32
      %get3A_1446 = arith.index_cast %get3A_1445 : i32 to index
      %get3A_1447 = arith.constant 0 : index
      %get3A_1448 = tpu.vector_load %arg14[%get3A_1446, %get3A_1447] {strides = array<i32>} : memref<16x64xf32, #tpu.memory_space<vmem>>, vector<16xf32>,
      %mul3A_1449 = arith.mulf %gather3A_1444, %get3A_1448 : vector<16xf32>
      %add3A_1450 = arith.addf %broadcast_in_dim3A_1440, %mul3A_1449 : vector<16xf32>
      %add3A_1451 = arith.constant 16 : i32
      %add3A_1452 = vector.broadcast %add3A_1451 : i32 to vector<16xi32>
      %add3A_1453 = arith.addi %add3A_1452, %iota3A : vector<16xi32>
      %gather3A_1454 = tpu.vector_load_idx %arg16[%add3A_1453, %broadcast_in_dim3A_1438] : memref<64x128xf32, #tpu.memory_space<vmem>>[vector<16xi32>, vector<16xi32>], vector<16xf32>,
      %get3A_1455 = arith.constant 1 : i32
      %get3A_1456 = arith.index_cast %get3A_1455 : i32 to index
      %get3A_1457 = arith.constant 16 : index
      %get3A_1458 = tpu.vector_load %arg14[%get3A_1456, %get3A_1457] {strides = array<i32>} : memref<16x64xf32, #tpu.memory_space<vmem>>, vector<16xf32>,
      %mul3A_1459 = arith.mulf %gather3A_1454, %get3A_1458 : vector<16xf32>
      %add3A_1460 = arith.addf %add3A_1450, %mul3A_1459 : vector<16xf32>
      %add3A_1461 = arith.constant 32 : i32
      %add3A_1462 = vector.broadcast %add3A_1461 : i32 to vector<16xi32>
      %add3A_1463 = arith.addi %add3A_1462, %iota3A : vector<16xi32>
      %gather3A_1464 = tpu.vector_load_idx %arg16[%add3A_1463, %broadcast_in_dim3A_1438] : memref<64x128xf32, #tpu.memory_space<vmem>>[vector<16xi32>, vector<16xi32>], vector<16xf32>,
      %get3A_1465 = arith.constant 1 : i32
      %get3A_1466 = arith.index_cast %get3A_1465 : i32 to index
      %get3A_1467 = arith.constant 32 : index
      %get3A_1468 = tpu.vector_load %arg14[%get3A_1466, %get3A_1467] {strides = array<i32>} : memref<16x64xf32, #tpu.memory_space<vmem>>, vector<16xf32>,
      %mul3A_1469 = arith.mulf %gather3A_1464, %get3A_1468 : vector<16xf32>
      %add3A_1470 = arith.addf %add3A_1460, %mul3A_1469 : vector<16xf32>
      %add3A_1471 = arith.constant 48 : i32
      %add3A_1472 = vector.broadcast %add3A_1471 : i32 to vector<16xi32>
      %add3A_1473 = arith.addi %add3A_1472, %iota3A : vector<16xi32>
      %gather3A_1474 = tpu.vector_load_idx %arg16[%add3A_1473, %broadcast_in_dim3A_1438] : memref<64x128xf32, #tpu.memory_space<vmem>>[vector<16xi32>, vector<16xi32>], vector<16xf32>,
      %get3A_1475 = arith.constant 1 : i32
      %get3A_1476 = arith.index_cast %get3A_1475 : i32 to index
      %get3A_1477 = arith.constant 48 : index
      %get3A_1478 = tpu.vector_load %arg14[%get3A_1476, %get3A_1477] {strides = array<i32>} : memref<16x64xf32, #tpu.memory_space<vmem>>, vector<16xf32>,
      %mul3A_1479 = arith.mulf %gather3A_1474, %get3A_1478 : vector<16xf32>
      %add3A_1480 = arith.addf %add3A_1470, %mul3A_1479 : vector<16xf32>
      %eq3A_1481 = arith.constant 1 : i32
      %eq3A_1482 = vector.broadcast %eq3A_1481 : i32 to vector<16xi32>
      %eq3A_1483 = arith.cmpi eq, %iota3A, %eq3A_1482 : vector<16xi32>
      %reduce_sum3A_1484 = arith.constant true
      %reduce_sum3A_1485 = vector.broadcast %reduce_sum3A_1484 : i1 to vector<16xi1>
      %reduce_sum3A_1486 = tpu.scan <sum>, %add3A_1480 masked %reduce_sum3A_1485 : vector<16xf32>, vector<16xi1> -> vector<16xf32>
      %reduce_sum3A_1487 = vector.extract %reduce_sum3A_1486[15] : f32 from vector<16xf32>
      %broadcast_in_dim3A_1488 = vector.broadcast %reduce_sum3A_1487 : f32 to vector<16xf32>
      %select_n3A_1489 = arith.select %eq3A_1483, %broadcast_in_dim3A_1488, %select_n3A_1411 : vector<16xi1>, vector<16xf32>
      %slice3A_1490 = vector.extract_strided_slice %get3A_1335 {offsets = [9], sizes = [1], strides = [1]} : vector<16xi32> to vector<1xi32>
      %squeeze3A_1491 = vector.extract %slice3A_1490[0] : i32 from vector<1xi32>
      %and3A_1492 = arith.constant 131071 : i32
      %and3A_1493 = arith.andi %squeeze3A_1491, %and3A_1492 : i32
      %shift_right_arithmetic3A_1494 = arith.constant 17 : i32
      %shift_right_arithmetic3A_1495 = arith.shrsi %squeeze3A_1491, %shift_right_arithmetic3A_1494 : i32
      %mul3A_1496 = arith.constant 64 : i32
      %mul3A_1497 = arith.muli %shift_right_arithmetic3A_1495, %mul3A_1496 : i32
      %multiple_of3A_1498 = tpu.assume_multiple %mul3A_1497, 64 : i32
      %shift_right_arithmetic3A_1499 = arith.constant 7 : i32
      %shift_right_arithmetic3A_1500 = arith.shrsi %and3A_1493, %shift_right_arithmetic3A_1499 : i32
      %mul3A_1501 = arith.constant 128 : i32
      %mul3A_1502 = arith.muli %shift_right_arithmetic3A_1500, %mul3A_1501 : i32
      %multiple_of3A_1503 = tpu.assume_multiple %mul3A_1502, 128 : i32
      %dma_start3A_1504 = tpu.memref_slice %arg2[%multiple_of3A_1498, %multiple_of3A_1503] : memref<1024x100000xf32, #tpu.memory_space<hbm>> -> memref<64x128xf32, #tpu.memory_space<hbm>>
      %dma_start3A_1505 = tpu.memref_slice %arg2[%multiple_of3A_1498, %multiple_of3A_1503] : memref<1024x100000xf32, #tpu.memory_space<hbm>> -> memref<64x128xf32, #tpu.memory_space<hbm>>
      tpu.enqueue_dma source(%dma_start3A_1505 : memref<64x128xf32, #tpu.memory_space<hbm>>) target(%arg16 : memref<64x128xf32, #tpu.memory_space<vmem>>) target_semaphore(%arg24 : memref<!tpu.dma_semaphore, #tpu.memory_space<semaphore_mem>>)
      %dma_wait3A_1506 = arith.constant 0 : i32
      %dma_wait3A_1507 = arith.constant 0 : i32
      %dma_wait3A_1508 = tpu.memref_slice %arg2[%dma_wait3A_1506, %dma_wait3A_1507] : memref<1024x100000xf32, #tpu.memory_space<hbm>> -> memref<64x128xf32, #tpu.memory_space<hbm>>
      %dma_wait3A_1509 = arith.constant 0 : i32
      %dma_wait3A_1510 = arith.constant 0 : i32
      %dma_wait3A_1511 = tpu.memref_slice %arg2[%dma_wait3A_1509, %dma_wait3A_1510] : memref<1024x100000xf32, #tpu.memory_space<hbm>> -> memref<64x128xf32, #tpu.memory_space<hbm>>
      tpu.wait_dma2 semaphore(%arg25 : memref<!tpu.dma_semaphore, #tpu.memory_space<semaphore_mem>>) src(%dma_wait3A_1511 : memref<64x128xf32, #tpu.memory_space<hbm>>) dst(%arg17 : memref<64x128xf32, #tpu.memory_space<vmem>>)
      %slice3A_1512 = vector.extract_strided_slice %get3A_1335 {offsets = [2], sizes = [1], strides = [1]} : vector<16xi32> to vector<1xi32>
      %squeeze3A_1513 = vector.extract %slice3A_1512[0] : i32 from vector<1xi32>
      %and3A_1514 = arith.constant 127 : i32
      %and3A_1515 = arith.andi %squeeze3A_1513, %and3A_1514 : i32
      %broadcast_in_dim3A_1516 = vector.broadcast %and3A_1515 : i32 to vector<16xi32>
      %broadcast_in_dim3A_1517 = arith.constant 0.000000e+00 : f32
      %broadcast_in_dim3A_1518 = vector.broadcast %broadcast_in_dim3A_1517 : f32 to vector<16xf32>
      %add3A_1519 = arith.constant 0 : i32
      %add3A_1520 = vector.broadcast %add3A_1519 : i32 to vector<16xi32>
      %add3A_1521 = arith.addi %add3A_1520, %iota3A : vector<16xi32>
      %gather3A_1522 = tpu.vector_load_idx %arg17[%add3A_1521, %broadcast_in_dim3A_1516] : memref<64x128xf32, #tpu.memory_space<vmem>>[vector<16xi32>, vector<16xi32>], vector<16xf32>,
      %get3A_1523 = arith.constant 2 : i32
      %get3A_1524 = arith.index_cast %get3A_1523 : i32 to index
      %get3A_1525 = arith.constant 0 : index
      %get3A_1526 = tpu.vector_load %arg14[%get3A_1524, %get3A_1525] {strides = array<i32>} : memref<16x64xf32, #tpu.memory_space<vmem>>, vector<16xf32>,
      %mul3A_1527 = arith.mulf %gather3A_1522, %get3A_1526 : vector<16xf32>
      %add3A_1528 = arith.addf %broadcast_in_dim3A_1518, %mul3A_1527 : vector<16xf32>
      %add3A_1529 = arith.constant 16 : i32
      %add3A_1530 = vector.broadcast %add3A_1529 : i32 to vector<16xi32>
      %add3A_1531 = arith.addi %add3A_1530, %iota3A : vector<16xi32>
      %gather3A_1532 = tpu.vector_load_idx %arg17[%add3A_1531, %broadcast_in_dim3A_1516] : memref<64x128xf32, #tpu.memory_space<vmem>>[vector<16xi32>, vector<16xi32>], vector<16xf32>,
      %get3A_1533 = arith.constant 2 : i32
      %get3A_1534 = arith.index_cast %get3A_1533 : i32 to index
      %get3A_1535 = arith.constant 16 : index
      %get3A_1536 = tpu.vector_load %arg14[%get3A_1534, %get3A_1535] {strides = array<i32>} : memref<16x64xf32, #tpu.memory_space<vmem>>, vector<16xf32>,
      %mul3A_1537 = arith.mulf %gather3A_1532, %get3A_1536 : vector<16xf32>
      %add3A_1538 = arith.addf %add3A_1528, %mul3A_1537 : vector<16xf32>
      %add3A_1539 = arith.constant 32 : i32
      %add3A_1540 = vector.broadcast %add3A_1539 : i32 to vector<16xi32>
      %add3A_1541 = arith.addi %add3A_1540, %iota3A : vector<16xi32>
      %gather3A_1542 = tpu.vector_load_idx %arg17[%add3A_1541, %broadcast_in_dim3A_1516] : memref<64x128xf32, #tpu.memory_space<vmem>>[vector<16xi32>, vector<16xi32>], vector<16xf32>,
      %get3A_1543 = arith.constant 2 : i32
      %get3A_1544 = arith.index_cast %get3A_1543 : i32 to index
      %get3A_1545 = arith.constant 32 : index
      %get3A_1546 = tpu.vector_load %arg14[%get3A_1544, %get3A_1545] {strides = array<i32>} : memref<16x64xf32, #tpu.memory_space<vmem>>, vector<16xf32>,
      %mul3A_1547 = arith.mulf %gather3A_1542, %get3A_1546 : vector<16xf32>
      %add3A_1548 = arith.addf %add3A_1538, %mul3A_1547 : vector<16xf32>
      %add3A_1549 = arith.constant 48 : i32
      %add3A_1550 = vector.broadcast %add3A_1549 : i32 to vector<16xi32>
      %add3A_1551 = arith.addi %add3A_1550, %iota3A : vector<16xi32>
      %gather3A_1552 = tpu.vector_load_idx %arg17[%add3A_1551, %broadcast_in_dim3A_1516] : memref<64x128xf32, #tpu.memory_space<vmem>>[vector<16xi32>, vector<16xi32>], vector<16xf32>,
      %get3A_1553 = arith.constant 2 : i32
      %get3A_1554 = arith.index_cast %get3A_1553 : i32 to index
      %get3A_1555 = arith.constant 48 : index
      %get3A_1556 = tpu.vector_load %arg14[%get3A_1554, %get3A_1555] {strides = array<i32>} : memref<16x64xf32, #tpu.memory_space<vmem>>, vector<16xf32>,
      %mul3A_1557 = arith.mulf %gather3A_1552, %get3A_1556 : vector<16xf32>
      %add3A_1558 = arith.addf %add3A_1548, %mul3A_1557 : vector<16xf32>
      %eq3A_1559 = arith.constant 2 : i32
      %eq3A_1560 = vector.broadcast %eq3A_1559 : i32 to vector<16xi32>
      %eq3A_1561 = arith.cmpi eq, %iota3A, %eq3A_1560 : vector<16xi32>
      %reduce_sum3A_1562 = arith.constant true
      %reduce_sum3A_1563 = vector.broadcast %reduce_sum3A_1562 : i1 to vector<16xi1>
      %reduce_sum3A_1564 = tpu.scan <sum>, %add3A_1558 masked %reduce_sum3A_1563 : vector<16xf32>, vector<16xi1> -> vector<16xf32>
      %reduce_sum3A_1565 = vector.extract %reduce_sum3A_1564[15] : f32 from vector<16xf32>
      %broadcast_in_dim3A_1566 = vector.broadcast %reduce_sum3A_1565 : f32 to vector<16xf32>
      %select_n3A_1567 = arith.select %eq3A_1561, %broadcast_in_dim3A_1566, %select_n3A_1489 : vector<16xi1>, vector<16xf32>
      %slice3A_1568 = vector.extract_strided_slice %get3A_1335 {offsets = [10], sizes = [1], strides = [1]} : vector<16xi32> to vector<1xi32>
      %squeeze3A_1569 = vector.extract %slice3A_1568[0] : i32 from vector<1xi32>
      %and3A_1570 = arith.constant 131071 : i32
      %and3A_1571 = arith.andi %squeeze3A_1569, %and3A_1570 : i32
      %shift_right_arithmetic3A_1572 = arith.constant 17 : i32
      %shift_right_arithmetic3A_1573 = arith.shrsi %squeeze3A_1569, %shift_right_arithmetic3A_1572 : i32
      %mul3A_1574 = arith.constant 64 : i32
      %mul3A_1575 = arith.muli %shift_right_arithmetic3A_1573, %mul3A_1574 : i32
      %multiple_of3A_1576 = tpu.assume_multiple %mul3A_1575, 64 : i32
      %shift_right_arithmetic3A_1577 = arith.constant 7 : i32
      %shift_right_arithmetic3A_1578 = arith.shrsi %and3A_1571, %shift_right_arithmetic3A_1577 : i32
      %mul3A_1579 = arith.constant 128 : i32
      %mul3A_1580 = arith.muli %shift_right_arithmetic3A_1578, %mul3A_1579 : i32
      %multiple_of3A_1581 = tpu.assume_multiple %mul3A_1580, 128 : i32
      %dma_start3A_1582 = tpu.memref_slice %arg2[%multiple_of3A_1576, %multiple_of3A_1581] : memref<1024x100000xf32, #tpu.memory_space<hbm>> -> memref<64x128xf32, #tpu.memory_space<hbm>>
      %dma_start3A_1583 = tpu.memref_slice %arg2[%multiple_of3A_1576, %multiple_of3A_1581] : memref<1024x100000xf32, #tpu.memory_space<hbm>> -> memref<64x128xf32, #tpu.memory_space<hbm>>
      tpu.enqueue_dma source(%dma_start3A_1583 : memref<64x128xf32, #tpu.memory_space<hbm>>) target(%arg17 : memref<64x128xf32, #tpu.memory_space<vmem>>) target_semaphore(%arg25 : memref<!tpu.dma_semaphore, #tpu.memory_space<semaphore_mem>>)
      %dma_wait3A_1584 = arith.constant 0 : i32
      %dma_wait3A_1585 = arith.constant 0 : i32
      %dma_wait3A_1586 = tpu.memref_slice %arg2[%dma_wait3A_1584, %dma_wait3A_1585] : memref<1024x100000xf32, #tpu.memory_space<hbm>> -> memref<64x128xf32, #tpu.memory_space<hbm>>
      %dma_wait3A_1587 = arith.constant 0 : i32
      %dma_wait3A_1588 = arith.constant 0 : i32
      %dma_wait3A_1589 = tpu.memref_slice %arg2[%dma_wait3A_1587, %dma_wait3A_1588] : memref<1024x100000xf32, #tpu.memory_space<hbm>> -> memref<64x128xf32, #tpu.memory_space<hbm>>
      tpu.wait_dma2 semaphore(%arg26 : memref<!tpu.dma_semaphore, #tpu.memory_space<semaphore_mem>>) src(%dma_wait3A_1589 : memref<64x128xf32, #tpu.memory_space<hbm>>) dst(%arg18 : memref<64x128xf32, #tpu.memory_space<vmem>>)
      %slice3A_1590 = vector.extract_strided_slice %get3A_1335 {offsets = [3], sizes = [1], strides = [1]} : vector<16xi32> to vector<1xi32>
      %squeeze3A_1591 = vector.extract %slice3A_1590[0] : i32 from vector<1xi32>
      %and3A_1592 = arith.constant 127 : i32
      %and3A_1593 = arith.andi %squeeze3A_1591, %and3A_1592 : i32
      %broadcast_in_dim3A_1594 = vector.broadcast %and3A_1593 : i32 to vector<16xi32>
      %broadcast_in_dim3A_1595 = arith.constant 0.000000e+00 : f32
      %broadcast_in_dim3A_1596 = vector.broadcast %broadcast_in_dim3A_1595 : f32 to vector<16xf32>
      %add3A_1597 = arith.constant 0 : i32
      %add3A_1598 = vector.broadcast %add3A_1597 : i32 to vector<16xi32>
      %add3A_1599 = arith.addi %add3A_1598, %iota3A : vector<16xi32>
      %gather3A_1600 = tpu.vector_load_idx %arg18[%add3A_1599, %broadcast_in_dim3A_1594] : memref<64x128xf32, #tpu.memory_space<vmem>>[vector<16xi32>, vector<16xi32>], vector<16xf32>,
      %get3A_1601 = arith.constant 3 : i32
      %get3A_1602 = arith.index_cast %get3A_1601 : i32 to index
      %get3A_1603 = arith.constant 0 : index
      %get3A_1604 = tpu.vector_load %arg14[%get3A_1602, %get3A_1603] {strides = array<i32>} : memref<16x64xf32, #tpu.memory_space<vmem>>, vector<16xf32>,
      %mul3A_1605 = arith.mulf %gather3A_1600, %get3A_1604 : vector<16xf32>
      %add3A_1606 = arith.addf %broadcast_in_dim3A_1596, %mul3A_1605 : vector<16xf32>
      %add3A_1607 = arith.constant 16 : i32
      %add3A_1608 = vector.broadcast %add3A_1607 : i32 to vector<16xi32>
      %add3A_1609 = arith.addi %add3A_1608, %iota3A : vector<16xi32>
      %gather3A_1610 = tpu.vector_load_idx %arg18[%add3A_1609, %broadcast_in_dim3A_1594] : memref<64x128xf32, #tpu.memory_space<vmem>>[vector<16xi32>, vector<16xi32>], vector<16xf32>,
      %get3A_1611 = arith.constant 3 : i32
      %get3A_1612 = arith.index_cast %get3A_1611 : i32 to index
      %get3A_1613 = arith.constant 16 : index
      %get3A_1614 = tpu.vector_load %arg14[%get3A_1612, %get3A_1613] {strides = array<i32>} : memref<16x64xf32, #tpu.memory_space<vmem>>, vector<16xf32>,
      %mul3A_1615 = arith.mulf %gather3A_1610, %get3A_1614 : vector<16xf32>
      %add3A_1616 = arith.addf %add3A_1606, %mul3A_1615 : vector<16xf32>
      %add3A_1617 = arith.constant 32 : i32
      %add3A_1618 = vector.broadcast %add3A_1617 : i32 to vector<16xi32>
      %add3A_1619 = arith.addi %add3A_1618, %iota3A : vector<16xi32>
      %gather3A_1620 = tpu.vector_load_idx %arg18[%add3A_1619, %broadcast_in_dim3A_1594] : memref<64x128xf32, #tpu.memory_space<vmem>>[vector<16xi32>, vector<16xi32>], vector<16xf32>,
      %get3A_1621 = arith.constant 3 : i32
      %get3A_1622 = arith.index_cast %get3A_1621 : i32 to index
      %get3A_1623 = arith.constant 32 : index
      %get3A_1624 = tpu.vector_load %arg14[%get3A_1622, %get3A_1623] {strides = array<i32>} : memref<16x64xf32, #tpu.memory_space<vmem>>, vector<16xf32>,
      %mul3A_1625 = arith.mulf %gather3A_1620, %get3A_1624 : vector<16xf32>
      %add3A_1626 = arith.addf %add3A_1616, %mul3A_1625 : vector<16xf32>
      %add3A_1627 = arith.constant 48 : i32
      %add3A_1628 = vector.broadcast %add3A_1627 : i32 to vector<16xi32>
      %add3A_1629 = arith.addi %add3A_1628, %iota3A : vector<16xi32>
      %gather3A_1630 = tpu.vector_load_idx %arg18[%add3A_1629, %broadcast_in_dim3A_1594] : memref<64x128xf32, #tpu.memory_space<vmem>>[vector<16xi32>, vector<16xi32>], vector<16xf32>,
      %get3A_1631 = arith.constant 3 : i32
      %get3A_1632 = arith.index_cast %get3A_1631 : i32 to index
      %get3A_1633 = arith.constant 48 : index
      %get3A_1634 = tpu.vector_load %arg14[%get3A_1632, %get3A_1633] {strides = array<i32>} : memref<16x64xf32, #tpu.memory_space<vmem>>, vector<16xf32>,
      %mul3A_1635 = arith.mulf %gather3A_1630, %get3A_1634 : vector<16xf32>
      %add3A_1636 = arith.addf %add3A_1626, %mul3A_1635 : vector<16xf32>
      %eq3A_1637 = arith.constant 3 : i32
      %eq3A_1638 = vector.broadcast %eq3A_1637 : i32 to vector<16xi32>
      %eq3A_1639 = arith.cmpi eq, %iota3A, %eq3A_1638 : vector<16xi32>
      %reduce_sum3A_1640 = arith.constant true
      %reduce_sum3A_1641 = vector.broadcast %reduce_sum3A_1640 : i1 to vector<16xi1>
      %reduce_sum3A_1642 = tpu.scan <sum>, %add3A_1636 masked %reduce_sum3A_1641 : vector<16xf32>, vector<16xi1> -> vector<16xf32>
      %reduce_sum3A_1643 = vector.extract %reduce_sum3A_1642[15] : f32 from vector<16xf32>
      %broadcast_in_dim3A_1644 = vector.broadcast %reduce_sum3A_1643 : f32 to vector<16xf32>
      %select_n3A_1645 = arith.select %eq3A_1639, %broadcast_in_dim3A_1644, %select_n3A_1567 : vector<16xi1>, vector<16xf32>
      %slice3A_1646 = vector.extract_strided_slice %get3A_1335 {offsets = [11], sizes = [1], strides = [1]} : vector<16xi32> to vector<1xi32>
      %squeeze3A_1647 = vector.extract %slice3A_1646[0] : i32 from vector<1xi32>
      %and3A_1648 = arith.constant 131071 : i32
      %and3A_1649 = arith.andi %squeeze3A_1647, %and3A_1648 : i32
      %shift_right_arithmetic3A_1650 = arith.constant 17 : i32
      %shift_right_arithmetic3A_1651 = arith.shrsi %squeeze3A_1647, %shift_right_arithmetic3A_1650 : i32
      %mul3A_1652 = arith.constant 64 : i32
      %mul3A_1653 = arith.muli %shift_right_arithmetic3A_1651, %mul3A_1652 : i32
      %multiple_of3A_1654 = tpu.assume_multiple %mul3A_1653, 64 : i32
      %shift_right_arithmetic3A_1655 = arith.constant 7 : i32
      %shift_right_arithmetic3A_1656 = arith.shrsi %and3A_1649, %shift_right_arithmetic3A_1655 : i32
      %mul3A_1657 = arith.constant 128 : i32
      %mul3A_1658 = arith.muli %shift_right_arithmetic3A_1656, %mul3A_1657 : i32
      %multiple_of3A_1659 = tpu.assume_multiple %mul3A_1658, 128 : i32
      %dma_start3A_1660 = tpu.memref_slice %arg2[%multiple_of3A_1654, %multiple_of3A_1659] : memref<1024x100000xf32, #tpu.memory_space<hbm>> -> memref<64x128xf32, #tpu.memory_space<hbm>>
      %dma_start3A_1661 = tpu.memref_slice %arg2[%multiple_of3A_1654, %multiple_of3A_1659] : memref<1024x100000xf32, #tpu.memory_space<hbm>> -> memref<64x128xf32, #tpu.memory_space<hbm>>
      tpu.enqueue_dma source(%dma_start3A_1661 : memref<64x128xf32, #tpu.memory_space<hbm>>) target(%arg18 : memref<64x128xf32, #tpu.memory_space<vmem>>) target_semaphore(%arg26 : memref<!tpu.dma_semaphore, #tpu.memory_space<semaphore_mem>>)
      %dma_wait3A_1662 = arith.constant 0 : i32
      %dma_wait3A_1663 = arith.constant 0 : i32
      %dma_wait3A_1664 = tpu.memref_slice %arg2[%dma_wait3A_1662, %dma_wait3A_1663] : memref<1024x100000xf32, #tpu.memory_space<hbm>> -> memref<64x128xf32, #tpu.memory_space<hbm>>
      %dma_wait3A_1665 = arith.constant 0 : i32
      %dma_wait3A_1666 = arith.constant 0 : i32
      %dma_wait3A_1667 = tpu.memref_slice %arg2[%dma_wait3A_1665, %dma_wait3A_1666] : memref<1024x100000xf32, #tpu.memory_space<hbm>> -> memref<64x128xf32, #tpu.memory_space<hbm>>
      tpu.wait_dma2 semaphore(%arg27 : memref<!tpu.dma_semaphore, #tpu.memory_space<semaphore_mem>>) src(%dma_wait3A_1667 : memref<64x128xf32, #tpu.memory_space<hbm>>) dst(%arg19 : memref<64x128xf32, #tpu.memory_space<vmem>>)
      %slice3A_1668 = vector.extract_strided_slice %get3A_1335 {offsets = [4], sizes = [1], strides = [1]} : vector<16xi32> to vector<1xi32>
      %squeeze3A_1669 = vector.extract %slice3A_1668[0] : i32 from vector<1xi32>
      %and3A_1670 = arith.constant 127 : i32
      %and3A_1671 = arith.andi %squeeze3A_1669, %and3A_1670 : i32
      %broadcast_in_dim3A_1672 = vector.broadcast %and3A_1671 : i32 to vector<16xi32>
      %broadcast_in_dim3A_1673 = arith.constant 0.000000e+00 : f32
      %broadcast_in_dim3A_1674 = vector.broadcast %broadcast_in_dim3A_1673 : f32 to vector<16xf32>
      %add3A_1675 = arith.constant 0 : i32
      %add3A_1676 = vector.broadcast %add3A_1675 : i32 to vector<16xi32>
      %add3A_1677 = arith.addi %add3A_1676, %iota3A : vector<16xi32>
      %gather3A_1678 = tpu.vector_load_idx %arg19[%add3A_1677, %broadcast_in_dim3A_1672] : memref<64x128xf32, #tpu.memory_space<vmem>>[vector<16xi32>, vector<16xi32>], vector<16xf32>,
      %get3A_1679 = arith.constant 4 : i32
      %get3A_1680 = arith.index_cast %get3A_1679 : i32 to index
      %get3A_1681 = arith.constant 0 : index
      %get3A_1682 = tpu.vector_load %arg14[%get3A_1680, %get3A_1681] {strides = array<i32>} : memref<16x64xf32, #tpu.memory_space<vmem>>, vector<16xf32>,
      %mul3A_1683 = arith.mulf %gather3A_1678, %get3A_1682 : vector<16xf32>
      %add3A_1684 = arith.addf %broadcast_in_dim3A_1674, %mul3A_1683 : vector<16xf32>
      %add3A_1685 = arith.constant 16 : i32
      %add3A_1686 = vector.broadcast %add3A_1685 : i32 to vector<16xi32>
      %add3A_1687 = arith.addi %add3A_1686, %iota3A : vector<16xi32>
      %gather3A_1688 = tpu.vector_load_idx %arg19[%add3A_1687, %broadcast_in_dim3A_1672] : memref<64x128xf32, #tpu.memory_space<vmem>>[vector<16xi32>, vector<16xi32>], vector<16xf32>,
      %get3A_1689 = arith.constant 4 : i32
      %get3A_1690 = arith.index_cast %get3A_1689 : i32 to index
      %get3A_1691 = arith.constant 16 : index
      %get3A_1692 = tpu.vector_load %arg14[%get3A_1690, %get3A_1691] {strides = array<i32>} : memref<16x64xf32, #tpu.memory_space<vmem>>, vector<16xf32>,
      %mul3A_1693 = arith.mulf %gather3A_1688, %get3A_1692 : vector<16xf32>
      %add3A_1694 = arith.addf %add3A_1684, %mul3A_1693 : vector<16xf32>
      %add3A_1695 = arith.constant 32 : i32
      %add3A_1696 = vector.broadcast %add3A_1695 : i32 to vector<16xi32>
      %add3A_1697 = arith.addi %add3A_1696, %iota3A : vector<16xi32>
      %gather3A_1698 = tpu.vector_load_idx %arg19[%add3A_1697, %broadcast_in_dim3A_1672] : memref<64x128xf32, #tpu.memory_space<vmem>>[vector<16xi32>, vector<16xi32>], vector<16xf32>,
      %get3A_1699 = arith.constant 4 : i32
      %get3A_1700 = arith.index_cast %get3A_1699 : i32 to index
      %get3A_1701 = arith.constant 32 : index
      %get3A_1702 = tpu.vector_load %arg14[%get3A_1700, %get3A_1701] {strides = array<i32>} : memref<16x64xf32, #tpu.memory_space<vmem>>, vector<16xf32>,
      %mul3A_1703 = arith.mulf %gather3A_1698, %get3A_1702 : vector<16xf32>
      %add3A_1704 = arith.addf %add3A_1694, %mul3A_1703 : vector<16xf32>
      %add3A_1705 = arith.constant 48 : i32
      %add3A_1706 = vector.broadcast %add3A_1705 : i32 to vector<16xi32>
      %add3A_1707 = arith.addi %add3A_1706, %iota3A : vector<16xi32>
      %gather3A_1708 = tpu.vector_load_idx %arg19[%add3A_1707, %broadcast_in_dim3A_1672] : memref<64x128xf32, #tpu.memory_space<vmem>>[vector<16xi32>, vector<16xi32>], vector<16xf32>,
      %get3A_1709 = arith.constant 4 : i32
      %get3A_1710 = arith.index_cast %get3A_1709 : i32 to index
      %get3A_1711 = arith.constant 48 : index
      %get3A_1712 = tpu.vector_load %arg14[%get3A_1710, %get3A_1711] {strides = array<i32>} : memref<16x64xf32, #tpu.memory_space<vmem>>, vector<16xf32>,
      %mul3A_1713 = arith.mulf %gather3A_1708, %get3A_1712 : vector<16xf32>
      %add3A_1714 = arith.addf %add3A_1704, %mul3A_1713 : vector<16xf32>
      %eq3A_1715 = arith.constant 4 : i32
      %eq3A_1716 = vector.broadcast %eq3A_1715 : i32 to vector<16xi32>
      %eq3A_1717 = arith.cmpi eq, %iota3A, %eq3A_1716 : vector<16xi32>
      %reduce_sum3A_1718 = arith.constant true
      %reduce_sum3A_1719 = vector.broadcast %reduce_sum3A_1718 : i1 to vector<16xi1>
      %reduce_sum3A_1720 = tpu.scan <sum>, %add3A_1714 masked %reduce_sum3A_1719 : vector<16xf32>, vector<16xi1> -> vector<16xf32>
      %reduce_sum3A_1721 = vector.extract %reduce_sum3A_1720[15] : f32 from vector<16xf32>
      %broadcast_in_dim3A_1722 = vector.broadcast %reduce_sum3A_1721 : f32 to vector<16xf32>
      %select_n3A_1723 = arith.select %eq3A_1717, %broadcast_in_dim3A_1722, %select_n3A_1645 : vector<16xi1>, vector<16xf32>
      %slice3A_1724 = vector.extract_strided_slice %get3A_1335 {offsets = [12], sizes = [1], strides = [1]} : vector<16xi32> to vector<1xi32>
      %squeeze3A_1725 = vector.extract %slice3A_1724[0] : i32 from vector<1xi32>
      %and3A_1726 = arith.constant 131071 : i32
      %and3A_1727 = arith.andi %squeeze3A_1725, %and3A_1726 : i32
      %shift_right_arithmetic3A_1728 = arith.constant 17 : i32
      %shift_right_arithmetic3A_1729 = arith.shrsi %squeeze3A_1725, %shift_right_arithmetic3A_1728 : i32
      %mul3A_1730 = arith.constant 64 : i32
      %mul3A_1731 = arith.muli %shift_right_arithmetic3A_1729, %mul3A_1730 : i32
      %multiple_of3A_1732 = tpu.assume_multiple %mul3A_1731, 64 : i32
      %shift_right_arithmetic3A_1733 = arith.constant 7 : i32
      %shift_right_arithmetic3A_1734 = arith.shrsi %and3A_1727, %shift_right_arithmetic3A_1733 : i32
      %mul3A_1735 = arith.constant 128 : i32
      %mul3A_1736 = arith.muli %shift_right_arithmetic3A_1734, %mul3A_1735 : i32
      %multiple_of3A_1737 = tpu.assume_multiple %mul3A_1736, 128 : i32
      %dma_start3A_1738 = tpu.memref_slice %arg2[%multiple_of3A_1732, %multiple_of3A_1737] : memref<1024x100000xf32, #tpu.memory_space<hbm>> -> memref<64x128xf32, #tpu.memory_space<hbm>>
      %dma_start3A_1739 = tpu.memref_slice %arg2[%multiple_of3A_1732, %multiple_of3A_1737] : memref<1024x100000xf32, #tpu.memory_space<hbm>> -> memref<64x128xf32, #tpu.memory_space<hbm>>
      tpu.enqueue_dma source(%dma_start3A_1739 : memref<64x128xf32, #tpu.memory_space<hbm>>) target(%arg19 : memref<64x128xf32, #tpu.memory_space<vmem>>) target_semaphore(%arg27 : memref<!tpu.dma_semaphore, #tpu.memory_space<semaphore_mem>>)
      %dma_wait3A_1740 = arith.constant 0 : i32
      %dma_wait3A_1741 = arith.constant 0 : i32
      %dma_wait3A_1742 = tpu.memref_slice %arg2[%dma_wait3A_1740, %dma_wait3A_1741] : memref<1024x100000xf32, #tpu.memory_space<hbm>> -> memref<64x128xf32, #tpu.memory_space<hbm>>
      %dma_wait3A_1743 = arith.constant 0 : i32
      %dma_wait3A_1744 = arith.constant 0 : i32
      %dma_wait3A_1745 = tpu.memref_slice %arg2[%dma_wait3A_1743, %dma_wait3A_1744] : memref<1024x100000xf32, #tpu.memory_space<hbm>> -> memref<64x128xf32, #tpu.memory_space<hbm>>
      tpu.wait_dma2 semaphore(%arg28 : memref<!tpu.dma_semaphore, #tpu.memory_space<semaphore_mem>>) src(%dma_wait3A_1745 : memref<64x128xf32, #tpu.memory_space<hbm>>) dst(%arg20 : memref<64x128xf32, #tpu.memory_space<vmem>>)
      %slice3A_1746 = vector.extract_strided_slice %get3A_1335 {offsets = [5], sizes = [1], strides = [1]} : vector<16xi32> to vector<1xi32>
      %squeeze3A_1747 = vector.extract %slice3A_1746[0] : i32 from vector<1xi32>
      %and3A_1748 = arith.constant 127 : i32
      %and3A_1749 = arith.andi %squeeze3A_1747, %and3A_1748 : i32
      %broadcast_in_dim3A_1750 = vector.broadcast %and3A_1749 : i32 to vector<16xi32>
      %broadcast_in_dim3A_1751 = arith.constant 0.000000e+00 : f32
      %broadcast_in_dim3A_1752 = vector.broadcast %broadcast_in_dim3A_1751 : f32 to vector<16xf32>
      %add3A_1753 = arith.constant 0 : i32
      %add3A_1754 = vector.broadcast %add3A_1753 : i32 to vector<16xi32>
      %add3A_1755 = arith.addi %add3A_1754, %iota3A : vector<16xi32>
      %gather3A_1756 = tpu.vector_load_idx %arg20[%add3A_1755, %broadcast_in_dim3A_1750] : memref<64x128xf32, #tpu.memory_space<vmem>>[vector<16xi32>, vector<16xi32>], vector<16xf32>,
      %get3A_1757 = arith.constant 5 : i32
      %get3A_1758 = arith.index_cast %get3A_1757 : i32 to index
      %get3A_1759 = arith.constant 0 : index
      %get3A_1760 = tpu.vector_load %arg14[%get3A_1758, %get3A_1759] {strides = array<i32>} : memref<16x64xf32, #tpu.memory_space<vmem>>, vector<16xf32>,
      %mul3A_1761 = arith.mulf %gather3A_1756, %get3A_1760 : vector<16xf32>
      %add3A_1762 = arith.addf %broadcast_in_dim3A_1752, %mul3A_1761 : vector<16xf32>
      %add3A_1763 = arith.constant 16 : i32
      %add3A_1764 = vector.broadcast %add3A_1763 : i32 to vector<16xi32>
      %add3A_1765 = arith.addi %add3A_1764, %iota3A : vector<16xi32>
      %gather3A_1766 = tpu.vector_load_idx %arg20[%add3A_1765, %broadcast_in_dim3A_1750] : memref<64x128xf32, #tpu.memory_space<vmem>>[vector<16xi32>, vector<16xi32>], vector<16xf32>,
      %get3A_1767 = arith.constant 5 : i32
      %get3A_1768 = arith.index_cast %get3A_1767 : i32 to index
      %get3A_1769 = arith.constant 16 : index
      %get3A_1770 = tpu.vector_load %arg14[%get3A_1768, %get3A_1769] {strides = array<i32>} : memref<16x64xf32, #tpu.memory_space<vmem>>, vector<16xf32>,
      %mul3A_1771 = arith.mulf %gather3A_1766, %get3A_1770 : vector<16xf32>
      %add3A_1772 = arith.addf %add3A_1762, %mul3A_1771 : vector<16xf32>
      %add3A_1773 = arith.constant 32 : i32
      %add3A_1774 = vector.broadcast %add3A_1773 : i32 to vector<16xi32>
      %add3A_1775 = arith.addi %add3A_1774, %iota3A : vector<16xi32>
      %gather3A_1776 = tpu.vector_load_idx %arg20[%add3A_1775, %broadcast_in_dim3A_1750] : memref<64x128xf32, #tpu.memory_space<vmem>>[vector<16xi32>, vector<16xi32>], vector<16xf32>,
      %get3A_1777 = arith.constant 5 : i32
      %get3A_1778 = arith.index_cast %get3A_1777 : i32 to index
      %get3A_1779 = arith.constant 32 : index
      %get3A_1780 = tpu.vector_load %arg14[%get3A_1778, %get3A_1779] {strides = array<i32>} : memref<16x64xf32, #tpu.memory_space<vmem>>, vector<16xf32>,
      %mul3A_1781 = arith.mulf %gather3A_1776, %get3A_1780 : vector<16xf32>
      %add3A_1782 = arith.addf %add3A_1772, %mul3A_1781 : vector<16xf32>
      %add3A_1783 = arith.constant 48 : i32
      %add3A_1784 = vector.broadcast %add3A_1783 : i32 to vector<16xi32>
      %add3A_1785 = arith.addi %add3A_1784, %iota3A : vector<16xi32>
      %gather3A_1786 = tpu.vector_load_idx %arg20[%add3A_1785, %broadcast_in_dim3A_1750] : memref<64x128xf32, #tpu.memory_space<vmem>>[vector<16xi32>, vector<16xi32>], vector<16xf32>,
      %get3A_1787 = arith.constant 5 : i32
      %get3A_1788 = arith.index_cast %get3A_1787 : i32 to index
      %get3A_1789 = arith.constant 48 : index
      %get3A_1790 = tpu.vector_load %arg14[%get3A_1788, %get3A_1789] {strides = array<i32>} : memref<16x64xf32, #tpu.memory_space<vmem>>, vector<16xf32>,
      %mul3A_1791 = arith.mulf %gather3A_1786, %get3A_1790 : vector<16xf32>
      %add3A_1792 = arith.addf %add3A_1782, %mul3A_1791 : vector<16xf32>
      %eq3A_1793 = arith.constant 5 : i32
      %eq3A_1794 = vector.broadcast %eq3A_1793 : i32 to vector<16xi32>
      %eq3A_1795 = arith.cmpi eq, %iota3A, %eq3A_1794 : vector<16xi32>
      %reduce_sum3A_1796 = arith.constant true
      %reduce_sum3A_1797 = vector.broadcast %reduce_sum3A_1796 : i1 to vector<16xi1>
      %reduce_sum3A_1798 = tpu.scan <sum>, %add3A_1792 masked %reduce_sum3A_1797 : vector<16xf32>, vector<16xi1> -> vector<16xf32>
      %reduce_sum3A_1799 = vector.extract %reduce_sum3A_1798[15] : f32 from vector<16xf32>
      %broadcast_in_dim3A_1800 = vector.broadcast %reduce_sum3A_1799 : f32 to vector<16xf32>
      %select_n3A_1801 = arith.select %eq3A_1795, %broadcast_in_dim3A_1800, %select_n3A_1723 : vector<16xi1>, vector<16xf32>
      %slice3A_1802 = vector.extract_strided_slice %get3A_1335 {offsets = [13], sizes = [1], strides = [1]} : vector<16xi32> to vector<1xi32>
      %squeeze3A_1803 = vector.extract %slice3A_1802[0] : i32 from vector<1xi32>
      %and3A_1804 = arith.constant 131071 : i32
      %and3A_1805 = arith.andi %squeeze3A_1803, %and3A_1804 : i32
      %shift_right_arithmetic3A_1806 = arith.constant 17 : i32
      %shift_right_arithmetic3A_1807 = arith.shrsi %squeeze3A_1803, %shift_right_arithmetic3A_1806 : i32
      %mul3A_1808 = arith.constant 64 : i32
      %mul3A_1809 = arith.muli %shift_right_arithmetic3A_1807, %mul3A_1808 : i32
      %multiple_of3A_1810 = tpu.assume_multiple %mul3A_1809, 64 : i32
      %shift_right_arithmetic3A_1811 = arith.constant 7 : i32
      %shift_right_arithmetic3A_1812 = arith.shrsi %and3A_1805, %shift_right_arithmetic3A_1811 : i32
      %mul3A_1813 = arith.constant 128 : i32
      %mul3A_1814 = arith.muli %shift_right_arithmetic3A_1812, %mul3A_1813 : i32
      %multiple_of3A_1815 = tpu.assume_multiple %mul3A_1814, 128 : i32
      %dma_start3A_1816 = tpu.memref_slice %arg2[%multiple_of3A_1810, %multiple_of3A_1815] : memref<1024x100000xf32, #tpu.memory_space<hbm>> -> memref<64x128xf32, #tpu.memory_space<hbm>>
      %dma_start3A_1817 = tpu.memref_slice %arg2[%multiple_of3A_1810, %multiple_of3A_1815] : memref<1024x100000xf32, #tpu.memory_space<hbm>> -> memref<64x128xf32, #tpu.memory_space<hbm>>
      tpu.enqueue_dma source(%dma_start3A_1817 : memref<64x128xf32, #tpu.memory_space<hbm>>) target(%arg20 : memref<64x128xf32, #tpu.memory_space<vmem>>) target_semaphore(%arg28 : memref<!tpu.dma_semaphore, #tpu.memory_space<semaphore_mem>>)
      %dma_wait3A_1818 = arith.constant 0 : i32
      %dma_wait3A_1819 = arith.constant 0 : i32
      %dma_wait3A_1820 = tpu.memref_slice %arg2[%dma_wait3A_1818, %dma_wait3A_1819] : memref<1024x100000xf32, #tpu.memory_space<hbm>> -> memref<64x128xf32, #tpu.memory_space<hbm>>
      %dma_wait3A_1821 = arith.constant 0 : i32
      %dma_wait3A_1822 = arith.constant 0 : i32
      %dma_wait3A_1823 = tpu.memref_slice %arg2[%dma_wait3A_1821, %dma_wait3A_1822] : memref<1024x100000xf32, #tpu.memory_space<hbm>> -> memref<64x128xf32, #tpu.memory_space<hbm>>
      tpu.wait_dma2 semaphore(%arg29 : memref<!tpu.dma_semaphore, #tpu.memory_space<semaphore_mem>>) src(%dma_wait3A_1823 : memref<64x128xf32, #tpu.memory_space<hbm>>) dst(%arg21 : memref<64x128xf32, #tpu.memory_space<vmem>>)
      %slice3A_1824 = vector.extract_strided_slice %get3A_1335 {offsets = [6], sizes = [1], strides = [1]} : vector<16xi32> to vector<1xi32>
      %squeeze3A_1825 = vector.extract %slice3A_1824[0] : i32 from vector<1xi32>
      %and3A_1826 = arith.constant 127 : i32
      %and3A_1827 = arith.andi %squeeze3A_1825, %and3A_1826 : i32
      %broadcast_in_dim3A_1828 = vector.broadcast %and3A_1827 : i32 to vector<16xi32>
      %broadcast_in_dim3A_1829 = arith.constant 0.000000e+00 : f32
      %broadcast_in_dim3A_1830 = vector.broadcast %broadcast_in_dim3A_1829 : f32 to vector<16xf32>
      %add3A_1831 = arith.constant 0 : i32
      %add3A_1832 = vector.broadcast %add3A_1831 : i32 to vector<16xi32>
      %add3A_1833 = arith.addi %add3A_1832, %iota3A : vector<16xi32>
      %gather3A_1834 = tpu.vector_load_idx %arg21[%add3A_1833, %broadcast_in_dim3A_1828] : memref<64x128xf32, #tpu.memory_space<vmem>>[vector<16xi32>, vector<16xi32>], vector<16xf32>,
      %get3A_1835 = arith.constant 6 : i32
      %get3A_1836 = arith.index_cast %get3A_1835 : i32 to index
      %get3A_1837 = arith.constant 0 : index
      %get3A_1838 = tpu.vector_load %arg14[%get3A_1836, %get3A_1837] {strides = array<i32>} : memref<16x64xf32, #tpu.memory_space<vmem>>, vector<16xf32>,
      %mul3A_1839 = arith.mulf %gather3A_1834, %get3A_1838 : vector<16xf32>
      %add3A_1840 = arith.addf %broadcast_in_dim3A_1830, %mul3A_1839 : vector<16xf32>
      %add3A_1841 = arith.constant 16 : i32
      %add3A_1842 = vector.broadcast %add3A_1841 : i32 to vector<16xi32>
      %add3A_1843 = arith.addi %add3A_1842, %iota3A : vector<16xi32>
      %gather3A_1844 = tpu.vector_load_idx %arg21[%add3A_1843, %broadcast_in_dim3A_1828] : memref<64x128xf32, #tpu.memory_space<vmem>>[vector<16xi32>, vector<16xi32>], vector<16xf32>,
      %get3A_1845 = arith.constant 6 : i32
      %get3A_1846 = arith.index_cast %get3A_1845 : i32 to index
      %get3A_1847 = arith.constant 16 : index
      %get3A_1848 = tpu.vector_load %arg14[%get3A_1846, %get3A_1847] {strides = array<i32>} : memref<16x64xf32, #tpu.memory_space<vmem>>, vector<16xf32>,
      %mul3A_1849 = arith.mulf %gather3A_1844, %get3A_1848 : vector<16xf32>
      %add3A_1850 = arith.addf %add3A_1840, %mul3A_1849 : vector<16xf32>
      %add3A_1851 = arith.constant 32 : i32
      %add3A_1852 = vector.broadcast %add3A_1851 : i32 to vector<16xi32>
      %add3A_1853 = arith.addi %add3A_1852, %iota3A : vector<16xi32>
      %gather3A_1854 = tpu.vector_load_idx %arg21[%add3A_1853, %broadcast_in_dim3A_1828] : memref<64x128xf32, #tpu.memory_space<vmem>>[vector<16xi32>, vector<16xi32>], vector<16xf32>,
      %get3A_1855 = arith.constant 6 : i32
      %get3A_1856 = arith.index_cast %get3A_1855 : i32 to index
      %get3A_1857 = arith.constant 32 : index
      %get3A_1858 = tpu.vector_load %arg14[%get3A_1856, %get3A_1857] {strides = array<i32>} : memref<16x64xf32, #tpu.memory_space<vmem>>, vector<16xf32>,
      %mul3A_1859 = arith.mulf %gather3A_1854, %get3A_1858 : vector<16xf32>
      %add3A_1860 = arith.addf %add3A_1850, %mul3A_1859 : vector<16xf32>
      %add3A_1861 = arith.constant 48 : i32
      %add3A_1862 = vector.broadcast %add3A_1861 : i32 to vector<16xi32>
      %add3A_1863 = arith.addi %add3A_1862, %iota3A : vector<16xi32>
      %gather3A_1864 = tpu.vector_load_idx %arg21[%add3A_1863, %broadcast_in_dim3A_1828] : memref<64x128xf32, #tpu.memory_space<vmem>>[vector<16xi32>, vector<16xi32>], vector<16xf32>,
      %get3A_1865 = arith.constant 6 : i32
      %get3A_1866 = arith.index_cast %get3A_1865 : i32 to index
      %get3A_1867 = arith.constant 48 : index
      %get3A_1868 = tpu.vector_load %arg14[%get3A_1866, %get3A_1867] {strides = array<i32>} : memref<16x64xf32, #tpu.memory_space<vmem>>, vector<16xf32>,
      %mul3A_1869 = arith.mulf %gather3A_1864, %get3A_1868 : vector<16xf32>
      %add3A_1870 = arith.addf %add3A_1860, %mul3A_1869 : vector<16xf32>
      %eq3A_1871 = arith.constant 6 : i32
      %eq3A_1872 = vector.broadcast %eq3A_1871 : i32 to vector<16xi32>
      %eq3A_1873 = arith.cmpi eq, %iota3A, %eq3A_1872 : vector<16xi32>
      %reduce_sum3A_1874 = arith.constant true
      %reduce_sum3A_1875 = vector.broadcast %reduce_sum3A_1874 : i1 to vector<16xi1>
      %reduce_sum3A_1876 = tpu.scan <sum>, %add3A_1870 masked %reduce_sum3A_1875 : vector<16xf32>, vector<16xi1> -> vector<16xf32>
      %reduce_sum3A_1877 = vector.extract %reduce_sum3A_1876[15] : f32 from vector<16xf32>
      %broadcast_in_dim3A_1878 = vector.broadcast %reduce_sum3A_1877 : f32 to vector<16xf32>
      %select_n3A_1879 = arith.select %eq3A_1873, %broadcast_in_dim3A_1878, %select_n3A_1801 : vector<16xi1>, vector<16xf32>
      %slice3A_1880 = vector.extract_strided_slice %get3A_1335 {offsets = [14], sizes = [1], strides = [1]} : vector<16xi32> to vector<1xi32>
      %squeeze3A_1881 = vector.extract %slice3A_1880[0] : i32 from vector<1xi32>
      %and3A_1882 = arith.constant 131071 : i32
      %and3A_1883 = arith.andi %squeeze3A_1881, %and3A_1882 : i32
      %shift_right_arithmetic3A_1884 = arith.constant 17 : i32
      %shift_right_arithmetic3A_1885 = arith.shrsi %squeeze3A_1881, %shift_right_arithmetic3A_1884 : i32
      %mul3A_1886 = arith.constant 64 : i32
      %mul3A_1887 = arith.muli %shift_right_arithmetic3A_1885, %mul3A_1886 : i32
      %multiple_of3A_1888 = tpu.assume_multiple %mul3A_1887, 64 : i32
      %shift_right_arithmetic3A_1889 = arith.constant 7 : i32
      %shift_right_arithmetic3A_1890 = arith.shrsi %and3A_1883, %shift_right_arithmetic3A_1889 : i32
      %mul3A_1891 = arith.constant 128 : i32
      %mul3A_1892 = arith.muli %shift_right_arithmetic3A_1890, %mul3A_1891 : i32
      %multiple_of3A_1893 = tpu.assume_multiple %mul3A_1892, 128 : i32
      %dma_start3A_1894 = tpu.memref_slice %arg2[%multiple_of3A_1888, %multiple_of3A_1893] : memref<1024x100000xf32, #tpu.memory_space<hbm>> -> memref<64x128xf32, #tpu.memory_space<hbm>>
      %dma_start3A_1895 = tpu.memref_slice %arg2[%multiple_of3A_1888, %multiple_of3A_1893] : memref<1024x100000xf32, #tpu.memory_space<hbm>> -> memref<64x128xf32, #tpu.memory_space<hbm>>
      tpu.enqueue_dma source(%dma_start3A_1895 : memref<64x128xf32, #tpu.memory_space<hbm>>) target(%arg21 : memref<64x128xf32, #tpu.memory_space<vmem>>) target_semaphore(%arg29 : memref<!tpu.dma_semaphore, #tpu.memory_space<semaphore_mem>>)
      %dma_wait3A_1896 = arith.constant 0 : i32
      %dma_wait3A_1897 = arith.constant 0 : i32
      %dma_wait3A_1898 = tpu.memref_slice %arg2[%dma_wait3A_1896, %dma_wait3A_1897] : memref<1024x100000xf32, #tpu.memory_space<hbm>> -> memref<64x128xf32, #tpu.memory_space<hbm>>
      %dma_wait3A_1899 = arith.constant 0 : i32
      %dma_wait3A_1900 = arith.constant 0 : i32
      %dma_wait3A_1901 = tpu.memref_slice %arg2[%dma_wait3A_1899, %dma_wait3A_1900] : memref<1024x100000xf32, #tpu.memory_space<hbm>> -> memref<64x128xf32, #tpu.memory_space<hbm>>
      tpu.wait_dma2 semaphore(%arg30 : memref<!tpu.dma_semaphore, #tpu.memory_space<semaphore_mem>>) src(%dma_wait3A_1901 : memref<64x128xf32, #tpu.memory_space<hbm>>) dst(%arg22 : memref<64x128xf32, #tpu.memory_space<vmem>>)
      %slice3A_1902 = vector.extract_strided_slice %get3A_1335 {offsets = [7], sizes = [1], strides = [1]} : vector<16xi32> to vector<1xi32>
      %squeeze3A_1903 = vector.extract %slice3A_1902[0] : i32 from vector<1xi32>
      %and3A_1904 = arith.constant 127 : i32
      %and3A_1905 = arith.andi %squeeze3A_1903, %and3A_1904 : i32
      %broadcast_in_dim3A_1906 = vector.broadcast %and3A_1905 : i32 to vector<16xi32>
      %broadcast_in_dim3A_1907 = arith.constant 0.000000e+00 : f32
      %broadcast_in_dim3A_1908 = vector.broadcast %broadcast_in_dim3A_1907 : f32 to vector<16xf32>
      %add3A_1909 = arith.constant 0 : i32
      %add3A_1910 = vector.broadcast %add3A_1909 : i32 to vector<16xi32>
      %add3A_1911 = arith.addi %add3A_1910, %iota3A : vector<16xi32>
      %gather3A_1912 = tpu.vector_load_idx %arg22[%add3A_1911, %broadcast_in_dim3A_1906] : memref<64x128xf32, #tpu.memory_space<vmem>>[vector<16xi32>, vector<16xi32>], vector<16xf32>,
      %get3A_1913 = arith.constant 7 : i32
      %get3A_1914 = arith.index_cast %get3A_1913 : i32 to index
      %get3A_1915 = arith.constant 0 : index
      %get3A_1916 = tpu.vector_load %arg14[%get3A_1914, %get3A_1915] {strides = array<i32>} : memref<16x64xf32, #tpu.memory_space<vmem>>, vector<16xf32>,
      %mul3A_1917 = arith.mulf %gather3A_1912, %get3A_1916 : vector<16xf32>
      %add3A_1918 = arith.addf %broadcast_in_dim3A_1908, %mul3A_1917 : vector<16xf32>
      %add3A_1919 = arith.constant 16 : i32
      %add3A_1920 = vector.broadcast %add3A_1919 : i32 to vector<16xi32>
      %add3A_1921 = arith.addi %add3A_1920, %iota3A : vector<16xi32>
      %gather3A_1922 = tpu.vector_load_idx %arg22[%add3A_1921, %broadcast_in_dim3A_1906] : memref<64x128xf32, #tpu.memory_space<vmem>>[vector<16xi32>, vector<16xi32>], vector<16xf32>,
      %get3A_1923 = arith.constant 7 : i32
      %get3A_1924 = arith.index_cast %get3A_1923 : i32 to index
      %get3A_1925 = arith.constant 16 : index
      %get3A_1926 = tpu.vector_load %arg14[%get3A_1924, %get3A_1925] {strides = array<i32>} : memref<16x64xf32, #tpu.memory_space<vmem>>, vector<16xf32>,
      %mul3A_1927 = arith.mulf %gather3A_1922, %get3A_1926 : vector<16xf32>
      %add3A_1928 = arith.addf %add3A_1918, %mul3A_1927 : vector<16xf32>
      %add3A_1929 = arith.constant 32 : i32
      %add3A_1930 = vector.broadcast %add3A_1929 : i32 to vector<16xi32>
      %add3A_1931 = arith.addi %add3A_1930, %iota3A : vector<16xi32>
      %gather3A_1932 = tpu.vector_load_idx %arg22[%add3A_1931, %broadcast_in_dim3A_1906] : memref<64x128xf32, #tpu.memory_space<vmem>>[vector<16xi32>, vector<16xi32>], vector<16xf32>,
      %get3A_1933 = arith.constant 7 : i32
      %get3A_1934 = arith.index_cast %get3A_1933 : i32 to index
      %get3A_1935 = arith.constant 32 : index
      %get3A_1936 = tpu.vector_load %arg14[%get3A_1934, %get3A_1935] {strides = array<i32>} : memref<16x64xf32, #tpu.memory_space<vmem>>, vector<16xf32>,
      %mul3A_1937 = arith.mulf %gather3A_1932, %get3A_1936 : vector<16xf32>
      %add3A_1938 = arith.addf %add3A_1928, %mul3A_1937 : vector<16xf32>
      %add3A_1939 = arith.constant 48 : i32
      %add3A_1940 = vector.broadcast %add3A_1939 : i32 to vector<16xi32>
      %add3A_1941 = arith.addi %add3A_1940, %iota3A : vector<16xi32>
      %gather3A_1942 = tpu.vector_load_idx %arg22[%add3A_1941, %broadcast_in_dim3A_1906] : memref<64x128xf32, #tpu.memory_space<vmem>>[vector<16xi32>, vector<16xi32>], vector<16xf32>,
      %get3A_1943 = arith.constant 7 : i32
      %get3A_1944 = arith.index_cast %get3A_1943 : i32 to index
      %get3A_1945 = arith.constant 48 : index
      %get3A_1946 = tpu.vector_load %arg14[%get3A_1944, %get3A_1945] {strides = array<i32>} : memref<16x64xf32, #tpu.memory_space<vmem>>, vector<16xf32>,
      %mul3A_1947 = arith.mulf %gather3A_1942, %get3A_1946 : vector<16xf32>
      %add3A_1948 = arith.addf %add3A_1938, %mul3A_1947 : vector<16xf32>
      %eq3A_1949 = arith.constant 7 : i32
      %eq3A_1950 = vector.broadcast %eq3A_1949 : i32 to vector<16xi32>
      %eq3A_1951 = arith.cmpi eq, %iota3A, %eq3A_1950 : vector<16xi32>
      %reduce_sum3A_1952 = arith.constant true
      %reduce_sum3A_1953 = vector.broadcast %reduce_sum3A_1952 : i1 to vector<16xi1>
      %reduce_sum3A_1954 = tpu.scan <sum>, %add3A_1948 masked %reduce_sum3A_1953 : vector<16xf32>, vector<16xi1> -> vector<16xf32>
      %reduce_sum3A_1955 = vector.extract %reduce_sum3A_1954[15] : f32 from vector<16xf32>
      %broadcast_in_dim3A_1956 = vector.broadcast %reduce_sum3A_1955 : f32 to vector<16xf32>
      %select_n3A_1957 = arith.select %eq3A_1951, %broadcast_in_dim3A_1956, %select_n3A_1879 : vector<16xi1>, vector<16xf32>
      %slice3A_1958 = vector.extract_strided_slice %get3A_1335 {offsets = [15], sizes = [1], strides = [1]} : vector<16xi32> to vector<1xi32>
      %squeeze3A_1959 = vector.extract %slice3A_1958[0] : i32 from vector<1xi32>
      %and3A_1960 = arith.constant 131071 : i32
      %and3A_1961 = arith.andi %squeeze3A_1959, %and3A_1960 : i32
      %shift_right_arithmetic3A_1962 = arith.constant 17 : i32
      %shift_right_arithmetic3A_1963 = arith.shrsi %squeeze3A_1959, %shift_right_arithmetic3A_1962 : i32
      %mul3A_1964 = arith.constant 64 : i32
      %mul3A_1965 = arith.muli %shift_right_arithmetic3A_1963, %mul3A_1964 : i32
      %multiple_of3A_1966 = tpu.assume_multiple %mul3A_1965, 64 : i32
      %shift_right_arithmetic3A_1967 = arith.constant 7 : i32
      %shift_right_arithmetic3A_1968 = arith.shrsi %and3A_1961, %shift_right_arithmetic3A_1967 : i32
      %mul3A_1969 = arith.constant 128 : i32
      %mul3A_1970 = arith.muli %shift_right_arithmetic3A_1968, %mul3A_1969 : i32
      %multiple_of3A_1971 = tpu.assume_multiple %mul3A_1970, 128 : i32
      %dma_start3A_1972 = tpu.memref_slice %arg2[%multiple_of3A_1966, %multiple_of3A_1971] : memref<1024x100000xf32, #tpu.memory_space<hbm>> -> memref<64x128xf32, #tpu.memory_space<hbm>>
      %dma_start3A_1973 = tpu.memref_slice %arg2[%multiple_of3A_1966, %multiple_of3A_1971] : memref<1024x100000xf32, #tpu.memory_space<hbm>> -> memref<64x128xf32, #tpu.memory_space<hbm>>
      tpu.enqueue_dma source(%dma_start3A_1973 : memref<64x128xf32, #tpu.memory_space<hbm>>) target(%arg22 : memref<64x128xf32, #tpu.memory_space<vmem>>) target_semaphore(%arg30 : memref<!tpu.dma_semaphore, #tpu.memory_space<semaphore_mem>>)
      %dma_wait3A_1974 = arith.constant 0 : i32
      %dma_wait3A_1975 = arith.constant 0 : i32
      %dma_wait3A_1976 = tpu.memref_slice %arg2[%dma_wait3A_1974, %dma_wait3A_1975] : memref<1024x100000xf32, #tpu.memory_space<hbm>> -> memref<64x128xf32, #tpu.memory_space<hbm>>
      %dma_wait3A_1977 = arith.constant 0 : i32
      %dma_wait3A_1978 = arith.constant 0 : i32
      %dma_wait3A_1979 = tpu.memref_slice %arg2[%dma_wait3A_1977, %dma_wait3A_1978] : memref<1024x100000xf32, #tpu.memory_space<hbm>> -> memref<64x128xf32, #tpu.memory_space<hbm>>
      tpu.wait_dma2 semaphore(%arg23 : memref<!tpu.dma_semaphore, #tpu.memory_space<semaphore_mem>>) src(%dma_wait3A_1979 : memref<64x128xf32, #tpu.memory_space<hbm>>) dst(%arg15 : memref<64x128xf32, #tpu.memory_space<vmem>>)
      %slice3A_1980 = vector.extract_strided_slice %get3A_1335 {offsets = [8], sizes = [1], strides = [1]} : vector<16xi32> to vector<1xi32>
      %squeeze3A_1981 = vector.extract %slice3A_1980[0] : i32 from vector<1xi32>
      %and3A_1982 = arith.constant 127 : i32
      %and3A_1983 = arith.andi %squeeze3A_1981, %and3A_1982 : i32
      %broadcast_in_dim3A_1984 = vector.broadcast %and3A_1983 : i32 to vector<16xi32>
      %broadcast_in_dim3A_1985 = arith.constant 0.000000e+00 : f32
      %broadcast_in_dim3A_1986 = vector.broadcast %broadcast_in_dim3A_1985 : f32 to vector<16xf32>
      %add3A_1987 = arith.constant 0 : i32
      %add3A_1988 = vector.broadcast %add3A_1987 : i32 to vector<16xi32>
      %add3A_1989 = arith.addi %add3A_1988, %iota3A : vector<16xi32>
      %gather3A_1990 = tpu.vector_load_idx %arg15[%add3A_1989, %broadcast_in_dim3A_1984] : memref<64x128xf32, #tpu.memory_space<vmem>>[vector<16xi32>, vector<16xi32>], vector<16xf32>,
      %get3A_1991 = arith.constant 8 : i32
      %get3A_1992 = arith.index_cast %get3A_1991 : i32 to index
      %get3A_1993 = arith.constant 0 : index
      %get3A_1994 = tpu.vector_load %arg14[%get3A_1992, %get3A_1993] {strides = array<i32>} : memref<16x64xf32, #tpu.memory_space<vmem>>, vector<16xf32>,
      %mul3A_1995 = arith.mulf %gather3A_1990, %get3A_1994 : vector<16xf32>
      %add3A_1996 = arith.addf %broadcast_in_dim3A_1986, %mul3A_1995 : vector<16xf32>
      %add3A_1997 = arith.constant 16 : i32
      %add3A_1998 = vector.broadcast %add3A_1997 : i32 to vector<16xi32>
      %add3A_1999 = arith.addi %add3A_1998, %iota3A : vector<16xi32>
      %gather3A_2000 = tpu.vector_load_idx %arg15[%add3A_1999, %broadcast_in_dim3A_1984] : memref<64x128xf32, #tpu.memory_space<vmem>>[vector<16xi32>, vector<16xi32>], vector<16xf32>,
      %get3A_2001 = arith.constant 8 : i32
      %get3A_2002 = arith.index_cast %get3A_2001 : i32 to index
      %get3A_2003 = arith.constant 16 : index
      %get3A_2004 = tpu.vector_load %arg14[%get3A_2002, %get3A_2003] {strides = array<i32>} : memref<16x64xf32, #tpu.memory_space<vmem>>, vector<16xf32>,
      %mul3A_2005 = arith.mulf %gather3A_2000, %get3A_2004 : vector<16xf32>
      %add3A_2006 = arith.addf %add3A_1996, %mul3A_2005 : vector<16xf32>
      %add3A_2007 = arith.constant 32 : i32
      %add3A_2008 = vector.broadcast %add3A_2007 : i32 to vector<16xi32>
      %add3A_2009 = arith.addi %add3A_2008, %iota3A : vector<16xi32>
      %gather3A_2010 = tpu.vector_load_idx %arg15[%add3A_2009, %broadcast_in_dim3A_1984] : memref<64x128xf32, #tpu.memory_space<vmem>>[vector<16xi32>, vector<16xi32>], vector<16xf32>,
      %get3A_2011 = arith.constant 8 : i32
      %get3A_2012 = arith.index_cast %get3A_2011 : i32 to index
      %get3A_2013 = arith.constant 32 : index
      %get3A_2014 = tpu.vector_load %arg14[%get3A_2012, %get3A_2013] {strides = array<i32>} : memref<16x64xf32, #tpu.memory_space<vmem>>, vector<16xf32>,
      %mul3A_2015 = arith.mulf %gather3A_2010, %get3A_2014 : vector<16xf32>
      %add3A_2016 = arith.addf %add3A_2006, %mul3A_2015 : vector<16xf32>
      %add3A_2017 = arith.constant 48 : i32
      %add3A_2018 = vector.broadcast %add3A_2017 : i32 to vector<16xi32>
      %add3A_2019 = arith.addi %add3A_2018, %iota3A : vector<16xi32>
      %gather3A_2020 = tpu.vector_load_idx %arg15[%add3A_2019, %broadcast_in_dim3A_1984] : memref<64x128xf32, #tpu.memory_space<vmem>>[vector<16xi32>, vector<16xi32>], vector<16xf32>,
      %get3A_2021 = arith.constant 8 : i32
      %get3A_2022 = arith.index_cast %get3A_2021 : i32 to index
      %get3A_2023 = arith.constant 48 : index
      %get3A_2024 = tpu.vector_load %arg14[%get3A_2022, %get3A_2023] {strides = array<i32>} : memref<16x64xf32, #tpu.memory_space<vmem>>, vector<16xf32>,
      %mul3A_2025 = arith.mulf %gather3A_2020, %get3A_2024 : vector<16xf32>
      %add3A_2026 = arith.addf %add3A_2016, %mul3A_2025 : vector<16xf32>
      %eq3A_2027 = arith.constant 8 : i32
      %eq3A_2028 = vector.broadcast %eq3A_2027 : i32 to vector<16xi32>
      %eq3A_2029 = arith.cmpi eq, %iota3A, %eq3A_2028 : vector<16xi32>
      %reduce_sum3A_2030 = arith.constant true
      %reduce_sum3A_2031 = vector.broadcast %reduce_sum3A_2030 : i1 to vector<16xi1>
      %reduce_sum3A_2032 = tpu.scan <sum>, %add3A_2026 masked %reduce_sum3A_2031 : vector<16xf32>, vector<16xi1> -> vector<16xf32>
      %reduce_sum3A_2033 = vector.extract %reduce_sum3A_2032[15] : f32 from vector<16xf32>
      %broadcast_in_dim3A_2034 = vector.broadcast %reduce_sum3A_2033 : f32 to vector<16xf32>
      %select_n3A_2035 = arith.select %eq3A_2029, %broadcast_in_dim3A_2034, %select_n3A_1957 : vector<16xi1>, vector<16xf32>
      %lt3A_2036 = arith.constant 31 : i32
      %lt3A_2037 = arith.cmpi slt, %add3A_1331, %lt3A_2036 : i32
      %convert_element_type3A_2038 = arith.extui %lt3A_2037 : i1 to i32
      %cond3A_2039 = arith.constant 0 : i32
      %cond3A_2040 = arith.cmpi ne, %convert_element_type3A_2038, %cond3A_2039 : i32
      scf.if %cond3A_2040 {
        %slice3A_2519 = vector.extract_strided_slice %get3A_1341 {offsets = [0], sizes = [1], strides = [1]} : vector<16xi32> to vector<1xi32>
        %squeeze3A_2520 = vector.extract %slice3A_2519[0] : i32 from vector<1xi32>
        %and3A_2521 = arith.constant 131071 : i32
        %and3A_2522 = arith.andi %squeeze3A_2520, %and3A_2521 : i32
        %shift_right_arithmetic3A_2523 = arith.constant 17 : i32
        %shift_right_arithmetic3A_2524 = arith.shrsi %squeeze3A_2520, %shift_right_arithmetic3A_2523 : i32
        %mul3A_2525 = arith.constant 64 : i32
        %mul3A_2526 = arith.muli %shift_right_arithmetic3A_2524, %mul3A_2525 : i32
        %multiple_of3A_2527 = tpu.assume_multiple %mul3A_2526, 64 : i32
        %shift_right_arithmetic3A_2528 = arith.constant 7 : i32
        %shift_right_arithmetic3A_2529 = arith.shrsi %and3A_2522, %shift_right_arithmetic3A_2528 : i32
        %mul3A_2530 = arith.constant 128 : i32
        %mul3A_2531 = arith.muli %shift_right_arithmetic3A_2529, %mul3A_2530 : i32
        %multiple_of3A_2532 = tpu.assume_multiple %mul3A_2531, 128 : i32
        %dma_start3A_2533 = tpu.memref_slice %arg2[%multiple_of3A_2527, %multiple_of3A_2532] : memref<1024x100000xf32, #tpu.memory_space<hbm>> -> memref<64x128xf32, #tpu.memory_space<hbm>>
        %dma_start3A_2534 = tpu.memref_slice %arg2[%multiple_of3A_2527, %multiple_of3A_2532] : memref<1024x100000xf32, #tpu.memory_space<hbm>> -> memref<64x128xf32, #tpu.memory_space<hbm>>
        tpu.enqueue_dma source(%dma_start3A_2534 : memref<64x128xf32, #tpu.memory_space<hbm>>) target(%arg15 : memref<64x128xf32, #tpu.memory_space<vmem>>) target_semaphore(%arg23 : memref<!tpu.dma_semaphore, #tpu.memory_space<semaphore_mem>>)
      } else {
      }
      %dma_wait3A_2041 = arith.constant 0 : i32
      %dma_wait3A_2042 = arith.constant 0 : i32
      %dma_wait3A_2043 = tpu.memref_slice %arg2[%dma_wait3A_2041, %dma_wait3A_2042] : memref<1024x100000xf32, #tpu.memory_space<hbm>> -> memref<64x128xf32, #tpu.memory_space<hbm>>
      %dma_wait3A_2044 = arith.constant 0 : i32
      %dma_wait3A_2045 = arith.constant 0 : i32
      %dma_wait3A_2046 = tpu.memref_slice %arg2[%dma_wait3A_2044, %dma_wait3A_2045] : memref<1024x100000xf32, #tpu.memory_space<hbm>> -> memref<64x128xf32, #tpu.memory_space<hbm>>
      tpu.wait_dma2 semaphore(%arg24 : memref<!tpu.dma_semaphore, #tpu.memory_space<semaphore_mem>>) src(%dma_wait3A_2046 : memref<64x128xf32, #tpu.memory_space<hbm>>) dst(%arg16 : memref<64x128xf32, #tpu.memory_space<vmem>>)
      %slice3A_2047 = vector.extract_strided_slice %get3A_1335 {offsets = [9], sizes = [1], strides = [1]} : vector<16xi32> to vector<1xi32>
      %squeeze3A_2048 = vector.extract %slice3A_2047[0] : i32 from vector<1xi32>
      %and3A_2049 = arith.constant 127 : i32
      %and3A_2050 = arith.andi %squeeze3A_2048, %and3A_2049 : i32
      %broadcast_in_dim3A_2051 = vector.broadcast %and3A_2050 : i32 to vector<16xi32>
      %broadcast_in_dim3A_2052 = arith.constant 0.000000e+00 : f32
      %broadcast_in_dim3A_2053 = vector.broadcast %broadcast_in_dim3A_2052 : f32 to vector<16xf32>
      %add3A_2054 = arith.constant 0 : i32
      %add3A_2055 = vector.broadcast %add3A_2054 : i32 to vector<16xi32>
      %add3A_2056 = arith.addi %add3A_2055, %iota3A : vector<16xi32>
      %gather3A_2057 = tpu.vector_load_idx %arg16[%add3A_2056, %broadcast_in_dim3A_2051] : memref<64x128xf32, #tpu.memory_space<vmem>>[vector<16xi32>, vector<16xi32>], vector<16xf32>,
      %get3A_2058 = arith.constant 9 : i32
      %get3A_2059 = arith.index_cast %get3A_2058 : i32 to index
      %get3A_2060 = arith.constant 0 : index
      %get3A_2061 = tpu.vector_load %arg14[%get3A_2059, %get3A_2060] {strides = array<i32>} : memref<16x64xf32, #tpu.memory_space<vmem>>, vector<16xf32>,
      %mul3A_2062 = arith.mulf %gather3A_2057, %get3A_2061 : vector<16xf32>
      %add3A_2063 = arith.addf %broadcast_in_dim3A_2053, %mul3A_2062 : vector<16xf32>
      %add3A_2064 = arith.constant 16 : i32
      %add3A_2065 = vector.broadcast %add3A_2064 : i32 to vector<16xi32>
      %add3A_2066 = arith.addi %add3A_2065, %iota3A : vector<16xi32>
      %gather3A_2067 = tpu.vector_load_idx %arg16[%add3A_2066, %broadcast_in_dim3A_2051] : memref<64x128xf32, #tpu.memory_space<vmem>>[vector<16xi32>, vector<16xi32>], vector<16xf32>,
      %get3A_2068 = arith.constant 9 : i32
      %get3A_2069 = arith.index_cast %get3A_2068 : i32 to index
      %get3A_2070 = arith.constant 16 : index
      %get3A_2071 = tpu.vector_load %arg14[%get3A_2069, %get3A_2070] {strides = array<i32>} : memref<16x64xf32, #tpu.memory_space<vmem>>, vector<16xf32>,
      %mul3A_2072 = arith.mulf %gather3A_2067, %get3A_2071 : vector<16xf32>
      %add3A_2073 = arith.addf %add3A_2063, %mul3A_2072 : vector<16xf32>
      %add3A_2074 = arith.constant 32 : i32
      %add3A_2075 = vector.broadcast %add3A_2074 : i32 to vector<16xi32>
      %add3A_2076 = arith.addi %add3A_2075, %iota3A : vector<16xi32>
      %gather3A_2077 = tpu.vector_load_idx %arg16[%add3A_2076, %broadcast_in_dim3A_2051] : memref<64x128xf32, #tpu.memory_space<vmem>>[vector<16xi32>, vector<16xi32>], vector<16xf32>,
      %get3A_2078 = arith.constant 9 : i32
      %get3A_2079 = arith.index_cast %get3A_2078 : i32 to index
      %get3A_2080 = arith.constant 32 : index
      %get3A_2081 = tpu.vector_load %arg14[%get3A_2079, %get3A_2080] {strides = array<i32>} : memref<16x64xf32, #tpu.memory_space<vmem>>, vector<16xf32>,
      %mul3A_2082 = arith.mulf %gather3A_2077, %get3A_2081 : vector<16xf32>
      %add3A_2083 = arith.addf %add3A_2073, %mul3A_2082 : vector<16xf32>
      %add3A_2084 = arith.constant 48 : i32
      %add3A_2085 = vector.broadcast %add3A_2084 : i32 to vector<16xi32>
      %add3A_2086 = arith.addi %add3A_2085, %iota3A : vector<16xi32>
      %gather3A_2087 = tpu.vector_load_idx %arg16[%add3A_2086, %broadcast_in_dim3A_2051] : memref<64x128xf32, #tpu.memory_space<vmem>>[vector<16xi32>, vector<16xi32>], vector<16xf32>,
      %get3A_2088 = arith.constant 9 : i32
      %get3A_2089 = arith.index_cast %get3A_2088 : i32 to index
      %get3A_2090 = arith.constant 48 : index
      %get3A_2091 = tpu.vector_load %arg14[%get3A_2089, %get3A_2090] {strides = array<i32>} : memref<16x64xf32, #tpu.memory_space<vmem>>, vector<16xf32>,
      %mul3A_2092 = arith.mulf %gather3A_2087, %get3A_2091 : vector<16xf32>
      %add3A_2093 = arith.addf %add3A_2083, %mul3A_2092 : vector<16xf32>
      %eq3A_2094 = arith.constant 9 : i32
      %eq3A_2095 = vector.broadcast %eq3A_2094 : i32 to vector<16xi32>
      %eq3A_2096 = arith.cmpi eq, %iota3A, %eq3A_2095 : vector<16xi32>
      %reduce_sum3A_2097 = arith.constant true
      %reduce_sum3A_2098 = vector.broadcast %reduce_sum3A_2097 : i1 to vector<16xi1>
      %reduce_sum3A_2099 = tpu.scan <sum>, %add3A_2093 masked %reduce_sum3A_2098 : vector<16xf32>, vector<16xi1> -> vector<16xf32>
      %reduce_sum3A_2100 = vector.extract %reduce_sum3A_2099[15] : f32 from vector<16xf32>
      %broadcast_in_dim3A_2101 = vector.broadcast %reduce_sum3A_2100 : f32 to vector<16xf32>
      %select_n3A_2102 = arith.select %eq3A_2096, %broadcast_in_dim3A_2101, %select_n3A_2035 : vector<16xi1>, vector<16xf32>
      %lt3A_2103 = arith.constant 31 : i32
      %lt3A_2104 = arith.cmpi slt, %add3A_1331, %lt3A_2103 : i32
      %convert_element_type3A_2105 = arith.extui %lt3A_2104 : i1 to i32
      %cond3A_2106 = arith.constant 0 : i32
      %cond3A_2107 = arith.cmpi ne, %convert_element_type3A_2105, %cond3A_2106 : i32
      scf.if %cond3A_2107 {
        %slice3A_2519 = vector.extract_strided_slice %get3A_1341 {offsets = [1], sizes = [1], strides = [1]} : vector<16xi32> to vector<1xi32>
        %squeeze3A_2520 = vector.extract %slice3A_2519[0] : i32 from vector<1xi32>
        %and3A_2521 = arith.constant 131071 : i32
        %and3A_2522 = arith.andi %squeeze3A_2520, %and3A_2521 : i32
        %shift_right_arithmetic3A_2523 = arith.constant 17 : i32
        %shift_right_arithmetic3A_2524 = arith.shrsi %squeeze3A_2520, %shift_right_arithmetic3A_2523 : i32
        %mul3A_2525 = arith.constant 64 : i32
        %mul3A_2526 = arith.muli %shift_right_arithmetic3A_2524, %mul3A_2525 : i32
        %multiple_of3A_2527 = tpu.assume_multiple %mul3A_2526, 64 : i32
        %shift_right_arithmetic3A_2528 = arith.constant 7 : i32
        %shift_right_arithmetic3A_2529 = arith.shrsi %and3A_2522, %shift_right_arithmetic3A_2528 : i32
        %mul3A_2530 = arith.constant 128 : i32
        %mul3A_2531 = arith.muli %shift_right_arithmetic3A_2529, %mul3A_2530 : i32
        %multiple_of3A_2532 = tpu.assume_multiple %mul3A_2531, 128 : i32
        %dma_start3A_2533 = tpu.memref_slice %arg2[%multiple_of3A_2527, %multiple_of3A_2532] : memref<1024x100000xf32, #tpu.memory_space<hbm>> -> memref<64x128xf32, #tpu.memory_space<hbm>>
        %dma_start3A_2534 = tpu.memref_slice %arg2[%multiple_of3A_2527, %multiple_of3A_2532] : memref<1024x100000xf32, #tpu.memory_space<hbm>> -> memref<64x128xf32, #tpu.memory_space<hbm>>
        tpu.enqueue_dma source(%dma_start3A_2534 : memref<64x128xf32, #tpu.memory_space<hbm>>) target(%arg16 : memref<64x128xf32, #tpu.memory_space<vmem>>) target_semaphore(%arg24 : memref<!tpu.dma_semaphore, #tpu.memory_space<semaphore_mem>>)
      } else {
      }
      %dma_wait3A_2108 = arith.constant 0 : i32
      %dma_wait3A_2109 = arith.constant 0 : i32
      %dma_wait3A_2110 = tpu.memref_slice %arg2[%dma_wait3A_2108, %dma_wait3A_2109] : memref<1024x100000xf32, #tpu.memory_space<hbm>> -> memref<64x128xf32, #tpu.memory_space<hbm>>
      %dma_wait3A_2111 = arith.constant 0 : i32
      %dma_wait3A_2112 = arith.constant 0 : i32
      %dma_wait3A_2113 = tpu.memref_slice %arg2[%dma_wait3A_2111, %dma_wait3A_2112] : memref<1024x100000xf32, #tpu.memory_space<hbm>> -> memref<64x128xf32, #tpu.memory_space<hbm>>
      tpu.wait_dma2 semaphore(%arg25 : memref<!tpu.dma_semaphore, #tpu.memory_space<semaphore_mem>>) src(%dma_wait3A_2113 : memref<64x128xf32, #tpu.memory_space<hbm>>) dst(%arg17 : memref<64x128xf32, #tpu.memory_space<vmem>>)
      %slice3A_2114 = vector.extract_strided_slice %get3A_1335 {offsets = [10], sizes = [1], strides = [1]} : vector<16xi32> to vector<1xi32>
      %squeeze3A_2115 = vector.extract %slice3A_2114[0] : i32 from vector<1xi32>
      %and3A_2116 = arith.constant 127 : i32
      %and3A_2117 = arith.andi %squeeze3A_2115, %and3A_2116 : i32
      %broadcast_in_dim3A_2118 = vector.broadcast %and3A_2117 : i32 to vector<16xi32>
      %broadcast_in_dim3A_2119 = arith.constant 0.000000e+00 : f32
      %broadcast_in_dim3A_2120 = vector.broadcast %broadcast_in_dim3A_2119 : f32 to vector<16xf32>
      %add3A_2121 = arith.constant 0 : i32
      %add3A_2122 = vector.broadcast %add3A_2121 : i32 to vector<16xi32>
      %add3A_2123 = arith.addi %add3A_2122, %iota3A : vector<16xi32>
      %gather3A_2124 = tpu.vector_load_idx %arg17[%add3A_2123, %broadcast_in_dim3A_2118] : memref<64x128xf32, #tpu.memory_space<vmem>>[vector<16xi32>, vector<16xi32>], vector<16xf32>,
      %get3A_2125 = arith.constant 10 : i32
      %get3A_2126 = arith.index_cast %get3A_2125 : i32 to index
      %get3A_2127 = arith.constant 0 : index
      %get3A_2128 = tpu.vector_load %arg14[%get3A_2126, %get3A_2127] {strides = array<i32>} : memref<16x64xf32, #tpu.memory_space<vmem>>, vector<16xf32>,
      %mul3A_2129 = arith.mulf %gather3A_2124, %get3A_2128 : vector<16xf32>
      %add3A_2130 = arith.addf %broadcast_in_dim3A_2120, %mul3A_2129 : vector<16xf32>
      %add3A_2131 = arith.constant 16 : i32
      %add3A_2132 = vector.broadcast %add3A_2131 : i32 to vector<16xi32>
      %add3A_2133 = arith.addi %add3A_2132, %iota3A : vector<16xi32>
      %gather3A_2134 = tpu.vector_load_idx %arg17[%add3A_2133, %broadcast_in_dim3A_2118] : memref<64x128xf32, #tpu.memory_space<vmem>>[vector<16xi32>, vector<16xi32>], vector<16xf32>,
      %get3A_2135 = arith.constant 10 : i32
      %get3A_2136 = arith.index_cast %get3A_2135 : i32 to index
      %get3A_2137 = arith.constant 16 : index
      %get3A_2138 = tpu.vector_load %arg14[%get3A_2136, %get3A_2137] {strides = array<i32>} : memref<16x64xf32, #tpu.memory_space<vmem>>, vector<16xf32>,
      %mul3A_2139 = arith.mulf %gather3A_2134, %get3A_2138 : vector<16xf32>
      %add3A_2140 = arith.addf %add3A_2130, %mul3A_2139 : vector<16xf32>
      %add3A_2141 = arith.constant 32 : i32
      %add3A_2142 = vector.broadcast %add3A_2141 : i32 to vector<16xi32>
      %add3A_2143 = arith.addi %add3A_2142, %iota3A : vector<16xi32>
      %gather3A_2144 = tpu.vector_load_idx %arg17[%add3A_2143, %broadcast_in_dim3A_2118] : memref<64x128xf32, #tpu.memory_space<vmem>>[vector<16xi32>, vector<16xi32>], vector<16xf32>,
      %get3A_2145 = arith.constant 10 : i32
      %get3A_2146 = arith.index_cast %get3A_2145 : i32 to index
      %get3A_2147 = arith.constant 32 : index
      %get3A_2148 = tpu.vector_load %arg14[%get3A_2146, %get3A_2147] {strides = array<i32>} : memref<16x64xf32, #tpu.memory_space<vmem>>, vector<16xf32>,
      %mul3A_2149 = arith.mulf %gather3A_2144, %get3A_2148 : vector<16xf32>
      %add3A_2150 = arith.addf %add3A_2140, %mul3A_2149 : vector<16xf32>
      %add3A_2151 = arith.constant 48 : i32
      %add3A_2152 = vector.broadcast %add3A_2151 : i32 to vector<16xi32>
      %add3A_2153 = arith.addi %add3A_2152, %iota3A : vector<16xi32>
      %gather3A_2154 = tpu.vector_load_idx %arg17[%add3A_2153, %broadcast_in_dim3A_2118] : memref<64x128xf32, #tpu.memory_space<vmem>>[vector<16xi32>, vector<16xi32>], vector<16xf32>,
      %get3A_2155 = arith.constant 10 : i32
      %get3A_2156 = arith.index_cast %get3A_2155 : i32 to index
      %get3A_2157 = arith.constant 48 : index
      %get3A_2158 = tpu.vector_load %arg14[%get3A_2156, %get3A_2157] {strides = array<i32>} : memref<16x64xf32, #tpu.memory_space<vmem>>, vector<16xf32>,
      %mul3A_2159 = arith.mulf %gather3A_2154, %get3A_2158 : vector<16xf32>
      %add3A_2160 = arith.addf %add3A_2150, %mul3A_2159 : vector<16xf32>
      %eq3A_2161 = arith.constant 10 : i32
      %eq3A_2162 = vector.broadcast %eq3A_2161 : i32 to vector<16xi32>
      %eq3A_2163 = arith.cmpi eq, %iota3A, %eq3A_2162 : vector<16xi32>
      %reduce_sum3A_2164 = arith.constant true
      %reduce_sum3A_2165 = vector.broadcast %reduce_sum3A_2164 : i1 to vector<16xi1>
      %reduce_sum3A_2166 = tpu.scan <sum>, %add3A_2160 masked %reduce_sum3A_2165 : vector<16xf32>, vector<16xi1> -> vector<16xf32>
      %reduce_sum3A_2167 = vector.extract %reduce_sum3A_2166[15] : f32 from vector<16xf32>
      %broadcast_in_dim3A_2168 = vector.broadcast %reduce_sum3A_2167 : f32 to vector<16xf32>
      %select_n3A_2169 = arith.select %eq3A_2163, %broadcast_in_dim3A_2168, %select_n3A_2102 : vector<16xi1>, vector<16xf32>
      %lt3A_2170 = arith.constant 31 : i32
      %lt3A_2171 = arith.cmpi slt, %add3A_1331, %lt3A_2170 : i32
      %convert_element_type3A_2172 = arith.extui %lt3A_2171 : i1 to i32
      %cond3A_2173 = arith.constant 0 : i32
      %cond3A_2174 = arith.cmpi ne, %convert_element_type3A_2172, %cond3A_2173 : i32
      scf.if %cond3A_2174 {
        %slice3A_2519 = vector.extract_strided_slice %get3A_1341 {offsets = [2], sizes = [1], strides = [1]} : vector<16xi32> to vector<1xi32>
        %squeeze3A_2520 = vector.extract %slice3A_2519[0] : i32 from vector<1xi32>
        %and3A_2521 = arith.constant 131071 : i32
        %and3A_2522 = arith.andi %squeeze3A_2520, %and3A_2521 : i32
        %shift_right_arithmetic3A_2523 = arith.constant 17 : i32
        %shift_right_arithmetic3A_2524 = arith.shrsi %squeeze3A_2520, %shift_right_arithmetic3A_2523 : i32
        %mul3A_2525 = arith.constant 64 : i32
        %mul3A_2526 = arith.muli %shift_right_arithmetic3A_2524, %mul3A_2525 : i32
        %multiple_of3A_2527 = tpu.assume_multiple %mul3A_2526, 64 : i32
        %shift_right_arithmetic3A_2528 = arith.constant 7 : i32
        %shift_right_arithmetic3A_2529 = arith.shrsi %and3A_2522, %shift_right_arithmetic3A_2528 : i32
        %mul3A_2530 = arith.constant 128 : i32
        %mul3A_2531 = arith.muli %shift_right_arithmetic3A_2529, %mul3A_2530 : i32
        %multiple_of3A_2532 = tpu.assume_multiple %mul3A_2531, 128 : i32
        %dma_start3A_2533 = tpu.memref_slice %arg2[%multiple_of3A_2527, %multiple_of3A_2532] : memref<1024x100000xf32, #tpu.memory_space<hbm>> -> memref<64x128xf32, #tpu.memory_space<hbm>>
        %dma_start3A_2534 = tpu.memref_slice %arg2[%multiple_of3A_2527, %multiple_of3A_2532] : memref<1024x100000xf32, #tpu.memory_space<hbm>> -> memref<64x128xf32, #tpu.memory_space<hbm>>
        tpu.enqueue_dma source(%dma_start3A_2534 : memref<64x128xf32, #tpu.memory_space<hbm>>) target(%arg17 : memref<64x128xf32, #tpu.memory_space<vmem>>) target_semaphore(%arg25 : memref<!tpu.dma_semaphore, #tpu.memory_space<semaphore_mem>>)
      } else {
      }
      %dma_wait3A_2175 = arith.constant 0 : i32
      %dma_wait3A_2176 = arith.constant 0 : i32
      %dma_wait3A_2177 = tpu.memref_slice %arg2[%dma_wait3A_2175, %dma_wait3A_2176] : memref<1024x100000xf32, #tpu.memory_space<hbm>> -> memref<64x128xf32, #tpu.memory_space<hbm>>
      %dma_wait3A_2178 = arith.constant 0 : i32
      %dma_wait3A_2179 = arith.constant 0 : i32
      %dma_wait3A_2180 = tpu.memref_slice %arg2[%dma_wait3A_2178, %dma_wait3A_2179] : memref<1024x100000xf32, #tpu.memory_space<hbm>> -> memref<64x128xf32, #tpu.memory_space<hbm>>
      tpu.wait_dma2 semaphore(%arg26 : memref<!tpu.dma_semaphore, #tpu.memory_space<semaphore_mem>>) src(%dma_wait3A_2180 : memref<64x128xf32, #tpu.memory_space<hbm>>) dst(%arg18 : memref<64x128xf32, #tpu.memory_space<vmem>>)
      %slice3A_2181 = vector.extract_strided_slice %get3A_1335 {offsets = [11], sizes = [1], strides = [1]} : vector<16xi32> to vector<1xi32>
      %squeeze3A_2182 = vector.extract %slice3A_2181[0] : i32 from vector<1xi32>
      %and3A_2183 = arith.constant 127 : i32
      %and3A_2184 = arith.andi %squeeze3A_2182, %and3A_2183 : i32
      %broadcast_in_dim3A_2185 = vector.broadcast %and3A_2184 : i32 to vector<16xi32>
      %broadcast_in_dim3A_2186 = arith.constant 0.000000e+00 : f32
      %broadcast_in_dim3A_2187 = vector.broadcast %broadcast_in_dim3A_2186 : f32 to vector<16xf32>
      %add3A_2188 = arith.constant 0 : i32
      %add3A_2189 = vector.broadcast %add3A_2188 : i32 to vector<16xi32>
      %add3A_2190 = arith.addi %add3A_2189, %iota3A : vector<16xi32>
      %gather3A_2191 = tpu.vector_load_idx %arg18[%add3A_2190, %broadcast_in_dim3A_2185] : memref<64x128xf32, #tpu.memory_space<vmem>>[vector<16xi32>, vector<16xi32>], vector<16xf32>,
      %get3A_2192 = arith.constant 11 : i32
      %get3A_2193 = arith.index_cast %get3A_2192 : i32 to index
      %get3A_2194 = arith.constant 0 : index
      %get3A_2195 = tpu.vector_load %arg14[%get3A_2193, %get3A_2194] {strides = array<i32>} : memref<16x64xf32, #tpu.memory_space<vmem>>, vector<16xf32>,
      %mul3A_2196 = arith.mulf %gather3A_2191, %get3A_2195 : vector<16xf32>
      %add3A_2197 = arith.addf %broadcast_in_dim3A_2187, %mul3A_2196 : vector<16xf32>
      %add3A_2198 = arith.constant 16 : i32
      %add3A_2199 = vector.broadcast %add3A_2198 : i32 to vector<16xi32>
      %add3A_2200 = arith.addi %add3A_2199, %iota3A : vector<16xi32>
      %gather3A_2201 = tpu.vector_load_idx %arg18[%add3A_2200, %broadcast_in_dim3A_2185] : memref<64x128xf32, #tpu.memory_space<vmem>>[vector<16xi32>, vector<16xi32>], vector<16xf32>,
      %get3A_2202 = arith.constant 11 : i32
      %get3A_2203 = arith.index_cast %get3A_2202 : i32 to index
      %get3A_2204 = arith.constant 16 : index
      %get3A_2205 = tpu.vector_load %arg14[%get3A_2203, %get3A_2204] {strides = array<i32>} : memref<16x64xf32, #tpu.memory_space<vmem>>, vector<16xf32>,
      %mul3A_2206 = arith.mulf %gather3A_2201, %get3A_2205 : vector<16xf32>
      %add3A_2207 = arith.addf %add3A_2197, %mul3A_2206 : vector<16xf32>
      %add3A_2208 = arith.constant 32 : i32
      %add3A_2209 = vector.broadcast %add3A_2208 : i32 to vector<16xi32>
      %add3A_2210 = arith.addi %add3A_2209, %iota3A : vector<16xi32>
      %gather3A_2211 = tpu.vector_load_idx %arg18[%add3A_2210, %broadcast_in_dim3A_2185] : memref<64x128xf32, #tpu.memory_space<vmem>>[vector<16xi32>, vector<16xi32>], vector<16xf32>,
      %get3A_2212 = arith.constant 11 : i32
      %get3A_2213 = arith.index_cast %get3A_2212 : i32 to index
      %get3A_2214 = arith.constant 32 : index
      %get3A_2215 = tpu.vector_load %arg14[%get3A_2213, %get3A_2214] {strides = array<i32>} : memref<16x64xf32, #tpu.memory_space<vmem>>, vector<16xf32>,
      %mul3A_2216 = arith.mulf %gather3A_2211, %get3A_2215 : vector<16xf32>
      %add3A_2217 = arith.addf %add3A_2207, %mul3A_2216 : vector<16xf32>
      %add3A_2218 = arith.constant 48 : i32
      %add3A_2219 = vector.broadcast %add3A_2218 : i32 to vector<16xi32>
      %add3A_2220 = arith.addi %add3A_2219, %iota3A : vector<16xi32>
      %gather3A_2221 = tpu.vector_load_idx %arg18[%add3A_2220, %broadcast_in_dim3A_2185] : memref<64x128xf32, #tpu.memory_space<vmem>>[vector<16xi32>, vector<16xi32>], vector<16xf32>,
      %get3A_2222 = arith.constant 11 : i32
      %get3A_2223 = arith.index_cast %get3A_2222 : i32 to index
      %get3A_2224 = arith.constant 48 : index
      %get3A_2225 = tpu.vector_load %arg14[%get3A_2223, %get3A_2224] {strides = array<i32>} : memref<16x64xf32, #tpu.memory_space<vmem>>, vector<16xf32>,
      %mul3A_2226 = arith.mulf %gather3A_2221, %get3A_2225 : vector<16xf32>
      %add3A_2227 = arith.addf %add3A_2217, %mul3A_2226 : vector<16xf32>
      %eq3A_2228 = arith.constant 11 : i32
      %eq3A_2229 = vector.broadcast %eq3A_2228 : i32 to vector<16xi32>
      %eq3A_2230 = arith.cmpi eq, %iota3A, %eq3A_2229 : vector<16xi32>
      %reduce_sum3A_2231 = arith.constant true
      %reduce_sum3A_2232 = vector.broadcast %reduce_sum3A_2231 : i1 to vector<16xi1>
      %reduce_sum3A_2233 = tpu.scan <sum>, %add3A_2227 masked %reduce_sum3A_2232 : vector<16xf32>, vector<16xi1> -> vector<16xf32>
      %reduce_sum3A_2234 = vector.extract %reduce_sum3A_2233[15] : f32 from vector<16xf32>
      %broadcast_in_dim3A_2235 = vector.broadcast %reduce_sum3A_2234 : f32 to vector<16xf32>
      %select_n3A_2236 = arith.select %eq3A_2230, %broadcast_in_dim3A_2235, %select_n3A_2169 : vector<16xi1>, vector<16xf32>
      %lt3A_2237 = arith.constant 31 : i32
      %lt3A_2238 = arith.cmpi slt, %add3A_1331, %lt3A_2237 : i32
      %convert_element_type3A_2239 = arith.extui %lt3A_2238 : i1 to i32
      %cond3A_2240 = arith.constant 0 : i32
      %cond3A_2241 = arith.cmpi ne, %convert_element_type3A_2239, %cond3A_2240 : i32
      scf.if %cond3A_2241 {
        %slice3A_2519 = vector.extract_strided_slice %get3A_1341 {offsets = [3], sizes = [1], strides = [1]} : vector<16xi32> to vector<1xi32>
        %squeeze3A_2520 = vector.extract %slice3A_2519[0] : i32 from vector<1xi32>
        %and3A_2521 = arith.constant 131071 : i32
        %and3A_2522 = arith.andi %squeeze3A_2520, %and3A_2521 : i32
        %shift_right_arithmetic3A_2523 = arith.constant 17 : i32
        %shift_right_arithmetic3A_2524 = arith.shrsi %squeeze3A_2520, %shift_right_arithmetic3A_2523 : i32
        %mul3A_2525 = arith.constant 64 : i32
        %mul3A_2526 = arith.muli %shift_right_arithmetic3A_2524, %mul3A_2525 : i32
        %multiple_of3A_2527 = tpu.assume_multiple %mul3A_2526, 64 : i32
        %shift_right_arithmetic3A_2528 = arith.constant 7 : i32
        %shift_right_arithmetic3A_2529 = arith.shrsi %and3A_2522, %shift_right_arithmetic3A_2528 : i32
        %mul3A_2530 = arith.constant 128 : i32
        %mul3A_2531 = arith.muli %shift_right_arithmetic3A_2529, %mul3A_2530 : i32
        %multiple_of3A_2532 = tpu.assume_multiple %mul3A_2531, 128 : i32
        %dma_start3A_2533 = tpu.memref_slice %arg2[%multiple_of3A_2527, %multiple_of3A_2532] : memref<1024x100000xf32, #tpu.memory_space<hbm>> -> memref<64x128xf32, #tpu.memory_space<hbm>>
        %dma_start3A_2534 = tpu.memref_slice %arg2[%multiple_of3A_2527, %multiple_of3A_2532] : memref<1024x100000xf32, #tpu.memory_space<hbm>> -> memref<64x128xf32, #tpu.memory_space<hbm>>
        tpu.enqueue_dma source(%dma_start3A_2534 : memref<64x128xf32, #tpu.memory_space<hbm>>) target(%arg18 : memref<64x128xf32, #tpu.memory_space<vmem>>) target_semaphore(%arg26 : memref<!tpu.dma_semaphore, #tpu.memory_space<semaphore_mem>>)
      } else {
      }
      %dma_wait3A_2242 = arith.constant 0 : i32
      %dma_wait3A_2243 = arith.constant 0 : i32
      %dma_wait3A_2244 = tpu.memref_slice %arg2[%dma_wait3A_2242, %dma_wait3A_2243] : memref<1024x100000xf32, #tpu.memory_space<hbm>> -> memref<64x128xf32, #tpu.memory_space<hbm>>
      %dma_wait3A_2245 = arith.constant 0 : i32
      %dma_wait3A_2246 = arith.constant 0 : i32
      %dma_wait3A_2247 = tpu.memref_slice %arg2[%dma_wait3A_2245, %dma_wait3A_2246] : memref<1024x100000xf32, #tpu.memory_space<hbm>> -> memref<64x128xf32, #tpu.memory_space<hbm>>
      tpu.wait_dma2 semaphore(%arg27 : memref<!tpu.dma_semaphore, #tpu.memory_space<semaphore_mem>>) src(%dma_wait3A_2247 : memref<64x128xf32, #tpu.memory_space<hbm>>) dst(%arg19 : memref<64x128xf32, #tpu.memory_space<vmem>>)
      %slice3A_2248 = vector.extract_strided_slice %get3A_1335 {offsets = [12], sizes = [1], strides = [1]} : vector<16xi32> to vector<1xi32>
      %squeeze3A_2249 = vector.extract %slice3A_2248[0] : i32 from vector<1xi32>
      %and3A_2250 = arith.constant 127 : i32
      %and3A_2251 = arith.andi %squeeze3A_2249, %and3A_2250 : i32
      %broadcast_in_dim3A_2252 = vector.broadcast %and3A_2251 : i32 to vector<16xi32>
      %broadcast_in_dim3A_2253 = arith.constant 0.000000e+00 : f32
      %broadcast_in_dim3A_2254 = vector.broadcast %broadcast_in_dim3A_2253 : f32 to vector<16xf32>
      %add3A_2255 = arith.constant 0 : i32
      %add3A_2256 = vector.broadcast %add3A_2255 : i32 to vector<16xi32>
      %add3A_2257 = arith.addi %add3A_2256, %iota3A : vector<16xi32>
      %gather3A_2258 = tpu.vector_load_idx %arg19[%add3A_2257, %broadcast_in_dim3A_2252] : memref<64x128xf32, #tpu.memory_space<vmem>>[vector<16xi32>, vector<16xi32>], vector<16xf32>,
      %get3A_2259 = arith.constant 12 : i32
      %get3A_2260 = arith.index_cast %get3A_2259 : i32 to index
      %get3A_2261 = arith.constant 0 : index
      %get3A_2262 = tpu.vector_load %arg14[%get3A_2260, %get3A_2261] {strides = array<i32>} : memref<16x64xf32, #tpu.memory_space<vmem>>, vector<16xf32>,
      %mul3A_2263 = arith.mulf %gather3A_2258, %get3A_2262 : vector<16xf32>
      %add3A_2264 = arith.addf %broadcast_in_dim3A_2254, %mul3A_2263 : vector<16xf32>
      %add3A_2265 = arith.constant 16 : i32
      %add3A_2266 = vector.broadcast %add3A_2265 : i32 to vector<16xi32>
      %add3A_2267 = arith.addi %add3A_2266, %iota3A : vector<16xi32>
      %gather3A_2268 = tpu.vector_load_idx %arg19[%add3A_2267, %broadcast_in_dim3A_2252] : memref<64x128xf32, #tpu.memory_space<vmem>>[vector<16xi32>, vector<16xi32>], vector<16xf32>,
      %get3A_2269 = arith.constant 12 : i32
      %get3A_2270 = arith.index_cast %get3A_2269 : i32 to index
      %get3A_2271 = arith.constant 16 : index
      %get3A_2272 = tpu.vector_load %arg14[%get3A_2270, %get3A_2271] {strides = array<i32>} : memref<16x64xf32, #tpu.memory_space<vmem>>, vector<16xf32>,
      %mul3A_2273 = arith.mulf %gather3A_2268, %get3A_2272 : vector<16xf32>
      %add3A_2274 = arith.addf %add3A_2264, %mul3A_2273 : vector<16xf32>
      %add3A_2275 = arith.constant 32 : i32
      %add3A_2276 = vector.broadcast %add3A_2275 : i32 to vector<16xi32>
      %add3A_2277 = arith.addi %add3A_2276, %iota3A : vector<16xi32>
      %gather3A_2278 = tpu.vector_load_idx %arg19[%add3A_2277, %broadcast_in_dim3A_2252] : memref<64x128xf32, #tpu.memory_space<vmem>>[vector<16xi32>, vector<16xi32>], vector<16xf32>,
      %get3A_2279 = arith.constant 12 : i32
      %get3A_2280 = arith.index_cast %get3A_2279 : i32 to index
      %get3A_2281 = arith.constant 32 : index
      %get3A_2282 = tpu.vector_load %arg14[%get3A_2280, %get3A_2281] {strides = array<i32>} : memref<16x64xf32, #tpu.memory_space<vmem>>, vector<16xf32>,
      %mul3A_2283 = arith.mulf %gather3A_2278, %get3A_2282 : vector<16xf32>
      %add3A_2284 = arith.addf %add3A_2274, %mul3A_2283 : vector<16xf32>
      %add3A_2285 = arith.constant 48 : i32
      %add3A_2286 = vector.broadcast %add3A_2285 : i32 to vector<16xi32>
      %add3A_2287 = arith.addi %add3A_2286, %iota3A : vector<16xi32>
      %gather3A_2288 = tpu.vector_load_idx %arg19[%add3A_2287, %broadcast_in_dim3A_2252] : memref<64x128xf32, #tpu.memory_space<vmem>>[vector<16xi32>, vector<16xi32>], vector<16xf32>,
      %get3A_2289 = arith.constant 12 : i32
      %get3A_2290 = arith.index_cast %get3A_2289 : i32 to index
      %get3A_2291 = arith.constant 48 : index
      %get3A_2292 = tpu.vector_load %arg14[%get3A_2290, %get3A_2291] {strides = array<i32>} : memref<16x64xf32, #tpu.memory_space<vmem>>, vector<16xf32>,
      %mul3A_2293 = arith.mulf %gather3A_2288, %get3A_2292 : vector<16xf32>
      %add3A_2294 = arith.addf %add3A_2284, %mul3A_2293 : vector<16xf32>
      %eq3A_2295 = arith.constant 12 : i32
      %eq3A_2296 = vector.broadcast %eq3A_2295 : i32 to vector<16xi32>
      %eq3A_2297 = arith.cmpi eq, %iota3A, %eq3A_2296 : vector<16xi32>
      %reduce_sum3A_2298 = arith.constant true
      %reduce_sum3A_2299 = vector.broadcast %reduce_sum3A_2298 : i1 to vector<16xi1>
      %reduce_sum3A_2300 = tpu.scan <sum>, %add3A_2294 masked %reduce_sum3A_2299 : vector<16xf32>, vector<16xi1> -> vector<16xf32>
      %reduce_sum3A_2301 = vector.extract %reduce_sum3A_2300[15] : f32 from vector<16xf32>
      %broadcast_in_dim3A_2302 = vector.broadcast %reduce_sum3A_2301 : f32 to vector<16xf32>
      %select_n3A_2303 = arith.select %eq3A_2297, %broadcast_in_dim3A_2302, %select_n3A_2236 : vector<16xi1>, vector<16xf32>
      %lt3A_2304 = arith.constant 31 : i32
      %lt3A_2305 = arith.cmpi slt, %add3A_1331, %lt3A_2304 : i32
      %convert_element_type3A_2306 = arith.extui %lt3A_2305 : i1 to i32
      %cond3A_2307 = arith.constant 0 : i32
      %cond3A_2308 = arith.cmpi ne, %convert_element_type3A_2306, %cond3A_2307 : i32
      scf.if %cond3A_2308 {
        %slice3A_2519 = vector.extract_strided_slice %get3A_1341 {offsets = [4], sizes = [1], strides = [1]} : vector<16xi32> to vector<1xi32>
        %squeeze3A_2520 = vector.extract %slice3A_2519[0] : i32 from vector<1xi32>
        %and3A_2521 = arith.constant 131071 : i32
        %and3A_2522 = arith.andi %squeeze3A_2520, %and3A_2521 : i32
        %shift_right_arithmetic3A_2523 = arith.constant 17 : i32
        %shift_right_arithmetic3A_2524 = arith.shrsi %squeeze3A_2520, %shift_right_arithmetic3A_2523 : i32
        %mul3A_2525 = arith.constant 64 : i32
        %mul3A_2526 = arith.muli %shift_right_arithmetic3A_2524, %mul3A_2525 : i32
        %multiple_of3A_2527 = tpu.assume_multiple %mul3A_2526, 64 : i32
        %shift_right_arithmetic3A_2528 = arith.constant 7 : i32
        %shift_right_arithmetic3A_2529 = arith.shrsi %and3A_2522, %shift_right_arithmetic3A_2528 : i32
        %mul3A_2530 = arith.constant 128 : i32
        %mul3A_2531 = arith.muli %shift_right_arithmetic3A_2529, %mul3A_2530 : i32
        %multiple_of3A_2532 = tpu.assume_multiple %mul3A_2531, 128 : i32
        %dma_start3A_2533 = tpu.memref_slice %arg2[%multiple_of3A_2527, %multiple_of3A_2532] : memref<1024x100000xf32, #tpu.memory_space<hbm>> -> memref<64x128xf32, #tpu.memory_space<hbm>>
        %dma_start3A_2534 = tpu.memref_slice %arg2[%multiple_of3A_2527, %multiple_of3A_2532] : memref<1024x100000xf32, #tpu.memory_space<hbm>> -> memref<64x128xf32, #tpu.memory_space<hbm>>
        tpu.enqueue_dma source(%dma_start3A_2534 : memref<64x128xf32, #tpu.memory_space<hbm>>) target(%arg19 : memref<64x128xf32, #tpu.memory_space<vmem>>) target_semaphore(%arg27 : memref<!tpu.dma_semaphore, #tpu.memory_space<semaphore_mem>>)
      } else {
      }
      %dma_wait3A_2309 = arith.constant 0 : i32
      %dma_wait3A_2310 = arith.constant 0 : i32
      %dma_wait3A_2311 = tpu.memref_slice %arg2[%dma_wait3A_2309, %dma_wait3A_2310] : memref<1024x100000xf32, #tpu.memory_space<hbm>> -> memref<64x128xf32, #tpu.memory_space<hbm>>
      %dma_wait3A_2312 = arith.constant 0 : i32
      %dma_wait3A_2313 = arith.constant 0 : i32
      %dma_wait3A_2314 = tpu.memref_slice %arg2[%dma_wait3A_2312, %dma_wait3A_2313] : memref<1024x100000xf32, #tpu.memory_space<hbm>> -> memref<64x128xf32, #tpu.memory_space<hbm>>
      tpu.wait_dma2 semaphore(%arg28 : memref<!tpu.dma_semaphore, #tpu.memory_space<semaphore_mem>>) src(%dma_wait3A_2314 : memref<64x128xf32, #tpu.memory_space<hbm>>) dst(%arg20 : memref<64x128xf32, #tpu.memory_space<vmem>>)
      %slice3A_2315 = vector.extract_strided_slice %get3A_1335 {offsets = [13], sizes = [1], strides = [1]} : vector<16xi32> to vector<1xi32>
      %squeeze3A_2316 = vector.extract %slice3A_2315[0] : i32 from vector<1xi32>
      %and3A_2317 = arith.constant 127 : i32
      %and3A_2318 = arith.andi %squeeze3A_2316, %and3A_2317 : i32
      %broadcast_in_dim3A_2319 = vector.broadcast %and3A_2318 : i32 to vector<16xi32>
      %broadcast_in_dim3A_2320 = arith.constant 0.000000e+00 : f32
      %broadcast_in_dim3A_2321 = vector.broadcast %broadcast_in_dim3A_2320 : f32 to vector<16xf32>
      %add3A_2322 = arith.constant 0 : i32
      %add3A_2323 = vector.broadcast %add3A_2322 : i32 to vector<16xi32>
      %add3A_2324 = arith.addi %add3A_2323, %iota3A : vector<16xi32>
      %gather3A_2325 = tpu.vector_load_idx %arg20[%add3A_2324, %broadcast_in_dim3A_2319] : memref<64x128xf32, #tpu.memory_space<vmem>>[vector<16xi32>, vector<16xi32>], vector<16xf32>,
      %get3A_2326 = arith.constant 13 : i32
      %get3A_2327 = arith.index_cast %get3A_2326 : i32 to index
      %get3A_2328 = arith.constant 0 : index
      %get3A_2329 = tpu.vector_load %arg14[%get3A_2327, %get3A_2328] {strides = array<i32>} : memref<16x64xf32, #tpu.memory_space<vmem>>, vector<16xf32>,
      %mul3A_2330 = arith.mulf %gather3A_2325, %get3A_2329 : vector<16xf32>
      %add3A_2331 = arith.addf %broadcast_in_dim3A_2321, %mul3A_2330 : vector<16xf32>
      %add3A_2332 = arith.constant 16 : i32
      %add3A_2333 = vector.broadcast %add3A_2332 : i32 to vector<16xi32>
      %add3A_2334 = arith.addi %add3A_2333, %iota3A : vector<16xi32>
      %gather3A_2335 = tpu.vector_load_idx %arg20[%add3A_2334, %broadcast_in_dim3A_2319] : memref<64x128xf32, #tpu.memory_space<vmem>>[vector<16xi32>, vector<16xi32>], vector<16xf32>,
      %get3A_2336 = arith.constant 13 : i32
      %get3A_2337 = arith.index_cast %get3A_2336 : i32 to index
      %get3A_2338 = arith.constant 16 : index
      %get3A_2339 = tpu.vector_load %arg14[%get3A_2337, %get3A_2338] {strides = array<i32>} : memref<16x64xf32, #tpu.memory_space<vmem>>, vector<16xf32>,
      %mul3A_2340 = arith.mulf %gather3A_2335, %get3A_2339 : vector<16xf32>
      %add3A_2341 = arith.addf %add3A_2331, %mul3A_2340 : vector<16xf32>
      %add3A_2342 = arith.constant 32 : i32
      %add3A_2343 = vector.broadcast %add3A_2342 : i32 to vector<16xi32>
      %add3A_2344 = arith.addi %add3A_2343, %iota3A : vector<16xi32>
      %gather3A_2345 = tpu.vector_load_idx %arg20[%add3A_2344, %broadcast_in_dim3A_2319] : memref<64x128xf32, #tpu.memory_space<vmem>>[vector<16xi32>, vector<16xi32>], vector<16xf32>,
      %get3A_2346 = arith.constant 13 : i32
      %get3A_2347 = arith.index_cast %get3A_2346 : i32 to index
      %get3A_2348 = arith.constant 32 : index
      %get3A_2349 = tpu.vector_load %arg14[%get3A_2347, %get3A_2348] {strides = array<i32>} : memref<16x64xf32, #tpu.memory_space<vmem>>, vector<16xf32>,
      %mul3A_2350 = arith.mulf %gather3A_2345, %get3A_2349 : vector<16xf32>
      %add3A_2351 = arith.addf %add3A_2341, %mul3A_2350 : vector<16xf32>
      %add3A_2352 = arith.constant 48 : i32
      %add3A_2353 = vector.broadcast %add3A_2352 : i32 to vector<16xi32>
      %add3A_2354 = arith.addi %add3A_2353, %iota3A : vector<16xi32>
      %gather3A_2355 = tpu.vector_load_idx %arg20[%add3A_2354, %broadcast_in_dim3A_2319] : memref<64x128xf32, #tpu.memory_space<vmem>>[vector<16xi32>, vector<16xi32>], vector<16xf32>,
      %get3A_2356 = arith.constant 13 : i32
      %get3A_2357 = arith.index_cast %get3A_2356 : i32 to index
      %get3A_2358 = arith.constant 48 : index
      %get3A_2359 = tpu.vector_load %arg14[%get3A_2357, %get3A_2358] {strides = array<i32>} : memref<16x64xf32, #tpu.memory_space<vmem>>, vector<16xf32>,
      %mul3A_2360 = arith.mulf %gather3A_2355, %get3A_2359 : vector<16xf32>
      %add3A_2361 = arith.addf %add3A_2351, %mul3A_2360 : vector<16xf32>
      %eq3A_2362 = arith.constant 13 : i32
      %eq3A_2363 = vector.broadcast %eq3A_2362 : i32 to vector<16xi32>
      %eq3A_2364 = arith.cmpi eq, %iota3A, %eq3A_2363 : vector<16xi32>
      %reduce_sum3A_2365 = arith.constant true
      %reduce_sum3A_2366 = vector.broadcast %reduce_sum3A_2365 : i1 to vector<16xi1>
      %reduce_sum3A_2367 = tpu.scan <sum>, %add3A_2361 masked %reduce_sum3A_2366 : vector<16xf32>, vector<16xi1> -> vector<16xf32>
      %reduce_sum3A_2368 = vector.extract %reduce_sum3A_2367[15] : f32 from vector<16xf32>
      %broadcast_in_dim3A_2369 = vector.broadcast %reduce_sum3A_2368 : f32 to vector<16xf32>
      %select_n3A_2370 = arith.select %eq3A_2364, %broadcast_in_dim3A_2369, %select_n3A_2303 : vector<16xi1>, vector<16xf32>
      %lt3A_2371 = arith.constant 31 : i32
      %lt3A_2372 = arith.cmpi slt, %add3A_1331, %lt3A_2371 : i32
      %convert_element_type3A_2373 = arith.extui %lt3A_2372 : i1 to i32
      %cond3A_2374 = arith.constant 0 : i32
      %cond3A_2375 = arith.cmpi ne, %convert_element_type3A_2373, %cond3A_2374 : i32
      scf.if %cond3A_2375 {
        %slice3A_2519 = vector.extract_strided_slice %get3A_1341 {offsets = [5], sizes = [1], strides = [1]} : vector<16xi32> to vector<1xi32>
        %squeeze3A_2520 = vector.extract %slice3A_2519[0] : i32 from vector<1xi32>
        %and3A_2521 = arith.constant 131071 : i32
        %and3A_2522 = arith.andi %squeeze3A_2520, %and3A_2521 : i32
        %shift_right_arithmetic3A_2523 = arith.constant 17 : i32
        %shift_right_arithmetic3A_2524 = arith.shrsi %squeeze3A_2520, %shift_right_arithmetic3A_2523 : i32
        %mul3A_2525 = arith.constant 64 : i32
        %mul3A_2526 = arith.muli %shift_right_arithmetic3A_2524, %mul3A_2525 : i32
        %multiple_of3A_2527 = tpu.assume_multiple %mul3A_2526, 64 : i32
        %shift_right_arithmetic3A_2528 = arith.constant 7 : i32
        %shift_right_arithmetic3A_2529 = arith.shrsi %and3A_2522, %shift_right_arithmetic3A_2528 : i32
        %mul3A_2530 = arith.constant 128 : i32
        %mul3A_2531 = arith.muli %shift_right_arithmetic3A_2529, %mul3A_2530 : i32
        %multiple_of3A_2532 = tpu.assume_multiple %mul3A_2531, 128 : i32
        %dma_start3A_2533 = tpu.memref_slice %arg2[%multiple_of3A_2527, %multiple_of3A_2532] : memref<1024x100000xf32, #tpu.memory_space<hbm>> -> memref<64x128xf32, #tpu.memory_space<hbm>>
        %dma_start3A_2534 = tpu.memref_slice %arg2[%multiple_of3A_2527, %multiple_of3A_2532] : memref<1024x100000xf32, #tpu.memory_space<hbm>> -> memref<64x128xf32, #tpu.memory_space<hbm>>
        tpu.enqueue_dma source(%dma_start3A_2534 : memref<64x128xf32, #tpu.memory_space<hbm>>) target(%arg20 : memref<64x128xf32, #tpu.memory_space<vmem>>) target_semaphore(%arg28 : memref<!tpu.dma_semaphore, #tpu.memory_space<semaphore_mem>>)
      } else {
      }
      %dma_wait3A_2376 = arith.constant 0 : i32
      %dma_wait3A_2377 = arith.constant 0 : i32
      %dma_wait3A_2378 = tpu.memref_slice %arg2[%dma_wait3A_2376, %dma_wait3A_2377] : memref<1024x100000xf32, #tpu.memory_space<hbm>> -> memref<64x128xf32, #tpu.memory_space<hbm>>
      %dma_wait3A_2379 = arith.constant 0 : i32
      %dma_wait3A_2380 = arith.constant 0 : i32
      %dma_wait3A_2381 = tpu.memref_slice %arg2[%dma_wait3A_2379, %dma_wait3A_2380] : memref<1024x100000xf32, #tpu.memory_space<hbm>> -> memref<64x128xf32, #tpu.memory_space<hbm>>
      tpu.wait_dma2 semaphore(%arg29 : memref<!tpu.dma_semaphore, #tpu.memory_space<semaphore_mem>>) src(%dma_wait3A_2381 : memref<64x128xf32, #tpu.memory_space<hbm>>) dst(%arg21 : memref<64x128xf32, #tpu.memory_space<vmem>>)
      %slice3A_2382 = vector.extract_strided_slice %get3A_1335 {offsets = [14], sizes = [1], strides = [1]} : vector<16xi32> to vector<1xi32>
      %squeeze3A_2383 = vector.extract %slice3A_2382[0] : i32 from vector<1xi32>
      %and3A_2384 = arith.constant 127 : i32
      %and3A_2385 = arith.andi %squeeze3A_2383, %and3A_2384 : i32
      %broadcast_in_dim3A_2386 = vector.broadcast %and3A_2385 : i32 to vector<16xi32>
      %broadcast_in_dim3A_2387 = arith.constant 0.000000e+00 : f32
      %broadcast_in_dim3A_2388 = vector.broadcast %broadcast_in_dim3A_2387 : f32 to vector<16xf32>
      %add3A_2389 = arith.constant 0 : i32
      %add3A_2390 = vector.broadcast %add3A_2389 : i32 to vector<16xi32>
      %add3A_2391 = arith.addi %add3A_2390, %iota3A : vector<16xi32>
      %gather3A_2392 = tpu.vector_load_idx %arg21[%add3A_2391, %broadcast_in_dim3A_2386] : memref<64x128xf32, #tpu.memory_space<vmem>>[vector<16xi32>, vector<16xi32>], vector<16xf32>,
      %get3A_2393 = arith.constant 14 : i32
      %get3A_2394 = arith.index_cast %get3A_2393 : i32 to index
      %get3A_2395 = arith.constant 0 : index
      %get3A_2396 = tpu.vector_load %arg14[%get3A_2394, %get3A_2395] {strides = array<i32>} : memref<16x64xf32, #tpu.memory_space<vmem>>, vector<16xf32>,
      %mul3A_2397 = arith.mulf %gather3A_2392, %get3A_2396 : vector<16xf32>
      %add3A_2398 = arith.addf %broadcast_in_dim3A_2388, %mul3A_2397 : vector<16xf32>
      %add3A_2399 = arith.constant 16 : i32
      %add3A_2400 = vector.broadcast %add3A_2399 : i32 to vector<16xi32>
      %add3A_2401 = arith.addi %add3A_2400, %iota3A : vector<16xi32>
      %gather3A_2402 = tpu.vector_load_idx %arg21[%add3A_2401, %broadcast_in_dim3A_2386] : memref<64x128xf32, #tpu.memory_space<vmem>>[vector<16xi32>, vector<16xi32>], vector<16xf32>,
      %get3A_2403 = arith.constant 14 : i32
      %get3A_2404 = arith.index_cast %get3A_2403 : i32 to index
      %get3A_2405 = arith.constant 16 : index
      %get3A_2406 = tpu.vector_load %arg14[%get3A_2404, %get3A_2405] {strides = array<i32>} : memref<16x64xf32, #tpu.memory_space<vmem>>, vector<16xf32>,
      %mul3A_2407 = arith.mulf %gather3A_2402, %get3A_2406 : vector<16xf32>
      %add3A_2408 = arith.addf %add3A_2398, %mul3A_2407 : vector<16xf32>
      %add3A_2409 = arith.constant 32 : i32
      %add3A_2410 = vector.broadcast %add3A_2409 : i32 to vector<16xi32>
      %add3A_2411 = arith.addi %add3A_2410, %iota3A : vector<16xi32>
      %gather3A_2412 = tpu.vector_load_idx %arg21[%add3A_2411, %broadcast_in_dim3A_2386] : memref<64x128xf32, #tpu.memory_space<vmem>>[vector<16xi32>, vector<16xi32>], vector<16xf32>,
      %get3A_2413 = arith.constant 14 : i32
      %get3A_2414 = arith.index_cast %get3A_2413 : i32 to index
      %get3A_2415 = arith.constant 32 : index
      %get3A_2416 = tpu.vector_load %arg14[%get3A_2414, %get3A_2415] {strides = array<i32>} : memref<16x64xf32, #tpu.memory_space<vmem>>, vector<16xf32>,
      %mul3A_2417 = arith.mulf %gather3A_2412, %get3A_2416 : vector<16xf32>
      %add3A_2418 = arith.addf %add3A_2408, %mul3A_2417 : vector<16xf32>
      %add3A_2419 = arith.constant 48 : i32
      %add3A_2420 = vector.broadcast %add3A_2419 : i32 to vector<16xi32>
      %add3A_2421 = arith.addi %add3A_2420, %iota3A : vector<16xi32>
      %gather3A_2422 = tpu.vector_load_idx %arg21[%add3A_2421, %broadcast_in_dim3A_2386] : memref<64x128xf32, #tpu.memory_space<vmem>>[vector<16xi32>, vector<16xi32>], vector<16xf32>,
      %get3A_2423 = arith.constant 14 : i32
      %get3A_2424 = arith.index_cast %get3A_2423 : i32 to index
      %get3A_2425 = arith.constant 48 : index
      %get3A_2426 = tpu.vector_load %arg14[%get3A_2424, %get3A_2425] {strides = array<i32>} : memref<16x64xf32, #tpu.memory_space<vmem>>, vector<16xf32>,
      %mul3A_2427 = arith.mulf %gather3A_2422, %get3A_2426 : vector<16xf32>
      %add3A_2428 = arith.addf %add3A_2418, %mul3A_2427 : vector<16xf32>
      %eq3A_2429 = arith.constant 14 : i32
      %eq3A_2430 = vector.broadcast %eq3A_2429 : i32 to vector<16xi32>
      %eq3A_2431 = arith.cmpi eq, %iota3A, %eq3A_2430 : vector<16xi32>
      %reduce_sum3A_2432 = arith.constant true
      %reduce_sum3A_2433 = vector.broadcast %reduce_sum3A_2432 : i1 to vector<16xi1>
      %reduce_sum3A_2434 = tpu.scan <sum>, %add3A_2428 masked %reduce_sum3A_2433 : vector<16xf32>, vector<16xi1> -> vector<16xf32>
      %reduce_sum3A_2435 = vector.extract %reduce_sum3A_2434[15] : f32 from vector<16xf32>
      %broadcast_in_dim3A_2436 = vector.broadcast %reduce_sum3A_2435 : f32 to vector<16xf32>
      %select_n3A_2437 = arith.select %eq3A_2431, %broadcast_in_dim3A_2436, %select_n3A_2370 : vector<16xi1>, vector<16xf32>
      %lt3A_2438 = arith.constant 31 : i32
      %lt3A_2439 = arith.cmpi slt, %add3A_1331, %lt3A_2438 : i32
      %convert_element_type3A_2440 = arith.extui %lt3A_2439 : i1 to i32
      %cond3A_2441 = arith.constant 0 : i32
      %cond3A_2442 = arith.cmpi ne, %convert_element_type3A_2440, %cond3A_2441 : i32
      scf.if %cond3A_2442 {
        %slice3A_2519 = vector.extract_strided_slice %get3A_1341 {offsets = [6], sizes = [1], strides = [1]} : vector<16xi32> to vector<1xi32>
        %squeeze3A_2520 = vector.extract %slice3A_2519[0] : i32 from vector<1xi32>
        %and3A_2521 = arith.constant 131071 : i32
        %and3A_2522 = arith.andi %squeeze3A_2520, %and3A_2521 : i32
        %shift_right_arithmetic3A_2523 = arith.constant 17 : i32
        %shift_right_arithmetic3A_2524 = arith.shrsi %squeeze3A_2520, %shift_right_arithmetic3A_2523 : i32
        %mul3A_2525 = arith.constant 64 : i32
        %mul3A_2526 = arith.muli %shift_right_arithmetic3A_2524, %mul3A_2525 : i32
        %multiple_of3A_2527 = tpu.assume_multiple %mul3A_2526, 64 : i32
        %shift_right_arithmetic3A_2528 = arith.constant 7 : i32
        %shift_right_arithmetic3A_2529 = arith.shrsi %and3A_2522, %shift_right_arithmetic3A_2528 : i32
        %mul3A_2530 = arith.constant 128 : i32
        %mul3A_2531 = arith.muli %shift_right_arithmetic3A_2529, %mul3A_2530 : i32
        %multiple_of3A_2532 = tpu.assume_multiple %mul3A_2531, 128 : i32
        %dma_start3A_2533 = tpu.memref_slice %arg2[%multiple_of3A_2527, %multiple_of3A_2532] : memref<1024x100000xf32, #tpu.memory_space<hbm>> -> memref<64x128xf32, #tpu.memory_space<hbm>>
        %dma_start3A_2534 = tpu.memref_slice %arg2[%multiple_of3A_2527, %multiple_of3A_2532] : memref<1024x100000xf32, #tpu.memory_space<hbm>> -> memref<64x128xf32, #tpu.memory_space<hbm>>
        tpu.enqueue_dma source(%dma_start3A_2534 : memref<64x128xf32, #tpu.memory_space<hbm>>) target(%arg21 : memref<64x128xf32, #tpu.memory_space<vmem>>) target_semaphore(%arg29 : memref<!tpu.dma_semaphore, #tpu.memory_space<semaphore_mem>>)
      } else {
      }
      %dma_wait3A_2443 = arith.constant 0 : i32
      %dma_wait3A_2444 = arith.constant 0 : i32
      %dma_wait3A_2445 = tpu.memref_slice %arg2[%dma_wait3A_2443, %dma_wait3A_2444] : memref<1024x100000xf32, #tpu.memory_space<hbm>> -> memref<64x128xf32, #tpu.memory_space<hbm>>
      %dma_wait3A_2446 = arith.constant 0 : i32
      %dma_wait3A_2447 = arith.constant 0 : i32
      %dma_wait3A_2448 = tpu.memref_slice %arg2[%dma_wait3A_2446, %dma_wait3A_2447] : memref<1024x100000xf32, #tpu.memory_space<hbm>> -> memref<64x128xf32, #tpu.memory_space<hbm>>
      tpu.wait_dma2 semaphore(%arg30 : memref<!tpu.dma_semaphore, #tpu.memory_space<semaphore_mem>>) src(%dma_wait3A_2448 : memref<64x128xf32, #tpu.memory_space<hbm>>) dst(%arg22 : memref<64x128xf32, #tpu.memory_space<vmem>>)
      %slice3A_2449 = vector.extract_strided_slice %get3A_1335 {offsets = [15], sizes = [1], strides = [1]} : vector<16xi32> to vector<1xi32>
      %squeeze3A_2450 = vector.extract %slice3A_2449[0] : i32 from vector<1xi32>
      %and3A_2451 = arith.constant 127 : i32
      %and3A_2452 = arith.andi %squeeze3A_2450, %and3A_2451 : i32
      %broadcast_in_dim3A_2453 = vector.broadcast %and3A_2452 : i32 to vector<16xi32>
      %broadcast_in_dim3A_2454 = arith.constant 0.000000e+00 : f32
      %broadcast_in_dim3A_2455 = vector.broadcast %broadcast_in_dim3A_2454 : f32 to vector<16xf32>
      %add3A_2456 = arith.constant 0 : i32
      %add3A_2457 = vector.broadcast %add3A_2456 : i32 to vector<16xi32>
      %add3A_2458 = arith.addi %add3A_2457, %iota3A : vector<16xi32>
      %gather3A_2459 = tpu.vector_load_idx %arg22[%add3A_2458, %broadcast_in_dim3A_2453] : memref<64x128xf32, #tpu.memory_space<vmem>>[vector<16xi32>, vector<16xi32>], vector<16xf32>,
      %get3A_2460 = arith.constant 15 : i32
      %get3A_2461 = arith.index_cast %get3A_2460 : i32 to index
      %get3A_2462 = arith.constant 0 : index
      %get3A_2463 = tpu.vector_load %arg14[%get3A_2461, %get3A_2462] {strides = array<i32>} : memref<16x64xf32, #tpu.memory_space<vmem>>, vector<16xf32>,
      %mul3A_2464 = arith.mulf %gather3A_2459, %get3A_2463 : vector<16xf32>
      %add3A_2465 = arith.addf %broadcast_in_dim3A_2455, %mul3A_2464 : vector<16xf32>
      %add3A_2466 = arith.constant 16 : i32
      %add3A_2467 = vector.broadcast %add3A_2466 : i32 to vector<16xi32>
      %add3A_2468 = arith.addi %add3A_2467, %iota3A : vector<16xi32>
      %gather3A_2469 = tpu.vector_load_idx %arg22[%add3A_2468, %broadcast_in_dim3A_2453] : memref<64x128xf32, #tpu.memory_space<vmem>>[vector<16xi32>, vector<16xi32>], vector<16xf32>,
      %get3A_2470 = arith.constant 15 : i32
      %get3A_2471 = arith.index_cast %get3A_2470 : i32 to index
      %get3A_2472 = arith.constant 16 : index
      %get3A_2473 = tpu.vector_load %arg14[%get3A_2471, %get3A_2472] {strides = array<i32>} : memref<16x64xf32, #tpu.memory_space<vmem>>, vector<16xf32>,
      %mul3A_2474 = arith.mulf %gather3A_2469, %get3A_2473 : vector<16xf32>
      %add3A_2475 = arith.addf %add3A_2465, %mul3A_2474 : vector<16xf32>
      %add3A_2476 = arith.constant 32 : i32
      %add3A_2477 = vector.broadcast %add3A_2476 : i32 to vector<16xi32>
      %add3A_2478 = arith.addi %add3A_2477, %iota3A : vector<16xi32>
      %gather3A_2479 = tpu.vector_load_idx %arg22[%add3A_2478, %broadcast_in_dim3A_2453] : memref<64x128xf32, #tpu.memory_space<vmem>>[vector<16xi32>, vector<16xi32>], vector<16xf32>,
      %get3A_2480 = arith.constant 15 : i32
      %get3A_2481 = arith.index_cast %get3A_2480 : i32 to index
      %get3A_2482 = arith.constant 32 : index
      %get3A_2483 = tpu.vector_load %arg14[%get3A_2481, %get3A_2482] {strides = array<i32>} : memref<16x64xf32, #tpu.memory_space<vmem>>, vector<16xf32>,
      %mul3A_2484 = arith.mulf %gather3A_2479, %get3A_2483 : vector<16xf32>
      %add3A_2485 = arith.addf %add3A_2475, %mul3A_2484 : vector<16xf32>
      %add3A_2486 = arith.constant 48 : i32
      %add3A_2487 = vector.broadcast %add3A_2486 : i32 to vector<16xi32>
      %add3A_2488 = arith.addi %add3A_2487, %iota3A : vector<16xi32>
      %gather3A_2489 = tpu.vector_load_idx %arg22[%add3A_2488, %broadcast_in_dim3A_2453] : memref<64x128xf32, #tpu.memory_space<vmem>>[vector<16xi32>, vector<16xi32>], vector<16xf32>,
      %get3A_2490 = arith.constant 15 : i32
      %get3A_2491 = arith.index_cast %get3A_2490 : i32 to index
      %get3A_2492 = arith.constant 48 : index
      %get3A_2493 = tpu.vector_load %arg14[%get3A_2491, %get3A_2492] {strides = array<i32>} : memref<16x64xf32, #tpu.memory_space<vmem>>, vector<16xf32>,
      %mul3A_2494 = arith.mulf %gather3A_2489, %get3A_2493 : vector<16xf32>
      %add3A_2495 = arith.addf %add3A_2485, %mul3A_2494 : vector<16xf32>
      %eq3A_2496 = arith.constant 15 : i32
      %eq3A_2497 = vector.broadcast %eq3A_2496 : i32 to vector<16xi32>
      %eq3A_2498 = arith.cmpi eq, %iota3A, %eq3A_2497 : vector<16xi32>
      %reduce_sum3A_2499 = arith.constant true
      %reduce_sum3A_2500 = vector.broadcast %reduce_sum3A_2499 : i1 to vector<16xi1>
      %reduce_sum3A_2501 = tpu.scan <sum>, %add3A_2495 masked %reduce_sum3A_2500 : vector<16xf32>, vector<16xi1> -> vector<16xf32>
      %reduce_sum3A_2502 = vector.extract %reduce_sum3A_2501[15] : f32 from vector<16xf32>
      %broadcast_in_dim3A_2503 = vector.broadcast %reduce_sum3A_2502 : f32 to vector<16xf32>
      %select_n3A_2504 = arith.select %eq3A_2498, %broadcast_in_dim3A_2503, %select_n3A_2437 : vector<16xi1>, vector<16xf32>
      %lt3A_2505 = arith.constant 31 : i32
      %lt3A_2506 = arith.cmpi slt, %add3A_1331, %lt3A_2505 : i32
      %convert_element_type3A_2507 = arith.extui %lt3A_2506 : i1 to i32
      %cond3A_2508 = arith.constant 0 : i32
      %cond3A_2509 = arith.cmpi ne, %convert_element_type3A_2507, %cond3A_2508 : i32
      scf.if %cond3A_2509 {
        %slice3A_2519 = vector.extract_strided_slice %get3A_1341 {offsets = [7], sizes = [1], strides = [1]} : vector<16xi32> to vector<1xi32>
        %squeeze3A_2520 = vector.extract %slice3A_2519[0] : i32 from vector<1xi32>
        %and3A_2521 = arith.constant 131071 : i32
        %and3A_2522 = arith.andi %squeeze3A_2520, %and3A_2521 : i32
        %shift_right_arithmetic3A_2523 = arith.constant 17 : i32
        %shift_right_arithmetic3A_2524 = arith.shrsi %squeeze3A_2520, %shift_right_arithmetic3A_2523 : i32
        %mul3A_2525 = arith.constant 64 : i32
        %mul3A_2526 = arith.muli %shift_right_arithmetic3A_2524, %mul3A_2525 : i32
        %multiple_of3A_2527 = tpu.assume_multiple %mul3A_2526, 64 : i32
        %shift_right_arithmetic3A_2528 = arith.constant 7 : i32
        %shift_right_arithmetic3A_2529 = arith.shrsi %and3A_2522, %shift_right_arithmetic3A_2528 : i32
        %mul3A_2530 = arith.constant 128 : i32
        %mul3A_2531 = arith.muli %shift_right_arithmetic3A_2529, %mul3A_2530 : i32
        %multiple_of3A_2532 = tpu.assume_multiple %mul3A_2531, 128 : i32
        %dma_start3A_2533 = tpu.memref_slice %arg2[%multiple_of3A_2527, %multiple_of3A_2532] : memref<1024x100000xf32, #tpu.memory_space<hbm>> -> memref<64x128xf32, #tpu.memory_space<hbm>>
        %dma_start3A_2534 = tpu.memref_slice %arg2[%multiple_of3A_2527, %multiple_of3A_2532] : memref<1024x100000xf32, #tpu.memory_space<hbm>> -> memref<64x128xf32, #tpu.memory_space<hbm>>
        tpu.enqueue_dma source(%dma_start3A_2534 : memref<64x128xf32, #tpu.memory_space<hbm>>) target(%arg22 : memref<64x128xf32, #tpu.memory_space<vmem>>) target_semaphore(%arg30 : memref<!tpu.dma_semaphore, #tpu.memory_space<semaphore_mem>>)
      } else {
      }
      %swap3A_2510 = arith.index_cast %mul3A_1333 : i32 to index
      %swap3A_2511 = tpu.vector_load %arg12[%swap3A_2510] {strides = array<i32>} : memref<512xf32, #tpu.memory_space<vmem>>, vector<16xf32>,
      tpu.vector_store %arg12[%swap3A_2510], %select_n3A_2504 {strides = array<i32>} : memref<512xf32, #tpu.memory_space<vmem>>, vector<16xf32>,
      %add3A_2512 = arith.constant 2 : i32
      %add3A_2513 = arith.addi %add3A_1331, %add3A_2512 : i32
      %lt3A_2514 = arith.constant 32 : i32
      %lt3A_2515 = arith.cmpi slt, %add3A_2513, %lt3A_2514 : i32
      %convert_element_type3A_2516 = arith.extui %lt3A_2515 : i1 to i32
      %cond3A_2517 = arith.constant 0 : i32
      %cond3A_2518 = arith.cmpi ne, %convert_element_type3A_2516, %cond3A_2517 : i32
      scf.if %cond3A_2518 {
        %add3A_2519 = arith.constant 32 : i32
        %add3A_2520 = arith.addi %mul3A_1333, %add3A_2519 : i32
        %add3A_2521 = arith.addi %mul3A_2, %add3A_2520 : i32
        %dma_start3A_2522 = arith.constant 0 : i32
        %dma_start3A_2523 = tpu.memref_slice %arg3[%add3A_2521, %dma_start3A_2522] : memref<16384x64xf32, #tpu.memory_space<hbm>> -> memref<16x64xf32, #tpu.memory_space<hbm>>
        %dma_start3A_2524 = arith.constant 0 : i32
        %dma_start3A_2525 = tpu.memref_slice %arg3[%add3A_2521, %dma_start3A_2524] : memref<16384x64xf32, #tpu.memory_space<hbm>> -> memref<16x64xf32, #tpu.memory_space<hbm>>
        tpu.enqueue_dma source(%dma_start3A_2525 : memref<16x64xf32, #tpu.memory_space<hbm>>) target(%arg14 : memref<16x64xf32, #tpu.memory_space<vmem>>) target_semaphore(%arg32 : memref<!tpu.dma_semaphore, #tpu.memory_space<semaphore_mem>>)
      } else {
      }
    }
    %scan3A_148 = arith.constant 16 : i32
    "tpu.region"() ({
      %run_scoped3A = tpu.sem_alloc : memref<!tpu.dma_semaphore, #tpu.memory_space<semaphore_mem>>
      %dma_start3A_149 = tpu.memref_slice %arg7[%mul3A_2] : memref<16384xf32, #tpu.memory_space<hbm>> -> memref<512xf32, #tpu.memory_space<hbm>>
      %dma_start3A_150 = tpu.memref_slice %arg7[%mul3A_2] : memref<16384xf32, #tpu.memory_space<hbm>> -> memref<512xf32, #tpu.memory_space<hbm>>
      tpu.enqueue_dma source(%arg12 : memref<512xf32, #tpu.memory_space<vmem>>) target(%dma_start3A_150 : memref<512xf32, #tpu.memory_space<hbm>>) target_semaphore(%run_scoped3A : memref<!tpu.dma_semaphore, #tpu.memory_space<semaphore_mem>>)
      %dma_wait3A = tpu.memref_slice %arg7[%mul3A_2] : memref<16384xf32, #tpu.memory_space<hbm>> -> memref<512xf32, #tpu.memory_space<hbm>>
      %dma_wait3A_151 = tpu.memref_slice %arg7[%mul3A_2] : memref<16384xf32, #tpu.memory_space<hbm>> -> memref<512xf32, #tpu.memory_space<hbm>>
      tpu.wait_dma2 semaphore(%run_scoped3A : memref<!tpu.dma_semaphore, #tpu.memory_space<semaphore_mem>>) src(%arg12 : memref<512xf32, #tpu.memory_space<vmem>>) dst(%dma_wait3A_151 : memref<512xf32, #tpu.memory_space<hbm>>)
      tpu.yield
    }) : () -> ()
    return
  }
}

</mosaic_0001>

<sc_bundles>
// kernel: kernel.4.cloned.1.call-start
scs
__scs_entry_jumppad:
0x0: {  	(pc) =	sbr.rel $0x88, $3  }
0x1: {  	(tag) =	ssettag $0x0;
	lr =	simm.s32 $0x1  }
0x2: {  	[smem:$0x3F9B] =	sst lr;
	_ =	strace $0xD0000000  }
0x3: {  	_ = 	snop  }
0x4: {  	_ = 	snop  }
0x5: {  	_ = 	snop  }
0x6: {  	_ = 	snop  }
0x7: {  	_ = 	snop  }
__scs_overlays_trampoline_lowered:
0x8: {  	[smem:$0x3FAA] =	sst s0  }
0x9: {  	[smem:$0x3FAB] =	sst s1  }
0xa: {  	[smem:$0x3FAC] =	sst s2  }
0xb: {  	[smem:$0x3FAD] =	sst s3  }
0xc: {  	[smem:$0x3FAE] =	sst s4  }
0xd: {  	[smem:$0x3FAF] =	sst s5  }
0xe: {  	[smem:$0x3FB0] =	sst s6  }
0xf: {  	[smem:$0x3FB1] =	sst s7  }
0x10: {  	[smem:$0x3FB2] =	sst s8  }
0x11: {  	[smem:$0x3FB3] =	sst s9;
	s0 =	simm.s32 @!p0 $0x0  }
0x12: {  	s1 =	sld [smem:$0x3F99];
	s0 =	simm.s32 @p0 $0x1  }
0x13: {  	[smem:$0x3FB4] =	sst s0;
	s0 =	simm.s32 @!p1 $0x0  }
0x14: {  	s2 =	sld [smem:$0x3F98];
	s0 =	simm.s32 @p1 $0x1  }
0x15: {  	[smem:$0x3FB5] =	sst s0;
	s0 =	simm.s32 @!p2 $0x0  }
0x16: {  	s3 =	sld [smem:$0x3FDB];
	s0 =	simm.s32 @p2 $0x1  }
0x17: {  	s4 =	simm.s32 $0x1BF5;
	[smem:$0x3FB7] =	sst s0  }
0x18: {  	s0 =	sld [smem:$0x3F9A];
	_ =	swait.ge [sflag:s4], $0x0  }
0x19: {  	s7 =	sld [smem:$0x3F9B]  }
0x1a: {  	s8 =	sadd.s32 $0xFFFFE003, lr  }
0x1b: {  	s9 =	sadd.s32 $0xFFFFFEF7, lr;
	s5 =	simm.s32 $0xFFFFFFFF;
	p2 =	slt.u32 s8, $0xFFFFF086  }
0x1c: {  	p1 =	slt.u32 s9, $0xF7A;
	s5 =	simm.s32 @!p2 $0x0  }
0x1d: {  	s5 =	simm.s32 @p1 $0x1;
	p0 =	seq.s32 s7, s2  }
0x1e: {  	s7 =	smul.u32 @!p0 $0xF7A, s2;
	p2 =	seq.s32 @!p0 s5, $0x0  }
0x1f: {  	s9 =	smul.u32 $0xF7A, s1;
	s8 =	simm.s32 @!p0 $0x1BF5;
	p2 =	por !p2, p0  }
0x20: {  	[sflag:s8] =	ssyncset.s32 @!p0 $0xFFFFF086;
	s6 =	sadd.s32 @!p0 s3, s7;
	s7 =	simm.s32 @!p0 $0x108  }
0x21: {  	s3 =	sadd.s32 s3, s9;
	s6 =	sadd.s32 @!p0 $0x88, s6;
	s7 =	simm.s32 @p2 $0x1082  }
0x22: {  	[simem:s7], [sflag:s8] =	dma.local @!p0 [hbm:s6], $0xF7A  }
0x23: {  	s9 =	sor.u32 $0xD0000000, s2;
	s6 =	simm.s32 $0x108;
	_ =	swait.ge @!p0 [sflag:s8], $0x0  }
0x24: {  	s3 =	sadd.s32 $0x88, s3;
	s6 =	simm.s32 @!p1 $0x1082;
	[sflag:s4] =	ssyncset.s32 $0xFFFFF086  }
0x25: {  	[simem:s6], [sflag:s4] =	dma.local [hbm:s3], $0xF7A  }
0x26: {  	[smem:$0x3F9B] =	sst s1;
	(tag) =	ssettag s2;
	_ =	strace s9  }
0x27: {  	s1 =	sld [smem:$0x3FAB]  }
0x28: {  	s2 =	sld [smem:$0x3FAC]  }
0x29: {  	s4 =	sld [smem:$0x3FAE]  }
0x2a: {  	p0 =	seq.s32 s5, $0x0;
	s5 =	sld [smem:$0x3FAF]  }
0x2b: {  	s6 =	sld [smem:$0x3FB0]  }
0x2c: {  	s7 =	sld [smem:$0x3FB1]  }
0x2d: {  	s3 =	simm.s32 $0x108;
	s8 =	sld [smem:$0x3FB2]  }
0x2e: {  	s3 =	simm.s32 @!p0 $0x1082;
	s9 =	sld [smem:$0x3FB3]  }
0x2f: {  	lr =	sadd.s32 s0, s3;
	s0 =	sld [smem:$0x3FAA]  }
0x30: {  	s3 =	sld [smem:$0x3FAD]  }
0x31: {  	[smem:$0x3FB6] =	sst s10  }
0x32: {  	s10 =	sld [smem:$0x3FB4];
	_ =	sdelay $0x3  }
0x33: {  	p0 =	seq.s32 s10, $0x1;
	s10 =	sld [smem:$0x3FB6];
	_ =	sdelay $0x3  }
0x34: {  	[smem:$0x3FB6] =	sst s10  }
0x35: {  	s10 =	sld [smem:$0x3FB5];
	_ =	sdelay $0x3  }
0x36: {  	p1 =	seq.s32 s10, $0x1;
	s10 =	sld [smem:$0x3FB6];
	_ =	sdelay $0x3  }
0x37: {  	[smem:$0x3FB6] =	sst s10  }
0x38: {  	s10 =	sld [smem:$0x3FB7]  }
0x39: {  	_ = 	snop;
	(pc) =	sbr.ind lr, $3  }
0x3a: {  	_ = 	snop  }
0x3b: {  	_ = 	snop  }
0x3c: {  	p2 =	seq.s32 s10, $0x1;
	s10 =	sld [smem:$0x3FB6]  }
0x3d: {  	_ =	shalt  }
0x3e: {  	_ =	shalt  }
0x3f: {  	_ =	shalt  }
0x40: {  	_ =	shalt  }
0x41: {  	_ =	shalt  }
0x42: {  	_ =	shalt  }
0x43: {  	_ =	shalt  }
0x44: {  	_ =	shalt  }
0x45: {  	_ =	shalt  }
0x46: {  	_ =	shalt  }
0x47: {  	_ =	shalt  }
0x48: {  	_ =	shalt  }
0x49: {  	_ =	shalt  }
0x4a: {  	_ =	shalt  }
0x4b: {  	_ =	shalt  }
0x4c: {  	_ =	shalt  }
0x4d: {  	_ =	shalt  }
0x4e: {  	_ =	shalt  }
0x4f: {  	_ =	shalt  }
0x50: {  	_ =	shalt  }
0x51: {  	_ =	shalt  }
0x52: {  	_ =	shalt  }
0x53: {  	_ =	shalt  }
0x54: {  	_ =	shalt  }
0x55: {  	_ =	shalt  }
0x56: {  	_ =	shalt  }
0x57: {  	_ =	shalt  }
0x58: {  	_ =	shalt  }
0x59: {  	_ =	shalt  }
0x5a: {  	_ =	shalt  }
0x5b: {  	_ =	shalt  }
0x5c: {  	_ =	shalt  }
0x5d: {  	_ =	shalt  }
0x5e: {  	_ =	shalt  }
0x5f: {  	_ =	shalt  }
0x60: {  	_ =	shalt  }
0x61: {  	_ =	shalt  }
0x62: {  	_ =	shalt  }
0x63: {  	_ =	shalt  }
0x64: {  	_ =	shalt  }
0x65: {  	_ =	shalt  }
0x66: {  	_ =	shalt  }
0x67: {  	_ =	shalt  }
0x68: {  	_ =	shalt  }
0x69: {  	_ =	shalt  }
0x6a: {  	_ =	shalt  }
0x6b: {  	_ =	shalt  }
0x6c: {  	_ =	shalt  }
0x6d: {  	_ =	shalt  }
0x6e: {  	_ =	shalt  }
0x6f: {  	_ =	shalt  }
0x70: {  	_ =	shalt  }
0x71: {  	_ =	shalt  }
0x72: {  	_ =	shalt  }
0x73: {  	_ =	shalt  }
0x74: {  	_ =	shalt  }
0x75: {  	_ =	shalt  }
0x76: {  	_ =	shalt  }
0x77: {  	_ =	shalt  }
0x78: {  	_ =	shalt  }
0x79: {  	_ =	shalt  }
0x7a: {  	_ =	shalt  }
0x7b: {  	_ =	shalt  }
0x7c: {  	_ =	shalt  }
0x7d: {  	_ =	shalt  }
0x7e: {  	_ =	shalt  }
0x7f: {  	_ =	shalt  }
0x80: {  	_ =	shalt  }
0x81: {  	_ =	shalt  }
0x82: {  	_ =	shalt  }
0x83: {  	_ =	shalt  }
0x84: {  	_ =	shalt  }
0x85: {  	_ =	shalt  }
0x86: {  	_ =	shalt  }
0x87: {  	_ =	shalt  }
.Lfunc_end0:
.L_simem_size_0:
called_computation_lowered:
.L_overlay_start_0:
0x88: {  	s2 =	sld [smem:$0x3FD9]  }
0x89: {  	s3 =	sld [smem:$0x3FFE];
	_ =	sdelay $0x1  }
0x8a: {  	s1 =	srdreg.scid  }
0x8b: {  	s0 =	sand.u32 $0x1, s1  }
0x8c: {  	s17 =	sshll.u32 s0, $0xA;
	s2 =	sadd.s32 s3, s2  }
0x8d: {  	s2 =	sadd.s32 s2, s17  }
0x8e: {  	[smem:$0x3FC2] =	sst s2  }
0x8f: {  	_ = 	snop  }
0x90: {  	s2 =	sld [smem:$0x3FC8]  }
0x91: {  	s18 =	sld [smem:$0x3FC7]  }
0x92: {  	s4 =	sld [smem:$0x3FC6]  }
0x93: {  	s5 =	sld [smem:$0x3FC5];
	(tm) =	ssettm $0x1  }
0x94: {  	s6 =	sld [smem:$0x3FFB];
	_ =	sdelay $0x3  }
0x95: {  	_ =	strace s6  }
0x96: {  	s6 =	sld [smem:$0x3FFC];
	_ =	sdelay $0x3  }
0x97: {  	_ =	strace s6  }
0x98: {  	s6 =	sld [smem:$0x3FFD];
	_ =	sdelay $0x3  }
0x99: {  	_ =	strace s6  }
0x9a: {  	_ =	strace $0x8FFFFFFF  }
0x9b: {  	s19 =	sld [smem:$0x3FDB];
	_ =	sdelay $0x1  }
0x9c: {  	s7 =	simm.s32 $_scs_section_size  }
0x9d: {  	s8 =	simm.s32 $_size__tile_overlayer_lowered;
	s9 =	simm.s32 $_tile_overlayer_lowered  }
0x9e: {  	s22 =	simm.s32 $0x1BFF;
	s21 =	sshll.u32 s9, $0x1;
	s6 =	sadd.s32 s7, s19  }
0x9f: {  	s10 =	simm.s32 $0x0;
	s20 =	sshll.u32 s8, $0x1;
	s8 =	sadd.s32 s21, s6  }
0xa0: {  	[timem:s10], [sflag:s22] =	dma.local [hbm:s8], s20  }
0xa1: {  	_ =	swait.ge [sflag:s22], s20  }
0xa2: {  	s7 =	ssub.s32 $0x0, s20;
	[sflag:s22] =	ssyncset.done $0x0  }
0xa3: {  	[sflag:s22] =	ssyncadd.s32 s7;
	_ =	sdelay $0x1  }
0xa4: {  	s23 =	simm.s32 $0x1B8B  }
0xa5: {  	_ =	swait.ge [sflag:s23], $0x1  }
0xa6: {  	[sflag:s23] =	ssyncset.done $0x0  }
0xa7: {  	s25 =	simm.s32 $0x1B8E;
	s24 =	sld [smem:$0x3FFE];
	[sflag:s23] =	ssyncadd.s32 $0xFFFFFFFF  }
0xa8: {  	s26 =	simm.s32 $execute0_lowered;
	[smem:$0x3FD2] =	sst s25  }
0xa9: {  	s8 =	sshll.u32 s26, $0x1;
	_ =	strace $0x80000046;
	[dreg:$0x1] =	wrdreg $0xFFFFFFFF  }
0xaa: {  	s28 =	simm.s32 $_size_execute0_lowered;
	s6 =	sadd.s32 s6, s8;
	[dreg:$0x0] =	wrdreg $0x0  }
0xab: {  	s8 =	sshll.u32 s28, $0x1;
	[dreg:$0x2] =	wrdreg s6  }
0xac: {  	[dreg:$0x3] =	wrdreg s8  }
0xad: {  	[dreg:$0x4] =	wrdreg $0xC0  }
0xae: {  	_ =	task [dreg:s10], $0x5FFFF  }
0xaf: {  	[dreg:$0x1] =	wrdreg $0xFFFFFFFF  }
0xb0: {  	[dreg:$0x0] =	wrdreg $0x60  }
0xb1: {  	[dreg:$0x2] =	wrdreg s5  }
0xb2: {  	[dreg:$0x3] =	wrdreg s24  }
0xb3: {  	[dreg:$0x4] =	wrdreg s2  }
0xb4: {  	[dreg:$0x5] =	wrdreg s18  }
0xb5: {  	[dreg:$0x6] =	wrdreg s4  }
0xb6: {  	[dreg:$0x7] =	wrdreg $0x9  }
0xb7: {  	_ =	task.clear_ibuf [dreg:s10], $0x8FFFF;
	_ =	strace $0x90000046  }
0xb8: {  	s29 =	simm.s32 $0x9;
	_ =	strace $0x80000048  }
0xb9: {  	_ =	swait.ge [sflag:s29], $0x1  }
0xba: {  	[sflag:s29] =	ssyncadd.s32 $0xFFFFFFFF  }
0xbb: {  	_ =	strace $0x90000048  }
0xbc: {  	_ =	sfence  }
0xbd: {  	s30 =	sld [smem:$0x0];
	_ =	sdelay $0x2  }
0xbe: {  	s31 =	sshll.u32 s1, $0xD;
	s1 =	sshrl.u32 s1, $0x2  }
0xbf: {  	s3 =	sand.u32 $0x4000, s31;
	s1 =	sadd.s32 s1, s30  }
0xc0: {  	s0 =	sor.u32 s3, s0;
	s1 =	sshll.u32 s1, $0x11  }
0xc1: {  	s0 =	sor.u32 s1, s0  }
0xc2: {  	s0 =	sadd.s32 $0x8F2B, s0  }
0xc3: {  	[sflag:s0] =	ssyncadd.remote.s32 $0x1  }
0xc4: {  	_ =	sfence.sel $0xFFFF  }
0xc5: {  	[dreg:$0x0] =	wrdreg $0xFFFFFFFF;
	(pc) =	sbr.abs _section_cstart, $3  }
0xc6: {  	[dreg:$0x1] =	wrdreg $0xFFFFFFFF  }
0xc7: {  	_ =	task.clear_ibuf [dreg:s10], $0x2FFFF;
	_ =	strace $0x9FFFFFFF  }
0xc8: {  	(tm) =	ssettm $0x7FFFFFFF  }
0xc9: {  	_ =	shalt  }
tec
execute0_lowered:
.L_overlay_start_1:
0x0: {  	(tag) =	ssettag $0x1  }
0x1: {  	s1 =	rddreg [dreg:$0x0]  }
0x2: {  	s0 =	rddreg [dreg:$0x1]  }
0x3: {  	s2 =	rddreg [dreg:$0x2]  }
0x4: {  	s3 =	rddreg [dreg:$0x3]  }
0x5: {  	s4 =	rddreg [dreg:$0x4];
	s13 =	simm.s32 $0x0;
	s5 =	srdreg.scid  }
0x6: {  	s11 =	stileid.u32;
	s15 =	simm.s32 $0x400;
	s16 =	simm.s32 $0xC3800  }
0x7: {  	s17 =	simm.s32 $0x1A00;
	s18 =	simm.s32 $0x3A00;
	s19 =	simm.s32 $0x5A00  }
0x8: {  	s20 =	simm.s32 $0x7A00;
	s30 =	simm.s32 $0x2;
	s31 =	simm.s32 $0x3  }
0x9: {  	s12 =	simm.s32 $0x6;
	s14 =	simm.s32 $0x7;
	s28 =	simm.s32 $0x8  }
0xa: {  	[smem:$0x7FF] =	sst s13;
	s5 =	sand.u32 $0x1, s5;
	s6 =	sshll.u32 s11, $0xA  }
0xb: {  	s8 =	sadd.s32 $0x600, s0;
	s25 =	sshll.u32 s11, $0xE;
	_ =	strace $0x80000047  }
0xc: {  	s7 =	sshll.u32 s5, $0x9;
	s21 =	ssub.s32 $0x2, s5;
	s29 =	sshll.u32 s5, $0xD  }
0xd: {  	s5 =	simm.s32 $0xB;
	s6 =	sor.u32 s7, s6;
	s10 =	sshrl.u32 s21, $0x1  }
0xe: {  	s9 =	sshrl.u32 s6, $0x3;
	s6 =	sshll.u32 s6, $0x4;
	s7 =	ssub.s32 s21, s10  }
0xf: {  	s21 =	simm.s32 $0x9A00;
	s0 =	sadd.s32 s9, s0;
	s2 =	sadd.s32 s2, s9  }
0x10: {  	v0 =	vlaneseq.u32;
	vm0 =	vmmov $0x1;
	s6 =	sadd.s32 s8, s6;
	s22 =	sadd.s32 s3, s9;
	[dreg:$0x7] =	wrdreg s2  }
0x11: {  	vm1 =	vmmov $0x3;
	vm2 =	vmmov $0x7;
	vm3 =	vmmov $0xf;
	s23 =	sadd.s32 s4, s9;
	s26 =	smax.u32 s7, $0x1;
	[dreg:$0x8] =	wrdreg s22  }
.Ltmp0:
0x12: {  	vm4 =	vmmov $0x1f;
	vm5 =	vmmov $0x3f;
	vm6 =	vmmov $0x7f;
	s4 =	simm.s32 $0x0;
	[dreg:$0x9] =	wrdreg s23;
	(pc) =	sbr.rel .LBB2_1-.Ltmp0, $4  }
0x13: {  	vm7 =	vmmov $0xff;
	vm8 =	vmmov $0x1ff;
	vm9 =	vmmov $0x3ff;
	[dreg:$0x6] =	wrdreg s6;
	s24 =	sadd.s32 $0x100, s6;
	s0 =	sadd.s32 $0x40600, s0  }
0x14: {  	vm10 =	vmmov $0x7ff;
	vm11 =	vmmov $0xfff;
	v0 =	vmul.u32 $0x80, v0;
	[dreg:$0xc] =	wrdreg s26;
	s22 =	simm.s32 $0xBA00;
	s23 =	simm.s32 $0xDA00  }
0x15: {  	vm12 =	vmmov $0x1fff;
	vm13 =	vmmov $0x3fff;
	vm14 =	vmmov $0x7fff;
	s2 =	simm.s32 $0x5;
	[dreg:$0xb] =	wrdreg s0;
	s0 =	sadd.s32 s25, s8  }
0x16: {  	v1 =	vor.u32 $0x800, v0;
	v2 =	vor.u32 $0x1000, v0;
	v3 =	vor.u32 $0x1800, v0;
	[dreg:$0xa] =	wrdreg s24;
	s24 =	simm.s32 $0xFA00;
	s8 =	sadd.s32 s29, s0  }
.LBB2_6:
0x17: {  	s13 =	simm.s32 $0x0  }
0x18: {  	s3 =	rddreg [dreg:$0xb];
	s4 =	simm.s32 $0x800;
	s5 =	simm.s32 $0xB  }
0x19: {  	[hbm4b:s3+s13] =	stream.linear.scatter [tilespmem:s4], [sflag:$0xB], $0x200, $0x38;
	[tilespmem:$0x11A00] =	vst v63  }
0x1a: {  	_ =	swait.ge [sflag:s5], $0x200  }
0x1b: {  	s26 =	rddreg [dreg:$0xd]  }
0x1c: {  	s29 =	rddreg [dreg:$0xc];
	s4 =	sadd.s32 $0x1, s26  }
0x1d: {  	p0 =	sne.s32 s4, s29  }
.Ltmp1:
0x1e: {  	_ = 	snop;
	(pc) =	sbr.rel @!p0 .LBB2_7-.Ltmp1, $3  }
0x1f: {  	_ =	sdelay $0x1  }
0x20: {  	[sflag:s5] =	ssyncset.done $0x0  }
0x21: {  	[sflag:s5] =	ssyncadd.s32 $0xFFFFFE00  }
.LBB2_1:
0x22: {  	[dreg:$0xd] =	wrdreg s4  }
0x23: {  	s3 =	rddreg [dreg:$0x6];
	s10 =	simm.s32 $0xA00  }
0x24: {  	[tilespmem:s10], [sflag:$0x9] =	stream.linear.gather [hbm4b:s3+s13], $0x800, $0x38;
	[tilespmem:$0x11A00] =	vst v63  }
0x25: {  	s11 =	rddreg [dreg:$0x7]  }
0x26: {  	[tilespmem:s13], [sflag:$0xB] =	stream.linear.gather [hbm4b:s11+s13], $0x200, $0x38;
	[tilespmem:$0x11A00] =	vst v63  }
0x27: {  	_ =	swait.ge [sflag:s5], $0x200  }
0x28: {  	[sflag:s5] =	ssyncset.done $0x0  }
0x29: {  	s26 =	simm.s32 $0x200;
	s25 =	rddreg [dreg:$0x8];
	[sflag:s5] =	ssyncadd.s32 $0xFFFFFE00  }
0x2a: {  	[tilespmem:s26], [sflag:$0xB] =	stream.linear.gather [hbm4b:s25+s13], $0x200, $0x38;
	[tilespmem:$0x11A00] =	vst v63  }
0x2b: {  	_ =	swait.ge [sflag:s5], $0x200  }
0x2c: {  	[sflag:s5] =	ssyncset.done $0x0  }
0x2d: {  	s29 =	rddreg [dreg:$0x9];
	[sflag:s5] =	ssyncadd.s32 $0xFFFFFE00  }
0x2e: {  	[tilespmem:s15], [sflag:$0xB] =	stream.linear.gather [hbm4b:s29+s13], $0x200, $0x38;
	[tilespmem:$0x11A00] =	vst v63  }
0x2f: {  	_ =	swait.ge [sflag:s5], $0x200  }
0x30: {  	[sflag:s5] =	ssyncset.done $0x0  }
0x31: {  	s3 =	simm.s32 $0x0;
	[sflag:s5] =	ssyncadd.s32 $0xFFFFFE00  }
0x32: {  	v6 =	vld [tilespmem:s3+$0x200]  }
0x33: {  	v5 =	vld [tilespmem:s3+$0x400];
	_ =	sdelay $0x2  }
0x34: {  	s4 =	simm.s32 $0x40;
	v4 =	vld [tilespmem:s3+$0x0]  }
.LBB2_2:
0x35: {  	s5 =	sshra.s32 s4, $0x2;
	p0 =	sne.s32 s4, $0x7C0;
	s4 =	sadd.s32 $0x40, s4;
	v7 =	vshll.u32 v6, $0x3  }
.Ltmp2:
0x36: {  	v6 =	vld [tilespmem:s5+$0x200];
	v7 =	vand.u32 $0x8, v7;
	v8 =	vand.u32 $0x7, v5;
	(pc) =	sbr.rel @p0 .LBB2_2-.Ltmp2, $4  }
0x37: {  	v5 =	vld [tilespmem:s5+$0x400];
	v7 =	vor.u32 v8, v7  }
0x38: {  	v7 =	vshll.u32 v7, $0x11  }
0x39: {  	v7 =	vor.u32 v4, v7  }
0x3a: {  	v4 =	vld [tilespmem:s5+$0x0];
	[tilespmem:s3+$0x600] =	vst v7;
	s3 =	smov.u32 s5  }
0x3b: {  	v6 =	vshll.u32 v6, $0x3  }
0x3c: {  	v6 =	vand.u32 $0x8, v6;
	v5 =	vand.u32 $0x7, v5  }
0x3d: {  	v5 =	vor.u32 v5, v6  }
0x3e: {  	v5 =	vshll.u32 v5, $0x11  }
0x3f: {  	v4 =	vor.u32 v4, v5  }
0x40: {  	[tilespmem:s3+$0x600] =	vst v4  }
0x41: {  	v4 =	vld [tilespmem:$0x600];
	_ =	sdelay $0x4  }
0x42: {  	(v2sf) =	vpush v4, $0x0;
	_ =	sdelay $0x4  }
0x43: {  	(v2sf) =	vpush v4, $0x1;
	_ =	sdelay $0x9  }
0x44: {  	s5 =	spop (v2sf);
	(v2sf) =	vpush v4, $0x2  }
0x45: {  	s4 =	sshra.s32 s5, $0xE  }
0x46: {  	s4 =	sand.u32 $0x1FFFF8, s4  }
0x47: {  	s3 =	sshll.u32 s5, $0x3;
	s4 =	smul.u32 $0xC3800, s4  }
0x48: {  	s3 =	sand.u32 $0xFFC00, s3  }
0x49: {  	s6 =	spop (v2sf);
	(v2sf) =	vpush v4, $0x3;
	s3 =	sadd.s32 s3, s4  }
0x4a: {  	s7 =	sshra.s32 s6, $0xE;
	s3 =	sshrl.u32 s3, $0x3  }
0x4b: {  	s4 =	sand.u32 $0x1FFFF8, s7;
	s3 =	sadd.s32 s1, s3  }
0x4c: {  	[tilespmem:s17], [sflag:$0x1] =	stream.strided.gather [hbm4b:s3+s15], $0x2000, s16, s15, $0x38;
	[tilespmem:$0x11A00] =	vst v63  }
0x4d: {  	s4 =	smul.u32 $0xC3800, s4;
	s3 =	sshll.u32 s6, $0x3  }
0x4e: {  	s3 =	sand.u32 $0xFFC00, s3  }
0x4f: {  	s3 =	sadd.s32 s3, s4  }
0x50: {  	s3 =	sshrl.u32 s3, $0x3  }
0x51: {  	s3 =	sadd.s32 s1, s3  }
0x52: {  	[tilespmem:s18], [sflag:$0x2] =	stream.strided.gather [hbm4b:s3+s15], $0x2000, s16, s15, $0x38;
	[tilespmem:$0x11A00] =	vst v63  }
0x53: {  	s9 =	spop (v2sf);
	(v2sf) =	vpush v4, $0x4  }
0x54: {  	s10 =	sshra.s32 s9, $0xE  }
0x55: {  	s4 =	sand.u32 $0x1FFFF8, s10  }
0x56: {  	s3 =	sshll.u32 s9, $0x3;
	s4 =	smul.u32 $0xC3800, s4  }
0x57: {  	s3 =	sand.u32 $0xFFC00, s3  }
0x58: {  	s11 =	spop (v2sf);
	(v2sf) =	vpush v4, $0x5;
	s3 =	sadd.s32 s3, s4  }
0x59: {  	s13 =	sshra.s32 s11, $0xE;
	s3 =	sshrl.u32 s3, $0x3  }
0x5a: {  	s4 =	sand.u32 $0x1FFFF8, s13;
	s3 =	sadd.s32 s1, s3  }
0x5b: {  	[tilespmem:s19], [sflag:$0x3] =	stream.strided.gather [hbm4b:s3+s15], $0x2000, s16, s15, $0x38;
	[tilespmem:$0x11A00] =	vst v63  }
0x5c: {  	s4 =	smul.u32 $0xC3800, s4;
	s3 =	sshll.u32 s11, $0x3  }
0x5d: {  	s3 =	sand.u32 $0xFFC00, s3  }
0x5e: {  	s3 =	sadd.s32 s3, s4  }
0x5f: {  	s3 =	sshrl.u32 s3, $0x3  }
0x60: {  	s3 =	sadd.s32 s1, s3  }
0x61: {  	[tilespmem:s20], [sflag:$0x4] =	stream.strided.gather [hbm4b:s3+s15], $0x2000, s16, s15, $0x38;
	[tilespmem:$0x11A00] =	vst v63  }
0x62: {  	s25 =	spop (v2sf);
	(v2sf) =	vpush v4, $0x6  }
0x63: {  	s26 =	sshra.s32 s25, $0xE  }
0x64: {  	s4 =	sand.u32 $0x1FFFF8, s26  }
0x65: {  	s3 =	sshll.u32 s25, $0x3;
	s4 =	smul.u32 $0xC3800, s4  }
0x66: {  	s3 =	sand.u32 $0xFFC00, s3  }
0x67: {  	s29 =	spop (v2sf);
	(v2sf) =	vpush v4, $0x7;
	s3 =	sadd.s32 s3, s4  }
0x68: {  	s0 =	sshra.s32 s29, $0xE;
	s3 =	sshrl.u32 s3, $0x3  }
0x69: {  	s4 =	sand.u32 $0x1FFFF8, s0;
	s3 =	sadd.s32 s1, s3  }
0x6a: {  	[tilespmem:s21], [sflag:$0x5] =	stream.strided.gather [hbm4b:s3+s15], $0x2000, s16, s15, $0x38;
	[tilespmem:$0x11A00] =	vst v63  }
0x6b: {  	s4 =	smul.u32 $0xC3800, s4;
	s3 =	sshll.u32 s29, $0x3  }
0x6c: {  	s3 =	sand.u32 $0xFFC00, s3  }
0x6d: {  	s3 =	sadd.s32 s3, s4  }
0x6e: {  	s3 =	sshrl.u32 s3, $0x3  }
0x6f: {  	s3 =	sadd.s32 s1, s3  }
0x70: {  	[tilespmem:s22], [sflag:$0x6] =	stream.strided.gather [hbm4b:s3+s15], $0x2000, s16, s15, $0x38;
	[tilespmem:$0x11A00] =	vst v63  }
0x71: {  	s5 =	spop (v2sf)  }
0x72: {  	s6 =	sshra.s32 s5, $0xE  }
0x73: {  	s3 =	sand.u32 $0x1FFFF8, s6  }
0x74: {  	s4 =	sshll.u32 s5, $0x3;
	s3 =	smul.u32 $0xC3800, s3  }
0x75: {  	s4 =	sand.u32 $0xFFC00, s4  }
0x76: {  	s7 =	spop (v2sf);
	s3 =	sadd.s32 s4, s3  }
0x77: {  	s9 =	sshra.s32 s7, $0xE;
	s3 =	sshrl.u32 s3, $0x3  }
0x78: {  	s10 =	rddreg [dreg:$0xa];
	s4 =	sand.u32 $0x1FFFF8, s9;
	s3 =	sadd.s32 s1, s3  }
0x79: {  	[tilespmem:s23], [sflag:$0x7] =	stream.strided.gather [hbm4b:s3+s15], $0x2000, s16, s15, $0x38;
	[tilespmem:$0x11A00] =	vst v63  }
0x7a: {  	s13 =	simm.s32 $0x610;
	s4 =	smul.u32 $0xC3800, s4;
	s3 =	sshll.u32 s7, $0x3  }
0x7b: {  	[dreg:$0xf] =	wrdreg s13;
	s25 =	simm.s32 $0x1;
	s3 =	sand.u32 $0xFFC00, s3  }
0x7c: {  	[dreg:$0x10] =	wrdreg s25;
	s26 =	simm.s32 $0x10;
	s3 =	sadd.s32 s3, s4  }
0x7d: {  	[dreg:$0x11] =	wrdreg s26;
	s29 =	simm.s32 $0x810;
	s3 =	sshrl.u32 s3, $0x3  }
0x7e: {  	[dreg:$0x12] =	wrdreg s29;
	s5 =	simm.s32 $0x0;
	s3 =	sadd.s32 s1, s3  }
0x7f: {  	[tilespmem:s24], [sflag:$0x8] =	stream.strided.gather [hbm4b:s3+s15], $0x2000, s16, s15, $0x38;
	[tilespmem:$0x11A00] =	vst v63  }
0x80: {  	s11 =	simm.s32 $0x1200;
	s6 =	simm.s32 $0x0;
	[dreg:$0xe] =	wrdreg s5  }
0x81: {  	[tilespmem:s11], [sflag:$0xA] =	stream.linear.gather [hbm4b:s10+s6], $0x800, $0x38;
	[tilespmem:$0x11A00] =	vst v63  }
.LBB2_4:
0x82: {  	s29 =	rddreg [dreg:$0xf]  }
0x83: {  	s3 =	simm.s32 $0x9;
	v5 =	vld [tilespmem:s29+$0xFFFFFFF0]  }
0x84: {  	v4 =	vld [tilespmem:s29+$0x0];
	_ =	swait.ge [sflag:s3], $0x800  }
0x85: {  	[sflag:s3] =	ssyncset.done $0x0  }
0x86: {  	s7 =	simm.s32 $0x1;
	[sflag:s3] =	ssyncadd.s32 $0xFFFFF800  }
0x87: {  	_ =	swait.ge [sflag:s7], $0x2000  }
0x88: {  	(v2sf) =	vpush v5, $0x0;
	_ =	sdelay $0x3  }
0x89: {  	(v2sf) =	vpush v5, $0x8;
	_ =	sdelay $0xa  }
0x8a: {  	s9 =	spop (v2sf)  }
0x8b: {  	s3 =	sand.u32 $0x7F, s9  }
0x8c: {  	v6 =	vor.u32 s3, v0  }
0x8d: {  	[sflag:s7] =	ssyncset.done $0x0;
	v7 =	vor.u32 s3, v1  }
0x8e: {  	[sflag:s7] =	ssyncadd.s32 $0xFFFFE000;
	s11 =	spop (v2sf);
	v9 =	vor.u32 s3, v2  }
0x8f: {  	v13 =	vld [tilespmem:$0xA00];
	v11 =	vor.u32 s3, v3;
	s10 =	sshra.s32 s11, $0xE  }
0x90: {  	v12 =	vld [tilespmem:$0xA10];
	s3 =	sand.u32 $0x1FFFF8, s10  }
0x91: {  	s5 =	sshll.u32 s11, $0x3;
	s3 =	smul.u32 $0xC3800, s3;
	v10 =	vld.idx.msk [tilespmem:v6+s17+$0x0], $0xffff  }
0x92: {  	s5 =	sand.u32 $0xFFC00, s5;
	v8 =	vld.idx.msk [tilespmem:v7+s17+$0x0], $0xffff  }
0x93: {  	s3 =	sadd.s32 s5, s3;
	v7 =	vld.idx.msk [tilespmem:v9+s17+$0x0], $0xffff  }
0x94: {  	v6 =	vld.idx.msk [tilespmem:v11+s17+$0x0], $0xffff;
	s3 =	sshrl.u32 s3, $0x3  }
0x95: {  	v11 =	vld [tilespmem:$0xA20];
	s3 =	sadd.s32 s1, s3  }
0x96: {  	v9 =	vld [tilespmem:$0xA30];
	[tilespmem:s17], [sflag:$0x1] =	stream.strided.gather [hbm4b:s3+s15], $0x2000, s16, s15, $0x38  }
0x97: {  	_ =	swait.ge [sflag:s30], $0x2000  }
0x98: {  	(v2sf) =	vpush v5, $0x1;
	_ =	sdelay $0xe  }
0x99: {  	s13 =	spop (v2sf);
	(v2sf) =	vpush v5, $0x9;
	_ =	sdelay $0x9  }
0x9a: {  	s3 =	sand.u32 $0x7F, s13  }
0x9b: {  	v14 =	vor.u32 s3, v0  }
0x9c: {  	v60 =	vor.u32 s3, v1  }
0x9d: {  	v15 =	vor.u32 s3, v2  }
0x9e: {  	[sflag:s30] =	ssyncset.done $0x0;
	v18 =	vor.u32 s3, v3  }
0x9f: {  	[sflag:s30] =	ssyncadd.s32 $0xFFFFE000;
	s5 =	spop (v2sf)  }
0xa0: {  	v16 =	vld.idx.msk [tilespmem:v14+s18+$0x0], $0xffff;
	s25 =	sshra.s32 s5, $0xE  }
0xa1: {  	v17 =	vld.idx.msk [tilespmem:v60+s18+$0x0], $0xffff;
	s3 =	sand.u32 $0x1FFFF8, s25  }
0xa2: {  	v15 =	vld.idx.msk [tilespmem:v15+s18+$0x0], $0xffff;
	s6 =	sshll.u32 s5, $0x3;
	s3 =	smul.u32 $0xC3800, s3  }
0xa3: {  	v14 =	vld.idx.msk [tilespmem:v18+s18+$0x0], $0xffff;
	s6 =	sand.u32 $0xFFC00, s6  }
0xa4: {  	v24 =	vld [tilespmem:$0xA80];
	s3 =	sadd.s32 s6, s3  }
0xa5: {  	v23 =	vld [tilespmem:$0xA90];
	s3 =	sshrl.u32 s3, $0x3  }
0xa6: {  	v20 =	vld [tilespmem:$0xAA0];
	s3 =	sadd.s32 s1, s3  }
0xa7: {  	v18 =	vld [tilespmem:$0xAB0];
	[tilespmem:s18], [sflag:$0x2] =	stream.strided.gather [hbm4b:s3+s15], $0x2000, s16, s15, $0x38  }
0xa8: {  	_ =	swait.ge [sflag:s31], $0x2000  }
0xa9: {  	(v2sf) =	vpush v5, $0x2;
	_ =	sdelay $0x3  }
0xaa: {  	(v2sf) =	vpush v5, $0xA;
	_ =	sdelay $0xa  }
0xab: {  	s26 =	spop (v2sf)  }
0xac: {  	s3 =	sand.u32 $0x7F, s26  }
0xad: {  	v19 =	vor.u32 s3, v0  }
0xae: {  	[sflag:s31] =	ssyncset.done $0x0;
	v21 =	vor.u32 s3, v1  }
0xaf: {  	[sflag:s31] =	ssyncadd.s32 $0xFFFFE000;
	s26 =	spop (v2sf);
	v22 =	vor.u32 s3, v2  }
0xb0: {  	v30 =	vld [tilespmem:$0xB00];
	v26 =	vor.u32 s3, v3;
	s0 =	sshra.s32 s26, $0xE  }
0xb1: {  	v28 =	vld [tilespmem:$0xB10];
	s3 =	sand.u32 $0x1FFFF8, s0  }
0xb2: {  	s4 =	sshll.u32 s26, $0x3;
	s3 =	smul.u32 $0xC3800, s3;
	v27 =	vld.idx.msk [tilespmem:v19+s19+$0x0], $0xffff  }
0xb3: {  	s6 =	sand.u32 $0xFFC00, s4;
	v25 =	vld.idx.msk [tilespmem:v21+s19+$0x0], $0xffff  }
0xb4: {  	s3 =	sadd.s32 s6, s3;
	v21 =	vld.idx.msk [tilespmem:v22+s19+$0x0], $0xffff  }
0xb5: {  	v19 =	vld.idx.msk [tilespmem:v26+s19+$0x0], $0xffff;
	s3 =	sshrl.u32 s3, $0x3  }
0xb6: {  	s0 =	simm.s32 $0x4;
	v26 =	vld [tilespmem:$0xB20];
	s3 =	sadd.s32 s1, s3  }
0xb7: {  	v22 =	vld [tilespmem:$0xB30];
	[tilespmem:s19], [sflag:$0x3] =	stream.strided.gather [hbm4b:s3+s15], $0x2000, s16, s15, $0x38  }
0xb8: {  	_ =	swait.ge [sflag:s0], $0x2000  }
0xb9: {  	(v2sf) =	vpush v5, $0x3;
	_ =	sdelay $0x2  }
0xba: {  	(v2sf) =	vpush v5, $0xB;
	_ =	sdelay $0xb  }
0xbb: {  	s6 =	spop (v2sf)  }
0xbc: {  	s3 =	sand.u32 $0x7F, s6  }
0xbd: {  	[sflag:s0] =	ssyncset.done $0x0;
	v29 =	vor.u32 s3, v0  }
0xbe: {  	[sflag:s0] =	ssyncadd.s32 $0xFFFFE000;
	v31 =	vor.u32 s3, v1;
	v32 =	vor.u32 s3, v2;
	v33 =	vor.u32 s3, v3;
	s3 =	spop (v2sf)  }
0xbf: {  	v37 =	vld [tilespmem:$0xB80];
	s9 =	sshra.s32 s3, $0xE  }
0xc0: {  	v38 =	vld [tilespmem:$0xB90];
	s6 =	sand.u32 $0x1FFFF8, s9  }
0xc1: {  	v35 =	vld [tilespmem:$0xBA0];
	s9 =	sshll.u32 s3, $0x3;
	s6 =	smul.u32 $0xC3800, s6  }
0xc2: {  	s9 =	sand.u32 $0xFFC00, s9;
	v36 =	vld.idx.msk [tilespmem:v29+s20+$0x0], $0xffff  }
0xc3: {  	v34 =	vld.idx.msk [tilespmem:v31+s20+$0x0], $0xffff;
	s6 =	sadd.s32 s9, s6  }
0xc4: {  	v31 =	vld.idx.msk [tilespmem:v32+s20+$0x0], $0xffff;
	s6 =	sshrl.u32 s6, $0x3  }
0xc5: {  	v29 =	vld.idx.msk [tilespmem:v33+s20+$0x0], $0xffff;
	s6 =	sadd.s32 s1, s6  }
0xc6: {  	v32 =	vld [tilespmem:$0xBB0];
	[tilespmem:s20], [sflag:$0x4] =	stream.strided.gather [hbm4b:s6+s15], $0x2000, s16, s15, $0x38  }
0xc7: {  	_ =	swait.ge [sflag:s2], $0x2000  }
0xc8: {  	(v2sf) =	vpush v5, $0x4;
	_ =	sdelay $0x2  }
0xc9: {  	(v2sf) =	vpush v5, $0xC;
	_ =	sdelay $0xb  }
0xca: {  	s10 =	spop (v2sf)  }
0xcb: {  	s6 =	sand.u32 $0x7F, s10  }
0xcc: {  	[sflag:s2] =	ssyncset.done $0x0;
	v61 =	vor.u32 s6, v0  }
0xcd: {  	[sflag:s2] =	ssyncadd.s32 $0xFFFFE000;
	s25 =	spop (v2sf);
	v39 =	vor.u32 s6, v1  }
0xce: {  	v43 =	vld [tilespmem:$0xC10];
	v40 =	vor.u32 s6, v2;
	s13 =	sshra.s32 s25, $0xE  }
0xcf: {  	v44 =	vld [tilespmem:$0xC20];
	v41 =	vor.u32 s6, v3;
	s6 =	sand.u32 $0x1FFFF8, s13  }
0xd0: {  	v45 =	vld [tilespmem:$0xC30];
	s4 =	sshll.u32 s25, $0x3;
	s6 =	smul.u32 $0xC3800, s6  }
0xd1: {  	s9 =	sand.u32 $0xFFC00, s4;
	v42 =	vld.idx.msk [tilespmem:v61+s21+$0x0], $0xffff  }
0xd2: {  	s6 =	sadd.s32 s9, s6;
	v39 =	vld.idx.msk [tilespmem:v39+s21+$0x0], $0xffff  }
0xd3: {  	v40 =	vld.idx.msk [tilespmem:v40+s21+$0x0], $0xffff;
	s6 =	sshrl.u32 s6, $0x3  }
0xd4: {  	v33 =	vld.idx.msk [tilespmem:v41+s21+$0x0], $0xffff;
	s6 =	sadd.s32 s1, s6  }
0xd5: {  	v41 =	vld [tilespmem:$0xC00];
	[tilespmem:s21], [sflag:$0x5] =	stream.strided.gather [hbm4b:s6+s15], $0x2000, s16, s15, $0x38  }
0xd6: {  	_ =	swait.ge [sflag:s12], $0x2000  }
0xd7: {  	(v2sf) =	vpush v5, $0x5;
	_ =	sdelay $0x2  }
0xd8: {  	(v2sf) =	vpush v5, $0xD;
	_ =	sdelay $0xb  }
0xd9: {  	s9 =	spop (v2sf)  }
0xda: {  	s6 =	sand.u32 $0x7F, s9  }
0xdb: {  	[sflag:s12] =	ssyncset.done $0x0;
	v46 =	vor.u32 s6, v0  }
0xdc: {  	[sflag:s12] =	ssyncadd.s32 $0xFFFFE000;
	v47 =	vor.u32 s6, v1;
	v48 =	vor.u32 s6, v2;
	v49 =	vor.u32 s6, v3;
	s6 =	spop (v2sf)  }
0xdd: {  	v50 =	vld [tilespmem:$0xC80];
	s10 =	sshra.s32 s6, $0xE  }
0xde: {  	v51 =	vld [tilespmem:$0xC90];
	s9 =	sand.u32 $0x1FFFF8, s10  }
0xdf: {  	v52 =	vld [tilespmem:$0xCA0];
	s13 =	sshll.u32 s6, $0x3;
	s9 =	smul.u32 $0xC3800, s9  }
0xe0: {  	v53 =	vld [tilespmem:$0xCB0];
	s13 =	sand.u32 $0xFFC00, s13  }
0xe1: {  	v46 =	vld.idx.msk [tilespmem:v46+s22+$0x0], $0xffff;
	s9 =	sadd.s32 s13, s9  }
0xe2: {  	v47 =	vld.idx.msk [tilespmem:v47+s22+$0x0], $0xffff;
	s9 =	sshrl.u32 s9, $0x3  }
0xe3: {  	v48 =	vld.idx.msk [tilespmem:v48+s22+$0x0], $0xffff;
	s9 =	sadd.s32 s1, s9  }
0xe4: {  	v49 =	vld.idx.msk [tilespmem:v49+s22+$0x0], $0xffff;
	[tilespmem:s22], [sflag:$0x6] =	stream.strided.gather [hbm4b:s9+s15], $0x2000, s16, s15, $0x38  }
0xe5: {  	_ =	swait.ge [sflag:s14], $0x2000  }
0xe6: {  	(v2sf) =	vpush v5, $0x6;
	_ =	sdelay $0x1  }
0xe7: {  	(v2sf) =	vpush v5, $0xE;
	_ =	sdelay $0xc  }
0xe8: {  	s13 =	spop (v2sf)  }
0xe9: {  	[sflag:s14] =	ssyncset.done $0x0;
	s9 =	sand.u32 $0x7F, s13  }
0xea: {  	[sflag:s14] =	ssyncadd.s32 $0xFFFFE000;
	s13 =	spop (v2sf);
	v54 =	vor.u32 s9, v0  }
0xeb: {  	v58 =	vld [tilespmem:$0xD00];
	v55 =	vor.u32 s9, v1;
	s4 =	sshra.s32 s13, $0xE  }
0xec: {  	v59 =	vld [tilespmem:$0xD10];
	v56 =	vor.u32 s9, v2;
	v57 =	vor.u32 s9, v3;
	s9 =	sand.u32 $0x1FFFF8, s4  }
0xed: {  	v60 =	vld [tilespmem:$0xD20];
	s10 =	sshll.u32 s13, $0x3;
	s9 =	smul.u32 $0xC3800, s9  }
0xee: {  	v61 =	vld [tilespmem:$0xD30];
	s10 =	sand.u32 $0xFFC00, s10  }
0xef: {  	s9 =	sadd.s32 s10, s9;
	v54 =	vld.idx.msk [tilespmem:v54+s23+$0x0], $0xffff  }
0xf0: {  	v55 =	vld.idx.msk [tilespmem:v55+s23+$0x0], $0xffff;
	s9 =	sshrl.u32 s9, $0x3  }
0xf1: {  	v56 =	vld.idx.msk [tilespmem:v56+s23+$0x0], $0xffff;
	s9 =	sadd.s32 s1, s9  }
0xf2: {  	v57 =	vld.idx.msk [tilespmem:v57+s23+$0x0], $0xffff;
	[tilespmem:s23], [sflag:$0x7] =	stream.strided.gather [hbm4b:s9+s15], $0x2000, s16, s15, $0x38  }
0xf3: {  	_ =	swait.ge [sflag:s28], $0x2000  }
0xf4: {  	(v2sf) =	vpush v5, $0x7;
	_ =	sdelay $0x9  }
0xf5: {  	v16 =	vmul.f32 v24, v16  }
0xf6: {  	v10 =	vmul.f32 v13, v10;
	v8 =	vmul.f32 v12, v8  }
0xf7: {  	v7 =	vmul.f32 v11, v7;
	v17 =	vmul.f32 v23, v17;
	v16 =	vadd.f32 $0.0e+00, v16  }
0xf8: {  	v6 =	vmul.f32 v9, v6;
	v63 =	vmul.f32 v20, v15  }
0xf9: {  	v62 =	vadd.f32 v17, v16;
	v17 =	vmul.f32 v18, v14;
	v15 =	vmul.f32 v30, v27  }
0xfa: {  	v20 =	vmul.f32 v28, v25;
	v16 =	vmul.f32 v37, v36;
	s10 =	spop (v2sf)  }
0xfb: {  	v10 =	vadd.f32 $0.0e+00, v10;
	v25 =	vmul.f32 v38, v34;
	v34 =	vmul.f32 v26, v21;
	s9 =	sand.u32 $0x7F, s10  }
0xfc: {  	v28 =	vmul.f32 v41, v42;
	v41 =	vmul.f32 v50, v46;
	v13 =	vor.u32 s9, v0  }
0xfd: {  	v18 =	vadd.f32 $0.0e+00, v15;
	v46 =	vmul.f32 v51, v47;
	v47 =	vmul.f32 v58, v54  }
0xfe: {  	v35 =	vmul.f32 v35, v31;
	v36 =	vmul.f32 v43, v39;
	[sflag:s28] =	ssyncset.done $0x0;
	v24 =	vor.u32 s9, v1  }
0xff: {  	v39 =	vmul.f32 v22, v19;
	[sflag:s28] =	ssyncadd.s32 $0xFFFFE000;
	v55 =	vmul.f32 v59, v55;
	v11 =	vadd.f32 $0.0e+00, v47  }
0x100: {  	v37 =	vld [tilespmem:$0xD80];
	(v2sf) =	vpush v5, $0xF;
	v5 =	vadd.f32 v8, v10;
	v12 =	vor.u32 s9, v2  }
0x101: {  	v42 =	vmul.f32 v32, v29;
	v11 =	vadd.f32 v55, v11;
	v8 =	vadd.f32 v63, v62;
	v30 =	vld.idx.msk [tilespmem:v13+s24+$0x0], $0xffff  }
0x102: {  	v43 =	vld [tilespmem:$0xD90];
	v10 =	vadd.f32 v20, v18;
	v23 =	vor.u32 s9, v3;
	v5 =	vadd.f32 v7, v5  }
0x103: {  	v44 =	vmul.f32 v44, v40;
	v7 =	vadd.f32 $0.0e+00, v16;
	v27 =	vadd.f32 v17, v8;
	v38 =	vld.idx.msk [tilespmem:v24+s24+$0x0], $0xffff  }
0x104: {  	v54 =	vmul.f32 v52, v48;
	v50 =	vld [tilespmem:$0xDA0];
	v8 =	vadd.f32 $0.0e+00, v28;
	v10 =	vadd.f32 v34, v10  }
0x105: {  	v59 =	vmul.f32 v45, v33;
	v17 =	vadd.f32 $0.0e+00, v41;
	v5 =	vadd.f32 v6, v5;
	v12 =	vld.idx.msk [tilespmem:v12+s24+$0x0], $0xffff  }
0x106: {  	v58 =	vld [tilespmem:$0xDB0];
	v7 =	vadd.f32 v25, v7;
	v8 =	vadd.f32 v36, v8;
	v9 =	vmul.f32 v37, v30  }
0x107: {  	v62 =	vmul.f32 v60, v56;
	v10 =	vadd.f32 v39, v10;
	v17 =	vadd.f32 v46, v17;
	v51 =	vld.idx.msk [tilespmem:v23+s24+$0x0], $0xffff  }
0x108: {  	v7 =	vadd.f32 v35, v7;
	v14 =	vmul.f32 v43, v38;
	v9 =	vadd.f32 $0.0e+00, v9  }
0x109: {  	v63 =	vmul.f32 v53, v49;
	v8 =	vadd.f32 v44, v8;
	(xrf2) =	vadd.scan.msk.f32 $0xffff, v5;
	v5 =	vadd.f32 v54, v17  }
0x10a: {  	(xrf2) =	vadd.scan.msk.f32 $0xffff, v27;
	v7 =	vadd.f32 v42, v7;
	v12 =	vmul.f32 v50, v12;
	v9 =	vadd.f32 v14, v9  }
0x10b: {  	v16 =	vadd.f32 v62, v11;
	v17 =	vmul.f32 v61, v57;
	(xrf2) =	vadd.scan.msk.f32 $0xffff, v10;
	v8 =	vadd.f32 v59, v8  }
0x10c: {  	v5 =	vadd.f32 v63, v5;
	(xrf2) =	vadd.scan.msk.f32 $0xffff, v7;
	v20 =	vmul.f32 v58, v51;
	v18 =	vadd.f32 v12, v9  }
0x10d: {  	v21 =	vadd.f32 v17, v16;
	(xrf2) =	vadd.scan.msk.f32 $0xffff, v8  }
0x10e: {  	(xrf2) =	vadd.scan.msk.f32 $0xffff, v5;
	v5 =	vadd.f32 v20, v18  }
0x10f: {  	(xrf2) =	vadd.scan.msk.f32 $0xffff, v21  }
0x110: {  	(xrf2) =	vadd.scan.msk.f32 $0xffff, v5;
	_ =	sdelay $0x1  }
0x111: {  	s9 =	spop (v2sf)  }
0x112: {  	s4 =	sshra.s32 s9, $0xE;
	v6, _, _ =	vpop (xrf2)  }
0x113: {  	s10 =	sand.u32 $0x1FFFF8, s4;
	v9, _, _ =	vpop (xrf2)  }
0x114: {  	s4 =	sshll.u32 s9, $0x3;
	s10 =	smul.u32 $0xC3800, s10;
	v12, _, _ =	vpop (xrf2)  }
0x115: {  	s4 =	sand.u32 $0xFFC00, s4;
	v10, _, _ =	vpop (xrf2)  }
0x116: {  	s4 =	sadd.s32 s4, s10;
	v11, _, _ =	vpop (xrf2)  }
0x117: {  	s11 =	sand.u32 $0x7F, s11;
	s4 =	sshrl.u32 s4, $0x3;
	v5, _, _ =	vpop (xrf2)  }
0x118: {  	v22 =	vor.u32 s11, v0;
	s4 =	sadd.s32 s1, s4;
	v7, _, _ =	vpop (xrf2)  }
0x119: {  	[tilespmem:s24], [sflag:$0x8] =	stream.strided.gather [hbm4b:s4+s15], $0x2000, s16, s15, $0x38;
	v8, _, _ =	vpop (xrf2);
	[tilespmem:$0x11A00] =	vst v63  }
0x11a: {  	v23 =	vor.u32 s11, v1;
	_ =	swait.ge [sflag:s7], $0x2000  }
0x11b: {  	[sflag:s7] =	ssyncset.done $0x0  }
0x11c: {  	v24 =	vor.u32 s11, v2;
	[sflag:s7] =	ssyncadd.s32 $0xFFFFE000  }
0x11d: {  	v13 =	vld.idx.msk [tilespmem:v22+s17+$0x0], $0xffff  }
0x11e: {  	v26 =	vor.u32 s11, v3;
	v25 =	vld [tilespmem:$0xE00]  }
0x11f: {  	v14 =	vld.idx.msk [tilespmem:v23+s17+$0x0], $0xffff  }
0x120: {  	(v2sf) =	vpush v4, $0x0;
	v27 =	vld [tilespmem:$0xE10]  }
0x121: {  	v15 =	vld.idx.msk [tilespmem:v24+s17+$0x0], $0xffff  }
0x122: {  	v28 =	vld [tilespmem:$0xE20]  }
0x123: {  	v29 =	vld.idx.msk [tilespmem:v26+s17+$0x0], $0xffff;
	v13 =	vmul.f32 v25, v13  }
0x124: {  	v30 =	vld [tilespmem:$0xE30]  }
0x125: {  	v14 =	vmul.f32 v27, v14;
	v13 =	vadd.f32 $0.0e+00, v13;
	_ =	sdelay $0x1  }
0x126: {  	v31 =	vmul.f32 v28, v15;
	v13 =	vadd.f32 v14, v13;
	_ =	sdelay $0x1  }
0x127: {  	v32 =	vmul.f32 v30, v29;
	v13 =	vadd.f32 v31, v13;
	_ =	sdelay $0x1  }
0x128: {  	v13 =	vadd.f32 v32, v13;
	_ =	sdelay $0x1  }
0x129: {  	(xrf2) =	vadd.scan.msk.f32 $0xffff, v13;
	_ =	sdelay $0x1  }
0x12a: {  	s4 =	spop (v2sf)  }
0x12b: {  	s11 =	sshra.s32 s4, $0xE  }
0x12c: {  	s10 =	sand.u32 $0x1FFFF8, s11  }
0x12d: {  	s4 =	sshll.u32 s4, $0x3;
	s10 =	smul.u32 $0xC3800, s10  }
0x12e: {  	s4 =	sand.u32 $0xFFC00, s4  }
0x12f: {  	s4 =	sadd.s32 s4, s10  }
0x130: {  	s5 =	sand.u32 $0x7F, s5;
	s4 =	sshrl.u32 s4, $0x3  }
0x131: {  	v33 =	vor.u32 s5, v0;
	s4 =	sadd.s32 s1, s4  }
0x132: {  	[tilespmem:s17], [sflag:$0x1] =	stream.strided.gather [hbm4b:s4+s15], $0x2000, s16, s15, $0x38;
	v13, _, _ =	vpop (xrf2);
	[tilespmem:$0x11A00] =	vst v63  }
0x133: {  	v34 =	vor.u32 s5, v1;
	_ =	swait.ge [sflag:s30], $0x2000  }
0x134: {  	[sflag:s30] =	ssyncset.done $0x0  }
0x135: {  	v35 =	vor.u32 s5, v2;
	[sflag:s30] =	ssyncadd.s32 $0xFFFFE000  }
0x136: {  	v14 =	vld.idx.msk [tilespmem:v33+s18+$0x0], $0xffff  }
0x137: {  	v37 =	vor.u32 s5, v3;
	v36 =	vld [tilespmem:$0xE80]  }
0x138: {  	v15 =	vld.idx.msk [tilespmem:v34+s18+$0x0], $0xffff  }
0x139: {  	(v2sf) =	vpush v4, $0x1;
	v38 =	vld [tilespmem:$0xE90]  }
0x13a: {  	v16 =	vld.idx.msk [tilespmem:v35+s18+$0x0], $0xffff  }
0x13b: {  	v39 =	vld [tilespmem:$0xEA0]  }
0x13c: {  	v40 =	vld.idx.msk [tilespmem:v37+s18+$0x0], $0xffff;
	v14 =	vmul.f32 v36, v14  }
0x13d: {  	v41 =	vld [tilespmem:$0xEB0]  }
0x13e: {  	v15 =	vmul.f32 v38, v15;
	v14 =	vadd.f32 $0.0e+00, v14;
	_ =	sdelay $0x1  }
0x13f: {  	v42 =	vmul.f32 v39, v16;
	v14 =	vadd.f32 v15, v14;
	_ =	sdelay $0x1  }
0x140: {  	v43 =	vmul.f32 v41, v40;
	v14 =	vadd.f32 v42, v14;
	_ =	sdelay $0x1  }
0x141: {  	v14 =	vadd.f32 v43, v14;
	_ =	sdelay $0x1  }
0x142: {  	(xrf2) =	vadd.scan.msk.f32 $0xffff, v14;
	_ =	sdelay $0x1  }
0x143: {  	s10 =	spop (v2sf)  }
0x144: {  	s11 =	sshra.s32 s10, $0xE  }
0x145: {  	s5 =	sand.u32 $0x1FFFF8, s11  }
0x146: {  	s4 =	sshll.u32 s10, $0x3;
	s5 =	smul.u32 $0xC3800, s5  }
0x147: {  	s4 =	sand.u32 $0xFFC00, s4  }
0x148: {  	s4 =	sadd.s32 s4, s5  }
0x149: {  	s10 =	sand.u32 $0x7F, s26;
	s4 =	sshrl.u32 s4, $0x3  }
0x14a: {  	v44 =	vor.u32 s10, v0;
	s4 =	sadd.s32 s1, s4  }
0x14b: {  	[tilespmem:s18], [sflag:$0x2] =	stream.strided.gather [hbm4b:s4+s15], $0x2000, s16, s15, $0x38;
	v14, _, _ =	vpop (xrf2);
	[tilespmem:$0x11A00] =	vst v63  }
0x14c: {  	v45 =	vor.u32 s10, v1;
	_ =	swait.ge [sflag:s31], $0x2000  }
0x14d: {  	[sflag:s31] =	ssyncset.done $0x0  }
0x14e: {  	v46 =	vor.u32 s10, v2;
	[sflag:s31] =	ssyncadd.s32 $0xFFFFE000  }
0x14f: {  	v15 =	vld.idx.msk [tilespmem:v44+s19+$0x0], $0xffff  }
0x150: {  	v48 =	vor.u32 s10, v3;
	v47 =	vld [tilespmem:$0xF00]  }
0x151: {  	v16 =	vld.idx.msk [tilespmem:v45+s19+$0x0], $0xffff  }
0x152: {  	(v2sf) =	vpush v4, $0x2;
	v49 =	vld [tilespmem:$0xF10]  }
0x153: {  	v17 =	vld.idx.msk [tilespmem:v46+s19+$0x0], $0xffff  }
0x154: {  	v50 =	vld [tilespmem:$0xF20]  }
0x155: {  	v51 =	vld.idx.msk [tilespmem:v48+s19+$0x0], $0xffff;
	v15 =	vmul.f32 v47, v15  }
0x156: {  	v52 =	vld [tilespmem:$0xF30]  }
0x157: {  	v16 =	vmul.f32 v49, v16;
	v15 =	vadd.f32 $0.0e+00, v15;
	_ =	sdelay $0x1  }
0x158: {  	v53 =	vmul.f32 v50, v17;
	v15 =	vadd.f32 v16, v15;
	_ =	sdelay $0x1  }
0x159: {  	v54 =	vmul.f32 v52, v51;
	v15 =	vadd.f32 v53, v15;
	_ =	sdelay $0x1  }
0x15a: {  	v15 =	vadd.f32 v54, v15;
	_ =	sdelay $0x1  }
0x15b: {  	(xrf2) =	vadd.scan.msk.f32 $0xffff, v15;
	_ =	sdelay $0x1  }
0x15c: {  	s11 =	spop (v2sf)  }
0x15d: {  	s26 =	sshra.s32 s11, $0xE  }
0x15e: {  	s5 =	sand.u32 $0x1FFFF8, s26  }
0x15f: {  	s4 =	sshll.u32 s11, $0x3;
	s5 =	smul.u32 $0xC3800, s5  }
0x160: {  	s4 =	sand.u32 $0xFFC00, s4  }
0x161: {  	s4 =	sadd.s32 s4, s5  }
0x162: {  	s3 =	sand.u32 $0x7F, s3;
	s4 =	sshrl.u32 s4, $0x3  }
0x163: {  	v55 =	vor.u32 s3, v0;
	s4 =	sadd.s32 s1, s4  }
0x164: {  	[tilespmem:s19], [sflag:$0x3] =	stream.strided.gather [hbm4b:s4+s15], $0x2000, s16, s15, $0x38;
	v15, _, _ =	vpop (xrf2);
	[tilespmem:$0x11A00] =	vst v63  }
0x165: {  	v56 =	vor.u32 s3, v1;
	_ =	swait.ge [sflag:s0], $0x2000  }
0x166: {  	[sflag:s0] =	ssyncset.done $0x0  }
0x167: {  	v57 =	vor.u32 s3, v2;
	[sflag:s0] =	ssyncadd.s32 $0xFFFFE000  }
0x168: {  	v16 =	vld.idx.msk [tilespmem:v55+s20+$0x0], $0xffff  }
0x169: {  	v59 =	vor.u32 s3, v3;
	v58 =	vld [tilespmem:$0xF80]  }
0x16a: {  	v17 =	vld.idx.msk [tilespmem:v56+s20+$0x0], $0xffff  }
0x16b: {  	(v2sf) =	vpush v4, $0x3;
	v60 =	vld [tilespmem:$0xF90]  }
0x16c: {  	v18 =	vld.idx.msk [tilespmem:v57+s20+$0x0], $0xffff  }
0x16d: {  	v61 =	vld [tilespmem:$0xFA0]  }
0x16e: {  	v62 =	vld.idx.msk [tilespmem:v59+s20+$0x0], $0xffff;
	v16 =	vmul.f32 v58, v16  }
0x16f: {  	v63 =	vld [tilespmem:$0xFB0]  }
0x170: {  	v17 =	vmul.f32 v60, v17;
	v16 =	vadd.f32 $0.0e+00, v16;
	_ =	sdelay $0x1  }
0x171: {  	v22 =	vmul.f32 v61, v18;
	v16 =	vadd.f32 v17, v16;
	_ =	sdelay $0x1  }
0x172: {  	v23 =	vmul.f32 v63, v62;
	v16 =	vadd.f32 v22, v16;
	_ =	sdelay $0x1  }
0x173: {  	v16 =	vadd.f32 v23, v16;
	_ =	sdelay $0x1  }
0x174: {  	(xrf2) =	vadd.scan.msk.f32 $0xffff, v16;
	_ =	sdelay $0x1  }
0x175: {  	s10 =	spop (v2sf)  }
0x176: {  	s11 =	sshra.s32 s10, $0xE  }
0x177: {  	s4 =	sand.u32 $0x1FFFF8, s11  }
0x178: {  	s3 =	sshll.u32 s10, $0x3;
	s4 =	smul.u32 $0xC3800, s4  }
0x179: {  	s3 =	sand.u32 $0xFFC00, s3  }
0x17a: {  	s3 =	sadd.s32 s3, s4  }
0x17b: {  	s26 =	sand.u32 $0x7F, s25;
	s3 =	sshrl.u32 s3, $0x3  }
0x17c: {  	v24 =	vor.u32 s26, v0;
	s3 =	sadd.s32 s1, s3  }
0x17d: {  	[tilespmem:s20], [sflag:$0x4] =	stream.strided.gather [hbm4b:s3+s15], $0x2000, s16, s15, $0x38;
	v16, _, _ =	vpop (xrf2);
	[tilespmem:$0x11A00] =	vst v63  }
0x17e: {  	v25 =	vor.u32 s26, v1;
	_ =	swait.ge [sflag:s2], $0x2000  }
0x17f: {  	[sflag:s2] =	ssyncset.done $0x0  }
0x180: {  	v26 =	vor.u32 s26, v2;
	[sflag:s2] =	ssyncadd.s32 $0xFFFFE000  }
0x181: {  	v17 =	vld.idx.msk [tilespmem:v24+s21+$0x0], $0xffff  }
0x182: {  	v28 =	vor.u32 s26, v3;
	v27 =	vld [tilespmem:$0x1000]  }
0x183: {  	v18 =	vld.idx.msk [tilespmem:v25+s21+$0x0], $0xffff  }
0x184: {  	(v2sf) =	vpush v4, $0x4;
	v29 =	vld [tilespmem:$0x1010]  }
0x185: {  	v19 =	vld.idx.msk [tilespmem:v26+s21+$0x0], $0xffff  }
0x186: {  	v30 =	vld [tilespmem:$0x1020]  }
0x187: {  	v31 =	vld.idx.msk [tilespmem:v28+s21+$0x0], $0xffff;
	v17 =	vmul.f32 v27, v17  }
0x188: {  	v32 =	vld [tilespmem:$0x1030]  }
0x189: {  	v18 =	vmul.f32 v29, v18;
	v17 =	vadd.f32 $0.0e+00, v17;
	_ =	sdelay $0x1  }
0x18a: {  	v33 =	vmul.f32 v30, v19;
	v17 =	vadd.f32 v18, v17;
	_ =	sdelay $0x1  }
0x18b: {  	v34 =	vmul.f32 v32, v31;
	v17 =	vadd.f32 v33, v17;
	_ =	sdelay $0x1  }
0x18c: {  	v17 =	vadd.f32 v34, v17;
	_ =	sdelay $0x1  }
0x18d: {  	(xrf2) =	vadd.scan.msk.f32 $0xffff, v17;
	_ =	sdelay $0x1  }
0x18e: {  	s5 =	spop (v2sf)  }
0x18f: {  	s10 =	sshra.s32 s5, $0xE  }
0x190: {  	s4 =	sand.u32 $0x1FFFF8, s10  }
0x191: {  	s3 =	sshll.u32 s5, $0x3;
	s4 =	smul.u32 $0xC3800, s4  }
0x192: {  	s3 =	sand.u32 $0xFFC00, s3  }
0x193: {  	s3 =	sadd.s32 s3, s4  }
0x194: {  	s11 =	sand.u32 $0x7F, s6;
	s3 =	sshrl.u32 s3, $0x3  }
0x195: {  	v35 =	vor.u32 s11, v0;
	s3 =	sadd.s32 s1, s3  }
0x196: {  	[tilespmem:s21], [sflag:$0x5] =	stream.strided.gather [hbm4b:s3+s15], $0x2000, s16, s15, $0x38;
	v18, _, _ =	vpop (xrf2);
	[tilespmem:$0x11A00] =	vst v63  }
0x197: {  	v36 =	vor.u32 s11, v1;
	_ =	swait.ge [sflag:s12], $0x2000  }
0x198: {  	[sflag:s12] =	ssyncset.done $0x0  }
0x199: {  	v37 =	vor.u32 s11, v2;
	[sflag:s12] =	ssyncadd.s32 $0xFFFFE000  }
0x19a: {  	v17 =	vld.idx.msk [tilespmem:v35+s22+$0x0], $0xffff  }
0x19b: {  	v39 =	vor.u32 s11, v3;
	v38 =	vld [tilespmem:$0x1080]  }
0x19c: {  	v19 =	vld.idx.msk [tilespmem:v36+s22+$0x0], $0xffff  }
0x19d: {  	(v2sf) =	vpush v4, $0x5;
	v40 =	vld [tilespmem:$0x1090]  }
0x19e: {  	v20 =	vld.idx.msk [tilespmem:v37+s22+$0x0], $0xffff  }
0x19f: {  	v41 =	vld [tilespmem:$0x10A0]  }
0x1a0: {  	v42 =	vld.idx.msk [tilespmem:v39+s22+$0x0], $0xffff;
	v17 =	vmul.f32 v38, v17  }
0x1a1: {  	v43 =	vld [tilespmem:$0x10B0]  }
0x1a2: {  	v19 =	vmul.f32 v40, v19;
	v17 =	vadd.f32 $0.0e+00, v17;
	_ =	sdelay $0x1  }
0x1a3: {  	v44 =	vmul.f32 v41, v20;
	v17 =	vadd.f32 v19, v17;
	_ =	sdelay $0x1  }
0x1a4: {  	v45 =	vmul.f32 v43, v42;
	v17 =	vadd.f32 v44, v17;
	_ =	sdelay $0x1  }
0x1a5: {  	v17 =	vadd.f32 v45, v17;
	_ =	sdelay $0x1  }
0x1a6: {  	(xrf2) =	vadd.scan.msk.f32 $0xffff, v17;
	_ =	sdelay $0x1  }
0x1a7: {  	s25 =	spop (v2sf)  }
0x1a8: {  	s26 =	sshra.s32 s25, $0xE  }
0x1a9: {  	s4 =	sand.u32 $0x1FFFF8, s26  }
0x1aa: {  	s3 =	sshll.u32 s25, $0x3;
	s4 =	smul.u32 $0xC3800, s4  }
0x1ab: {  	s3 =	sand.u32 $0xFFC00, s3  }
0x1ac: {  	s3 =	sadd.s32 s3, s4  }
0x1ad: {  	s5 =	sand.u32 $0x7F, s13;
	s3 =	sshrl.u32 s3, $0x3  }
0x1ae: {  	v46 =	vor.u32 s5, v0;
	s3 =	sadd.s32 s1, s3  }
0x1af: {  	[tilespmem:s22], [sflag:$0x6] =	stream.strided.gather [hbm4b:s3+s15], $0x2000, s16, s15, $0x38;
	v47, _, _ =	vpop (xrf2);
	[tilespmem:$0x11A00] =	vst v63  }
0x1b0: {  	v48 =	vor.u32 s5, v1;
	_ =	swait.ge [sflag:s14], $0x2000  }
0x1b1: {  	[sflag:s14] =	ssyncset.done $0x0  }
0x1b2: {  	v49 =	vor.u32 s5, v2;
	[sflag:s14] =	ssyncadd.s32 $0xFFFFE000  }
0x1b3: {  	v17 =	vld.idx.msk [tilespmem:v46+s23+$0x0], $0xffff  }
0x1b4: {  	v51 =	vor.u32 s5, v3;
	v50 =	vld [tilespmem:$0x1100]  }
0x1b5: {  	v20 =	vld.idx.msk [tilespmem:v48+s23+$0x0], $0xffff  }
0x1b6: {  	(v2sf) =	vpush v4, $0x6;
	v52 =	vld [tilespmem:$0x1110]  }
0x1b7: {  	v21 =	vld.idx.msk [tilespmem:v49+s23+$0x0], $0xffff  }
0x1b8: {  	v53 =	vld [tilespmem:$0x1120]  }
0x1b9: {  	v54 =	vld.idx.msk [tilespmem:v51+s23+$0x0], $0xffff;
	v17 =	vmul.f32 v50, v17  }
0x1ba: {  	v55 =	vld [tilespmem:$0x1130]  }
0x1bb: {  	v20 =	vmul.f32 v52, v20;
	v17 =	vadd.f32 $0.0e+00, v17;
	_ =	sdelay $0x1  }
0x1bc: {  	v56 =	vmul.f32 v53, v21;
	v17 =	vadd.f32 v20, v17;
	_ =	sdelay $0x1  }
0x1bd: {  	v57 =	vmul.f32 v55, v54;
	v17 =	vadd.f32 v56, v17;
	_ =	sdelay $0x1  }
0x1be: {  	v17 =	vadd.f32 v57, v17;
	_ =	sdelay $0x1  }
0x1bf: {  	(xrf2) =	vadd.scan.msk.f32 $0xffff, v17;
	_ =	sdelay $0x1  }
0x1c0: {  	s6 =	spop (v2sf)  }
0x1c1: {  	s10 =	sshra.s32 s6, $0xE  }
0x1c2: {  	s4 =	sand.u32 $0x1FFFF8, s10  }
0x1c3: {  	s3 =	sshll.u32 s6, $0x3;
	s4 =	smul.u32 $0xC3800, s4  }
0x1c4: {  	s3 =	sand.u32 $0xFFC00, s3  }
0x1c5: {  	s3 =	sadd.s32 s3, s4  }
0x1c6: {  	s11 =	sand.u32 $0x7F, s9;
	s3 =	sshrl.u32 s3, $0x3  }
0x1c7: {  	v58 =	vor.u32 s11, v0;
	s3 =	sadd.s32 s1, s3  }
0x1c8: {  	[tilespmem:s23], [sflag:$0x7] =	stream.strided.gather [hbm4b:s3+s15], $0x2000, s16, s15, $0x38;
	v59, _, _ =	vpop (xrf2);
	[tilespmem:$0x11A00] =	vst v63  }
0x1c9: {  	v60 =	vor.u32 s11, v1;
	_ =	swait.ge [sflag:s28], $0x2000  }
0x1ca: {  	[sflag:s28] =	ssyncset.done $0x0  }
0x1cb: {  	v61 =	vor.u32 s11, v2;
	[sflag:s28] =	ssyncadd.s32 $0xFFFFE000  }
0x1cc: {  	v17 =	vld.idx.msk [tilespmem:v58+s24+$0x0], $0xffff  }
0x1cd: {  	v63 =	vor.u32 s11, v3;
	(v2sf) =	vpush v4, $0x7;
	v62 =	vld [tilespmem:$0x1180]  }
0x1ce: {  	v21 =	vld.idx.msk [tilespmem:v60+s24+$0x0], $0xffff  }
0x1cf: {  	v4 =	vld [tilespmem:$0x1190]  }
0x1d0: {  	v22 =	vld.idx.msk [tilespmem:v61+s24+$0x0], $0xffff  }
0x1d1: {  	v28 =	vld [tilespmem:$0x11A0]  }
0x1d2: {  	v29 =	vld.idx.msk [tilespmem:v63+s24+$0x0], $0xffff;
	v17 =	vmul.f32 v62, v17  }
0x1d3: {  	v30 =	vld [tilespmem:$0x11B0]  }
0x1d4: {  	v4 =	vmul.f32 v4, v21;
	v17 =	vadd.f32 $0.0e+00, v17  }
0x1d5: {  	v6 =	vbroadcast v6, $0xF;
	v9 =	vbroadcast v9, $0xF  }
0x1d6: {  	v31 =	vmul.f32 v28, v22;
	v4 =	vadd.f32 v4, v17  }
0x1d7: {  	v12 =	vbroadcast v12, $0xF;
	v6 =	vsel vm0, v6, v9  }
0x1d8: {  	v33 =	vbroadcast v10, $0xF;
	v32 =	vmul.f32 v30, v29;
	v4 =	vadd.f32 v31, v4  }
0x1d9: {  	v6 =	vsel vm1, v6, v12;
	v34 =	vbroadcast v11, $0xF  }
0x1da: {  	v5 =	vbroadcast v5, $0xF;
	v6 =	vsel vm2, v6, v33;
	v4 =	vadd.f32 v32, v4  }
0x1db: {  	v7 =	vbroadcast v7, $0xF;
	v6 =	vsel vm3, v6, v34  }
0x1dc: {  	s13 =	spop (v2sf);
	(xrf2) =	vadd.scan.msk.f32 $0xffff, v4;
	v4 =	vsel vm4, v6, v5;
	v5 =	vbroadcast v8, $0xF  }
0x1dd: {  	v35 =	vbroadcast v13, $0xF;
	s25 =	sshra.s32 s13, $0xE;
	v4 =	vsel vm5, v4, v7  }
0x1de: {  	s4 =	sand.u32 $0x1FFFF8, s25;
	v4 =	vsel vm6, v4, v5;
	v5 =	vbroadcast v14, $0xF  }
0x1df: {  	v36 =	vbroadcast v15, $0xF;
	s3 =	sshll.u32 s13, $0x3;
	s4 =	smul.u32 $0xC3800, s4;
	v4 =	vsel vm7, v4, v35  }
0x1e0: {  	s3 =	sand.u32 $0xFFC00, s3;
	v4 =	vsel vm8, v4, v5;
	v5 =	vbroadcast v16, $0xF  }
0x1e1: {  	s3 =	sadd.s32 s3, s4;
	v4 =	vsel vm9, v4, v36  }
0x1e2: {  	v37 =	vbroadcast v18, $0xF;
	s3 =	sshrl.u32 s3, $0x3;
	v4 =	vsel vm10, v4, v5;
	v5 =	vbroadcast v47, $0xF  }
0x1e3: {  	s3 =	sadd.s32 s1, s3  }
0x1e4: {  	v38 =	vbroadcast v59, $0xF;
	[tilespmem:s24], [sflag:$0x8] =	stream.strided.gather [hbm4b:s3+s15], $0x2000, s16, s15, $0x38;
	v4 =	vsel vm11, v4, v37;
	[tilespmem:$0x11A00] =	vst v63  }
0x1e5: {  	s3 =	rddreg [dreg:$0xe];
	v4 =	vsel vm12, v4, v5  }
0x1e6: {  	p0 =	seq.s32 s3, $0x1E00;
	v4 =	vsel vm13, v4, v38;
	v5, _, _ =	vpop (xrf2)  }
0x1e7: {  	s26 =	rddreg [dreg:$0x12];
	s3 =	sadd.s32 @!p0 s3, s8;
	v4 =	vsel vm14, v4, v5  }
0x1e8: {  	s4 =	simm.s32 @!p0 $0x0;
	s5 =	simm.s32 @!p0 $0xA00;
	s3 =	sadd.s32 @!p0 $0x200, s3;
	[tilespmem:s26+$0xFFFFFFF0] =	vst v4  }
0x1e9: {  	[tilespmem:s5], [sflag:$0x9] =	stream.linear.gather @!p0 [hbm4b:s3+s4], $0x800, $0x38;
	[tilespmem:$0x11A00] =	vst v63  }
0x1ea: {  	s5 =	rddreg [dreg:$0x11]  }
0x1eb: {  	s6 =	simm.s32 $0xA;
	[dreg:$0x12] =	wrdreg s26;
	v5 =	vld [tilespmem:s29+$0x0];
	s3 =	smin.u32 s5, $0x1E0  }
0x1ec: {  	v4 =	vld [tilespmem:s3+$0x610];
	_ =	swait.ge [sflag:s6], $0x800  }
0x1ed: {  	[sflag:s6] =	ssyncset.done $0x0  }
0x1ee: {  	[sflag:s6] =	ssyncadd.s32 $0xFFFFF800  }
0x1ef: {  	_ =	swait.ge [sflag:s7], $0x2000  }
0x1f0: {  	(v2sf) =	vpush v5, $0x0;
	_ =	sdelay $0x1  }
0x1f1: {  	(v2sf) =	vpush v5, $0x8;
	_ =	sdelay $0xc  }
0x1f2: {  	s9 =	spop (v2sf)  }
0x1f3: {  	[sflag:s7] =	ssyncset.done $0x0;
	s3 =	sand.u32 $0x7F, s9  }
0x1f4: {  	[sflag:s7] =	ssyncadd.s32 $0xFFFFE000;
	s11 =	spop (v2sf);
	v39 =	vor.u32 s3, v0  }
0x1f5: {  	v12 =	vld [tilespmem:$0x1200];
	v40 =	vor.u32 s3, v1;
	s10 =	sshra.s32 s11, $0xE  }
0x1f6: {  	v13 =	vld [tilespmem:$0x1210];
	v41 =	vor.u32 s3, v2;
	v42 =	vor.u32 s3, v3;
	s3 =	sand.u32 $0x1FFFF8, s10  }
0x1f7: {  	v11 =	vld [tilespmem:$0x1220];
	s13 =	sshll.u32 s11, $0x3;
	s3 =	smul.u32 $0xC3800, s3  }
0x1f8: {  	v10 =	vld [tilespmem:$0x1230];
	s4 =	sand.u32 $0xFFC00, s13  }
0x1f9: {  	s3 =	sadd.s32 s4, s3;
	v8 =	vld.idx.msk [tilespmem:v39+s17+$0x0], $0xffff  }
0x1fa: {  	v9 =	vld.idx.msk [tilespmem:v40+s17+$0x0], $0xffff;
	s3 =	sshrl.u32 s3, $0x3  }
0x1fb: {  	v7 =	vld.idx.msk [tilespmem:v41+s17+$0x0], $0xffff;
	s3 =	sadd.s32 s1, s3  }
0x1fc: {  	v6 =	vld.idx.msk [tilespmem:v42+s17+$0x0], $0xffff;
	[tilespmem:s17], [sflag:$0x1] =	stream.strided.gather [hbm4b:s3+s15], $0x2000, s16, s15, $0x38  }
0x1fd: {  	_ =	swait.ge [sflag:s30], $0x2000  }
0x1fe: {  	(v2sf) =	vpush v5, $0x1;
	_ =	sdelay $0x1  }
0x1ff: {  	(v2sf) =	vpush v5, $0x9;
	_ =	sdelay $0xc  }
0x200: {  	s25 =	spop (v2sf)  }
0x201: {  	[sflag:s30] =	ssyncset.done $0x0;
	s3 =	sand.u32 $0x7F, s25  }
0x202: {  	[sflag:s30] =	ssyncadd.s32 $0xFFFFE000;
	s5 =	spop (v2sf);
	v43 =	vor.u32 s3, v0  }
0x203: {  	v24 =	vld [tilespmem:$0x1280];
	v44 =	vor.u32 s3, v1;
	s26 =	sshra.s32 s5, $0xE  }
0x204: {  	v23 =	vld [tilespmem:$0x1290];
	v45 =	vor.u32 s3, v2;
	v46 =	vor.u32 s3, v3;
	s3 =	sand.u32 $0x1FFFF8, s26  }
0x205: {  	v20 =	vld [tilespmem:$0x12A0];
	s29 =	sshll.u32 s5, $0x3;
	s3 =	smul.u32 $0xC3800, s3  }
0x206: {  	v18 =	vld [tilespmem:$0x12B0];
	s4 =	sand.u32 $0xFFC00, s29  }
0x207: {  	s3 =	sadd.s32 s4, s3;
	v19 =	vld.idx.msk [tilespmem:v43+s18+$0x0], $0xffff  }
0x208: {  	v17 =	vld.idx.msk [tilespmem:v44+s18+$0x0], $0xffff;
	s3 =	sshrl.u32 s3, $0x3  }
0x209: {  	v15 =	vld.idx.msk [tilespmem:v45+s18+$0x0], $0xffff;
	s3 =	sadd.s32 s1, s3  }
0x20a: {  	v14 =	vld.idx.msk [tilespmem:v46+s18+$0x0], $0xffff;
	[tilespmem:s18], [sflag:$0x2] =	stream.strided.gather [hbm4b:s3+s15], $0x2000, s16, s15, $0x38  }
0x20b: {  	_ =	swait.ge [sflag:s31], $0x2000  }
0x20c: {  	(v2sf) =	vpush v5, $0x2;
	_ =	sdelay $0x1  }
0x20d: {  	(v2sf) =	vpush v5, $0xA;
	_ =	sdelay $0xc  }
0x20e: {  	s4 =	spop (v2sf)  }
0x20f: {  	[sflag:s31] =	ssyncset.done $0x0;
	s3 =	sand.u32 $0x7F, s4  }
0x210: {  	[sflag:s31] =	ssyncadd.s32 $0xFFFFE000;
	s26 =	spop (v2sf);
	v47 =	vor.u32 s3, v0  }
0x211: {  	v30 =	vld [tilespmem:$0x1300];
	v48 =	vor.u32 s3, v1;
	s6 =	sshra.s32 s26, $0xE  }
0x212: {  	v29 =	vld [tilespmem:$0x1310];
	v49 =	vor.u32 s3, v2;
	v50 =	vor.u32 s3, v3;
	s3 =	sand.u32 $0x1FFFF8, s6  }
0x213: {  	v26 =	vld [tilespmem:$0x1320];
	s9 =	sshll.u32 s26, $0x3;
	s3 =	smul.u32 $0xC3800, s3  }
0x214: {  	v22 =	vld [tilespmem:$0x1330];
	s4 =	sand.u32 $0xFFC00, s9  }
0x215: {  	s3 =	sadd.s32 s4, s3;
	v27 =	vld.idx.msk [tilespmem:v47+s19+$0x0], $0xffff  }
0x216: {  	v25 =	vld.idx.msk [tilespmem:v48+s19+$0x0], $0xffff;
	s3 =	sshrl.u32 s3, $0x3  }
0x217: {  	v21 =	vld.idx.msk [tilespmem:v49+s19+$0x0], $0xffff;
	s3 =	sadd.s32 s1, s3  }
0x218: {  	v16 =	vld.idx.msk [tilespmem:v50+s19+$0x0], $0xffff;
	[tilespmem:s19], [sflag:$0x3] =	stream.strided.gather [hbm4b:s3+s15], $0x2000, s16, s15, $0x38  }
0x219: {  	_ =	swait.ge [sflag:s0], $0x2000  }
0x21a: {  	(v2sf) =	vpush v5, $0x3;
	_ =	sdelay $0x2  }
0x21b: {  	(v2sf) =	vpush v5, $0xB;
	_ =	sdelay $0xb  }
0x21c: {  	s10 =	spop (v2sf)  }
0x21d: {  	s3 =	sand.u32 $0x7F, s10  }
0x21e: {  	[sflag:s0] =	ssyncset.done $0x0;
	v51 =	vor.u32 s3, v0  }
0x21f: {  	[sflag:s0] =	ssyncadd.s32 $0xFFFFE000;
	v52 =	vor.u32 s3, v1;
	v53 =	vor.u32 s3, v2;
	v54 =	vor.u32 s3, v3;
	s3 =	spop (v2sf)  }
0x220: {  	v37 =	vld [tilespmem:$0x1380];
	s13 =	sshra.s32 s3, $0xE  }
0x221: {  	v38 =	vld [tilespmem:$0x1390];
	s4 =	sand.u32 $0x1FFFF8, s13  }
0x222: {  	v35 =	vld [tilespmem:$0x13A0];
	s25 =	sshll.u32 s3, $0x3;
	s4 =	smul.u32 $0xC3800, s4  }
0x223: {  	v32 =	vld [tilespmem:$0x13B0];
	s6 =	sand.u32 $0xFFC00, s25  }
0x224: {  	v36 =	vld.idx.msk [tilespmem:v51+s20+$0x0], $0xffff;
	s4 =	sadd.s32 s6, s4  }
0x225: {  	v34 =	vld.idx.msk [tilespmem:v52+s20+$0x0], $0xffff;
	s4 =	sshrl.u32 s4, $0x3  }
0x226: {  	v31 =	vld.idx.msk [tilespmem:v53+s20+$0x0], $0xffff;
	s4 =	sadd.s32 s1, s4  }
0x227: {  	v28 =	vld.idx.msk [tilespmem:v54+s20+$0x0], $0xffff;
	[tilespmem:s20], [sflag:$0x4] =	stream.strided.gather [hbm4b:s4+s15], $0x2000, s16, s15, $0x38  }
0x228: {  	_ =	swait.ge [sflag:s2], $0x2000  }
0x229: {  	(v2sf) =	vpush v5, $0x4;
	_ =	sdelay $0x1  }
0x22a: {  	(v2sf) =	vpush v5, $0xC;
	_ =	sdelay $0xc  }
0x22b: {  	s29 =	spop (v2sf)  }
0x22c: {  	[sflag:s2] =	ssyncset.done $0x0;
	s4 =	sand.u32 $0x7F, s29  }
0x22d: {  	[sflag:s2] =	ssyncadd.s32 $0xFFFFE000;
	s25 =	spop (v2sf);
	v55 =	vor.u32 s4, v0  }
0x22e: {  	v41 =	vld [tilespmem:$0x1400];
	v56 =	vor.u32 s4, v1;
	s6 =	sshra.s32 s25, $0xE  }
0x22f: {  	v43 =	vld [tilespmem:$0x1410];
	v57 =	vor.u32 s4, v2;
	v58 =	vor.u32 s4, v3;
	s4 =	sand.u32 $0x1FFFF8, s6  }
0x230: {  	v44 =	vld [tilespmem:$0x1420];
	s9 =	sshll.u32 s25, $0x3;
	s4 =	smul.u32 $0xC3800, s4  }
0x231: {  	v45 =	vld [tilespmem:$0x1430];
	s6 =	sand.u32 $0xFFC00, s9  }
0x232: {  	s4 =	sadd.s32 s6, s4;
	v42 =	vld.idx.msk [tilespmem:v55+s21+$0x0], $0xffff  }
0x233: {  	v39 =	vld.idx.msk [tilespmem:v56+s21+$0x0], $0xffff;
	s4 =	sshrl.u32 s4, $0x3  }
0x234: {  	v40 =	vld.idx.msk [tilespmem:v57+s21+$0x0], $0xffff;
	s4 =	sadd.s32 s1, s4  }
0x235: {  	v33 =	vld.idx.msk [tilespmem:v58+s21+$0x0], $0xffff;
	[tilespmem:s21], [sflag:$0x5] =	stream.strided.gather [hbm4b:s4+s15], $0x2000, s16, s15, $0x38  }
0x236: {  	_ =	swait.ge [sflag:s12], $0x2000  }
0x237: {  	(v2sf) =	vpush v5, $0x5;
	_ =	sdelay $0x1  }
0x238: {  	(v2sf) =	vpush v5, $0xD;
	_ =	sdelay $0xc  }
0x239: {  	s10 =	spop (v2sf)  }
0x23a: {  	[sflag:s12] =	ssyncset.done $0x0;
	s4 =	sand.u32 $0x7F, s10  }
0x23b: {  	[sflag:s12] =	ssyncadd.s32 $0xFFFFE000;
	s6 =	spop (v2sf);
	v59 =	vor.u32 s4, v0  }
0x23c: {  	v50 =	vld [tilespmem:$0x1480];
	v60 =	vor.u32 s4, v1;
	s13 =	sshra.s32 s6, $0xE  }
0x23d: {  	v51 =	vld [tilespmem:$0x1490];
	v61 =	vor.u32 s4, v2;
	v62 =	vor.u32 s4, v3;
	s4 =	sand.u32 $0x1FFFF8, s13  }
0x23e: {  	v52 =	vld [tilespmem:$0x14A0];
	s29 =	sshll.u32 s6, $0x3;
	s4 =	smul.u32 $0xC3800, s4  }
0x23f: {  	v53 =	vld [tilespmem:$0x14B0];
	s9 =	sand.u32 $0xFFC00, s29  }
0x240: {  	s4 =	sadd.s32 s9, s4;
	v46 =	vld.idx.msk [tilespmem:v59+s22+$0x0], $0xffff  }
0x241: {  	v47 =	vld.idx.msk [tilespmem:v60+s22+$0x0], $0xffff;
	s4 =	sshrl.u32 s4, $0x3  }
0x242: {  	v48 =	vld.idx.msk [tilespmem:v61+s22+$0x0], $0xffff;
	s4 =	sadd.s32 s1, s4  }
0x243: {  	v49 =	vld.idx.msk [tilespmem:v62+s22+$0x0], $0xffff;
	[tilespmem:s22], [sflag:$0x6] =	stream.strided.gather [hbm4b:s4+s15], $0x2000, s16, s15, $0x38  }
0x244: {  	_ =	swait.ge [sflag:s14], $0x2000  }
0x245: {  	(v2sf) =	vpush v5, $0x6;
	_ =	sdelay $0x3  }
0x246: {  	(v2sf) =	vpush v5, $0xE;
	_ =	sdelay $0xa  }
0x247: {  	s9 =	spop (v2sf)  }
0x248: {  	s4 =	sand.u32 $0x7F, s9  }
0x249: {  	v63 =	vor.u32 s4, v0  }
0x24a: {  	[sflag:s14] =	ssyncset.done $0x0;
	v60 =	vor.u32 s4, v1  }
0x24b: {  	[sflag:s14] =	ssyncadd.s32 $0xFFFFE000;
	s13 =	spop (v2sf);
	v61 =	vor.u32 s4, v2  }
0x24c: {  	v58 =	vld [tilespmem:$0x1500];
	v62 =	vor.u32 s4, v3;
	s10 =	sshra.s32 s13, $0xE  }
0x24d: {  	v59 =	vld [tilespmem:$0x1510];
	s4 =	sand.u32 $0x1FFFF8, s10  }
0x24e: {  	s29 =	sshll.u32 s13, $0x3;
	s4 =	smul.u32 $0xC3800, s4;
	v54 =	vld.idx.msk [tilespmem:v63+s23+$0x0], $0xffff  }
0x24f: {  	s9 =	sand.u32 $0xFFC00, s29;
	v55 =	vld.idx.msk [tilespmem:v60+s23+$0x0], $0xffff  }
0x250: {  	s4 =	sadd.s32 s9, s4;
	v56 =	vld.idx.msk [tilespmem:v61+s23+$0x0], $0xffff  }
0x251: {  	v57 =	vld.idx.msk [tilespmem:v62+s23+$0x0], $0xffff;
	s4 =	sshrl.u32 s4, $0x3  }
0x252: {  	v60 =	vld [tilespmem:$0x1520];
	s4 =	sadd.s32 s1, s4  }
0x253: {  	v61 =	vld [tilespmem:$0x1530];
	[tilespmem:s23], [sflag:$0x7] =	stream.strided.gather [hbm4b:s4+s15], $0x2000, s16, s15, $0x38  }
0x254: {  	_ =	swait.ge [sflag:s28], $0x2000  }
0x255: {  	(v2sf) =	vpush v5, $0x7;
	_ =	sdelay $0x9  }
0x256: {  	v8 =	vmul.f32 v12, v8  }
0x257: {  	v9 =	vmul.f32 v13, v9;
	v7 =	vmul.f32 v11, v7  }
0x258: {  	v6 =	vmul.f32 v10, v6;
	v13 =	vmul.f32 v23, v17  }
0x259: {  	v63 =	vmul.f32 v24, v19;
	v19 =	vmul.f32 v20, v15  }
0x25a: {  	v8 =	vadd.f32 $0.0e+00, v8;
	v20 =	vmul.f32 v30, v27;
	v24 =	vmul.f32 v18, v14  }
0x25b: {  	v27 =	vmul.f32 v37, v36;
	v30 =	vmul.f32 v29, v25;
	v17 =	vadd.f32 $0.0e+00, v63;
	s9 =	spop (v2sf)  }
0x25c: {  	v8 =	vadd.f32 v9, v8;
	v37 =	vmul.f32 v38, v34;
	v38 =	vmul.f32 v41, v42;
	s4 =	sand.u32 $0x7F, s9  }
0x25d: {  	(v2sf) =	vpush v5, $0xF;
	v5 =	vadd.f32 v13, v17;
	v23 =	vor.u32 s4, v0  }
0x25e: {  	v7 =	vadd.f32 v7, v8;
	v42 =	vmul.f32 v26, v21;
	v62 =	vmul.f32 v35, v31  }
0x25f: {  	v25 =	vmul.f32 v22, v16;
	[sflag:s28] =	ssyncset.done $0x0;
	v5 =	vadd.f32 v19, v5;
	v36 =	vor.u32 s4, v1  }
0x260: {  	v6 =	vadd.f32 v6, v7;
	v26 =	vmul.f32 v50, v46;
	v29 =	vmul.f32 v44, v40;
	[sflag:s28] =	ssyncadd.s32 $0xFFFFE000  }
0x261: {  	v7 =	vadd.f32 $0.0e+00, v20;
	v41 =	vor.u32 s4, v2;
	v5 =	vadd.f32 v24, v5;
	v24 =	vld [tilespmem:$0x1580]  }
0x262: {  	v34 =	vmul.f32 v52, v48;
	v10 =	vadd.f32 $0.0e+00, v27;
	v63 =	vor.u32 s4, v3;
	v9 =	vld.idx.msk [tilespmem:v23+s24+$0x0], $0xffff  }
0x263: {  	v11 =	vadd.f32 $0.0e+00, v38;
	v27 =	vmul.f32 v32, v28;
	v7 =	vadd.f32 v30, v7;
	v28 =	vld [tilespmem:$0x1590]  }
0x264: {  	v16 =	vadd.f32 $0.0e+00, v26;
	v8 =	vadd.f32 v37, v10;
	v30 =	vmul.f32 v51, v47;
	v12 =	vld.idx.msk [tilespmem:v36+s24+$0x0], $0xffff  }
0x265: {  	v37 =	vmul.f32 v45, v33;
	v31 =	vmul.f32 v58, v54;
	v7 =	vadd.f32 v42, v7;
	v32 =	vld [tilespmem:$0x15A0]  }
0x266: {  	v8 =	vadd.f32 v62, v8;
	v16 =	vadd.f32 v30, v16;
	v23 =	vmul.f32 v43, v39;
	v13 =	vld.idx.msk [tilespmem:v41+s24+$0x0], $0xffff  }
0x267: {  	v10 =	vadd.f32 $0.0e+00, v31;
	v7 =	vadd.f32 v25, v7;
	v15 =	vld.idx.msk [tilespmem:v63+s24+$0x0], $0xffff;
	v9 =	vmul.f32 v24, v9  }
0x268: {  	v35 =	vmul.f32 v59, v55;
	v8 =	vadd.f32 v27, v8;
	v36 =	vld [tilespmem:$0x15B0];
	v11 =	vadd.f32 v23, v11  }
0x269: {  	v38 =	vadd.f32 v34, v16;
	v12 =	vmul.f32 v28, v12;
	v9 =	vadd.f32 $0.0e+00, v9  }
0x26a: {  	(xrf2) =	vadd.scan.msk.f32 $0xffff, v6;
	v10 =	vadd.f32 v35, v10;
	v39 =	vmul.f32 v60, v56;
	v11 =	vadd.f32 v29, v11  }
0x26b: {  	(xrf2) =	vadd.scan.msk.f32 $0xffff, v5;
	v5 =	vmul.f32 v53, v49;
	v40 =	vmul.f32 v32, v13;
	v9 =	vadd.f32 v12, v9  }
0x26c: {  	v42 =	vmul.f32 v61, v57;
	(xrf2) =	vadd.scan.msk.f32 $0xffff, v7;
	v10 =	vadd.f32 v39, v10;
	v41 =	vadd.f32 v37, v11  }
0x26d: {  	(xrf2) =	vadd.scan.msk.f32 $0xffff, v8;
	v5 =	vadd.f32 v5, v38;
	v44 =	vmul.f32 v36, v15;
	v43 =	vadd.f32 v40, v9  }
0x26e: {  	v45 =	vadd.f32 v42, v10;
	(xrf2) =	vadd.scan.msk.f32 $0xffff, v41  }
0x26f: {  	(xrf2) =	vadd.scan.msk.f32 $0xffff, v5;
	v5 =	vadd.f32 v44, v43  }
0x270: {  	(xrf2) =	vadd.scan.msk.f32 $0xffff, v45  }
0x271: {  	(xrf2) =	vadd.scan.msk.f32 $0xffff, v5;
	_ =	sdelay $0x1  }
0x272: {  	s9 =	spop (v2sf)  }
0x273: {  	s10 =	sshra.s32 s9, $0xE;
	v5, _, _ =	vpop (xrf2)  }
0x274: {  	s4 =	sand.u32 $0x1FFFF8, s10;
	v10, _, _ =	vpop (xrf2)  }
0x275: {  	s29 =	sshll.u32 s9, $0x3;
	s4 =	smul.u32 $0xC3800, s4;
	v6, _, _ =	vpop (xrf2)  }
0x276: {  	s10 =	sand.u32 $0xFFC00, s29;
	v11, _, _ =	vpop (xrf2)  }
0x277: {  	s4 =	sadd.s32 s10, s4;
	v7, _, _ =	vpop (xrf2)  }
0x278: {  	s29 =	sand.u32 $0x7F, s11;
	s4 =	sshrl.u32 s4, $0x3;
	v8, _, _ =	vpop (xrf2)  }
0x279: {  	v46 =	vor.u32 s29, v0;
	s4 =	sadd.s32 s1, s4;
	v9, _, _ =	vpop (xrf2)  }
0x27a: {  	[tilespmem:s24], [sflag:$0x8] =	stream.strided.gather [hbm4b:s4+s15], $0x2000, s16, s15, $0x38;
	v12, _, _ =	vpop (xrf2);
	[tilespmem:$0x11A00] =	vst v63  }
0x27b: {  	v47 =	vor.u32 s29, v1;
	_ =	swait.ge [sflag:s7], $0x2000  }
0x27c: {  	[sflag:s7] =	ssyncset.done $0x0  }
0x27d: {  	v48 =	vor.u32 s29, v2;
	[sflag:s7] =	ssyncadd.s32 $0xFFFFE000  }
0x27e: {  	v13 =	vld.idx.msk [tilespmem:v46+s17+$0x0], $0xffff  }
0x27f: {  	v50 =	vor.u32 s29, v3;
	s11 =	rddreg [dreg:$0x10];
	v49 =	vld [tilespmem:$0x1600]  }
0x280: {  	p1 =	sgt.u32 s11, $0x1E;
	v14 =	vld.idx.msk [tilespmem:v47+s17+$0x0], $0xffff  }
0x281: {  	(v2sf) =	vpush @!p1 v4, $0x0;
	v51 =	vld [tilespmem:$0x1610]  }
0x282: {  	v15 =	vld.idx.msk [tilespmem:v48+s17+$0x0], $0xffff  }
0x283: {  	v52 =	vld [tilespmem:$0x1620]  }
0x284: {  	v53 =	vld.idx.msk [tilespmem:v50+s17+$0x0], $0xffff;
	v13 =	vmul.f32 v49, v13  }
0x285: {  	v54 =	vld [tilespmem:$0x1630]  }
0x286: {  	v14 =	vmul.f32 v51, v14;
	v13 =	vadd.f32 $0.0e+00, v13;
	_ =	sdelay $0x1  }
0x287: {  	v55 =	vmul.f32 v52, v15;
	v13 =	vadd.f32 v14, v13;
	_ =	sdelay $0x1  }
0x288: {  	v56 =	vmul.f32 v54, v53;
	v13 =	vadd.f32 v55, v13;
	_ =	sdelay $0x1  }
0x289: {  	v13 =	vadd.f32 v56, v13;
	_ =	sdelay $0x1  }
0x28a: {  	(xrf2) =	vadd.scan.msk.f32 $0xffff, v13;
	_ =	sdelay $0x1  }
0x28b: {  	s4 =	spop @!p1 (v2sf)  }
0x28c: {  	s10 =	sshra.s32 @!p1 s4, $0xE  }
0x28d: {  	s10 =	sand.u32 @!p1 $0x1FFFF8, s10  }
0x28e: {  	s4 =	sshll.u32 @!p1 s4, $0x3;
	s10 =	smul.u32 @!p1 $0xC3800, s10  }
0x28f: {  	s4 =	sand.u32 @!p1 $0xFFC00, s4  }
0x290: {  	s4 =	sadd.s32 @!p1 s4, s10  }
0x291: {  	s29 =	sand.u32 $0x7F, s5;
	s5 =	simm.s32 @!p1 $0x400;
	s4 =	sshrl.u32 @!p1 s4, $0x3  }
0x292: {  	v57 =	vor.u32 s29, v0;
	s11 =	simm.s32 @!p1 $0xC3800;
	s7 =	simm.s32 @!p1 $0x1A00;
	s4 =	sadd.s32 @!p1 s1, s4  }
0x293: {  	[tilespmem:s7], [sflag:$0x1] =	stream.strided.gather @!p1 [hbm4b:s4+s5], $0x2000, s11, s5, $0x38;
	v13, _, _ =	vpop (xrf2);
	[tilespmem:$0x11A00] =	vst v63  }
0x294: {  	v58 =	vor.u32 s29, v1;
	_ =	swait.ge [sflag:s30], $0x2000  }
0x295: {  	[sflag:s30] =	ssyncset.done $0x0  }
0x296: {  	v59 =	vor.u32 s29, v2;
	[sflag:s30] =	ssyncadd.s32 $0xFFFFE000  }
0x297: {  	v14 =	vld.idx.msk [tilespmem:v57+s18+$0x0], $0xffff  }
0x298: {  	v61 =	vor.u32 s29, v3;
	v60 =	vld [tilespmem:$0x1680]  }
0x299: {  	v15 =	vld.idx.msk [tilespmem:v58+s18+$0x0], $0xffff  }
0x29a: {  	(v2sf) =	vpush @!p1 v4, $0x1;
	v62 =	vld [tilespmem:$0x1690]  }
0x29b: {  	v16 =	vld.idx.msk [tilespmem:v59+s18+$0x0], $0xffff  }
0x29c: {  	v63 =	vld [tilespmem:$0x16A0]  }
0x29d: {  	v22 =	vld.idx.msk [tilespmem:v61+s18+$0x0], $0xffff;
	v14 =	vmul.f32 v60, v14  }
0x29e: {  	v23 =	vld [tilespmem:$0x16B0]  }
0x29f: {  	v15 =	vmul.f32 v62, v15;
	v14 =	vadd.f32 $0.0e+00, v14;
	_ =	sdelay $0x1  }
0x2a0: {  	v24 =	vmul.f32 v63, v16;
	v14 =	vadd.f32 v15, v14;
	_ =	sdelay $0x1  }
0x2a1: {  	v25 =	vmul.f32 v23, v22;
	v14 =	vadd.f32 v24, v14;
	_ =	sdelay $0x1  }
0x2a2: {  	v14 =	vadd.f32 v25, v14;
	_ =	sdelay $0x1  }
0x2a3: {  	(xrf2) =	vadd.scan.msk.f32 $0xffff, v14;
	_ =	sdelay $0x1  }
0x2a4: {  	s4 =	spop @!p1 (v2sf)  }
0x2a5: {  	s7 =	sshra.s32 @!p1 s4, $0xE  }
0x2a6: {  	s7 =	sand.u32 @!p1 $0x1FFFF8, s7  }
0x2a7: {  	s4 =	sshll.u32 @!p1 s4, $0x3;
	s7 =	smul.u32 @!p1 $0xC3800, s7  }
0x2a8: {  	s4 =	sand.u32 @!p1 $0xFFC00, s4  }
0x2a9: {  	s4 =	sadd.s32 @!p1 s4, s7  }
0x2aa: {  	s29 =	sand.u32 $0x7F, s26;
	s4 =	sshrl.u32 @!p1 s4, $0x3  }
0x2ab: {  	v26 =	vor.u32 s29, v0;
	s10 =	simm.s32 @!p1 $0x3A00;
	s4 =	sadd.s32 @!p1 s1, s4  }
0x2ac: {  	[tilespmem:s10], [sflag:$0x2] =	stream.strided.gather @!p1 [hbm4b:s4+s5], $0x2000, s11, s5, $0x38;
	v14, _, _ =	vpop (xrf2);
	[tilespmem:$0x11A00] =	vst v63  }
0x2ad: {  	v27 =	vor.u32 s29, v1;
	_ =	swait.ge [sflag:s31], $0x2000  }
0x2ae: {  	[sflag:s31] =	ssyncset.done $0x0  }
0x2af: {  	v28 =	vor.u32 s29, v2;
	[sflag:s31] =	ssyncadd.s32 $0xFFFFE000  }
0x2b0: {  	v15 =	vld.idx.msk [tilespmem:v26+s19+$0x0], $0xffff  }
0x2b1: {  	v30 =	vor.u32 s29, v3;
	v29 =	vld [tilespmem:$0x1700]  }
0x2b2: {  	v16 =	vld.idx.msk [tilespmem:v27+s19+$0x0], $0xffff  }
0x2b3: {  	(v2sf) =	vpush @!p1 v4, $0x2;
	v31 =	vld [tilespmem:$0x1710]  }
0x2b4: {  	v17 =	vld.idx.msk [tilespmem:v28+s19+$0x0], $0xffff  }
0x2b5: {  	v32 =	vld [tilespmem:$0x1720]  }
0x2b6: {  	v33 =	vld.idx.msk [tilespmem:v30+s19+$0x0], $0xffff;
	v15 =	vmul.f32 v29, v15  }
0x2b7: {  	v34 =	vld [tilespmem:$0x1730]  }
0x2b8: {  	v16 =	vmul.f32 v31, v16;
	v15 =	vadd.f32 $0.0e+00, v15;
	_ =	sdelay $0x1  }
0x2b9: {  	v35 =	vmul.f32 v32, v17;
	v15 =	vadd.f32 v16, v15;
	_ =	sdelay $0x1  }
0x2ba: {  	v36 =	vmul.f32 v34, v33;
	v15 =	vadd.f32 v35, v15;
	_ =	sdelay $0x1  }
0x2bb: {  	v15 =	vadd.f32 v36, v15;
	_ =	sdelay $0x1  }
0x2bc: {  	(xrf2) =	vadd.scan.msk.f32 $0xffff, v15;
	_ =	sdelay $0x1  }
0x2bd: {  	s4 =	spop @!p1 (v2sf)  }
0x2be: {  	s7 =	sshra.s32 @!p1 s4, $0xE  }
0x2bf: {  	s7 =	sand.u32 @!p1 $0x1FFFF8, s7  }
0x2c0: {  	s4 =	sshll.u32 @!p1 s4, $0x3;
	s7 =	smul.u32 @!p1 $0xC3800, s7  }
0x2c1: {  	s4 =	sand.u32 @!p1 $0xFFC00, s4  }
0x2c2: {  	s4 =	sadd.s32 @!p1 s4, s7  }
0x2c3: {  	s3 =	sand.u32 $0x7F, s3;
	s4 =	sshrl.u32 @!p1 s4, $0x3  }
0x2c4: {  	v37 =	vor.u32 s3, v0;
	s7 =	simm.s32 @!p1 $0x5A00;
	s4 =	sadd.s32 @!p1 s1, s4  }
0x2c5: {  	[tilespmem:s7], [sflag:$0x3] =	stream.strided.gather @!p1 [hbm4b:s4+s5], $0x2000, s11, s5, $0x38;
	v15, _, _ =	vpop (xrf2);
	[tilespmem:$0x11A00] =	vst v63  }
0x2c6: {  	v38 =	vor.u32 s3, v1;
	_ =	swait.ge [sflag:s0], $0x2000  }
0x2c7: {  	[sflag:s0] =	ssyncset.done $0x0  }
0x2c8: {  	v39 =	vor.u32 s3, v2;
	[sflag:s0] =	ssyncadd.s32 $0xFFFFE000  }
0x2c9: {  	v16 =	vld.idx.msk [tilespmem:v37+s20+$0x0], $0xffff  }
0x2ca: {  	v41 =	vor.u32 s3, v3;
	v40 =	vld [tilespmem:$0x1780]  }
0x2cb: {  	v17 =	vld.idx.msk [tilespmem:v38+s20+$0x0], $0xffff  }
0x2cc: {  	(v2sf) =	vpush @!p1 v4, $0x3;
	v42 =	vld [tilespmem:$0x1790]  }
0x2cd: {  	v18 =	vld.idx.msk [tilespmem:v39+s20+$0x0], $0xffff  }
0x2ce: {  	v43 =	vld [tilespmem:$0x17A0]  }
0x2cf: {  	v44 =	vld.idx.msk [tilespmem:v41+s20+$0x0], $0xffff;
	v16 =	vmul.f32 v40, v16  }
0x2d0: {  	v45 =	vld [tilespmem:$0x17B0]  }
0x2d1: {  	v17 =	vmul.f32 v42, v17;
	v16 =	vadd.f32 $0.0e+00, v16;
	_ =	sdelay $0x1  }
0x2d2: {  	v46 =	vmul.f32 v43, v18;
	v16 =	vadd.f32 v17, v16;
	_ =	sdelay $0x1  }
0x2d3: {  	v47 =	vmul.f32 v45, v44;
	v16 =	vadd.f32 v46, v16;
	_ =	sdelay $0x1  }
0x2d4: {  	v16 =	vadd.f32 v47, v16;
	_ =	sdelay $0x1  }
0x2d5: {  	(xrf2) =	vadd.scan.msk.f32 $0xffff, v16;
	_ =	sdelay $0x1  }
0x2d6: {  	s3 =	spop @!p1 (v2sf)  }
0x2d7: {  	s4 =	sshra.s32 @!p1 s3, $0xE  }
0x2d8: {  	s4 =	sand.u32 @!p1 $0x1FFFF8, s4  }
0x2d9: {  	s3 =	sshll.u32 @!p1 s3, $0x3;
	s4 =	smul.u32 @!p1 $0xC3800, s4  }
0x2da: {  	s3 =	sand.u32 @!p1 $0xFFC00, s3  }
0x2db: {  	s3 =	sadd.s32 @!p1 s3, s4  }
0x2dc: {  	s0 =	sand.u32 $0x7F, s25;
	s3 =	sshrl.u32 @!p1 s3, $0x3  }
0x2dd: {  	s7 =	simm.s32 @!p1 $0x7A00;
	v48 =	vor.u32 s0, v0;
	s3 =	sadd.s32 @!p1 s1, s3  }
0x2de: {  	[tilespmem:s7], [sflag:$0x4] =	stream.strided.gather @!p1 [hbm4b:s3+s5], $0x2000, s11, s5, $0x38;
	v16, _, _ =	vpop (xrf2);
	[tilespmem:$0x11A00] =	vst v63  }
0x2df: {  	v49 =	vor.u32 s0, v1;
	_ =	swait.ge [sflag:s2], $0x2000  }
0x2e0: {  	[sflag:s2] =	ssyncset.done $0x0  }
0x2e1: {  	v50 =	vor.u32 s0, v2;
	[sflag:s2] =	ssyncadd.s32 $0xFFFFE000  }
0x2e2: {  	v17 =	vld.idx.msk [tilespmem:v48+s21+$0x0], $0xffff  }
0x2e3: {  	v52 =	vor.u32 s0, v3;
	v51 =	vld [tilespmem:$0x1800]  }
0x2e4: {  	v18 =	vld.idx.msk [tilespmem:v49+s21+$0x0], $0xffff  }
0x2e5: {  	(v2sf) =	vpush @!p1 v4, $0x4;
	v53 =	vld [tilespmem:$0x1810]  }
0x2e6: {  	v19 =	vld.idx.msk [tilespmem:v50+s21+$0x0], $0xffff  }
0x2e7: {  	v54 =	vld [tilespmem:$0x1820]  }
0x2e8: {  	v55 =	vld.idx.msk [tilespmem:v52+s21+$0x0], $0xffff;
	v17 =	vmul.f32 v51, v17  }
0x2e9: {  	v56 =	vld [tilespmem:$0x1830]  }
0x2ea: {  	v18 =	vmul.f32 v53, v18;
	v17 =	vadd.f32 $0.0e+00, v17;
	_ =	sdelay $0x1  }
0x2eb: {  	v57 =	vmul.f32 v54, v19;
	v17 =	vadd.f32 v18, v17;
	_ =	sdelay $0x1  }
0x2ec: {  	v58 =	vmul.f32 v56, v55;
	v17 =	vadd.f32 v57, v17;
	_ =	sdelay $0x1  }
0x2ed: {  	v17 =	vadd.f32 v58, v17;
	_ =	sdelay $0x1  }
0x2ee: {  	(xrf2) =	vadd.scan.msk.f32 $0xffff, v17;
	_ =	sdelay $0x1  }
0x2ef: {  	s3 =	spop @!p1 (v2sf)  }
0x2f0: {  	s4 =	sshra.s32 @!p1 s3, $0xE  }
0x2f1: {  	s4 =	sand.u32 @!p1 $0x1FFFF8, s4  }
0x2f2: {  	s3 =	sshll.u32 @!p1 s3, $0x3;
	s4 =	smul.u32 @!p1 $0xC3800, s4  }
0x2f3: {  	s3 =	sand.u32 @!p1 $0xFFC00, s3  }
0x2f4: {  	s3 =	sadd.s32 @!p1 s3, s4  }
0x2f5: {  	s10 =	sand.u32 $0x7F, s6;
	s3 =	sshrl.u32 @!p1 s3, $0x3  }
0x2f6: {  	s6 =	simm.s32 @!p1 $0x9A00;
	v59 =	vor.u32 s10, v0;
	s3 =	sadd.s32 @!p1 s1, s3  }
0x2f7: {  	[tilespmem:s6], [sflag:$0x5] =	stream.strided.gather @!p1 [hbm4b:s3+s5], $0x2000, s11, s5, $0x38;
	v18, _, _ =	vpop (xrf2);
	[tilespmem:$0x11A00] =	vst v63  }
0x2f8: {  	v60 =	vor.u32 s10, v1;
	_ =	swait.ge [sflag:s12], $0x2000  }
0x2f9: {  	[sflag:s12] =	ssyncset.done $0x0  }
0x2fa: {  	v61 =	vor.u32 s10, v2;
	[sflag:s12] =	ssyncadd.s32 $0xFFFFE000  }
0x2fb: {  	v17 =	vld.idx.msk [tilespmem:v59+s22+$0x0], $0xffff  }
0x2fc: {  	v63 =	vor.u32 s10, v3;
	v62 =	vld [tilespmem:$0x1880]  }
0x2fd: {  	v19 =	vld.idx.msk [tilespmem:v60+s22+$0x0], $0xffff  }
0x2fe: {  	(v2sf) =	vpush @!p1 v4, $0x5;
	v28 =	vld [tilespmem:$0x1890]  }
0x2ff: {  	v20 =	vld.idx.msk [tilespmem:v61+s22+$0x0], $0xffff  }
0x300: {  	v29 =	vld [tilespmem:$0x18A0]  }
0x301: {  	v30 =	vld.idx.msk [tilespmem:v63+s22+$0x0], $0xffff;
	v17 =	vmul.f32 v62, v17  }
0x302: {  	v31 =	vld [tilespmem:$0x18B0]  }
0x303: {  	v19 =	vmul.f32 v28, v19;
	v17 =	vadd.f32 $0.0e+00, v17;
	_ =	sdelay $0x1  }
0x304: {  	v32 =	vmul.f32 v29, v20;
	v17 =	vadd.f32 v19, v17;
	_ =	sdelay $0x1  }
0x305: {  	v33 =	vmul.f32 v31, v30;
	v17 =	vadd.f32 v32, v17;
	_ =	sdelay $0x1  }
0x306: {  	v17 =	vadd.f32 v33, v17;
	_ =	sdelay $0x1  }
0x307: {  	(xrf2) =	vadd.scan.msk.f32 $0xffff, v17;
	_ =	sdelay $0x1  }
0x308: {  	s3 =	spop @!p1 (v2sf)  }
0x309: {  	s4 =	sshra.s32 @!p1 s3, $0xE  }
0x30a: {  	s4 =	sand.u32 @!p1 $0x1FFFF8, s4  }
0x30b: {  	s3 =	sshll.u32 @!p1 s3, $0x3;
	s4 =	smul.u32 @!p1 $0xC3800, s4  }
0x30c: {  	s3 =	sand.u32 @!p1 $0xFFC00, s3  }
0x30d: {  	s3 =	sadd.s32 @!p1 s3, s4  }
0x30e: {  	s25 =	sand.u32 $0x7F, s13;
	s3 =	sshrl.u32 @!p1 s3, $0x3  }
0x30f: {  	v34 =	vor.u32 s25, v0;
	s6 =	simm.s32 @!p1 $0xBA00;
	s3 =	sadd.s32 @!p1 s1, s3  }
0x310: {  	[tilespmem:s6], [sflag:$0x6] =	stream.strided.gather @!p1 [hbm4b:s3+s5], $0x2000, s11, s5, $0x38;
	v35, _, _ =	vpop (xrf2);
	[tilespmem:$0x11A00] =	vst v63  }
0x311: {  	v36 =	vor.u32 s25, v1;
	_ =	swait.ge [sflag:s14], $0x2000  }
0x312: {  	[sflag:s14] =	ssyncset.done $0x0  }
0x313: {  	v37 =	vor.u32 s25, v2;
	[sflag:s14] =	ssyncadd.s32 $0xFFFFE000  }
0x314: {  	v17 =	vld.idx.msk [tilespmem:v34+s23+$0x0], $0xffff  }
0x315: {  	v39 =	vor.u32 s25, v3;
	v38 =	vld [tilespmem:$0x1900]  }
0x316: {  	v20 =	vld.idx.msk [tilespmem:v36+s23+$0x0], $0xffff  }
0x317: {  	(v2sf) =	vpush @!p1 v4, $0x6;
	v40 =	vld [tilespmem:$0x1910]  }
0x318: {  	v21 =	vld.idx.msk [tilespmem:v37+s23+$0x0], $0xffff  }
0x319: {  	v41 =	vld [tilespmem:$0x1920]  }
0x31a: {  	v42 =	vld.idx.msk [tilespmem:v39+s23+$0x0], $0xffff;
	v17 =	vmul.f32 v38, v17  }
0x31b: {  	v43 =	vld [tilespmem:$0x1930]  }
0x31c: {  	v20 =	vmul.f32 v40, v20;
	v17 =	vadd.f32 $0.0e+00, v17;
	_ =	sdelay $0x1  }
0x31d: {  	v44 =	vmul.f32 v41, v21;
	v17 =	vadd.f32 v20, v17;
	_ =	sdelay $0x1  }
0x31e: {  	v45 =	vmul.f32 v43, v42;
	v17 =	vadd.f32 v44, v17;
	_ =	sdelay $0x1  }
0x31f: {  	v17 =	vadd.f32 v45, v17;
	_ =	sdelay $0x1  }
0x320: {  	(xrf2) =	vadd.scan.msk.f32 $0xffff, v17;
	_ =	sdelay $0x1  }
0x321: {  	s3 =	spop @!p1 (v2sf)  }
0x322: {  	s4 =	sshra.s32 @!p1 s3, $0xE  }
0x323: {  	s4 =	sand.u32 @!p1 $0x1FFFF8, s4  }
0x324: {  	s3 =	sshll.u32 @!p1 s3, $0x3;
	s4 =	smul.u32 @!p1 $0xC3800, s4  }
0x325: {  	s3 =	sand.u32 @!p1 $0xFFC00, s3  }
0x326: {  	s3 =	sadd.s32 @!p1 s3, s4  }
0x327: {  	s26 =	sand.u32 $0x7F, s9;
	s3 =	sshrl.u32 @!p1 s3, $0x3  }
0x328: {  	v46 =	vor.u32 s26, v0;
	s6 =	simm.s32 @!p1 $0xDA00;
	s3 =	sadd.s32 @!p1 s1, s3  }
0x329: {  	[tilespmem:s6], [sflag:$0x7] =	stream.strided.gather @!p1 [hbm4b:s3+s5], $0x2000, s11, s5, $0x38;
	v47, _, _ =	vpop (xrf2);
	[tilespmem:$0x11A00] =	vst v63  }
0x32a: {  	v48 =	vor.u32 s26, v1;
	_ =	swait.ge [sflag:s28], $0x2000  }
0x32b: {  	[sflag:s28] =	ssyncset.done $0x0  }
0x32c: {  	v49 =	vor.u32 s26, v2;
	[sflag:s28] =	ssyncadd.s32 $0xFFFFE000  }
0x32d: {  	v17 =	vld.idx.msk [tilespmem:v46+s24+$0x0], $0xffff  }
0x32e: {  	v51 =	vor.u32 s26, v3;
	v50 =	vld [tilespmem:$0x1980]  }
0x32f: {  	v21 =	vld.idx.msk [tilespmem:v48+s24+$0x0], $0xffff  }
0x330: {  	v52 =	vld [tilespmem:$0x1990]  }
0x331: {  	(v2sf) =	vpush @!p1 v4, $0x7;
	v4 =	vld.idx.msk [tilespmem:v49+s24+$0x0], $0xffff  }
0x332: {  	v53 =	vld [tilespmem:$0x19A0]  }
0x333: {  	v54 =	vld.idx.msk [tilespmem:v51+s24+$0x0], $0xffff;
	v17 =	vmul.f32 v50, v17  }
0x334: {  	v55 =	vld [tilespmem:$0x19B0]  }
0x335: {  	v21 =	vmul.f32 v52, v21;
	v17 =	vadd.f32 $0.0e+00, v17;
	_ =	sdelay $0x1  }
0x336: {  	v4 =	vmul.f32 v53, v4;
	v17 =	vadd.f32 v21, v17  }
0x337: {  	v5 =	vbroadcast v5, $0xF;
	v10 =	vbroadcast v10, $0xF  }
0x338: {  	v6 =	vbroadcast v6, $0xF;
	v56 =	vmul.f32 v55, v54;
	v4 =	vadd.f32 v4, v17  }
0x339: {  	v5 =	vsel vm0, v5, v10;
	v57 =	vbroadcast v11, $0xF  }
0x33a: {  	v5 =	vsel vm1, v5, v6;
	v58 =	vbroadcast v7, $0xF;
	v4 =	vadd.f32 v56, v4  }
0x33b: {  	v5 =	vsel vm2, v5, v57;
	v59 =	vbroadcast v8, $0xF  }
0x33c: {  	v5 =	vsel vm3, v5, v58;
	(xrf2) =	vadd.scan.msk.f32 $0xffff, v4;
	v4 =	vbroadcast v9, $0xF  }
0x33d: {  	v60 =	vbroadcast v12, $0xF;
	v5 =	vsel vm4, v5, v59  }
0x33e: {  	v4 =	vsel vm5, v5, v4;
	v5 =	vbroadcast v13, $0xF  }
0x33f: {  	v61 =	vbroadcast v14, $0xF;
	v4 =	vsel vm6, v4, v60  }
0x340: {  	vm15 =	vcmask $0x2724;
	v4 =	vsel vm7, v4, v5;
	v5 =	vbroadcast v15, $0xF  }
0x341: {  	v62 =	vbroadcast v16, $0xF;
	s3 =	spop @!p1 (v2sf);
	v4 =	vsel vm15, v61, v4;
	vm15 =	vcmask $0x2B28  }
0x342: {  	s4 =	sshra.s32 @!p1 s3, $0xE;
	v4 =	vsel vm15, v5, v4;
	v5 =	vbroadcast v18, $0xF;
	vm15 =	vcmask $0x2F2C  }
0x343: {  	s4 =	sand.u32 @!p1 $0x1FFFF8, s4;
	v4 =	vsel vm15, v62, v4;
	vm15 =	vcmask $0x3330  }
0x344: {  	s3 =	sshll.u32 @!p1 s3, $0x3;
	s4 =	smul.u32 @!p1 $0xC3800, s4;
	v4 =	vsel vm15, v5, v4;
	v5 =	vbroadcast v47, $0xF  }
0x345: {  	v63 =	vbroadcast v35, $0xF;
	s3 =	sand.u32 @!p1 $0xFFC00, s3  }
.Ltmp3:
0x346: {  	s3 =	sadd.s32 @!p1 s3, s4;
	vm15 =	vcmask $0x3734;
	(pc) =	sbr.rel @p0 .LBB2_6-.Ltmp3, $4  }
0x347: {  	s3 =	sshrl.u32 @!p1 s3, $0x3;
	v4 =	vsel vm15, v63, v4;
	vm15 =	vcmask $0x3B38  }
0x348: {  	s29 =	rddreg [dreg:$0x12];
	s4 =	simm.s32 @!p1 $0xFA00;
	s3 =	sadd.s32 @!p1 s1, s3;
	v4 =	vsel vm15, v5, v4;
	v5, _, _ =	vpop (xrf2)  }
0x349: {  	[tilespmem:s4], [sflag:$0x8] =	stream.strided.gather @!p1 [hbm4b:s3+s5], $0x2000, s11, s5, $0x38;
	v4 =	vsel vm14, v4, v5;
	[tilespmem:$0x11A00] =	vst v63  }
0x34a: {  	[tilespmem:s29+$0x0] =	vst v4  }
0x34b: {  	s6 =	rddreg [dreg:$0xe]  }
0x34c: {  	s13 =	rddreg [dreg:$0xf]  }
0x34d: {  	s4 =	simm.s32 $0x0;
	s25 =	rddreg [dreg:$0x10]  }
0x34e: {  	s5 =	simm.s32 $0x1200;
	s26 =	rddreg [dreg:$0x11];
	s3 =	sadd.s32 s6, s8  }
0x34f: {  	s29 =	rddreg [dreg:$0x12];
	s6 =	sadd.s32 $0x200, s6;
	s3 =	sadd.s32 $0x300, s3  }
0x350: {  	[tilespmem:s5], [sflag:$0xA] =	stream.linear.gather [hbm4b:s3+s4], $0x800, $0x38;
	[tilespmem:$0x11A00] =	vst v63  }
.Ltmp4:
0x351: {  	[dreg:$0xe] =	wrdreg s6;
	s3 =	sadd.s32 $0x20, s13;
	(pc) =	sbr.rel .LBB2_4-.Ltmp4, $4  }
0x352: {  	[dreg:$0xf] =	wrdreg s3;
	s3 =	sadd.s32 $0x2, s25  }
0x353: {  	[dreg:$0x10] =	wrdreg s3;
	s3 =	sadd.s32 $0x20, s26  }
0x354: {  	[dreg:$0x11] =	wrdreg s3;
	s3 =	sadd.s32 $0x20, s29  }
0x355: {  	[dreg:$0x12] =	wrdreg s3  }
.LBB2_7:
0x356: {  	_ =	sfence.sel $0x180000  }
0x357: {  	[bflag:$0x0] =	sbarrier.arrive $0xFFFF  }
0x358: {  	_ =	strace $0x90000047  }
0x359: {  	s0 =	stileid.u32;
	[bflag:$0x2] =	sbarrier.arrive $0xFFFF  }
0x35a: {  	p0 =	sne.s32 s0, $0x0;
	s0 =	rddreg [dreg:$0x5]  }
0x35b: {  	s0 =	sadd.s32 @!p0 $0x100000, s0  }
0x35c: {  	[sflag:s0] =	ssyncadd.tile.s32 @!p0 $0x1;
	_ =	shalt  }
.Lfunc_end2:
_tile_overlayer_lowered:
.L_overlay_start_2:
0x35d: {  	(tag) =	ssettag $0x2  }
0x35e: {  	s0 =	rddreg [dreg:$0x0];
	s2 =	stileid.u32  }
0x35f: {  	s1 =	rddreg [dreg:$0x1];
	p0 =	sne.s32 s2, $0x0  }
0x360: {  	s3 =	rddreg [dreg:$0x2];
	[bflag:$0x3] =	sbarrier.arrive $0xFFFF;
	s2 =	simm.s32 @!p0 $0x1C0B  }
0x361: {  	[timem:s3], [sflag:s2] =	dma.local @!p0 [hbm:s0], s1  }
0x362: {  	s0 =	simm.s32 @!p0 $0xB  }
0x363: {  	_ =	swait.ge @!p0 [sflag:s0], s1  }
0x364: {  	s1 =	ssub.s32 @!p0 $0x0, s1;
	[sflag:s0] =	ssyncset.done @!p0 $0x0  }
0x365: {  	[sflag:s0] =	ssyncadd.s32 @!p0 s1  }
0x366: {  	[bflag:$0x3] =	sbarrier.arrive $0xFFFF  }
0x367: {  	_ =	shalt  }

// kernel: kernel.7.cloned.1.call-start
scs
__scs_entry_jumppad:
0x0: {  	(pc) =	sbr.rel $0x88, $3  }
0x1: {  	(tag) =	ssettag $0x0;
	lr =	simm.s32 $0x1  }
0x2: {  	[smem:$0x3F9B] =	sst lr;
	_ =	strace $0xD0000000  }
0x3: {  	_ = 	snop  }
0x4: {  	_ = 	snop  }
0x5: {  	_ = 	snop  }
0x6: {  	_ = 	snop  }
0x7: {  	_ = 	snop  }
__scs_overlays_trampoline_lowered:
0x8: {  	[smem:$0x3FAA] =	sst s0  }
0x9: {  	[smem:$0x3FAB] =	sst s1  }
0xa: {  	[smem:$0x3FAC] =	sst s2  }
0xb: {  	[smem:$0x3FAD] =	sst s3  }
0xc: {  	[smem:$0x3FAE] =	sst s4  }
0xd: {  	[smem:$0x3FAF] =	sst s5  }
0xe: {  	[smem:$0x3FB0] =	sst s6  }
0xf: {  	[smem:$0x3FB1] =	sst s7  }
0x10: {  	[smem:$0x3FB2] =	sst s8  }
0x11: {  	[smem:$0x3FB3] =	sst s9;
	s0 =	simm.s32 @!p0 $0x0  }
0x12: {  	s1 =	sld [smem:$0x3F99];
	s0 =	simm.s32 @p0 $0x1  }
0x13: {  	[smem:$0x3FB4] =	sst s0;
	s0 =	simm.s32 @!p1 $0x0  }
0x14: {  	s2 =	sld [smem:$0x3F98];
	s0 =	simm.s32 @p1 $0x1  }
0x15: {  	[smem:$0x3FB5] =	sst s0;
	s0 =	simm.s32 @!p2 $0x0  }
0x16: {  	s3 =	sld [smem:$0x3FDB];
	s0 =	simm.s32 @p2 $0x1  }
0x17: {  	s4 =	simm.s32 $0x1BF5;
	[smem:$0x3FB7] =	sst s0  }
0x18: {  	s0 =	sld [smem:$0x3F9A];
	_ =	swait.ge [sflag:s4], $0x0  }
0x19: {  	s7 =	sld [smem:$0x3F9B]  }
0x1a: {  	s8 =	sadd.s32 $0xFFFFE003, lr  }
0x1b: {  	s9 =	sadd.s32 $0xFFFFFEF7, lr;
	s5 =	simm.s32 $0xFFFFFFFF;
	p2 =	slt.u32 s8, $0xFFFFF086  }
0x1c: {  	p1 =	slt.u32 s9, $0xF7A;
	s5 =	simm.s32 @!p2 $0x0  }
0x1d: {  	s5 =	simm.s32 @p1 $0x1;
	p0 =	seq.s32 s7, s2  }
0x1e: {  	s7 =	smul.u32 @!p0 $0xF7A, s2;
	p2 =	seq.s32 @!p0 s5, $0x0  }
0x1f: {  	s9 =	smul.u32 $0xF7A, s1;
	s8 =	simm.s32 @!p0 $0x1BF5;
	p2 =	por !p2, p0  }
0x20: {  	[sflag:s8] =	ssyncset.s32 @!p0 $0xFFFFF086;
	s6 =	sadd.s32 @!p0 s3, s7;
	s7 =	simm.s32 @!p0 $0x108  }
0x21: {  	s3 =	sadd.s32 s3, s9;
	s6 =	sadd.s32 @!p0 $0x88, s6;
	s7 =	simm.s32 @p2 $0x1082  }
0x22: {  	[simem:s7], [sflag:s8] =	dma.local @!p0 [hbm:s6], $0xF7A  }
0x23: {  	s9 =	sor.u32 $0xD0000000, s2;
	s6 =	simm.s32 $0x108;
	_ =	swait.ge @!p0 [sflag:s8], $0x0  }
0x24: {  	s3 =	sadd.s32 $0x88, s3;
	s6 =	simm.s32 @!p1 $0x1082;
	[sflag:s4] =	ssyncset.s32 $0xFFFFF086  }
0x25: {  	[simem:s6], [sflag:s4] =	dma.local [hbm:s3], $0xF7A  }
0x26: {  	[smem:$0x3F9B] =	sst s1;
	(tag) =	ssettag s2;
	_ =	strace s9  }
0x27: {  	s1 =	sld [smem:$0x3FAB]  }
0x28: {  	s2 =	sld [smem:$0x3FAC]  }
0x29: {  	s4 =	sld [smem:$0x3FAE]  }
0x2a: {  	p0 =	seq.s32 s5, $0x0;
	s5 =	sld [smem:$0x3FAF]  }
0x2b: {  	s6 =	sld [smem:$0x3FB0]  }
0x2c: {  	s7 =	sld [smem:$0x3FB1]  }
0x2d: {  	s3 =	simm.s32 $0x108;
	s8 =	sld [smem:$0x3FB2]  }
0x2e: {  	s3 =	simm.s32 @!p0 $0x1082;
	s9 =	sld [smem:$0x3FB3]  }
0x2f: {  	lr =	sadd.s32 s0, s3;
	s0 =	sld [smem:$0x3FAA]  }
0x30: {  	s3 =	sld [smem:$0x3FAD]  }
0x31: {  	[smem:$0x3FB6] =	sst s10  }
0x32: {  	s10 =	sld [smem:$0x3FB4];
	_ =	sdelay $0x3  }
0x33: {  	p0 =	seq.s32 s10, $0x1;
	s10 =	sld [smem:$0x3FB6];
	_ =	sdelay $0x3  }
0x34: {  	[smem:$0x3FB6] =	sst s10  }
0x35: {  	s10 =	sld [smem:$0x3FB5];
	_ =	sdelay $0x3  }
0x36: {  	p1 =	seq.s32 s10, $0x1;
	s10 =	sld [smem:$0x3FB6];
	_ =	sdelay $0x3  }
0x37: {  	[smem:$0x3FB6] =	sst s10  }
0x38: {  	s10 =	sld [smem:$0x3FB7]  }
0x39: {  	_ = 	snop;
	(pc) =	sbr.ind lr, $3  }
0x3a: {  	_ = 	snop  }
0x3b: {  	_ = 	snop  }
0x3c: {  	p2 =	seq.s32 s10, $0x1;
	s10 =	sld [smem:$0x3FB6]  }
0x3d: {  	_ =	shalt  }
0x3e: {  	_ =	shalt  }
0x3f: {  	_ =	shalt  }
0x40: {  	_ =	shalt  }
0x41: {  	_ =	shalt  }
0x42: {  	_ =	shalt  }
0x43: {  	_ =	shalt  }
0x44: {  	_ =	shalt  }
0x45: {  	_ =	shalt  }
0x46: {  	_ =	shalt  }
0x47: {  	_ =	shalt  }
0x48: {  	_ =	shalt  }
0x49: {  	_ =	shalt  }
0x4a: {  	_ =	shalt  }
0x4b: {  	_ =	shalt  }
0x4c: {  	_ =	shalt  }
0x4d: {  	_ =	shalt  }
0x4e: {  	_ =	shalt  }
0x4f: {  	_ =	shalt  }
0x50: {  	_ =	shalt  }
0x51: {  	_ =	shalt  }
0x52: {  	_ =	shalt  }
0x53: {  	_ =	shalt  }
0x54: {  	_ =	shalt  }
0x55: {  	_ =	shalt  }
0x56: {  	_ =	shalt  }
0x57: {  	_ =	shalt  }
0x58: {  	_ =	shalt  }
0x59: {  	_ =	shalt  }
0x5a: {  	_ =	shalt  }
0x5b: {  	_ =	shalt  }
0x5c: {  	_ =	shalt  }
0x5d: {  	_ =	shalt  }
0x5e: {  	_ =	shalt  }
0x5f: {  	_ =	shalt  }
0x60: {  	_ =	shalt  }
0x61: {  	_ =	shalt  }
0x62: {  	_ =	shalt  }
0x63: {  	_ =	shalt  }
0x64: {  	_ =	shalt  }
0x65: {  	_ =	shalt  }
0x66: {  	_ =	shalt  }
0x67: {  	_ =	shalt  }
0x68: {  	_ =	shalt  }
0x69: {  	_ =	shalt  }
0x6a: {  	_ =	shalt  }
0x6b: {  	_ =	shalt  }
0x6c: {  	_ =	shalt  }
0x6d: {  	_ =	shalt  }
0x6e: {  	_ =	shalt  }
0x6f: {  	_ =	shalt  }
0x70: {  	_ =	shalt  }
0x71: {  	_ =	shalt  }
0x72: {  	_ =	shalt  }
0x73: {  	_ =	shalt  }
0x74: {  	_ =	shalt  }
0x75: {  	_ =	shalt  }
0x76: {  	_ =	shalt  }
0x77: {  	_ =	shalt  }
0x78: {  	_ =	shalt  }
0x79: {  	_ =	shalt  }
0x7a: {  	_ =	shalt  }
0x7b: {  	_ =	shalt  }
0x7c: {  	_ =	shalt  }
0x7d: {  	_ =	shalt  }
0x7e: {  	_ =	shalt  }
0x7f: {  	_ =	shalt  }
0x80: {  	_ =	shalt  }
0x81: {  	_ =	shalt  }
0x82: {  	_ =	shalt  }
0x83: {  	_ =	shalt  }
0x84: {  	_ =	shalt  }
0x85: {  	_ =	shalt  }
0x86: {  	_ =	shalt  }
0x87: {  	_ =	shalt  }
.Lfunc_end0:
.L_simem_size_0:
called_computation.1_lowered:
.L_overlay_start_0:
0x88: {  	s2 =	sld [smem:$0x3FD9]  }
0x89: {  	s3 =	sld [smem:$0x3FFE];
	_ =	sdelay $0x1  }
0x8a: {  	s1 =	srdreg.scid  }
0x8b: {  	s0 =	sand.u32 $0x1, s1  }
0x8c: {  	s17 =	sshll.u32 s0, $0xA;
	s2 =	sadd.s32 s3, s2  }
0x8d: {  	s2 =	sadd.s32 s2, s17  }
0x8e: {  	[smem:$0x3FC2] =	sst s2  }
0x8f: {  	_ = 	snop  }
0x90: {  	s2 =	sld [smem:$0x3FC8]  }
0x91: {  	s18 =	sld [smem:$0x3FC7]  }
0x92: {  	s4 =	sld [smem:$0x3FC6]  }
0x93: {  	s5 =	sld [smem:$0x3FD0];
	(tm) =	ssettm $0x1  }
0x94: {  	s6 =	sld [smem:$0x3FFB];
	_ =	sdelay $0x3  }
0x95: {  	_ =	strace s6  }
0x96: {  	s6 =	sld [smem:$0x3FFC];
	_ =	sdelay $0x3  }
0x97: {  	_ =	strace s6  }
0x98: {  	s6 =	sld [smem:$0x3FFD];
	_ =	sdelay $0x3  }
0x99: {  	_ =	strace s6  }
0x9a: {  	_ =	strace $0x8FFFFFFF  }
0x9b: {  	s19 =	sld [smem:$0x3FDB];
	_ =	sdelay $0x1  }
0x9c: {  	s7 =	simm.s32 $_scs_section_size  }
0x9d: {  	s8 =	simm.s32 $_size__tile_overlayer_lowered;
	s9 =	simm.s32 $_tile_overlayer_lowered  }
0x9e: {  	s22 =	simm.s32 $0x1BFF;
	s21 =	sshll.u32 s9, $0x1;
	s6 =	sadd.s32 s7, s19  }
0x9f: {  	s10 =	simm.s32 $0x0;
	s20 =	sshll.u32 s8, $0x1;
	s8 =	sadd.s32 s21, s6  }
0xa0: {  	[timem:s10], [sflag:s22] =	dma.local [hbm:s8], s20  }
0xa1: {  	_ =	swait.ge [sflag:s22], s20  }
0xa2: {  	s7 =	ssub.s32 $0x0, s20;
	[sflag:s22] =	ssyncset.done $0x0  }
0xa3: {  	[sflag:s22] =	ssyncadd.s32 s7;
	_ =	sdelay $0x1  }
0xa4: {  	s23 =	simm.s32 $0x1B8B  }
0xa5: {  	_ =	swait.ge [sflag:s23], $0x1  }
0xa6: {  	[sflag:s23] =	ssyncset.done $0x0  }
0xa7: {  	s25 =	simm.s32 $0x1B8E;
	s24 =	sld [smem:$0x3FFE];
	[sflag:s23] =	ssyncadd.s32 $0xFFFFFFFF  }
0xa8: {  	s26 =	simm.s32 $execute0_lowered;
	[smem:$0x3FD2] =	sst s25  }
0xa9: {  	s8 =	sshll.u32 s26, $0x1;
	_ =	strace $0x80000049;
	[dreg:$0x1] =	wrdreg $0xFFFFFFFF  }
0xaa: {  	s28 =	simm.s32 $_size_execute0_lowered;
	s6 =	sadd.s32 s6, s8;
	[dreg:$0x0] =	wrdreg $0x0  }
0xab: {  	s8 =	sshll.u32 s28, $0x1;
	[dreg:$0x2] =	wrdreg s6  }
0xac: {  	[dreg:$0x3] =	wrdreg s8  }
0xad: {  	[dreg:$0x4] =	wrdreg $0xC0  }
0xae: {  	_ =	task [dreg:s10], $0x5FFFF  }
0xaf: {  	[dreg:$0x1] =	wrdreg $0xFFFFFFFF  }
0xb0: {  	[dreg:$0x0] =	wrdreg $0x60  }
0xb1: {  	[dreg:$0x2] =	wrdreg s24  }
0xb2: {  	[dreg:$0x3] =	wrdreg s2  }
0xb3: {  	[dreg:$0x4] =	wrdreg s18  }
0xb4: {  	[dreg:$0x5] =	wrdreg s4  }
0xb5: {  	[dreg:$0x6] =	wrdreg s5  }
0xb6: {  	[dreg:$0x7] =	wrdreg $0x9  }
0xb7: {  	_ =	task.clear_ibuf [dreg:s10], $0x8FFFF;
	_ =	strace $0x90000049  }
0xb8: {  	s29 =	simm.s32 $0x9;
	_ =	strace $0x8000004B  }
0xb9: {  	_ =	swait.ge [sflag:s29], $0x1  }
0xba: {  	[sflag:s29] =	ssyncadd.s32 $0xFFFFFFFF  }
0xbb: {  	_ =	strace $0x9000004B  }
0xbc: {  	_ =	sfence  }
0xbd: {  	s30 =	sld [smem:$0x0];
	_ =	sdelay $0x2  }
0xbe: {  	s31 =	sshll.u32 s1, $0xD;
	s1 =	sshrl.u32 s1, $0x2  }
0xbf: {  	s3 =	sand.u32 $0x4000, s31;
	s1 =	sadd.s32 s1, s30  }
0xc0: {  	s0 =	sor.u32 s3, s0;
	s1 =	sshll.u32 s1, $0x11  }
0xc1: {  	s0 =	sor.u32 s1, s0  }
0xc2: {  	s0 =	sadd.s32 $0x8F2B, s0  }
0xc3: {  	[sflag:s0] =	ssyncadd.remote.s32 $0x1  }
0xc4: {  	_ =	sfence.sel $0xFFFF  }
0xc5: {  	[dreg:$0x0] =	wrdreg $0xFFFFFFFF;
	(pc) =	sbr.abs _section_cstart, $3  }
0xc6: {  	[dreg:$0x1] =	wrdreg $0xFFFFFFFF  }
0xc7: {  	_ =	task.clear_ibuf [dreg:s10], $0x2FFFF;
	_ =	strace $0x9FFFFFFF  }
0xc8: {  	(tm) =	ssettm $0x7FFFFFFF  }
0xc9: {  	_ =	shalt  }
tec
execute0_lowered:
.L_overlay_start_1:
0x0: {  	(tag) =	ssettag $0x1  }
0x1: {  	s3 =	rddreg [dreg:$0x0]  }
0x2: {  	s5 =	rddreg [dreg:$0x1]  }
0x3: {  	s6 =	rddreg [dreg:$0x2]  }
0x4: {  	s7 =	rddreg [dreg:$0x3]  }
0x5: {  	s8 =	rddreg [dreg:$0x4]  }
0x6: {  	s0 =	rddreg [dreg:$0x5];
	s4 =	srdreg.scid  }
0x7: {  	s2 =	simm.s32 $0x0;
	s1 =	stileid.u32;
	s12 =	simm.s32 $0x3  }
0x8: {  	s13 =	simm.s32 $0x200;
	s14 =	simm.s32 $0x600;
	s15 =	simm.s32 $0x1  }
0x9: {  	s16 =	simm.s32 $0x2;
	s17 =	simm.s32 $0x0;
	s4 =	sand.u32 $0x1, s4  }
0xa: {  	[smem:$0x7FF] =	sst s2;
	s9 =	sshll.u32 s1, $0x7;
	s10 =	sshll.u32 s4, $0x6  }
0xb: {  	_ =	strace $0x8000004A;
	s4 =	ssub.s32 $0x2, s4;
	s9 =	sor.u32 s10, s9  }
0xc: {  	s11 =	sshrl.u32 s4, $0x1;
	s10 =	sadd.s32 s9, s3;
	s3 =	sadd.s32 $0x40E00, s3  }
0xd: {  	s11 =	ssub.s32 s4, s11;
	s5 =	sadd.s32 s5, s9;
	s6 =	sadd.s32 s6, s9  }
0xe: {  	s7 =	sadd.s32 s7, s9;
	s8 =	sadd.s32 s8, s9;
	s4 =	sadd.s32 $0x40600, s10  }
0xf: {  	s9 =	smax.u32 s11, $0x1;
	s10 =	simm.s32 $0x800;
	s11 =	simm.s32 $0x400  }
.LBB2_1:
0x10: {  	[tilespmem:s10], [sflag:$0x2] =	stream.linear.gather [hbm4b:s4+s2], $0x200, $0x38;
	[tilespmem:$0xA00] =	vst v63  }
0x11: {  	_ = 	snop  }
0x12: {  	[tilespmem:s11], [sflag:$0x3] =	stream.linear.gather [hbm4b:s5+s2], $0x200, $0x38;
	[tilespmem:$0xA00] =	vst v63  }
0x13: {  	_ =	swait.ge [sflag:s12], $0x200  }
0x14: {  	[sflag:s12] =	ssyncset.done $0x0  }
0x15: {  	[sflag:s12] =	ssyncadd.s32 $0xFFFFFE00  }
0x16: {  	[tilespmem:s2], [sflag:$0x3] =	stream.linear.gather [hbm4b:s6+s2], $0x200, $0x38;
	[tilespmem:$0xA00] =	vst v63  }
0x17: {  	_ =	swait.ge [sflag:s12], $0x200  }
0x18: {  	[sflag:s12] =	ssyncset.done $0x0  }
0x19: {  	[sflag:s12] =	ssyncadd.s32 $0xFFFFFE00  }
0x1a: {  	[tilespmem:s13], [sflag:$0x3] =	stream.linear.gather [hbm4b:s7+s2], $0x200, $0x38;
	[tilespmem:$0xA00] =	vst v63  }
0x1b: {  	_ =	swait.ge [sflag:s12], $0x200  }
0x1c: {  	[sflag:s12] =	ssyncset.done $0x0  }
0x1d: {  	s18 =	simm.s32 $0x0;
	[sflag:s12] =	ssyncadd.s32 $0xFFFFFE00  }
0x1e: {  	v0 =	vld [tilespmem:s18+$0x0]  }
0x1f: {  	v2 =	vld [tilespmem:s18+$0x200];
	_ =	sdelay $0x3  }
0x20: {  	v1 =	vshll.u32 v0, $0x3;
	v0 =	vld [tilespmem:s18+$0x400]  }
0x21: {  	s19 =	simm.s32 $0x10;
	s20 =	simm.s32 $0x80;
	v2 =	vand.u32 $0x7, v2;
	v1 =	vand.u32 $0x8, v1  }
.LBB2_2:
0x22: {  	p0 =	sne.s32 s20, $0x7C0;
	v3 =	vld [tilespmem:s19+$0x0];
	v1 =	vor.u32 v2, v1  }
0x23: {  	v2 =	vld [tilespmem:s19+$0x200];
	v1 =	vmul.u32 $0x186A0, v1  }
.Ltmp0:
0x24: {  	(pc) =	sbr.rel @p0 .LBB2_2-.Ltmp0, $4  }
0x25: {  	v0 =	vadd.s32 v0, v1  }
0x26: {  	[tilespmem:s18+$0x400] =	vst v0;
	s18 =	smov.u32 s19  }
0x27: {  	v1 =	vshll.u32 v3, $0x3;
	v0 =	vld [tilespmem:s18+$0x400]  }
0x28: {  	s19 =	sshra.s32 s20, $0x2;
	s20 =	sadd.s32 $0x40, s20;
	v1 =	vand.u32 $0x8, v1;
	v2 =	vand.u32 $0x7, v2  }
0x29: {  	v3 =	vld [tilespmem:s19+$0x0];
	v1 =	vor.u32 v2, v1  }
0x2a: {  	v2 =	vld [tilespmem:s19+$0x200];
	v1 =	vmul.u32 $0x186A0, v1;
	_ =	sdelay $0x1  }
0x2b: {  	v0 =	vadd.s32 v0, v1  }
0x2c: {  	[tilespmem:s18+$0x400] =	vst v0  }
0x2d: {  	v0 =	vshll.u32 v3, $0x3;
	v1 =	vld [tilespmem:s19+$0x400]  }
0x2e: {  	v2 =	vand.u32 $0x7, v2;
	v0 =	vand.u32 $0x8, v0  }
0x2f: {  	v0 =	vor.u32 v2, v0  }
0x30: {  	v0 =	vmul.u32 $0x186A0, v0;
	_ =	sdelay $0x1  }
0x31: {  	v0 =	vadd.s32 v1, v0  }
0x32: {  	[tilespmem:s19+$0x400] =	vst v0  }
0x33: {  	[tilespmem:s14], [sflag:$0x1] =	stream.indirect.gather [hbm4b:s3+s13], $0x1, s11, s13, $0xb8;
	[tilespmem:$0xA00] =	vst v63  }
0x34: {  	_ =	swait.ge [sflag:s15], $0x200  }
0x35: {  	[sflag:s15] =	ssyncset.done $0x0  }
0x36: {  	[sflag:s15] =	ssyncadd.s32 $0xFFFFFE00  }
0x37: {  	_ =	swait.ge [sflag:s16], $0x200  }
0x38: {  	[sflag:s16] =	ssyncset.done $0x0  }
0x39: {  	s18 =	simm.s32 $0x0;
	[sflag:s16] =	ssyncadd.s32 $0xFFFFFE00  }
0x3a: {  	s19 =	simm.s32 $0x40;
	v0 =	vld [tilespmem:s18+$0x600]  }
.LBB2_4:
0x3b: {  	p0 =	sne.s32 s19, $0x7C0;
	v1 =	vld [tilespmem:s18+$0x800];
	_ =	sdelay $0x2  }
.Ltmp1:
0x3c: {  	(pc) =	sbr.rel @p0 .LBB2_4-.Ltmp1, $4  }
0x3d: {  	_ = 	snop  }
0x3e: {  	v1 =	vadd.f32 v0, v1  }
0x3f: {  	s20 =	sshra.s32 s19, $0x2  }
0x40: {  	s19 =	sadd.s32 $0x40, s19;
	v0 =	vld [tilespmem:s20+$0x600];
	[tilespmem:s18+$0x800] =	vst v1;
	s18 =	smov.u32 s20  }
0x41: {  	v1 =	vld [tilespmem:s18+$0x800];
	_ =	sdelay $0x4  }
0x42: {  	s17 =	sadd.s32 $0x1, s17;
	v0 =	vadd.f32 v0, v1  }
0x43: {  	p0 =	sne.s32 s17, s9  }
.Ltmp2:
0x44: {  	[tilespmem:s18+$0x800] =	vst v0;
	(pc) =	sbr.rel @p0 .LBB2_1-.Ltmp2, $4  }
0x45: {  	[hbm4b:s8+s2] =	stream.linear.scatter [tilespmem:s10], [sflag:$0x3], $0x200, $0x38;
	[tilespmem:$0xA00] =	vst v63  }
0x46: {  	_ =	swait.ge [sflag:s12], $0x200  }
0x47: {  	[sflag:s12] =	ssyncset.done $0x0  }
0x48: {  	[sflag:s12] =	ssyncadd.s32 $0xFFFFFE00  }
0x49: {  	_ =	sfence.sel $0x180000  }
0x4a: {  	[bflag:$0x0] =	sbarrier.arrive $0xFFFF  }
0x4b: {  	p0 =	sne.s32 s1, $0x0;
	_ =	strace $0x9000004A  }
0x4c: {  	s0 =	sadd.s32 @!p0 $0x100000, s0;
	[bflag:$0x2] =	sbarrier.arrive $0xFFFF  }
0x4d: {  	[sflag:s0] =	ssyncadd.tile.s32 @!p0 $0x1;
	_ =	shalt  }
.Lfunc_end2:
_tile_overlayer_lowered:
.L_overlay_start_2:
0x4e: {  	(tag) =	ssettag $0x2  }
0x4f: {  	s0 =	rddreg [dreg:$0x0];
	s2 =	stileid.u32  }
0x50: {  	s1 =	rddreg [dreg:$0x1];
	p0 =	sne.s32 s2, $0x0  }
0x51: {  	s3 =	rddreg [dreg:$0x2];
	[bflag:$0x3] =	sbarrier.arrive $0xFFFF;
	s2 =	simm.s32 @!p0 $0x1C03  }
0x52: {  	[timem:s3], [sflag:s2] =	dma.local @!p0 [hbm:s0], s1  }
0x53: {  	s0 =	simm.s32 @!p0 $0x3  }
0x54: {  	_ =	swait.ge @!p0 [sflag:s0], s1  }
0x55: {  	s1 =	ssub.s32 @!p0 $0x0, s1;
	[sflag:s0] =	ssyncset.done @!p0 $0x0  }
0x56: {  	[sflag:s0] =	ssyncadd.s32 @!p0 s1  }
0x57: {  	[bflag:$0x3] =	sbarrier.arrive $0xFFFF  }
0x58: {  	_ =	shalt  }

</sc_bundles>
